<compile_context>
chip_gen: v7x
topology: tpu7x:2x2x1
jax: 0.10.2.dev20260603
libtpu: 0.0.44.dev20260713+nightly
codegen_flags: <defaults>
</compile_context>

<pallas_src>
import functools

import jax
import jax.numpy as jnp
from jax import lax
from jax.experimental import pallas as pl
from jax.experimental.pallas import tpu as pltpu
from jax.experimental.pallas import tpu_sc as plsc

TOPK = 32
LANES = 16
NUM_CORES = 2
NUM_SUBCORES = 16
NUM_WORKERS = NUM_CORES * NUM_SUBCORES
HIST8 = 256
HIST4 = 16
CAP = 4096


def _to_ord(xv):
    b = lax.bitcast_convert_type(xv, jnp.int32)
    flip = (b >> 31) | jnp.int32(-2147483648)
    return lax.bitcast_convert_type(b ^ flip, jnp.uint32)


def _from_ord(u):
    ui = lax.bitcast_convert_type(u, jnp.int32)
    flip = ((~ui) >> 31) | jnp.int32(-2147483648)
    return lax.bitcast_convert_type(ui ^ flip, jnp.float32)


def _popcount_bytes(pm):
    b0 = (pm >> jnp.uint32(24)) & jnp.uint32(1)
    b1 = (pm >> jnp.uint32(16)) & jnp.uint32(1)
    b2 = (pm >> jnp.uint32(8)) & jnp.uint32(1)
    b3 = pm & jnp.uint32(1)
    return b0 + b1 + b2 + b3


def _make_topk_kernel(nrows, ncols):
    rows_per_worker = nrows // NUM_WORKERS
    assert rows_per_worker == 2 and ncols % (8 * LANES) == 0
    nchunks = ncols // LANES
    mesh = plsc.VectorSubcoreMesh(core_axis_name="c", subcore_axis_name="s")

    @functools.partial(
        pl.kernel,
        mesh=mesh,
        compiler_params=pltpu.CompilerParams(needs_layout_passes=False),
        out_type=jax.ShapeDtypeStruct((nrows, ncols), jnp.float32),
        scratch_types=[
            pltpu.VMEM((ncols,), jnp.float32),
            pltpu.VMEM((ncols,), jnp.float32),
            pltpu.VMEM((ncols,), jnp.float32),
            pltpu.VMEM((LANES * HIST8,), jnp.int32),
            pltpu.VMEM((CAP + 144,), jnp.int32),
            pltpu.VMEM((CAP + 144,), jnp.int32),
            pltpu.VMEM((CAP + 144,), jnp.uint32),
            pltpu.SemaphoreType.DMA,
            pltpu.SemaphoreType.DMA,
            pltpu.SemaphoreType.DMA,
        ],
    )
    def topk_kernel(x_hbm, out_hbm, row_a, row_b, out_v, hist_v, cand_a,
                    cand_b, cand_u, sem_a, sem_b, sem_out):
        wid = lax.axis_index("s") * NUM_CORES + lax.axis_index("c")
        lane_iota = lax.iota(jnp.int32, LANES)
        ones_i = jnp.ones((LANES,), jnp.int32)
        zeros_i = jnp.zeros((LANES,), jnp.int32)
        zeros_f = jnp.zeros((LANES,), jnp.float32)

        def top2_scan(row_v):
            zf = jnp.full((LANES,), -jnp.inf, jnp.float32)

            def body(o, carry):
                m1s = list(carry[:8])
                m2s = list(carry[8:])
                for s in range(8):
                    xv = row_v[pl.ds((o * 8 + s) * LANES, LANES)]
                    m2s[s] = jnp.maximum(m2s[s], jnp.minimum(m1s[s], xv))
                    m1s[s] = jnp.maximum(m1s[s], xv)
                return tuple(m1s + m2s)
            carry = lax.fori_loop(0, nchunks // 8, body, (zf,) * 16)

            pairs = list(zip(carry[:8], carry[8:]))
            while len(pairs) > 1:
                nxt = []
                for (a1, a2), (b1, b2) in zip(pairs[::2], pairs[1::2]):
                    hi = jnp.maximum(a1, b1)
                    lo = jnp.maximum(jnp.minimum(a1, b1),
                                     jnp.maximum(a2, b2))
                    nxt.append((hi, lo))
                pairs = nxt
            _, m2 = pairs[0]
            return jnp.min(m2)

        def compact(row_v, cand_i, thresh, in_ord):
            th_v = jnp.broadcast_to(thresh, (LANES,))

            def cb(o, ptr):
                base = jnp.minimum(ptr, jnp.int32(CAP))
                masks, cnts = [], []
                for s in range(8):
                    xv = row_v[pl.ds((o * 8 + s) * LANES, LANES)]
                    matc = (_to_ord(xv) if in_ord else xv) >= th_v
                    masks.append(matc)
                    cnts.append(jnp.sum(matc.astype(jnp.int32)))
                offs = [base]
                for s in range(8):
                    offs.append(offs[s] + cnts[s])
                for s in range(8):
                    plsc.store_compressed(
                        cand_i.at[pl.ds(offs[s], LANES)],
                        lane_iota + (o * 8 + s) * LANES, mask=masks[s])
                return ptr + (offs[8] - base)
            return lax.fori_loop(0, nchunks // 8, cb, jnp.int32(0))

        def find_top(krem, nbuckets):
            def wcond(carry):
                _, cum, _ = carry
                return cum < krem

            def wbody(carry):
                c, cum, _ = carry
                v = hist_v[pl.ds(c * LANES, LANES)]
                hist_v[pl.ds(c * LANES, LANES)] = zeros_i
                return c - 1, cum + jnp.sum(v), cum
            c, cum, prev = lax.while_loop(
                wcond, wbody,
                (jnp.int32(nbuckets - 1), jnp.int32(0), jnp.int32(0)))
            d = c + 1

            def zb(b, _):
                hist_v[pl.ds(b * LANES, LANES)] = zeros_i
                return 0
            lax.fori_loop(0, d, zb, 0)
            return d, prev, cum - prev

        def full_round(row_v, shift, pm, pb, krem, masked):
            def hb(o, _):
                for s in range(8):
                    u = _to_ord(row_v[pl.ds((o * 8 + s) * LANES, LANES)])
                    digit = ((u >> shift) & jnp.uint32(0xFF)).astype(jnp.int32)
                    idx = digit * LANES + lane_iota
                    if masked:
                        matc = (u & pm) == pb
                        plsc.addupdate_scatter(hist_v, [idx], ones_i,
                                               mask=matc)
                    else:
                        plsc.addupdate_scatter(hist_v, [idx], ones_i)
                return 0
            lax.fori_loop(0, nchunks // 8, hb, 0)

            d, ca, ceq = find_top(krem, HIST8)
            pb = pb | (d.astype(jnp.uint32) << shift)
            pm = pm | (jnp.uint32(0xFF) << shift)
            krem = krem - ca
            return pm, pb, krem, ceq

        def select_row(row_v, cand_i):
            T = top2_scan(row_v)
            c_t = compact(row_v, cand_i, T, in_ord=False)

            def fast(_):
                return (jnp.uint32(0), jnp.uint32(0), jnp.int32(TOPK), c_t,
                        jnp.int32(8))

            def slow(_):
                pm, pb, krem, ceq = full_round(
                    row_v, jnp.uint32(24), jnp.uint32(0), jnp.uint32(0),
                    jnp.int32(TOPK), masked=False)

                def esc_body(rnd, carry):
                    pm, pb, krem, ceq = carry

                    def run(_):
                        shift = (jnp.uint32(24)
                                 - jnp.uint32(8) * rnd.astype(jnp.uint32))
                        return full_round(row_v, shift, pm, pb, krem,
                                          masked=True)
                    return lax.cond(
                        (TOPK - krem) + ceq > CAP, run,
                        lambda _: (pm, pb, krem, ceq), 0)
                pm, pb, krem, ceq = lax.fori_loop(
                    1, 4, esc_body, (pm, pb, krem, ceq))

                compact(row_v, cand_i, pb, in_ord=True)
                cnt = (TOPK - krem) + ceq
                nrounds = ((jnp.uint32(4) - _popcount_bytes(pm))
                           * jnp.uint32(2)).astype(jnp.int32)
                return pm, pb, krem, cnt, nrounds

            pm, pb, krem, cnt_c, nrounds = lax.cond(
                c_t <= CAP, fast, slow, 0)
            cchunks = (cnt_c + LANES - 1) // LANES
            cnt_v = jnp.broadcast_to(cnt_c, (LANES,))
            nbits = jnp.uint32(4) * nrounds.astype(jnp.uint32)

            def gb(j, _):
                idx = cand_i[pl.ds(j * LANES, LANES)]
                valid = (j * LANES + lane_iota) < cnt_v
                xg = plsc.load_gather(row_v, [idx], mask=valid)
                cand_u[pl.ds(j * LANES, LANES)] = _to_ord(xg)
                return 0
            lax.fori_loop(0, cchunks, gb, 0)

            def cr_body(i, carry):
                pm2, pb2, krem2 = carry
                shift = nbits - jnp.uint32(4) * (i.astype(jnp.uint32)
                                                 + jnp.uint32(1))

                def chb(j, _):
                    u = cand_u[pl.ds(j * LANES, LANES)]
                    valid = (j * LANES + lane_iota) < cnt_v
                    matc = jnp.logical_and(valid, (u & pm2) == pb2)
                    digit = ((u >> shift) & jnp.uint32(0xF)).astype(jnp.int32)
                    plsc.addupdate_scatter(
                        hist_v, [digit * LANES + lane_iota], ones_i,
                        mask=matc)
                    return 0
                lax.fori_loop(0, cchunks, chb, 0)

                d, excl, _ = find_top(krem2, HIST4)
                pb2 = pb2 | (d.astype(jnp.uint32) << shift)
                pm2 = pm2 | (jnp.uint32(0xF) << shift)
                krem2 = krem2 - excl
                return pm2, pb2, krem2

            _, t, m = lax.fori_loop(0, nrounds, cr_body, (pm, pb, krem))
            return t, m, cnt_c, nrounds == 0

        def emit_row(row_v, cand_i, st):
            t, m, cnt_c, allfull = st
            t_v = jnp.broadcast_to(t, (LANES,))
            m_v = jnp.broadcast_to(m, (LANES,))
            cnt_v = jnp.broadcast_to(cnt_c, (LANES,))
            cchunks = (cnt_c + LANES - 1) // LANES

            def emit_scatter(_):
                def sb(i, eqrun):
                    idx = cand_i[pl.ds(i * LANES, LANES)]
                    valid = (i * LANES + lane_iota) < cnt_v
                    u = cand_u[pl.ds(i * LANES, LANES)]
                    xg = _from_ord(u)
                    gt = jnp.logical_and(u > t_v, valid)
                    eq = jnp.logical_and(u == t_v, valid)
                    cs = jnp.cumsum(eq.astype(jnp.int32))
                    keep = jnp.logical_or(
                        gt, jnp.logical_and(eq, (cs + eqrun) <= m_v))
                    plsc.store_scatter(out_v, [idx], xg, mask=keep)
                    return eqrun + jnp.max(cs)
                lax.fori_loop(0, cchunks, sb, jnp.int32(0))
                return 0

            def emit_scan(_):
                def ob(i, eqrun):
                    xv = row_v[pl.ds(i * LANES, LANES)]
                    u = _to_ord(xv)
                    gt = u > t_v
                    eq = u == t_v
                    cs = jnp.cumsum(eq.astype(jnp.int32))
                    keep = jnp.logical_or(
                        gt, jnp.logical_and(eq, (cs + eqrun) <= m_v))
                    out_v[pl.ds(i * LANES, LANES)] = jnp.where(
                        keep, xv, zeros_f)
                    return eqrun + jnp.max(cs)
                lax.fori_loop(0, nchunks, ob, jnp.int32(0))
                return 0

            lax.cond(allfull, emit_scan, emit_scatter, 0)

        def restore_row(cand_i, st):
            _, _, cnt_c, allfull = st
            cnt_v = jnp.broadcast_to(cnt_c, (LANES,))
            cchunks = (cnt_c + LANES - 1) // LANES

            def restore_scatter(_):
                def rb(i, _):
                    idx = cand_i[pl.ds(i * LANES, LANES)]
                    valid = (i * LANES + lane_iota) < cnt_v
                    plsc.store_scatter(out_v, [idx], zeros_f, mask=valid)
                    return 0
                lax.fori_loop(0, cchunks, rb, 0)
                return 0

            def restore_all(_):
                def zb(i, _):
                    out_v[pl.ds(i * LANES, LANES)] = zeros_f
                    return 0
                lax.fori_loop(0, nchunks, zb, 0)
                return 0

            lax.cond(allfull, restore_all, restore_scatter, 0)

        r0 = wid * rows_per_worker
        cp_a = pltpu.async_copy(x_hbm.at[r0], row_a, sem_a)
        cp_b = pltpu.async_copy(x_hbm.at[r0 + 1], row_b, sem_b)

        def zout(i, _):
            out_v[pl.ds(i * LANES, LANES)] = zeros_f
            return 0
        lax.fori_loop(0, nchunks, zout, 0)

        def zhist(i, _):
            hist_v[pl.ds(i * LANES, LANES)] = zeros_i
            return 0
        lax.fori_loop(0, (LANES * HIST8) // LANES, zhist, 0)

        def zcand(i, _):
            cand_a[pl.ds(i * LANES, LANES)] = zeros_i
            cand_b[pl.ds(i * LANES, LANES)] = zeros_i
            return 0
        lax.fori_loop(0, (CAP + 144) // LANES, zcand, 0)

        cp_a.wait()
        st_a = select_row(row_a, cand_a)
        emit_row(row_a, cand_a, st_a)
        out_dma = pltpu.async_copy(out_v, out_hbm.at[r0], sem_out)
        cp_b.wait()
        st_b = select_row(row_b, cand_b)
        out_dma.wait()
        restore_row(cand_a, st_a)
        emit_row(row_b, cand_b, st_b)
        pltpu.sync_copy(out_v, out_hbm.at[r0 + 1])

    return topk_kernel


@jax.jit
def kernel(x):
    nrows, ncols = x.shape
    return _make_topk_kernel(nrows, ncols)(x)

# --- scband reference (transcript-rebuilt; emitter-appended) ---
"""Pipeline reference for scband-top-k-32839319945557 (READ-ONLY COPY).

The authoritative reference and input builder live on the scoring server;
editing this copy changes nothing except your own understanding.
"""

import jax, jax.numpy as jnp
import numpy as np

K = 32

def setup_inputs(seed: int = 0) -> dict:
    key = jax.random.key(seed)
    x = jax.random.normal(key, (64, 32768), dtype=jnp.float32)
    return {"x": x}

def reference(x):
    # torch.topk(x, k, dim=1) -> values, indices
    vals, idx = jax.lax.top_k(x, K)
    # mask = zeros_like(x).scatter_(1, idx, 1.0)
    rows = jnp.arange(x.shape[0])[:, None]
    mask = jnp.zeros_like(x).at[rows, idx].set(1.0)
    return x * mask

if __name__ == "__main__":
    import jax
    _d = setup_inputs()
    print(jax.jit(kernel)(*tuple(_d.values())))

</pallas_src>

<mosaic_0001>
#map = affine_map<(d0, d1) -> (0, 0)>
module attributes {stable_mosaic.version = 14 : i64} {
  func.func @topk_kernel(%arg0: i32, %arg1: i32, %arg2: memref<64x32768xf32, #tpu.memory_space<hbm>>, %arg3: memref<64x32768xf32, #tpu.memory_space<hbm>>, %arg4: memref<32768xf32, #tpu.memory_space<vmem>>, %arg5: memref<32768xf32, #tpu.memory_space<vmem>>, %arg6: memref<32768xf32, #tpu.memory_space<vmem>>, %arg7: memref<4096xi32, #tpu.memory_space<vmem>>, %arg8: memref<4240xi32, #tpu.memory_space<vmem>>, %arg9: memref<4240xi32, #tpu.memory_space<vmem>>, %arg10: memref<4240xi32, #tpu.memory_space<vmem>>, %arg11: memref<!tpu.dma_semaphore, #tpu.memory_space<semaphore_mem>>, %arg12: memref<!tpu.dma_semaphore, #tpu.memory_space<semaphore_mem>>, %arg13: memref<!tpu.dma_semaphore, #tpu.memory_space<semaphore_mem>>) attributes {dimension_semantics = [#tpu.dimension_semantics<core_parallel>, #tpu.dimension_semantics<subcore_parallel>], iteration_bounds = array<i64: 2, 16>, scalar_prefetch = 0 : i64, scratch_operands = 10 : i64, tpu.core_type = #tpu.core_type<sc_vector_subcore>, window_params = [{transform_indices = #map}, {transform_indices = #map}]} {
    %mul3A = arith.constant 2 : i32
    %mul3A_0 = arith.muli %arg1, %mul3A : i32
    %add3A = arith.addi %mul3A_0, %arg0 : i32
    %iota3A = tpu.iota {dimensions = array<i32: 0>} : vector<16xi32>
    %broadcast_in_dim3A = arith.constant 1 : i32
    %broadcast_in_dim3A_1 = vector.broadcast %broadcast_in_dim3A : i32 to vector<16xi32>
    %broadcast_in_dim3A_2 = arith.constant 0 : i32
    %broadcast_in_dim3A_3 = vector.broadcast %broadcast_in_dim3A_2 : i32 to vector<16xi32>
    %broadcast_in_dim3A_4 = arith.constant 0.000000e+00 : f32
    %broadcast_in_dim3A_5 = vector.broadcast %broadcast_in_dim3A_4 : f32 to vector<16xf32>
    %mul3A_6 = arith.constant 2 : i32
    %mul3A_7 = arith.muli %add3A, %mul3A_6 : i32
    %dma_start3A = arith.constant 0 : i32
    %dma_start3A_8 = tpu.memref_slice %arg2[%mul3A_7, %dma_start3A] : memref<64x32768xf32, #tpu.memory_space<hbm>> -> memref<1x32768xf32, #tpu.memory_space<hbm>>
    %dma_start3A_9 = tpu.memref_squeeze %dma_start3A_8 : memref<1x32768xf32, #tpu.memory_space<hbm>> -> memref<32768xf32, #tpu.memory_space<hbm>>
    %dma_start3A_10 = arith.constant 0 : i32
    %dma_start3A_11 = tpu.memref_slice %arg2[%mul3A_7, %dma_start3A_10] : memref<64x32768xf32, #tpu.memory_space<hbm>> -> memref<1x32768xf32, #tpu.memory_space<hbm>>
    %dma_start3A_12 = tpu.memref_squeeze %dma_start3A_11 : memref<1x32768xf32, #tpu.memory_space<hbm>> -> memref<32768xf32, #tpu.memory_space<hbm>>
    tpu.enqueue_dma source(%dma_start3A_12 : memref<32768xf32, #tpu.memory_space<hbm>>) target(%arg4 : memref<32768xf32, #tpu.memory_space<vmem>>) target_semaphore(%arg11 : memref<!tpu.dma_semaphore, #tpu.memory_space<semaphore_mem>>)
    %add3A_13 = arith.constant 1 : i32
    %add3A_14 = arith.addi %mul3A_7, %add3A_13 : i32
    %dma_start3A_15 = arith.constant 0 : i32
    %dma_start3A_16 = tpu.memref_slice %arg2[%add3A_14, %dma_start3A_15] : memref<64x32768xf32, #tpu.memory_space<hbm>> -> memref<1x32768xf32, #tpu.memory_space<hbm>>
    %dma_start3A_17 = tpu.memref_squeeze %dma_start3A_16 : memref<1x32768xf32, #tpu.memory_space<hbm>> -> memref<32768xf32, #tpu.memory_space<hbm>>
    %dma_start3A_18 = arith.constant 0 : i32
    %dma_start3A_19 = tpu.memref_slice %arg2[%add3A_14, %dma_start3A_18] : memref<64x32768xf32, #tpu.memory_space<hbm>> -> memref<1x32768xf32, #tpu.memory_space<hbm>>
    %dma_start3A_20 = tpu.memref_squeeze %dma_start3A_19 : memref<1x32768xf32, #tpu.memory_space<hbm>> -> memref<32768xf32, #tpu.memory_space<hbm>>
    tpu.enqueue_dma source(%dma_start3A_20 : memref<32768xf32, #tpu.memory_space<hbm>>) target(%arg5 : memref<32768xf32, #tpu.memory_space<vmem>>) target_semaphore(%arg12 : memref<!tpu.dma_semaphore, #tpu.memory_space<semaphore_mem>>)
    %scan3A = arith.constant 0 : i32
    %scan3A_21 = arith.constant 0 : i32
    %scan3A_22 = arith.constant 2048 : i32
    %scan3A_23 = arith.addi %scan3A_21, %scan3A_22 : i32
    %scan3A_24 = arith.constant 1 : i32
    %scan3A_25 = scf.for %scan3A_378 = %scan3A_21 to %scan3A_23 step %scan3A_24 iter_args(%scan3A_379 = %scan3A) -> (i32)  : i32 {
      %mul3A_380 = arith.constant 16 : i32
      %mul3A_381 = arith.muli %scan3A_378, %mul3A_380 : i32
      %swap3A = arith.index_cast %mul3A_381 : i32 to index
      %swap3A_382 = tpu.vector_load %arg6[%swap3A] {strides = array<i32>} : memref<32768xf32, #tpu.memory_space<vmem>>, vector<16xf32>,
      tpu.vector_store %arg6[%swap3A], %broadcast_in_dim3A_5 {strides = array<i32>} : memref<32768xf32, #tpu.memory_space<vmem>>, vector<16xf32>,
      %scan3A_383 = arith.constant 0 : i32
      scf.yield %scan3A_383 : i32
    }
    %scan3A_26 = arith.constant 2048 : i32
    %scan3A_27 = arith.constant 0 : i32
    %scan3A_28 = arith.constant 0 : i32
    %scan3A_29 = arith.constant 256 : i32
    %scan3A_30 = arith.addi %scan3A_28, %scan3A_29 : i32
    %scan3A_31 = arith.constant 1 : i32
    %scan3A_32 = scf.for %scan3A_378 = %scan3A_28 to %scan3A_30 step %scan3A_31 iter_args(%scan3A_379 = %scan3A_27) -> (i32)  : i32 {
      %mul3A_380 = arith.constant 16 : i32
      %mul3A_381 = arith.muli %scan3A_378, %mul3A_380 : i32
      %swap3A = arith.index_cast %mul3A_381 : i32 to index
      %swap3A_382 = tpu.vector_load %arg7[%swap3A] {strides = array<i32>} : memref<4096xi32, #tpu.memory_space<vmem>>, vector<16xi32>,
      tpu.vector_store %arg7[%swap3A], %broadcast_in_dim3A_3 {strides = array<i32>} : memref<4096xi32, #tpu.memory_space<vmem>>, vector<16xi32>,
      %scan3A_383 = arith.constant 0 : i32
      scf.yield %scan3A_383 : i32
    }
    %scan3A_33 = arith.constant 256 : i32
    %scan3A_34 = arith.constant 0 : i32
    %scan3A_35 = arith.constant 0 : i32
    %scan3A_36 = arith.constant 265 : i32
    %scan3A_37 = arith.addi %scan3A_35, %scan3A_36 : i32
    %scan3A_38 = arith.constant 1 : i32
    %scan3A_39 = scf.for %scan3A_378 = %scan3A_35 to %scan3A_37 step %scan3A_38 iter_args(%scan3A_379 = %scan3A_34) -> (i32)  : i32 {
      %mul3A_380 = arith.constant 16 : i32
      %mul3A_381 = arith.muli %scan3A_378, %mul3A_380 : i32
      %swap3A = arith.index_cast %mul3A_381 : i32 to index
      %swap3A_382 = tpu.vector_load %arg8[%swap3A] {strides = array<i32>} : memref<4240xi32, #tpu.memory_space<vmem>>, vector<16xi32>,
      tpu.vector_store %arg8[%swap3A], %broadcast_in_dim3A_3 {strides = array<i32>} : memref<4240xi32, #tpu.memory_space<vmem>>, vector<16xi32>,
      %mul3A_383 = arith.constant 16 : i32
      %mul3A_384 = arith.muli %scan3A_378, %mul3A_383 : i32
      %swap3A_385 = arith.index_cast %mul3A_384 : i32 to index
      %swap3A_386 = tpu.vector_load %arg9[%swap3A_385] {strides = array<i32>} : memref<4240xi32, #tpu.memory_space<vmem>>, vector<16xi32>,
      tpu.vector_store %arg9[%swap3A_385], %broadcast_in_dim3A_3 {strides = array<i32>} : memref<4240xi32, #tpu.memory_space<vmem>>, vector<16xi32>,
      %scan3A_387 = arith.constant 0 : i32
      scf.yield %scan3A_387 : i32
    }
    %scan3A_40 = arith.constant 265 : i32
    %dma_wait3A = arith.constant 0 : i32
    %dma_wait3A_41 = tpu.memref_slice %arg2[%mul3A_7, %dma_wait3A] : memref<64x32768xf32, #tpu.memory_space<hbm>> -> memref<1x32768xf32, #tpu.memory_space<hbm>>
    %dma_wait3A_42 = tpu.memref_squeeze %dma_wait3A_41 : memref<1x32768xf32, #tpu.memory_space<hbm>> -> memref<32768xf32, #tpu.memory_space<hbm>>
    %dma_wait3A_43 = arith.constant 0 : i32
    %dma_wait3A_44 = tpu.memref_slice %arg2[%mul3A_7, %dma_wait3A_43] : memref<64x32768xf32, #tpu.memory_space<hbm>> -> memref<1x32768xf32, #tpu.memory_space<hbm>>
    %dma_wait3A_45 = tpu.memref_squeeze %dma_wait3A_44 : memref<1x32768xf32, #tpu.memory_space<hbm>> -> memref<32768xf32, #tpu.memory_space<hbm>>
    tpu.wait_dma2 semaphore(%arg11 : memref<!tpu.dma_semaphore, #tpu.memory_space<semaphore_mem>>) src(%dma_wait3A_45 : memref<32768xf32, #tpu.memory_space<hbm>>) dst(%arg4 : memref<32768xf32, #tpu.memory_space<vmem>>)
    %broadcast_in_dim3A_46 = arith.constant 0xFF800000 : f32
    %broadcast_in_dim3A_47 = vector.broadcast %broadcast_in_dim3A_46 : f32 to vector<16xf32>
    %scan3A_48 = arith.constant 0 : i32
    %scan3A_49 = arith.constant 256 : i32
    %scan3A_50 = arith.addi %scan3A_48, %scan3A_49 : i32
    %scan3A_51 = arith.constant 1 : i32
    %scan3A_52:16 = scf.for %scan3A_378 = %scan3A_48 to %scan3A_50 step %scan3A_51 iter_args(%scan3A_379 = %broadcast_in_dim3A_47, %scan3A_380 = %broadcast_in_dim3A_47, %scan3A_381 = %broadcast_in_dim3A_47, %scan3A_382 = %broadcast_in_dim3A_47, %scan3A_383 = %broadcast_in_dim3A_47, %scan3A_384 = %broadcast_in_dim3A_47, %scan3A_385 = %broadcast_in_dim3A_47, %scan3A_386 = %broadcast_in_dim3A_47, %scan3A_387 = %broadcast_in_dim3A_47, %scan3A_388 = %broadcast_in_dim3A_47, %scan3A_389 = %broadcast_in_dim3A_47, %scan3A_390 = %broadcast_in_dim3A_47, %scan3A_391 = %broadcast_in_dim3A_47, %scan3A_392 = %broadcast_in_dim3A_47, %scan3A_393 = %broadcast_in_dim3A_47, %scan3A_394 = %broadcast_in_dim3A_47) -> (vector<16xf32>, vector<16xf32>, vector<16xf32>, vector<16xf32>, vector<16xf32>, vector<16xf32>, vector<16xf32>, vector<16xf32>, vector<16xf32>, vector<16xf32>, vector<16xf32>, vector<16xf32>, vector<16xf32>, vector<16xf32>, vector<16xf32>, vector<16xf32>)  : i32 {
      %mul3A_395 = arith.constant 8 : i32
      %mul3A_396 = arith.muli %scan3A_378, %mul3A_395 : i32
      %add3A_397 = arith.constant 0 : i32
      %add3A_398 = arith.addi %mul3A_396, %add3A_397 : i32
      %mul3A_399 = arith.constant 16 : i32
      %mul3A_400 = arith.muli %add3A_398, %mul3A_399 : i32
      %get3A = arith.index_cast %mul3A_400 : i32 to index
      %get3A_401 = tpu.vector_load %arg4[%get3A] {strides = array<i32>} : memref<32768xf32, #tpu.memory_space<vmem>>, vector<16xf32>,
      %min3A_402 = arith.minimumf %scan3A_379, %get3A_401 : vector<16xf32>
      %max3A_403 = arith.maximumf %scan3A_387, %min3A_402 : vector<16xf32>
      %max3A_404 = arith.maximumf %scan3A_379, %get3A_401 : vector<16xf32>
      %mul3A_405 = arith.constant 8 : i32
      %mul3A_406 = arith.muli %scan3A_378, %mul3A_405 : i32
      %add3A_407 = arith.constant 1 : i32
      %add3A_408 = arith.addi %mul3A_406, %add3A_407 : i32
      %mul3A_409 = arith.constant 16 : i32
      %mul3A_410 = arith.muli %add3A_408, %mul3A_409 : i32
      %get3A_411 = arith.index_cast %mul3A_410 : i32 to index
      %get3A_412 = tpu.vector_load %arg4[%get3A_411] {strides = array<i32>} : memref<32768xf32, #tpu.memory_space<vmem>>, vector<16xf32>,
      %min3A_413 = arith.minimumf %scan3A_380, %get3A_412 : vector<16xf32>
      %max3A_414 = arith.maximumf %scan3A_388, %min3A_413 : vector<16xf32>
      %max3A_415 = arith.maximumf %scan3A_380, %get3A_412 : vector<16xf32>
      %mul3A_416 = arith.constant 8 : i32
      %mul3A_417 = arith.muli %scan3A_378, %mul3A_416 : i32
      %add3A_418 = arith.constant 2 : i32
      %add3A_419 = arith.addi %mul3A_417, %add3A_418 : i32
      %mul3A_420 = arith.constant 16 : i32
      %mul3A_421 = arith.muli %add3A_419, %mul3A_420 : i32
      %get3A_422 = arith.index_cast %mul3A_421 : i32 to index
      %get3A_423 = tpu.vector_load %arg4[%get3A_422] {strides = array<i32>} : memref<32768xf32, #tpu.memory_space<vmem>>, vector<16xf32>,
      %min3A_424 = arith.minimumf %scan3A_381, %get3A_423 : vector<16xf32>
      %max3A_425 = arith.maximumf %scan3A_389, %min3A_424 : vector<16xf32>
      %max3A_426 = arith.maximumf %scan3A_381, %get3A_423 : vector<16xf32>
      %mul3A_427 = arith.constant 8 : i32
      %mul3A_428 = arith.muli %scan3A_378, %mul3A_427 : i32
      %add3A_429 = arith.constant 3 : i32
      %add3A_430 = arith.addi %mul3A_428, %add3A_429 : i32
      %mul3A_431 = arith.constant 16 : i32
      %mul3A_432 = arith.muli %add3A_430, %mul3A_431 : i32
      %get3A_433 = arith.index_cast %mul3A_432 : i32 to index
      %get3A_434 = tpu.vector_load %arg4[%get3A_433] {strides = array<i32>} : memref<32768xf32, #tpu.memory_space<vmem>>, vector<16xf32>,
      %min3A_435 = arith.minimumf %scan3A_382, %get3A_434 : vector<16xf32>
      %max3A_436 = arith.maximumf %scan3A_390, %min3A_435 : vector<16xf32>
      %max3A_437 = arith.maximumf %scan3A_382, %get3A_434 : vector<16xf32>
      %mul3A_438 = arith.constant 8 : i32
      %mul3A_439 = arith.muli %scan3A_378, %mul3A_438 : i32
      %add3A_440 = arith.constant 4 : i32
      %add3A_441 = arith.addi %mul3A_439, %add3A_440 : i32
      %mul3A_442 = arith.constant 16 : i32
      %mul3A_443 = arith.muli %add3A_441, %mul3A_442 : i32
      %get3A_444 = arith.index_cast %mul3A_443 : i32 to index
      %get3A_445 = tpu.vector_load %arg4[%get3A_444] {strides = array<i32>} : memref<32768xf32, #tpu.memory_space<vmem>>, vector<16xf32>,
      %min3A_446 = arith.minimumf %scan3A_383, %get3A_445 : vector<16xf32>
      %max3A_447 = arith.maximumf %scan3A_391, %min3A_446 : vector<16xf32>
      %max3A_448 = arith.maximumf %scan3A_383, %get3A_445 : vector<16xf32>
      %mul3A_449 = arith.constant 8 : i32
      %mul3A_450 = arith.muli %scan3A_378, %mul3A_449 : i32
      %add3A_451 = arith.constant 5 : i32
      %add3A_452 = arith.addi %mul3A_450, %add3A_451 : i32
      %mul3A_453 = arith.constant 16 : i32
      %mul3A_454 = arith.muli %add3A_452, %mul3A_453 : i32
      %get3A_455 = arith.index_cast %mul3A_454 : i32 to index
      %get3A_456 = tpu.vector_load %arg4[%get3A_455] {strides = array<i32>} : memref<32768xf32, #tpu.memory_space<vmem>>, vector<16xf32>,
      %min3A_457 = arith.minimumf %scan3A_384, %get3A_456 : vector<16xf32>
      %max3A_458 = arith.maximumf %scan3A_392, %min3A_457 : vector<16xf32>
      %max3A_459 = arith.maximumf %scan3A_384, %get3A_456 : vector<16xf32>
      %mul3A_460 = arith.constant 8 : i32
      %mul3A_461 = arith.muli %scan3A_378, %mul3A_460 : i32
      %add3A_462 = arith.constant 6 : i32
      %add3A_463 = arith.addi %mul3A_461, %add3A_462 : i32
      %mul3A_464 = arith.constant 16 : i32
      %mul3A_465 = arith.muli %add3A_463, %mul3A_464 : i32
      %get3A_466 = arith.index_cast %mul3A_465 : i32 to index
      %get3A_467 = tpu.vector_load %arg4[%get3A_466] {strides = array<i32>} : memref<32768xf32, #tpu.memory_space<vmem>>, vector<16xf32>,
      %min3A_468 = arith.minimumf %scan3A_385, %get3A_467 : vector<16xf32>
      %max3A_469 = arith.maximumf %scan3A_393, %min3A_468 : vector<16xf32>
      %max3A_470 = arith.maximumf %scan3A_385, %get3A_467 : vector<16xf32>
      %mul3A_471 = arith.constant 8 : i32
      %mul3A_472 = arith.muli %scan3A_378, %mul3A_471 : i32
      %add3A_473 = arith.constant 7 : i32
      %add3A_474 = arith.addi %mul3A_472, %add3A_473 : i32
      %mul3A_475 = arith.constant 16 : i32
      %mul3A_476 = arith.muli %add3A_474, %mul3A_475 : i32
      %get3A_477 = arith.index_cast %mul3A_476 : i32 to index
      %get3A_478 = tpu.vector_load %arg4[%get3A_477] {strides = array<i32>} : memref<32768xf32, #tpu.memory_space<vmem>>, vector<16xf32>,
      %min3A_479 = arith.minimumf %scan3A_386, %get3A_478 : vector<16xf32>
      %max3A_480 = arith.maximumf %scan3A_394, %min3A_479 : vector<16xf32>
      %max3A_481 = arith.maximumf %scan3A_386, %get3A_478 : vector<16xf32>
      scf.yield %max3A_404, %max3A_415, %max3A_426, %max3A_437, %max3A_448, %max3A_459, %max3A_470, %max3A_481, %max3A_403, %max3A_414, %max3A_425, %max3A_436, %max3A_447, %max3A_458, %max3A_469, %max3A_480 : vector<16xf32>, vector<16xf32>, vector<16xf32>, vector<16xf32>, vector<16xf32>, vector<16xf32>, vector<16xf32>, vector<16xf32>, vector<16xf32>, vector<16xf32>, vector<16xf32>, vector<16xf32>, vector<16xf32>, vector<16xf32>, vector<16xf32>, vector<16xf32>
    }
    %scan3A_53 = arith.constant 256 : i32
    %max3A = arith.maximumf %scan3A_52#0, %scan3A_52#1 : vector<16xf32>
    %min3A = arith.minimumf %scan3A_52#0, %scan3A_52#1 : vector<16xf32>
    %max3A_54 = arith.maximumf %scan3A_52#8, %scan3A_52#9 : vector<16xf32>
    %max3A_55 = arith.maximumf %min3A, %max3A_54 : vector<16xf32>
    %max3A_56 = arith.maximumf %scan3A_52#2, %scan3A_52#3 : vector<16xf32>
    %min3A_57 = arith.minimumf %scan3A_52#2, %scan3A_52#3 : vector<16xf32>
    %max3A_58 = arith.maximumf %scan3A_52#10, %scan3A_52#11 : vector<16xf32>
    %max3A_59 = arith.maximumf %min3A_57, %max3A_58 : vector<16xf32>
    %max3A_60 = arith.maximumf %scan3A_52#4, %scan3A_52#5 : vector<16xf32>
    %min3A_61 = arith.minimumf %scan3A_52#4, %scan3A_52#5 : vector<16xf32>
    %max3A_62 = arith.maximumf %scan3A_52#12, %scan3A_52#13 : vector<16xf32>
    %max3A_63 = arith.maximumf %min3A_61, %max3A_62 : vector<16xf32>
    %max3A_64 = arith.maximumf %scan3A_52#6, %scan3A_52#7 : vector<16xf32>
    %min3A_65 = arith.minimumf %scan3A_52#6, %scan3A_52#7 : vector<16xf32>
    %max3A_66 = arith.maximumf %scan3A_52#14, %scan3A_52#15 : vector<16xf32>
    %max3A_67 = arith.maximumf %min3A_65, %max3A_66 : vector<16xf32>
    %max3A_68 = arith.maximumf %max3A, %max3A_56 : vector<16xf32>
    %min3A_69 = arith.minimumf %max3A, %max3A_56 : vector<16xf32>
    %max3A_70 = arith.maximumf %max3A_55, %max3A_59 : vector<16xf32>
    %max3A_71 = arith.maximumf %min3A_69, %max3A_70 : vector<16xf32>
    %max3A_72 = arith.maximumf %max3A_60, %max3A_64 : vector<16xf32>
    %min3A_73 = arith.minimumf %max3A_60, %max3A_64 : vector<16xf32>
    %max3A_74 = arith.maximumf %max3A_63, %max3A_67 : vector<16xf32>
    %max3A_75 = arith.maximumf %min3A_73, %max3A_74 : vector<16xf32>
    %max3A_76 = arith.maximumf %max3A_68, %max3A_72 : vector<16xf32>
    %min3A_77 = arith.minimumf %max3A_68, %max3A_72 : vector<16xf32>
    %max3A_78 = arith.maximumf %max3A_71, %max3A_75 : vector<16xf32>
    %max3A_79 = arith.maximumf %min3A_77, %max3A_78 : vector<16xf32>
    %reduce_min3A = arith.constant true
    %reduce_min3A_80 = vector.broadcast %reduce_min3A : i1 to vector<16xi1>
    %reduce_min3A_81 = tpu.scan <min>, %max3A_79 masked %reduce_min3A_80 : vector<16xf32>, vector<16xi1> -> vector<16xf32>
    %reduce_min3A_82 = vector.extract %reduce_min3A_81[15] : f32 from vector<16xf32>
    %broadcast_in_dim3A_83 = vector.broadcast %reduce_min3A_82 : f32 to vector<16xf32>
    %scan3A_84 = arith.constant 0 : i32
    %scan3A_85 = arith.constant 0 : i32
    %scan3A_86 = arith.constant 256 : i32
    %scan3A_87 = arith.addi %scan3A_85, %scan3A_86 : i32
    %scan3A_88 = arith.constant 1 : i32
    %scan3A_89 = scf.for %scan3A_378 = %scan3A_85 to %scan3A_87 step %scan3A_88 iter_args(%scan3A_379 = %scan3A_84) -> (i32)  : i32 {
      %min3A_380 = arith.constant 4096 : i32
      %min3A_381 = arith.minsi %scan3A_379, %min3A_380 : i32
      %mul3A_382 = arith.constant 8 : i32
      %mul3A_383 = arith.muli %scan3A_378, %mul3A_382 : i32
      %add3A_384 = arith.constant 0 : i32
      %add3A_385 = arith.addi %mul3A_383, %add3A_384 : i32
      %mul3A_386 = arith.constant 16 : i32
      %mul3A_387 = arith.muli %add3A_385, %mul3A_386 : i32
      %get3A = arith.index_cast %mul3A_387 : i32 to index
      %get3A_388 = tpu.vector_load %arg4[%get3A] {strides = array<i32>} : memref<32768xf32, #tpu.memory_space<vmem>>, vector<16xf32>,
      %ge3A = arith.cmpf oge, %get3A_388, %broadcast_in_dim3A_83 : vector<16xf32>
      %convert_element_type3A_389 = arith.extui %ge3A : vector<16xi1> to vector<16xi32>
      %reduce_sum3A = arith.constant true
      %reduce_sum3A_390 = vector.broadcast %reduce_sum3A : i1 to vector<16xi1>
      %reduce_sum3A_391 = tpu.scan <sum>, %convert_element_type3A_389 masked %reduce_sum3A_390 : vector<16xi32>, vector<16xi1> -> vector<16xi32>
      %reduce_sum3A_392 = vector.extract %reduce_sum3A_391[15] : i32 from vector<16xi32>
      %mul3A_393 = arith.constant 8 : i32
      %mul3A_394 = arith.muli %scan3A_378, %mul3A_393 : i32
      %add3A_395 = arith.constant 1 : i32
      %add3A_396 = arith.addi %mul3A_394, %add3A_395 : i32
      %mul3A_397 = arith.constant 16 : i32
      %mul3A_398 = arith.muli %add3A_396, %mul3A_397 : i32
      %get3A_399 = arith.index_cast %mul3A_398 : i32 to index
      %get3A_400 = tpu.vector_load %arg4[%get3A_399] {strides = array<i32>} : memref<32768xf32, #tpu.memory_space<vmem>>, vector<16xf32>,
      %ge3A_401 = arith.cmpf oge, %get3A_400, %broadcast_in_dim3A_83 : vector<16xf32>
      %convert_element_type3A_402 = arith.extui %ge3A_401 : vector<16xi1> to vector<16xi32>
      %reduce_sum3A_403 = arith.constant true
      %reduce_sum3A_404 = vector.broadcast %reduce_sum3A_403 : i1 to vector<16xi1>
      %reduce_sum3A_405 = tpu.scan <sum>, %convert_element_type3A_402 masked %reduce_sum3A_404 : vector<16xi32>, vector<16xi1> -> vector<16xi32>
      %reduce_sum3A_406 = vector.extract %reduce_sum3A_405[15] : i32 from vector<16xi32>
      %mul3A_407 = arith.constant 8 : i32
      %mul3A_408 = arith.muli %scan3A_378, %mul3A_407 : i32
      %add3A_409 = arith.constant 2 : i32
      %add3A_410 = arith.addi %mul3A_408, %add3A_409 : i32
      %mul3A_411 = arith.constant 16 : i32
      %mul3A_412 = arith.muli %add3A_410, %mul3A_411 : i32
      %get3A_413 = arith.index_cast %mul3A_412 : i32 to index
      %get3A_414 = tpu.vector_load %arg4[%get3A_413] {strides = array<i32>} : memref<32768xf32, #tpu.memory_space<vmem>>, vector<16xf32>,
      %ge3A_415 = arith.cmpf oge, %get3A_414, %broadcast_in_dim3A_83 : vector<16xf32>
      %convert_element_type3A_416 = arith.extui %ge3A_415 : vector<16xi1> to vector<16xi32>
      %reduce_sum3A_417 = arith.constant true
      %reduce_sum3A_418 = vector.broadcast %reduce_sum3A_417 : i1 to vector<16xi1>
      %reduce_sum3A_419 = tpu.scan <sum>, %convert_element_type3A_416 masked %reduce_sum3A_418 : vector<16xi32>, vector<16xi1> -> vector<16xi32>
      %reduce_sum3A_420 = vector.extract %reduce_sum3A_419[15] : i32 from vector<16xi32>
      %mul3A_421 = arith.constant 8 : i32
      %mul3A_422 = arith.muli %scan3A_378, %mul3A_421 : i32
      %add3A_423 = arith.constant 3 : i32
      %add3A_424 = arith.addi %mul3A_422, %add3A_423 : i32
      %mul3A_425 = arith.constant 16 : i32
      %mul3A_426 = arith.muli %add3A_424, %mul3A_425 : i32
      %get3A_427 = arith.index_cast %mul3A_426 : i32 to index
      %get3A_428 = tpu.vector_load %arg4[%get3A_427] {strides = array<i32>} : memref<32768xf32, #tpu.memory_space<vmem>>, vector<16xf32>,
      %ge3A_429 = arith.cmpf oge, %get3A_428, %broadcast_in_dim3A_83 : vector<16xf32>
      %convert_element_type3A_430 = arith.extui %ge3A_429 : vector<16xi1> to vector<16xi32>
      %reduce_sum3A_431 = arith.constant true
      %reduce_sum3A_432 = vector.broadcast %reduce_sum3A_431 : i1 to vector<16xi1>
      %reduce_sum3A_433 = tpu.scan <sum>, %convert_element_type3A_430 masked %reduce_sum3A_432 : vector<16xi32>, vector<16xi1> -> vector<16xi32>
      %reduce_sum3A_434 = vector.extract %reduce_sum3A_433[15] : i32 from vector<16xi32>
      %mul3A_435 = arith.constant 8 : i32
      %mul3A_436 = arith.muli %scan3A_378, %mul3A_435 : i32
      %add3A_437 = arith.constant 4 : i32
      %add3A_438 = arith.addi %mul3A_436, %add3A_437 : i32
      %mul3A_439 = arith.constant 16 : i32
      %mul3A_440 = arith.muli %add3A_438, %mul3A_439 : i32
      %get3A_441 = arith.index_cast %mul3A_440 : i32 to index
      %get3A_442 = tpu.vector_load %arg4[%get3A_441] {strides = array<i32>} : memref<32768xf32, #tpu.memory_space<vmem>>, vector<16xf32>,
      %ge3A_443 = arith.cmpf oge, %get3A_442, %broadcast_in_dim3A_83 : vector<16xf32>
      %convert_element_type3A_444 = arith.extui %ge3A_443 : vector<16xi1> to vector<16xi32>
      %reduce_sum3A_445 = arith.constant true
      %reduce_sum3A_446 = vector.broadcast %reduce_sum3A_445 : i1 to vector<16xi1>
      %reduce_sum3A_447 = tpu.scan <sum>, %convert_element_type3A_444 masked %reduce_sum3A_446 : vector<16xi32>, vector<16xi1> -> vector<16xi32>
      %reduce_sum3A_448 = vector.extract %reduce_sum3A_447[15] : i32 from vector<16xi32>
      %mul3A_449 = arith.constant 8 : i32
      %mul3A_450 = arith.muli %scan3A_378, %mul3A_449 : i32
      %add3A_451 = arith.constant 5 : i32
      %add3A_452 = arith.addi %mul3A_450, %add3A_451 : i32
      %mul3A_453 = arith.constant 16 : i32
      %mul3A_454 = arith.muli %add3A_452, %mul3A_453 : i32
      %get3A_455 = arith.index_cast %mul3A_454 : i32 to index
      %get3A_456 = tpu.vector_load %arg4[%get3A_455] {strides = array<i32>} : memref<32768xf32, #tpu.memory_space<vmem>>, vector<16xf32>,
      %ge3A_457 = arith.cmpf oge, %get3A_456, %broadcast_in_dim3A_83 : vector<16xf32>
      %convert_element_type3A_458 = arith.extui %ge3A_457 : vector<16xi1> to vector<16xi32>
      %reduce_sum3A_459 = arith.constant true
      %reduce_sum3A_460 = vector.broadcast %reduce_sum3A_459 : i1 to vector<16xi1>
      %reduce_sum3A_461 = tpu.scan <sum>, %convert_element_type3A_458 masked %reduce_sum3A_460 : vector<16xi32>, vector<16xi1> -> vector<16xi32>
      %reduce_sum3A_462 = vector.extract %reduce_sum3A_461[15] : i32 from vector<16xi32>
      %mul3A_463 = arith.constant 8 : i32
      %mul3A_464 = arith.muli %scan3A_378, %mul3A_463 : i32
      %add3A_465 = arith.constant 6 : i32
      %add3A_466 = arith.addi %mul3A_464, %add3A_465 : i32
      %mul3A_467 = arith.constant 16 : i32
      %mul3A_468 = arith.muli %add3A_466, %mul3A_467 : i32
      %get3A_469 = arith.index_cast %mul3A_468 : i32 to index
      %get3A_470 = tpu.vector_load %arg4[%get3A_469] {strides = array<i32>} : memref<32768xf32, #tpu.memory_space<vmem>>, vector<16xf32>,
      %ge3A_471 = arith.cmpf oge, %get3A_470, %broadcast_in_dim3A_83 : vector<16xf32>
      %convert_element_type3A_472 = arith.extui %ge3A_471 : vector<16xi1> to vector<16xi32>
      %reduce_sum3A_473 = arith.constant true
      %reduce_sum3A_474 = vector.broadcast %reduce_sum3A_473 : i1 to vector<16xi1>
      %reduce_sum3A_475 = tpu.scan <sum>, %convert_element_type3A_472 masked %reduce_sum3A_474 : vector<16xi32>, vector<16xi1> -> vector<16xi32>
      %reduce_sum3A_476 = vector.extract %reduce_sum3A_475[15] : i32 from vector<16xi32>
      %mul3A_477 = arith.constant 8 : i32
      %mul3A_478 = arith.muli %scan3A_378, %mul3A_477 : i32
      %add3A_479 = arith.constant 7 : i32
      %add3A_480 = arith.addi %mul3A_478, %add3A_479 : i32
      %mul3A_481 = arith.constant 16 : i32
      %mul3A_482 = arith.muli %add3A_480, %mul3A_481 : i32
      %get3A_483 = arith.index_cast %mul3A_482 : i32 to index
      %get3A_484 = tpu.vector_load %arg4[%get3A_483] {strides = array<i32>} : memref<32768xf32, #tpu.memory_space<vmem>>, vector<16xf32>,
      %ge3A_485 = arith.cmpf oge, %get3A_484, %broadcast_in_dim3A_83 : vector<16xf32>
      %convert_element_type3A_486 = arith.extui %ge3A_485 : vector<16xi1> to vector<16xi32>
      %reduce_sum3A_487 = arith.constant true
      %reduce_sum3A_488 = vector.broadcast %reduce_sum3A_487 : i1 to vector<16xi1>
      %reduce_sum3A_489 = tpu.scan <sum>, %convert_element_type3A_486 masked %reduce_sum3A_488 : vector<16xi32>, vector<16xi1> -> vector<16xi32>
      %reduce_sum3A_490 = vector.extract %reduce_sum3A_489[15] : i32 from vector<16xi32>
      %add3A_491 = arith.addi %min3A_381, %reduce_sum3A_392 : i32
      %add3A_492 = arith.addi %add3A_491, %reduce_sum3A_406 : i32
      %add3A_493 = arith.addi %add3A_492, %reduce_sum3A_420 : i32
      %add3A_494 = arith.addi %add3A_493, %reduce_sum3A_434 : i32
      %add3A_495 = arith.addi %add3A_494, %reduce_sum3A_448 : i32
      %add3A_496 = arith.addi %add3A_495, %reduce_sum3A_462 : i32
      %add3A_497 = arith.addi %add3A_496, %reduce_sum3A_476 : i32
      %add3A_498 = arith.addi %add3A_497, %reduce_sum3A_490 : i32
      %mul3A_499 = arith.constant 8 : i32
      %mul3A_500 = arith.muli %scan3A_378, %mul3A_499 : i32
      %add3A_501 = arith.constant 0 : i32
      %add3A_502 = arith.addi %mul3A_500, %add3A_501 : i32
      %mul3A_503 = arith.constant 16 : i32
      %mul3A_504 = arith.muli %add3A_502, %mul3A_503 : i32
      %add3A_505 = vector.broadcast %mul3A_504 : i32 to vector<16xi32>
      %add3A_506 = arith.addi %iota3A, %add3A_505 : vector<16xi32>
      %swap3A = arith.index_cast %min3A_381 : i32 to index
      %swap3A_507 = tpu.vector_load %arg8[%swap3A] masked %ge3A {strides = array<i32>} : memref<4240xi32, #tpu.memory_space<vmem>>, vector<16xi32>, vector<16xi1>
      tpu.vector_store %arg8[%swap3A], %add3A_506 masked %ge3A {strides = array<i32>} : memref<4240xi32, #tpu.memory_space<vmem>>, vector<16xi32>, vector<16xi1>
      %mul3A_508 = arith.constant 8 : i32
      %mul3A_509 = arith.muli %scan3A_378, %mul3A_508 : i32
      %add3A_510 = arith.constant 1 : i32
      %add3A_511 = arith.addi %mul3A_509, %add3A_510 : i32
      %mul3A_512 = arith.constant 16 : i32
      %mul3A_513 = arith.muli %add3A_511, %mul3A_512 : i32
      %add3A_514 = vector.broadcast %mul3A_513 : i32 to vector<16xi32>
      %add3A_515 = arith.addi %iota3A, %add3A_514 : vector<16xi32>
      %swap3A_516 = arith.index_cast %add3A_491 : i32 to index
      %swap3A_517 = tpu.vector_load %arg8[%swap3A_516] masked %ge3A_401 {strides = array<i32>} : memref<4240xi32, #tpu.memory_space<vmem>>, vector<16xi32>, vector<16xi1>
      tpu.vector_store %arg8[%swap3A_516], %add3A_515 masked %ge3A_401 {strides = array<i32>} : memref<4240xi32, #tpu.memory_space<vmem>>, vector<16xi32>, vector<16xi1>
      %mul3A_518 = arith.constant 8 : i32
      %mul3A_519 = arith.muli %scan3A_378, %mul3A_518 : i32
      %add3A_520 = arith.constant 2 : i32
      %add3A_521 = arith.addi %mul3A_519, %add3A_520 : i32
      %mul3A_522 = arith.constant 16 : i32
      %mul3A_523 = arith.muli %add3A_521, %mul3A_522 : i32
      %add3A_524 = vector.broadcast %mul3A_523 : i32 to vector<16xi32>
      %add3A_525 = arith.addi %iota3A, %add3A_524 : vector<16xi32>
      %swap3A_526 = arith.index_cast %add3A_492 : i32 to index
      %swap3A_527 = tpu.vector_load %arg8[%swap3A_526] masked %ge3A_415 {strides = array<i32>} : memref<4240xi32, #tpu.memory_space<vmem>>, vector<16xi32>, vector<16xi1>
      tpu.vector_store %arg8[%swap3A_526], %add3A_525 masked %ge3A_415 {strides = array<i32>} : memref<4240xi32, #tpu.memory_space<vmem>>, vector<16xi32>, vector<16xi1>
      %mul3A_528 = arith.constant 8 : i32
      %mul3A_529 = arith.muli %scan3A_378, %mul3A_528 : i32
      %add3A_530 = arith.constant 3 : i32
      %add3A_531 = arith.addi %mul3A_529, %add3A_530 : i32
      %mul3A_532 = arith.constant 16 : i32
      %mul3A_533 = arith.muli %add3A_531, %mul3A_532 : i32
      %add3A_534 = vector.broadcast %mul3A_533 : i32 to vector<16xi32>
      %add3A_535 = arith.addi %iota3A, %add3A_534 : vector<16xi32>
      %swap3A_536 = arith.index_cast %add3A_493 : i32 to index
      %swap3A_537 = tpu.vector_load %arg8[%swap3A_536] masked %ge3A_429 {strides = array<i32>} : memref<4240xi32, #tpu.memory_space<vmem>>, vector<16xi32>, vector<16xi1>
      tpu.vector_store %arg8[%swap3A_536], %add3A_535 masked %ge3A_429 {strides = array<i32>} : memref<4240xi32, #tpu.memory_space<vmem>>, vector<16xi32>, vector<16xi1>
      %mul3A_538 = arith.constant 8 : i32
      %mul3A_539 = arith.muli %scan3A_378, %mul3A_538 : i32
      %add3A_540 = arith.constant 4 : i32
      %add3A_541 = arith.addi %mul3A_539, %add3A_540 : i32
      %mul3A_542 = arith.constant 16 : i32
      %mul3A_543 = arith.muli %add3A_541, %mul3A_542 : i32
      %add3A_544 = vector.broadcast %mul3A_543 : i32 to vector<16xi32>
      %add3A_545 = arith.addi %iota3A, %add3A_544 : vector<16xi32>
      %swap3A_546 = arith.index_cast %add3A_494 : i32 to index
      %swap3A_547 = tpu.vector_load %arg8[%swap3A_546] masked %ge3A_443 {strides = array<i32>} : memref<4240xi32, #tpu.memory_space<vmem>>, vector<16xi32>, vector<16xi1>
      tpu.vector_store %arg8[%swap3A_546], %add3A_545 masked %ge3A_443 {strides = array<i32>} : memref<4240xi32, #tpu.memory_space<vmem>>, vector<16xi32>, vector<16xi1>
      %mul3A_548 = arith.constant 8 : i32
      %mul3A_549 = arith.muli %scan3A_378, %mul3A_548 : i32
      %add3A_550 = arith.constant 5 : i32
      %add3A_551 = arith.addi %mul3A_549, %add3A_550 : i32
      %mul3A_552 = arith.constant 16 : i32
      %mul3A_553 = arith.muli %add3A_551, %mul3A_552 : i32
      %add3A_554 = vector.broadcast %mul3A_553 : i32 to vector<16xi32>
      %add3A_555 = arith.addi %iota3A, %add3A_554 : vector<16xi32>
      %swap3A_556 = arith.index_cast %add3A_495 : i32 to index
      %swap3A_557 = tpu.vector_load %arg8[%swap3A_556] masked %ge3A_457 {strides = array<i32>} : memref<4240xi32, #tpu.memory_space<vmem>>, vector<16xi32>, vector<16xi1>
      tpu.vector_store %arg8[%swap3A_556], %add3A_555 masked %ge3A_457 {strides = array<i32>} : memref<4240xi32, #tpu.memory_space<vmem>>, vector<16xi32>, vector<16xi1>
      %mul3A_558 = arith.constant 8 : i32
      %mul3A_559 = arith.muli %scan3A_378, %mul3A_558 : i32
      %add3A_560 = arith.constant 6 : i32
      %add3A_561 = arith.addi %mul3A_559, %add3A_560 : i32
      %mul3A_562 = arith.constant 16 : i32
      %mul3A_563 = arith.muli %add3A_561, %mul3A_562 : i32
      %add3A_564 = vector.broadcast %mul3A_563 : i32 to vector<16xi32>
      %add3A_565 = arith.addi %iota3A, %add3A_564 : vector<16xi32>
      %swap3A_566 = arith.index_cast %add3A_496 : i32 to index
      %swap3A_567 = tpu.vector_load %arg8[%swap3A_566] masked %ge3A_471 {strides = array<i32>} : memref<4240xi32, #tpu.memory_space<vmem>>, vector<16xi32>, vector<16xi1>
      tpu.vector_store %arg8[%swap3A_566], %add3A_565 masked %ge3A_471 {strides = array<i32>} : memref<4240xi32, #tpu.memory_space<vmem>>, vector<16xi32>, vector<16xi1>
      %mul3A_568 = arith.constant 8 : i32
      %mul3A_569 = arith.muli %scan3A_378, %mul3A_568 : i32
      %add3A_570 = arith.constant 7 : i32
      %add3A_571 = arith.addi %mul3A_569, %add3A_570 : i32
      %mul3A_572 = arith.constant 16 : i32
      %mul3A_573 = arith.muli %add3A_571, %mul3A_572 : i32
      %add3A_574 = vector.broadcast %mul3A_573 : i32 to vector<16xi32>
      %add3A_575 = arith.addi %iota3A, %add3A_574 : vector<16xi32>
      %swap3A_576 = arith.index_cast %add3A_497 : i32 to index
      %swap3A_577 = tpu.vector_load %arg8[%swap3A_576] masked %ge3A_485 {strides = array<i32>} : memref<4240xi32, #tpu.memory_space<vmem>>, vector<16xi32>, vector<16xi1>
      tpu.vector_store %arg8[%swap3A_576], %add3A_575 masked %ge3A_485 {strides = array<i32>} : memref<4240xi32, #tpu.memory_space<vmem>>, vector<16xi32>, vector<16xi1>
      %sub3A_578 = arith.subi %add3A_498, %min3A_381 : i32
      %add3A_579 = arith.addi %scan3A_379, %sub3A_578 : i32
      scf.yield %add3A_579 : i32
    }
    %scan3A_90 = arith.constant 256 : i32
    %le3A = arith.constant 4096 : i32
    %le3A_91 = arith.cmpi sle, %scan3A_89, %le3A : i32
    %convert_element_type3A = arith.extui %le3A_91 : i1 to i32
    %cond3A = arith.constant 0 : i32
    %cond3A_92 = arith.constant 0 : i32
    %cond3A_93 = arith.cmpi ne, %convert_element_type3A, %cond3A_92 : i32
    %cond3A_94:5 = scf.if %cond3A_93 -> (i32, i32, i32, i32, i32) {
      %cond3A_378 = arith.constant 0 : i32
      %cond3A_379 = arith.constant 0 : i32
      %cond3A_380 = arith.constant 32 : i32
      %cond3A_381 = arith.constant 8 : i32
      scf.yield %cond3A_378, %cond3A_379, %cond3A_380, %scan3A_89, %cond3A_381 : i32, i32, i32, i32, i32
    } else {
      %scan3A_378 = arith.constant 24 : i32
      %scan3A_379 = arith.constant 0 : i32
      %scan3A_380 = arith.constant 0 : i32
      %scan3A_381 = arith.constant 256 : i32
      %scan3A_382 = arith.addi %scan3A_380, %scan3A_381 : i32
      %scan3A_383 = arith.constant 1 : i32
      %scan3A_384 = scf.for %scan3A_452 = %scan3A_380 to %scan3A_382 step %scan3A_383 iter_args(%scan3A_453 = %scan3A_379) -> (i32)  : i32 {
        %mul3A_454 = arith.constant 8 : i32
        %mul3A_455 = arith.muli %scan3A_452, %mul3A_454 : i32
        %add3A_456 = arith.constant 0 : i32
        %add3A_457 = arith.addi %mul3A_455, %add3A_456 : i32
        %mul3A_458 = arith.constant 16 : i32
        %mul3A_459 = arith.muli %add3A_457, %mul3A_458 : i32
        %get3A = arith.index_cast %mul3A_459 : i32 to index
        %get3A_460 = tpu.vector_load %arg4[%get3A] {strides = array<i32>} : memref<32768xf32, #tpu.memory_space<vmem>>, vector<16xf32>,
        %bitcast_convert_type3A = tpu.bitcast %get3A_460 : vector<16xf32> -> vector<16xi32>
        %shift_right_arithmetic3A = arith.constant 31 : i32
        %shift_right_arithmetic3A_461 = vector.broadcast %shift_right_arithmetic3A : i32 to vector<16xi32>
        %shift_right_arithmetic3A_462 = arith.shrsi %bitcast_convert_type3A, %shift_right_arithmetic3A_461 : vector<16xi32>
        %or3A_463 = arith.constant -2147483648 : i32
        %or3A_464 = vector.broadcast %or3A_463 : i32 to vector<16xi32>
        %or3A_465 = arith.ori %shift_right_arithmetic3A_462, %or3A_464 : vector<16xi32>
        %xor3A = arith.xori %bitcast_convert_type3A, %or3A_465 : vector<16xi32>
        %bitcast_convert_type3A_466 = tpu.bitcast %xor3A : vector<16xi32> -> vector<16xi32>
        %shift_right_logical3A_467 = vector.broadcast %scan3A_378 : i32 to vector<16xi32>
        %shift_right_logical3A_468 = arith.shrui %bitcast_convert_type3A_466, %shift_right_logical3A_467 : vector<16xi32>
        %and3A_469 = arith.constant 255 : i32
        %and3A_470 = vector.broadcast %and3A_469 : i32 to vector<16xi32>
        %and3A_471 = arith.andi %shift_right_logical3A_468, %and3A_470 : vector<16xi32>
        %mul3A_472 = arith.constant 16 : i32
        %mul3A_473 = vector.broadcast %mul3A_472 : i32 to vector<16xi32>
        %mul3A_474 = arith.muli %and3A_471, %mul3A_473 : vector<16xi32>
        %add3A_475 = arith.addi %mul3A_474, %iota3A : vector<16xi32>
        tpu.vector_store_idx %arg7[%add3A_475], %broadcast_in_dim3A_1 {add = true} : memref<4096xi32, #tpu.memory_space<vmem>>[vector<16xi32>], vector<16xi32>,
        %mul3A_476 = arith.constant 8 : i32
        %mul3A_477 = arith.muli %scan3A_452, %mul3A_476 : i32
        %add3A_478 = arith.constant 1 : i32
        %add3A_479 = arith.addi %mul3A_477, %add3A_478 : i32
        %mul3A_480 = arith.constant 16 : i32
        %mul3A_481 = arith.muli %add3A_479, %mul3A_480 : i32
        %get3A_482 = arith.index_cast %mul3A_481 : i32 to index
        %get3A_483 = tpu.vector_load %arg4[%get3A_482] {strides = array<i32>} : memref<32768xf32, #tpu.memory_space<vmem>>, vector<16xf32>,
        %bitcast_convert_type3A_484 = tpu.bitcast %get3A_483 : vector<16xf32> -> vector<16xi32>
        %shift_right_arithmetic3A_485 = arith.constant 31 : i32
        %shift_right_arithmetic3A_486 = vector.broadcast %shift_right_arithmetic3A_485 : i32 to vector<16xi32>
        %shift_right_arithmetic3A_487 = arith.shrsi %bitcast_convert_type3A_484, %shift_right_arithmetic3A_486 : vector<16xi32>
        %or3A_488 = arith.constant -2147483648 : i32
        %or3A_489 = vector.broadcast %or3A_488 : i32 to vector<16xi32>
        %or3A_490 = arith.ori %shift_right_arithmetic3A_487, %or3A_489 : vector<16xi32>
        %xor3A_491 = arith.xori %bitcast_convert_type3A_484, %or3A_490 : vector<16xi32>
        %bitcast_convert_type3A_492 = tpu.bitcast %xor3A_491 : vector<16xi32> -> vector<16xi32>
        %shift_right_logical3A_493 = vector.broadcast %scan3A_378 : i32 to vector<16xi32>
        %shift_right_logical3A_494 = arith.shrui %bitcast_convert_type3A_492, %shift_right_logical3A_493 : vector<16xi32>
        %and3A_495 = arith.constant 255 : i32
        %and3A_496 = vector.broadcast %and3A_495 : i32 to vector<16xi32>
        %and3A_497 = arith.andi %shift_right_logical3A_494, %and3A_496 : vector<16xi32>
        %mul3A_498 = arith.constant 16 : i32
        %mul3A_499 = vector.broadcast %mul3A_498 : i32 to vector<16xi32>
        %mul3A_500 = arith.muli %and3A_497, %mul3A_499 : vector<16xi32>
        %add3A_501 = arith.addi %mul3A_500, %iota3A : vector<16xi32>
        tpu.vector_store_idx %arg7[%add3A_501], %broadcast_in_dim3A_1 {add = true} : memref<4096xi32, #tpu.memory_space<vmem>>[vector<16xi32>], vector<16xi32>,
        %mul3A_502 = arith.constant 8 : i32
        %mul3A_503 = arith.muli %scan3A_452, %mul3A_502 : i32
        %add3A_504 = arith.constant 2 : i32
        %add3A_505 = arith.addi %mul3A_503, %add3A_504 : i32
        %mul3A_506 = arith.constant 16 : i32
        %mul3A_507 = arith.muli %add3A_505, %mul3A_506 : i32
        %get3A_508 = arith.index_cast %mul3A_507 : i32 to index
        %get3A_509 = tpu.vector_load %arg4[%get3A_508] {strides = array<i32>} : memref<32768xf32, #tpu.memory_space<vmem>>, vector<16xf32>,
        %bitcast_convert_type3A_510 = tpu.bitcast %get3A_509 : vector<16xf32> -> vector<16xi32>
        %shift_right_arithmetic3A_511 = arith.constant 31 : i32
        %shift_right_arithmetic3A_512 = vector.broadcast %shift_right_arithmetic3A_511 : i32 to vector<16xi32>
        %shift_right_arithmetic3A_513 = arith.shrsi %bitcast_convert_type3A_510, %shift_right_arithmetic3A_512 : vector<16xi32>
        %or3A_514 = arith.constant -2147483648 : i32
        %or3A_515 = vector.broadcast %or3A_514 : i32 to vector<16xi32>
        %or3A_516 = arith.ori %shift_right_arithmetic3A_513, %or3A_515 : vector<16xi32>
        %xor3A_517 = arith.xori %bitcast_convert_type3A_510, %or3A_516 : vector<16xi32>
        %bitcast_convert_type3A_518 = tpu.bitcast %xor3A_517 : vector<16xi32> -> vector<16xi32>
        %shift_right_logical3A_519 = vector.broadcast %scan3A_378 : i32 to vector<16xi32>
        %shift_right_logical3A_520 = arith.shrui %bitcast_convert_type3A_518, %shift_right_logical3A_519 : vector<16xi32>
        %and3A_521 = arith.constant 255 : i32
        %and3A_522 = vector.broadcast %and3A_521 : i32 to vector<16xi32>
        %and3A_523 = arith.andi %shift_right_logical3A_520, %and3A_522 : vector<16xi32>
        %mul3A_524 = arith.constant 16 : i32
        %mul3A_525 = vector.broadcast %mul3A_524 : i32 to vector<16xi32>
        %mul3A_526 = arith.muli %and3A_523, %mul3A_525 : vector<16xi32>
        %add3A_527 = arith.addi %mul3A_526, %iota3A : vector<16xi32>
        tpu.vector_store_idx %arg7[%add3A_527], %broadcast_in_dim3A_1 {add = true} : memref<4096xi32, #tpu.memory_space<vmem>>[vector<16xi32>], vector<16xi32>,
        %mul3A_528 = arith.constant 8 : i32
        %mul3A_529 = arith.muli %scan3A_452, %mul3A_528 : i32
        %add3A_530 = arith.constant 3 : i32
        %add3A_531 = arith.addi %mul3A_529, %add3A_530 : i32
        %mul3A_532 = arith.constant 16 : i32
        %mul3A_533 = arith.muli %add3A_531, %mul3A_532 : i32
        %get3A_534 = arith.index_cast %mul3A_533 : i32 to index
        %get3A_535 = tpu.vector_load %arg4[%get3A_534] {strides = array<i32>} : memref<32768xf32, #tpu.memory_space<vmem>>, vector<16xf32>,
        %bitcast_convert_type3A_536 = tpu.bitcast %get3A_535 : vector<16xf32> -> vector<16xi32>
        %shift_right_arithmetic3A_537 = arith.constant 31 : i32
        %shift_right_arithmetic3A_538 = vector.broadcast %shift_right_arithmetic3A_537 : i32 to vector<16xi32>
        %shift_right_arithmetic3A_539 = arith.shrsi %bitcast_convert_type3A_536, %shift_right_arithmetic3A_538 : vector<16xi32>
        %or3A_540 = arith.constant -2147483648 : i32
        %or3A_541 = vector.broadcast %or3A_540 : i32 to vector<16xi32>
        %or3A_542 = arith.ori %shift_right_arithmetic3A_539, %or3A_541 : vector<16xi32>
        %xor3A_543 = arith.xori %bitcast_convert_type3A_536, %or3A_542 : vector<16xi32>
        %bitcast_convert_type3A_544 = tpu.bitcast %xor3A_543 : vector<16xi32> -> vector<16xi32>
        %shift_right_logical3A_545 = vector.broadcast %scan3A_378 : i32 to vector<16xi32>
        %shift_right_logical3A_546 = arith.shrui %bitcast_convert_type3A_544, %shift_right_logical3A_545 : vector<16xi32>
        %and3A_547 = arith.constant 255 : i32
        %and3A_548 = vector.broadcast %and3A_547 : i32 to vector<16xi32>
        %and3A_549 = arith.andi %shift_right_logical3A_546, %and3A_548 : vector<16xi32>
        %mul3A_550 = arith.constant 16 : i32
        %mul3A_551 = vector.broadcast %mul3A_550 : i32 to vector<16xi32>
        %mul3A_552 = arith.muli %and3A_549, %mul3A_551 : vector<16xi32>
        %add3A_553 = arith.addi %mul3A_552, %iota3A : vector<16xi32>
        tpu.vector_store_idx %arg7[%add3A_553], %broadcast_in_dim3A_1 {add = true} : memref<4096xi32, #tpu.memory_space<vmem>>[vector<16xi32>], vector<16xi32>,
        %mul3A_554 = arith.constant 8 : i32
        %mul3A_555 = arith.muli %scan3A_452, %mul3A_554 : i32
        %add3A_556 = arith.constant 4 : i32
        %add3A_557 = arith.addi %mul3A_555, %add3A_556 : i32
        %mul3A_558 = arith.constant 16 : i32
        %mul3A_559 = arith.muli %add3A_557, %mul3A_558 : i32
        %get3A_560 = arith.index_cast %mul3A_559 : i32 to index
        %get3A_561 = tpu.vector_load %arg4[%get3A_560] {strides = array<i32>} : memref<32768xf32, #tpu.memory_space<vmem>>, vector<16xf32>,
        %bitcast_convert_type3A_562 = tpu.bitcast %get3A_561 : vector<16xf32> -> vector<16xi32>
        %shift_right_arithmetic3A_563 = arith.constant 31 : i32
        %shift_right_arithmetic3A_564 = vector.broadcast %shift_right_arithmetic3A_563 : i32 to vector<16xi32>
        %shift_right_arithmetic3A_565 = arith.shrsi %bitcast_convert_type3A_562, %shift_right_arithmetic3A_564 : vector<16xi32>
        %or3A_566 = arith.constant -2147483648 : i32
        %or3A_567 = vector.broadcast %or3A_566 : i32 to vector<16xi32>
        %or3A_568 = arith.ori %shift_right_arithmetic3A_565, %or3A_567 : vector<16xi32>
        %xor3A_569 = arith.xori %bitcast_convert_type3A_562, %or3A_568 : vector<16xi32>
        %bitcast_convert_type3A_570 = tpu.bitcast %xor3A_569 : vector<16xi32> -> vector<16xi32>
        %shift_right_logical3A_571 = vector.broadcast %scan3A_378 : i32 to vector<16xi32>
        %shift_right_logical3A_572 = arith.shrui %bitcast_convert_type3A_570, %shift_right_logical3A_571 : vector<16xi32>
        %and3A_573 = arith.constant 255 : i32
        %and3A_574 = vector.broadcast %and3A_573 : i32 to vector<16xi32>
        %and3A_575 = arith.andi %shift_right_logical3A_572, %and3A_574 : vector<16xi32>
        %mul3A_576 = arith.constant 16 : i32
        %mul3A_577 = vector.broadcast %mul3A_576 : i32 to vector<16xi32>
        %mul3A_578 = arith.muli %and3A_575, %mul3A_577 : vector<16xi32>
        %add3A_579 = arith.addi %mul3A_578, %iota3A : vector<16xi32>
        tpu.vector_store_idx %arg7[%add3A_579], %broadcast_in_dim3A_1 {add = true} : memref<4096xi32, #tpu.memory_space<vmem>>[vector<16xi32>], vector<16xi32>,
        %mul3A_580 = arith.constant 8 : i32
        %mul3A_581 = arith.muli %scan3A_452, %mul3A_580 : i32
        %add3A_582 = arith.constant 5 : i32
        %add3A_583 = arith.addi %mul3A_581, %add3A_582 : i32
        %mul3A_584 = arith.constant 16 : i32
        %mul3A_585 = arith.muli %add3A_583, %mul3A_584 : i32
        %get3A_586 = arith.index_cast %mul3A_585 : i32 to index
        %get3A_587 = tpu.vector_load %arg4[%get3A_586] {strides = array<i32>} : memref<32768xf32, #tpu.memory_space<vmem>>, vector<16xf32>,
        %bitcast_convert_type3A_588 = tpu.bitcast %get3A_587 : vector<16xf32> -> vector<16xi32>
        %shift_right_arithmetic3A_589 = arith.constant 31 : i32
        %shift_right_arithmetic3A_590 = vector.broadcast %shift_right_arithmetic3A_589 : i32 to vector<16xi32>
        %shift_right_arithmetic3A_591 = arith.shrsi %bitcast_convert_type3A_588, %shift_right_arithmetic3A_590 : vector<16xi32>
        %or3A_592 = arith.constant -2147483648 : i32
        %or3A_593 = vector.broadcast %or3A_592 : i32 to vector<16xi32>
        %or3A_594 = arith.ori %shift_right_arithmetic3A_591, %or3A_593 : vector<16xi32>
        %xor3A_595 = arith.xori %bitcast_convert_type3A_588, %or3A_594 : vector<16xi32>
        %bitcast_convert_type3A_596 = tpu.bitcast %xor3A_595 : vector<16xi32> -> vector<16xi32>
        %shift_right_logical3A_597 = vector.broadcast %scan3A_378 : i32 to vector<16xi32>
        %shift_right_logical3A_598 = arith.shrui %bitcast_convert_type3A_596, %shift_right_logical3A_597 : vector<16xi32>
        %and3A_599 = arith.constant 255 : i32
        %and3A_600 = vector.broadcast %and3A_599 : i32 to vector<16xi32>
        %and3A_601 = arith.andi %shift_right_logical3A_598, %and3A_600 : vector<16xi32>
        %mul3A_602 = arith.constant 16 : i32
        %mul3A_603 = vector.broadcast %mul3A_602 : i32 to vector<16xi32>
        %mul3A_604 = arith.muli %and3A_601, %mul3A_603 : vector<16xi32>
        %add3A_605 = arith.addi %mul3A_604, %iota3A : vector<16xi32>
        tpu.vector_store_idx %arg7[%add3A_605], %broadcast_in_dim3A_1 {add = true} : memref<4096xi32, #tpu.memory_space<vmem>>[vector<16xi32>], vector<16xi32>,
        %mul3A_606 = arith.constant 8 : i32
        %mul3A_607 = arith.muli %scan3A_452, %mul3A_606 : i32
        %add3A_608 = arith.constant 6 : i32
        %add3A_609 = arith.addi %mul3A_607, %add3A_608 : i32
        %mul3A_610 = arith.constant 16 : i32
        %mul3A_611 = arith.muli %add3A_609, %mul3A_610 : i32
        %get3A_612 = arith.index_cast %mul3A_611 : i32 to index
        %get3A_613 = tpu.vector_load %arg4[%get3A_612] {strides = array<i32>} : memref<32768xf32, #tpu.memory_space<vmem>>, vector<16xf32>,
        %bitcast_convert_type3A_614 = tpu.bitcast %get3A_613 : vector<16xf32> -> vector<16xi32>
        %shift_right_arithmetic3A_615 = arith.constant 31 : i32
        %shift_right_arithmetic3A_616 = vector.broadcast %shift_right_arithmetic3A_615 : i32 to vector<16xi32>
        %shift_right_arithmetic3A_617 = arith.shrsi %bitcast_convert_type3A_614, %shift_right_arithmetic3A_616 : vector<16xi32>
        %or3A_618 = arith.constant -2147483648 : i32
        %or3A_619 = vector.broadcast %or3A_618 : i32 to vector<16xi32>
        %or3A_620 = arith.ori %shift_right_arithmetic3A_617, %or3A_619 : vector<16xi32>
        %xor3A_621 = arith.xori %bitcast_convert_type3A_614, %or3A_620 : vector<16xi32>
        %bitcast_convert_type3A_622 = tpu.bitcast %xor3A_621 : vector<16xi32> -> vector<16xi32>
        %shift_right_logical3A_623 = vector.broadcast %scan3A_378 : i32 to vector<16xi32>
        %shift_right_logical3A_624 = arith.shrui %bitcast_convert_type3A_622, %shift_right_logical3A_623 : vector<16xi32>
        %and3A_625 = arith.constant 255 : i32
        %and3A_626 = vector.broadcast %and3A_625 : i32 to vector<16xi32>
        %and3A_627 = arith.andi %shift_right_logical3A_624, %and3A_626 : vector<16xi32>
        %mul3A_628 = arith.constant 16 : i32
        %mul3A_629 = vector.broadcast %mul3A_628 : i32 to vector<16xi32>
        %mul3A_630 = arith.muli %and3A_627, %mul3A_629 : vector<16xi32>
        %add3A_631 = arith.addi %mul3A_630, %iota3A : vector<16xi32>
        tpu.vector_store_idx %arg7[%add3A_631], %broadcast_in_dim3A_1 {add = true} : memref<4096xi32, #tpu.memory_space<vmem>>[vector<16xi32>], vector<16xi32>,
        %mul3A_632 = arith.constant 8 : i32
        %mul3A_633 = arith.muli %scan3A_452, %mul3A_632 : i32
        %add3A_634 = arith.constant 7 : i32
        %add3A_635 = arith.addi %mul3A_633, %add3A_634 : i32
        %mul3A_636 = arith.constant 16 : i32
        %mul3A_637 = arith.muli %add3A_635, %mul3A_636 : i32
        %get3A_638 = arith.index_cast %mul3A_637 : i32 to index
        %get3A_639 = tpu.vector_load %arg4[%get3A_638] {strides = array<i32>} : memref<32768xf32, #tpu.memory_space<vmem>>, vector<16xf32>,
        %bitcast_convert_type3A_640 = tpu.bitcast %get3A_639 : vector<16xf32> -> vector<16xi32>
        %shift_right_arithmetic3A_641 = arith.constant 31 : i32
        %shift_right_arithmetic3A_642 = vector.broadcast %shift_right_arithmetic3A_641 : i32 to vector<16xi32>
        %shift_right_arithmetic3A_643 = arith.shrsi %bitcast_convert_type3A_640, %shift_right_arithmetic3A_642 : vector<16xi32>
        %or3A_644 = arith.constant -2147483648 : i32
        %or3A_645 = vector.broadcast %or3A_644 : i32 to vector<16xi32>
        %or3A_646 = arith.ori %shift_right_arithmetic3A_643, %or3A_645 : vector<16xi32>
        %xor3A_647 = arith.xori %bitcast_convert_type3A_640, %or3A_646 : vector<16xi32>
        %bitcast_convert_type3A_648 = tpu.bitcast %xor3A_647 : vector<16xi32> -> vector<16xi32>
        %shift_right_logical3A_649 = vector.broadcast %scan3A_378 : i32 to vector<16xi32>
        %shift_right_logical3A_650 = arith.shrui %bitcast_convert_type3A_648, %shift_right_logical3A_649 : vector<16xi32>
        %and3A_651 = arith.constant 255 : i32
        %and3A_652 = vector.broadcast %and3A_651 : i32 to vector<16xi32>
        %and3A_653 = arith.andi %shift_right_logical3A_650, %and3A_652 : vector<16xi32>
        %mul3A_654 = arith.constant 16 : i32
        %mul3A_655 = vector.broadcast %mul3A_654 : i32 to vector<16xi32>
        %mul3A_656 = arith.muli %and3A_653, %mul3A_655 : vector<16xi32>
        %add3A_657 = arith.addi %mul3A_656, %iota3A : vector<16xi32>
        tpu.vector_store_idx %arg7[%add3A_657], %broadcast_in_dim3A_1 {add = true} : memref<4096xi32, #tpu.memory_space<vmem>>[vector<16xi32>], vector<16xi32>,
        %scan3A_658 = arith.constant 0 : i32
        scf.yield %scan3A_658 : i32
      }
      %scan3A_385 = arith.constant 256 : i32
      %while3A_386 = arith.constant 32 : i32
      %while3A_387 = arith.constant 255 : i32
      %while3A_388 = arith.constant 0 : i32
      %while3A_389 = arith.constant 0 : i32
      %while3A_390:3 = scf.while (%while3A_452 = %while3A_387, %while3A_453 = %while3A_388, %while3A_454 = %while3A_389) : (i32, i32, i32) -> (i32, i32, i32) {
        %lt3A = arith.cmpi slt, %while3A_453, %while3A_386 : i32
        scf.condition(%lt3A) %while3A_452, %while3A_453, %while3A_454 : i32, i32, i32
      } do {
      ^bb0(%while3A_452: i32, %while3A_453: i32, %while3A_454: i32):
        %mul3A_455 = arith.constant 16 : i32
        %mul3A_456 = arith.muli %while3A_452, %mul3A_455 : i32
        %get3A = arith.index_cast %mul3A_456 : i32 to index
        %get3A_457 = tpu.vector_load %arg7[%get3A] {strides = array<i32>} : memref<4096xi32, #tpu.memory_space<vmem>>, vector<16xi32>,
        %mul3A_458 = arith.constant 16 : i32
        %mul3A_459 = arith.muli %while3A_452, %mul3A_458 : i32
        %swap3A = arith.index_cast %mul3A_459 : i32 to index
        %swap3A_460 = tpu.vector_load %arg7[%swap3A] {strides = array<i32>} : memref<4096xi32, #tpu.memory_space<vmem>>, vector<16xi32>,
        tpu.vector_store %arg7[%swap3A], %broadcast_in_dim3A_3 {strides = array<i32>} : memref<4096xi32, #tpu.memory_space<vmem>>, vector<16xi32>,
        %sub3A_461 = arith.constant 1 : i32
        %sub3A_462 = arith.subi %while3A_452, %sub3A_461 : i32
        %reduce_sum3A = arith.constant true
        %reduce_sum3A_463 = vector.broadcast %reduce_sum3A : i1 to vector<16xi1>
        %reduce_sum3A_464 = tpu.scan <sum>, %get3A_457 masked %reduce_sum3A_463 : vector<16xi32>, vector<16xi1> -> vector<16xi32>
        %reduce_sum3A_465 = vector.extract %reduce_sum3A_464[15] : i32 from vector<16xi32>
        %add3A_466 = arith.addi %while3A_453, %reduce_sum3A_465 : i32
        scf.yield %sub3A_462, %add3A_466, %while3A_453 : i32, i32, i32
      }
      %add3A_391 = arith.constant 1 : i32
      %add3A_392 = arith.addi %while3A_390#0, %add3A_391 : i32
      %while3A_393 = arith.constant 0 : i32
      %while3A_394 = arith.constant 0 : i32
      %while3A_395 = arith.subi %add3A_392, %while3A_393 : i32
      %while3A_396 = arith.addi %while3A_393, %while3A_395 : i32
      %while3A_397 = arith.constant 1 : i32
      %while3A_398 = arith.divsi %while3A_395, %while3A_397 : i32
      %while3A_399 = arith.muli %while3A_398, %while3A_397 : i32
      %while3A_400 = arith.addi %while3A_393, %while3A_399 : i32
      %while3A_401 = arith.constant 1 : i32
      %while3A_402 = scf.for %while3A_452 = %while3A_393 to %while3A_400 step %while3A_401 iter_args(%while3A_453 = %while3A_394) -> (i32)  : i32 {
        %mul3A_454 = arith.constant 16 : i32
        %mul3A_455 = arith.muli %while3A_452, %mul3A_454 : i32
        %swap3A = arith.index_cast %mul3A_455 : i32 to index
        %swap3A_456 = tpu.vector_load %arg7[%swap3A] {strides = array<i32>} : memref<4096xi32, #tpu.memory_space<vmem>>, vector<16xi32>,
        tpu.vector_store %arg7[%swap3A], %broadcast_in_dim3A_3 {strides = array<i32>} : memref<4096xi32, #tpu.memory_space<vmem>>, vector<16xi32>,
        %while3A_457 = arith.constant 0 : i32
        scf.yield %while3A_457 : i32
      }
      %while3A_403 = arith.constant 1 : i32
      %while3A_404 = scf.for %while3A_452 = %while3A_400 to %while3A_396 step %while3A_403 iter_args(%while3A_453 = %while3A_402) -> (i32)  : i32 {
        %mul3A_454 = arith.constant 16 : i32
        %mul3A_455 = arith.muli %while3A_452, %mul3A_454 : i32
        %swap3A = arith.index_cast %mul3A_455 : i32 to index
        %swap3A_456 = tpu.vector_load %arg7[%swap3A] {strides = array<i32>} : memref<4096xi32, #tpu.memory_space<vmem>>, vector<16xi32>,
        tpu.vector_store %arg7[%swap3A], %broadcast_in_dim3A_3 {strides = array<i32>} : memref<4096xi32, #tpu.memory_space<vmem>>, vector<16xi32>,
        %while3A_457 = arith.constant 0 : i32
        scf.yield %while3A_457 : i32
      }
      %sub3A_405 = arith.subi %while3A_390#1, %while3A_390#2 : i32
      %shift_left3A = arith.constant 24 : i32
      %shift_left3A_406 = arith.shli %add3A_392, %shift_left3A : i32
      %or3A = arith.constant 0 : i32
      %or3A_407 = arith.ori %or3A, %shift_left3A_406 : i32
      %shift_left3A_408 = arith.constant 255 : i32
      %shift_left3A_409 = arith.constant 24 : i32
      %shift_left3A_410 = arith.shli %shift_left3A_408, %shift_left3A_409 : i32
      %or3A_411 = arith.constant 0 : i32
      %or3A_412 = arith.ori %or3A_411, %shift_left3A_410 : i32
      %sub3A_413 = arith.constant 32 : i32
      %sub3A_414 = arith.subi %sub3A_413, %while3A_390#2 : i32
      %scan3A_415 = arith.constant 1 : i32
      %scan3A_416 = arith.constant 3 : i32
      %scan3A_417 = arith.addi %scan3A_415, %scan3A_416 : i32
      %scan3A_418 = arith.constant 1 : i32
      %scan3A_419:4 = scf.for %scan3A_452 = %scan3A_415 to %scan3A_417 step %scan3A_418 iter_args(%scan3A_453 = %or3A_412, %scan3A_454 = %or3A_407, %scan3A_455 = %sub3A_414, %scan3A_456 = %sub3A_405) -> (i32, i32, i32, i32)  : i32 {
        %sub3A_457 = arith.constant 32 : i32
        %sub3A_458 = arith.subi %sub3A_457, %scan3A_455 : i32
        %add3A_459 = arith.addi %sub3A_458, %scan3A_456 : i32
        %gt3A = arith.constant 4096 : i32
        %gt3A_460 = arith.cmpi sgt, %add3A_459, %gt3A : i32
        %convert_element_type3A_461 = arith.extui %gt3A_460 : i1 to i32
        %cond3A_462 = arith.constant 0 : i32
        %cond3A_463 = arith.constant 0 : i32
        %cond3A_464 = arith.cmpi ne, %convert_element_type3A_461, %cond3A_463 : i32
        %cond3A_465:4 = scf.if %cond3A_464 -> (i32, i32, i32, i32) {
          %mul3A_466 = arith.constant 8 : i32
          %mul3A_467 = arith.muli %mul3A_466, %scan3A_452 : i32
          %sub3A_468 = arith.constant 24 : i32
          %sub3A_469 = arith.subi %sub3A_468, %mul3A_467 : i32
          %scan3A_470 = arith.constant 0 : i32
          %scan3A_471 = arith.constant 0 : i32
          %scan3A_472 = arith.constant 256 : i32
          %scan3A_473 = arith.addi %scan3A_471, %scan3A_472 : i32
          %scan3A_474 = arith.constant 1 : i32
          %scan3A_475 = scf.for %scan3A_502 = %scan3A_471 to %scan3A_473 step %scan3A_474 iter_args(%scan3A_503 = %scan3A_470) -> (i32)  : i32 {
            %mul3A_504 = arith.constant 8 : i32
            %mul3A_505 = arith.muli %scan3A_502, %mul3A_504 : i32
            %add3A_506 = arith.constant 0 : i32
            %add3A_507 = arith.addi %mul3A_505, %add3A_506 : i32
            %mul3A_508 = arith.constant 16 : i32
            %mul3A_509 = arith.muli %add3A_507, %mul3A_508 : i32
            %get3A = arith.index_cast %mul3A_509 : i32 to index
            %get3A_510 = tpu.vector_load %arg4[%get3A] {strides = array<i32>} : memref<32768xf32, #tpu.memory_space<vmem>>, vector<16xf32>,
            %bitcast_convert_type3A = tpu.bitcast %get3A_510 : vector<16xf32> -> vector<16xi32>
            %shift_right_arithmetic3A = arith.constant 31 : i32
            %shift_right_arithmetic3A_511 = vector.broadcast %shift_right_arithmetic3A : i32 to vector<16xi32>
            %shift_right_arithmetic3A_512 = arith.shrsi %bitcast_convert_type3A, %shift_right_arithmetic3A_511 : vector<16xi32>
            %or3A_513 = arith.constant -2147483648 : i32
            %or3A_514 = vector.broadcast %or3A_513 : i32 to vector<16xi32>
            %or3A_515 = arith.ori %shift_right_arithmetic3A_512, %or3A_514 : vector<16xi32>
            %xor3A = arith.xori %bitcast_convert_type3A, %or3A_515 : vector<16xi32>
            %bitcast_convert_type3A_516 = tpu.bitcast %xor3A : vector<16xi32> -> vector<16xi32>
            %shift_right_logical3A_517 = vector.broadcast %sub3A_469 : i32 to vector<16xi32>
            %shift_right_logical3A_518 = arith.shrui %bitcast_convert_type3A_516, %shift_right_logical3A_517 : vector<16xi32>
            %and3A_519 = arith.constant 255 : i32
            %and3A_520 = vector.broadcast %and3A_519 : i32 to vector<16xi32>
            %and3A_521 = arith.andi %shift_right_logical3A_518, %and3A_520 : vector<16xi32>
            %mul3A_522 = arith.constant 16 : i32
            %mul3A_523 = vector.broadcast %mul3A_522 : i32 to vector<16xi32>
            %mul3A_524 = arith.muli %and3A_521, %mul3A_523 : vector<16xi32>
            %add3A_525 = arith.addi %mul3A_524, %iota3A : vector<16xi32>
            %and3A_526 = vector.broadcast %scan3A_453 : i32 to vector<16xi32>
            %and3A_527 = arith.andi %bitcast_convert_type3A_516, %and3A_526 : vector<16xi32>
            %eq3A_528 = vector.broadcast %scan3A_454 : i32 to vector<16xi32>
            %eq3A_529 = arith.cmpi eq, %and3A_527, %eq3A_528 : vector<16xi32>
            tpu.vector_store_idx %arg7[%add3A_525], %broadcast_in_dim3A_1 masked %eq3A_529 {add = true} : memref<4096xi32, #tpu.memory_space<vmem>>[vector<16xi32>], vector<16xi32>, vector<16xi1>
            %mul3A_530 = arith.constant 8 : i32
            %mul3A_531 = arith.muli %scan3A_502, %mul3A_530 : i32
            %add3A_532 = arith.constant 1 : i32
            %add3A_533 = arith.addi %mul3A_531, %add3A_532 : i32
            %mul3A_534 = arith.constant 16 : i32
            %mul3A_535 = arith.muli %add3A_533, %mul3A_534 : i32
            %get3A_536 = arith.index_cast %mul3A_535 : i32 to index
            %get3A_537 = tpu.vector_load %arg4[%get3A_536] {strides = array<i32>} : memref<32768xf32, #tpu.memory_space<vmem>>, vector<16xf32>,
            %bitcast_convert_type3A_538 = tpu.bitcast %get3A_537 : vector<16xf32> -> vector<16xi32>
            %shift_right_arithmetic3A_539 = arith.constant 31 : i32
            %shift_right_arithmetic3A_540 = vector.broadcast %shift_right_arithmetic3A_539 : i32 to vector<16xi32>
            %shift_right_arithmetic3A_541 = arith.shrsi %bitcast_convert_type3A_538, %shift_right_arithmetic3A_540 : vector<16xi32>
            %or3A_542 = arith.constant -2147483648 : i32
            %or3A_543 = vector.broadcast %or3A_542 : i32 to vector<16xi32>
            %or3A_544 = arith.ori %shift_right_arithmetic3A_541, %or3A_543 : vector<16xi32>
            %xor3A_545 = arith.xori %bitcast_convert_type3A_538, %or3A_544 : vector<16xi32>
            %bitcast_convert_type3A_546 = tpu.bitcast %xor3A_545 : vector<16xi32> -> vector<16xi32>
            %shift_right_logical3A_547 = vector.broadcast %sub3A_469 : i32 to vector<16xi32>
            %shift_right_logical3A_548 = arith.shrui %bitcast_convert_type3A_546, %shift_right_logical3A_547 : vector<16xi32>
            %and3A_549 = arith.constant 255 : i32
            %and3A_550 = vector.broadcast %and3A_549 : i32 to vector<16xi32>
            %and3A_551 = arith.andi %shift_right_logical3A_548, %and3A_550 : vector<16xi32>
            %mul3A_552 = arith.constant 16 : i32
            %mul3A_553 = vector.broadcast %mul3A_552 : i32 to vector<16xi32>
            %mul3A_554 = arith.muli %and3A_551, %mul3A_553 : vector<16xi32>
            %add3A_555 = arith.addi %mul3A_554, %iota3A : vector<16xi32>
            %and3A_556 = vector.broadcast %scan3A_453 : i32 to vector<16xi32>
            %and3A_557 = arith.andi %bitcast_convert_type3A_546, %and3A_556 : vector<16xi32>
            %eq3A_558 = vector.broadcast %scan3A_454 : i32 to vector<16xi32>
            %eq3A_559 = arith.cmpi eq, %and3A_557, %eq3A_558 : vector<16xi32>
            tpu.vector_store_idx %arg7[%add3A_555], %broadcast_in_dim3A_1 masked %eq3A_559 {add = true} : memref<4096xi32, #tpu.memory_space<vmem>>[vector<16xi32>], vector<16xi32>, vector<16xi1>
            %mul3A_560 = arith.constant 8 : i32
            %mul3A_561 = arith.muli %scan3A_502, %mul3A_560 : i32
            %add3A_562 = arith.constant 2 : i32
            %add3A_563 = arith.addi %mul3A_561, %add3A_562 : i32
            %mul3A_564 = arith.constant 16 : i32
            %mul3A_565 = arith.muli %add3A_563, %mul3A_564 : i32
            %get3A_566 = arith.index_cast %mul3A_565 : i32 to index
            %get3A_567 = tpu.vector_load %arg4[%get3A_566] {strides = array<i32>} : memref<32768xf32, #tpu.memory_space<vmem>>, vector<16xf32>,
            %bitcast_convert_type3A_568 = tpu.bitcast %get3A_567 : vector<16xf32> -> vector<16xi32>
            %shift_right_arithmetic3A_569 = arith.constant 31 : i32
            %shift_right_arithmetic3A_570 = vector.broadcast %shift_right_arithmetic3A_569 : i32 to vector<16xi32>
            %shift_right_arithmetic3A_571 = arith.shrsi %bitcast_convert_type3A_568, %shift_right_arithmetic3A_570 : vector<16xi32>
            %or3A_572 = arith.constant -2147483648 : i32
            %or3A_573 = vector.broadcast %or3A_572 : i32 to vector<16xi32>
            %or3A_574 = arith.ori %shift_right_arithmetic3A_571, %or3A_573 : vector<16xi32>
            %xor3A_575 = arith.xori %bitcast_convert_type3A_568, %or3A_574 : vector<16xi32>
            %bitcast_convert_type3A_576 = tpu.bitcast %xor3A_575 : vector<16xi32> -> vector<16xi32>
            %shift_right_logical3A_577 = vector.broadcast %sub3A_469 : i32 to vector<16xi32>
            %shift_right_logical3A_578 = arith.shrui %bitcast_convert_type3A_576, %shift_right_logical3A_577 : vector<16xi32>
            %and3A_579 = arith.constant 255 : i32
            %and3A_580 = vector.broadcast %and3A_579 : i32 to vector<16xi32>
            %and3A_581 = arith.andi %shift_right_logical3A_578, %and3A_580 : vector<16xi32>
            %mul3A_582 = arith.constant 16 : i32
            %mul3A_583 = vector.broadcast %mul3A_582 : i32 to vector<16xi32>
            %mul3A_584 = arith.muli %and3A_581, %mul3A_583 : vector<16xi32>
            %add3A_585 = arith.addi %mul3A_584, %iota3A : vector<16xi32>
            %and3A_586 = vector.broadcast %scan3A_453 : i32 to vector<16xi32>
            %and3A_587 = arith.andi %bitcast_convert_type3A_576, %and3A_586 : vector<16xi32>
            %eq3A_588 = vector.broadcast %scan3A_454 : i32 to vector<16xi32>
            %eq3A_589 = arith.cmpi eq, %and3A_587, %eq3A_588 : vector<16xi32>
            tpu.vector_store_idx %arg7[%add3A_585], %broadcast_in_dim3A_1 masked %eq3A_589 {add = true} : memref<4096xi32, #tpu.memory_space<vmem>>[vector<16xi32>], vector<16xi32>, vector<16xi1>
            %mul3A_590 = arith.constant 8 : i32
            %mul3A_591 = arith.muli %scan3A_502, %mul3A_590 : i32
            %add3A_592 = arith.constant 3 : i32
            %add3A_593 = arith.addi %mul3A_591, %add3A_592 : i32
            %mul3A_594 = arith.constant 16 : i32
            %mul3A_595 = arith.muli %add3A_593, %mul3A_594 : i32
            %get3A_596 = arith.index_cast %mul3A_595 : i32 to index
            %get3A_597 = tpu.vector_load %arg4[%get3A_596] {strides = array<i32>} : memref<32768xf32, #tpu.memory_space<vmem>>, vector<16xf32>,
            %bitcast_convert_type3A_598 = tpu.bitcast %get3A_597 : vector<16xf32> -> vector<16xi32>
            %shift_right_arithmetic3A_599 = arith.constant 31 : i32
            %shift_right_arithmetic3A_600 = vector.broadcast %shift_right_arithmetic3A_599 : i32 to vector<16xi32>
            %shift_right_arithmetic3A_601 = arith.shrsi %bitcast_convert_type3A_598, %shift_right_arithmetic3A_600 : vector<16xi32>
            %or3A_602 = arith.constant -2147483648 : i32
            %or3A_603 = vector.broadcast %or3A_602 : i32 to vector<16xi32>
            %or3A_604 = arith.ori %shift_right_arithmetic3A_601, %or3A_603 : vector<16xi32>
            %xor3A_605 = arith.xori %bitcast_convert_type3A_598, %or3A_604 : vector<16xi32>
            %bitcast_convert_type3A_606 = tpu.bitcast %xor3A_605 : vector<16xi32> -> vector<16xi32>
            %shift_right_logical3A_607 = vector.broadcast %sub3A_469 : i32 to vector<16xi32>
            %shift_right_logical3A_608 = arith.shrui %bitcast_convert_type3A_606, %shift_right_logical3A_607 : vector<16xi32>
            %and3A_609 = arith.constant 255 : i32
            %and3A_610 = vector.broadcast %and3A_609 : i32 to vector<16xi32>
            %and3A_611 = arith.andi %shift_right_logical3A_608, %and3A_610 : vector<16xi32>
            %mul3A_612 = arith.constant 16 : i32
            %mul3A_613 = vector.broadcast %mul3A_612 : i32 to vector<16xi32>
            %mul3A_614 = arith.muli %and3A_611, %mul3A_613 : vector<16xi32>
            %add3A_615 = arith.addi %mul3A_614, %iota3A : vector<16xi32>
            %and3A_616 = vector.broadcast %scan3A_453 : i32 to vector<16xi32>
            %and3A_617 = arith.andi %bitcast_convert_type3A_606, %and3A_616 : vector<16xi32>
            %eq3A_618 = vector.broadcast %scan3A_454 : i32 to vector<16xi32>
            %eq3A_619 = arith.cmpi eq, %and3A_617, %eq3A_618 : vector<16xi32>
            tpu.vector_store_idx %arg7[%add3A_615], %broadcast_in_dim3A_1 masked %eq3A_619 {add = true} : memref<4096xi32, #tpu.memory_space<vmem>>[vector<16xi32>], vector<16xi32>, vector<16xi1>
            %mul3A_620 = arith.constant 8 : i32
            %mul3A_621 = arith.muli %scan3A_502, %mul3A_620 : i32
            %add3A_622 = arith.constant 4 : i32
            %add3A_623 = arith.addi %mul3A_621, %add3A_622 : i32
            %mul3A_624 = arith.constant 16 : i32
            %mul3A_625 = arith.muli %add3A_623, %mul3A_624 : i32
            %get3A_626 = arith.index_cast %mul3A_625 : i32 to index
            %get3A_627 = tpu.vector_load %arg4[%get3A_626] {strides = array<i32>} : memref<32768xf32, #tpu.memory_space<vmem>>, vector<16xf32>,
            %bitcast_convert_type3A_628 = tpu.bitcast %get3A_627 : vector<16xf32> -> vector<16xi32>
            %shift_right_arithmetic3A_629 = arith.constant 31 : i32
            %shift_right_arithmetic3A_630 = vector.broadcast %shift_right_arithmetic3A_629 : i32 to vector<16xi32>
            %shift_right_arithmetic3A_631 = arith.shrsi %bitcast_convert_type3A_628, %shift_right_arithmetic3A_630 : vector<16xi32>
            %or3A_632 = arith.constant -2147483648 : i32
            %or3A_633 = vector.broadcast %or3A_632 : i32 to vector<16xi32>
            %or3A_634 = arith.ori %shift_right_arithmetic3A_631, %or3A_633 : vector<16xi32>
            %xor3A_635 = arith.xori %bitcast_convert_type3A_628, %or3A_634 : vector<16xi32>
            %bitcast_convert_type3A_636 = tpu.bitcast %xor3A_635 : vector<16xi32> -> vector<16xi32>
            %shift_right_logical3A_637 = vector.broadcast %sub3A_469 : i32 to vector<16xi32>
            %shift_right_logical3A_638 = arith.shrui %bitcast_convert_type3A_636, %shift_right_logical3A_637 : vector<16xi32>
            %and3A_639 = arith.constant 255 : i32
            %and3A_640 = vector.broadcast %and3A_639 : i32 to vector<16xi32>
            %and3A_641 = arith.andi %shift_right_logical3A_638, %and3A_640 : vector<16xi32>
            %mul3A_642 = arith.constant 16 : i32
            %mul3A_643 = vector.broadcast %mul3A_642 : i32 to vector<16xi32>
            %mul3A_644 = arith.muli %and3A_641, %mul3A_643 : vector<16xi32>
            %add3A_645 = arith.addi %mul3A_644, %iota3A : vector<16xi32>
            %and3A_646 = vector.broadcast %scan3A_453 : i32 to vector<16xi32>
            %and3A_647 = arith.andi %bitcast_convert_type3A_636, %and3A_646 : vector<16xi32>
            %eq3A_648 = vector.broadcast %scan3A_454 : i32 to vector<16xi32>
            %eq3A_649 = arith.cmpi eq, %and3A_647, %eq3A_648 : vector<16xi32>
            tpu.vector_store_idx %arg7[%add3A_645], %broadcast_in_dim3A_1 masked %eq3A_649 {add = true} : memref<4096xi32, #tpu.memory_space<vmem>>[vector<16xi32>], vector<16xi32>, vector<16xi1>
            %mul3A_650 = arith.constant 8 : i32
            %mul3A_651 = arith.muli %scan3A_502, %mul3A_650 : i32
            %add3A_652 = arith.constant 5 : i32
            %add3A_653 = arith.addi %mul3A_651, %add3A_652 : i32
            %mul3A_654 = arith.constant 16 : i32
            %mul3A_655 = arith.muli %add3A_653, %mul3A_654 : i32
            %get3A_656 = arith.index_cast %mul3A_655 : i32 to index
            %get3A_657 = tpu.vector_load %arg4[%get3A_656] {strides = array<i32>} : memref<32768xf32, #tpu.memory_space<vmem>>, vector<16xf32>,
            %bitcast_convert_type3A_658 = tpu.bitcast %get3A_657 : vector<16xf32> -> vector<16xi32>
            %shift_right_arithmetic3A_659 = arith.constant 31 : i32
            %shift_right_arithmetic3A_660 = vector.broadcast %shift_right_arithmetic3A_659 : i32 to vector<16xi32>
            %shift_right_arithmetic3A_661 = arith.shrsi %bitcast_convert_type3A_658, %shift_right_arithmetic3A_660 : vector<16xi32>
            %or3A_662 = arith.constant -2147483648 : i32
            %or3A_663 = vector.broadcast %or3A_662 : i32 to vector<16xi32>
            %or3A_664 = arith.ori %shift_right_arithmetic3A_661, %or3A_663 : vector<16xi32>
            %xor3A_665 = arith.xori %bitcast_convert_type3A_658, %or3A_664 : vector<16xi32>
            %bitcast_convert_type3A_666 = tpu.bitcast %xor3A_665 : vector<16xi32> -> vector<16xi32>
            %shift_right_logical3A_667 = vector.broadcast %sub3A_469 : i32 to vector<16xi32>
            %shift_right_logical3A_668 = arith.shrui %bitcast_convert_type3A_666, %shift_right_logical3A_667 : vector<16xi32>
            %and3A_669 = arith.constant 255 : i32
            %and3A_670 = vector.broadcast %and3A_669 : i32 to vector<16xi32>
            %and3A_671 = arith.andi %shift_right_logical3A_668, %and3A_670 : vector<16xi32>
            %mul3A_672 = arith.constant 16 : i32
            %mul3A_673 = vector.broadcast %mul3A_672 : i32 to vector<16xi32>
            %mul3A_674 = arith.muli %and3A_671, %mul3A_673 : vector<16xi32>
            %add3A_675 = arith.addi %mul3A_674, %iota3A : vector<16xi32>
            %and3A_676 = vector.broadcast %scan3A_453 : i32 to vector<16xi32>
            %and3A_677 = arith.andi %bitcast_convert_type3A_666, %and3A_676 : vector<16xi32>
            %eq3A_678 = vector.broadcast %scan3A_454 : i32 to vector<16xi32>
            %eq3A_679 = arith.cmpi eq, %and3A_677, %eq3A_678 : vector<16xi32>
            tpu.vector_store_idx %arg7[%add3A_675], %broadcast_in_dim3A_1 masked %eq3A_679 {add = true} : memref<4096xi32, #tpu.memory_space<vmem>>[vector<16xi32>], vector<16xi32>, vector<16xi1>
            %mul3A_680 = arith.constant 8 : i32
            %mul3A_681 = arith.muli %scan3A_502, %mul3A_680 : i32
            %add3A_682 = arith.constant 6 : i32
            %add3A_683 = arith.addi %mul3A_681, %add3A_682 : i32
            %mul3A_684 = arith.constant 16 : i32
            %mul3A_685 = arith.muli %add3A_683, %mul3A_684 : i32
            %get3A_686 = arith.index_cast %mul3A_685 : i32 to index
            %get3A_687 = tpu.vector_load %arg4[%get3A_686] {strides = array<i32>} : memref<32768xf32, #tpu.memory_space<vmem>>, vector<16xf32>,
            %bitcast_convert_type3A_688 = tpu.bitcast %get3A_687 : vector<16xf32> -> vector<16xi32>
            %shift_right_arithmetic3A_689 = arith.constant 31 : i32
            %shift_right_arithmetic3A_690 = vector.broadcast %shift_right_arithmetic3A_689 : i32 to vector<16xi32>
            %shift_right_arithmetic3A_691 = arith.shrsi %bitcast_convert_type3A_688, %shift_right_arithmetic3A_690 : vector<16xi32>
            %or3A_692 = arith.constant -2147483648 : i32
            %or3A_693 = vector.broadcast %or3A_692 : i32 to vector<16xi32>
            %or3A_694 = arith.ori %shift_right_arithmetic3A_691, %or3A_693 : vector<16xi32>
            %xor3A_695 = arith.xori %bitcast_convert_type3A_688, %or3A_694 : vector<16xi32>
            %bitcast_convert_type3A_696 = tpu.bitcast %xor3A_695 : vector<16xi32> -> vector<16xi32>
            %shift_right_logical3A_697 = vector.broadcast %sub3A_469 : i32 to vector<16xi32>
            %shift_right_logical3A_698 = arith.shrui %bitcast_convert_type3A_696, %shift_right_logical3A_697 : vector<16xi32>
            %and3A_699 = arith.constant 255 : i32
            %and3A_700 = vector.broadcast %and3A_699 : i32 to vector<16xi32>
            %and3A_701 = arith.andi %shift_right_logical3A_698, %and3A_700 : vector<16xi32>
            %mul3A_702 = arith.constant 16 : i32
            %mul3A_703 = vector.broadcast %mul3A_702 : i32 to vector<16xi32>
            %mul3A_704 = arith.muli %and3A_701, %mul3A_703 : vector<16xi32>
            %add3A_705 = arith.addi %mul3A_704, %iota3A : vector<16xi32>
            %and3A_706 = vector.broadcast %scan3A_453 : i32 to vector<16xi32>
            %and3A_707 = arith.andi %bitcast_convert_type3A_696, %and3A_706 : vector<16xi32>
            %eq3A_708 = vector.broadcast %scan3A_454 : i32 to vector<16xi32>
            %eq3A_709 = arith.cmpi eq, %and3A_707, %eq3A_708 : vector<16xi32>
            tpu.vector_store_idx %arg7[%add3A_705], %broadcast_in_dim3A_1 masked %eq3A_709 {add = true} : memref<4096xi32, #tpu.memory_space<vmem>>[vector<16xi32>], vector<16xi32>, vector<16xi1>
            %mul3A_710 = arith.constant 8 : i32
            %mul3A_711 = arith.muli %scan3A_502, %mul3A_710 : i32
            %add3A_712 = arith.constant 7 : i32
            %add3A_713 = arith.addi %mul3A_711, %add3A_712 : i32
            %mul3A_714 = arith.constant 16 : i32
            %mul3A_715 = arith.muli %add3A_713, %mul3A_714 : i32
            %get3A_716 = arith.index_cast %mul3A_715 : i32 to index
            %get3A_717 = tpu.vector_load %arg4[%get3A_716] {strides = array<i32>} : memref<32768xf32, #tpu.memory_space<vmem>>, vector<16xf32>,
            %bitcast_convert_type3A_718 = tpu.bitcast %get3A_717 : vector<16xf32> -> vector<16xi32>
            %shift_right_arithmetic3A_719 = arith.constant 31 : i32
            %shift_right_arithmetic3A_720 = vector.broadcast %shift_right_arithmetic3A_719 : i32 to vector<16xi32>
            %shift_right_arithmetic3A_721 = arith.shrsi %bitcast_convert_type3A_718, %shift_right_arithmetic3A_720 : vector<16xi32>
            %or3A_722 = arith.constant -2147483648 : i32
            %or3A_723 = vector.broadcast %or3A_722 : i32 to vector<16xi32>
            %or3A_724 = arith.ori %shift_right_arithmetic3A_721, %or3A_723 : vector<16xi32>
            %xor3A_725 = arith.xori %bitcast_convert_type3A_718, %or3A_724 : vector<16xi32>
            %bitcast_convert_type3A_726 = tpu.bitcast %xor3A_725 : vector<16xi32> -> vector<16xi32>
            %shift_right_logical3A_727 = vector.broadcast %sub3A_469 : i32 to vector<16xi32>
            %shift_right_logical3A_728 = arith.shrui %bitcast_convert_type3A_726, %shift_right_logical3A_727 : vector<16xi32>
            %and3A_729 = arith.constant 255 : i32
            %and3A_730 = vector.broadcast %and3A_729 : i32 to vector<16xi32>
            %and3A_731 = arith.andi %shift_right_logical3A_728, %and3A_730 : vector<16xi32>
            %mul3A_732 = arith.constant 16 : i32
            %mul3A_733 = vector.broadcast %mul3A_732 : i32 to vector<16xi32>
            %mul3A_734 = arith.muli %and3A_731, %mul3A_733 : vector<16xi32>
            %add3A_735 = arith.addi %mul3A_734, %iota3A : vector<16xi32>
            %and3A_736 = vector.broadcast %scan3A_453 : i32 to vector<16xi32>
            %and3A_737 = arith.andi %bitcast_convert_type3A_726, %and3A_736 : vector<16xi32>
            %eq3A_738 = vector.broadcast %scan3A_454 : i32 to vector<16xi32>
            %eq3A_739 = arith.cmpi eq, %and3A_737, %eq3A_738 : vector<16xi32>
            tpu.vector_store_idx %arg7[%add3A_735], %broadcast_in_dim3A_1 masked %eq3A_739 {add = true} : memref<4096xi32, #tpu.memory_space<vmem>>[vector<16xi32>], vector<16xi32>, vector<16xi1>
            %scan3A_740 = arith.constant 0 : i32
            scf.yield %scan3A_740 : i32
          }
          %scan3A_476 = arith.constant 256 : i32
          %while3A_477 = arith.constant 255 : i32
          %while3A_478 = arith.constant 0 : i32
          %while3A_479 = arith.constant 0 : i32
          %while3A_480:3 = scf.while (%while3A_502 = %while3A_477, %while3A_503 = %while3A_478, %while3A_504 = %while3A_479) : (i32, i32, i32) -> (i32, i32, i32) {
            %lt3A = arith.cmpi slt, %while3A_503, %scan3A_455 : i32
            scf.condition(%lt3A) %while3A_502, %while3A_503, %while3A_504 : i32, i32, i32
          } do {
          ^bb0(%while3A_502: i32, %while3A_503: i32, %while3A_504: i32):
            %mul3A_505 = arith.constant 16 : i32
            %mul3A_506 = arith.muli %while3A_502, %mul3A_505 : i32
            %get3A = arith.index_cast %mul3A_506 : i32 to index
            %get3A_507 = tpu.vector_load %arg7[%get3A] {strides = array<i32>} : memref<4096xi32, #tpu.memory_space<vmem>>, vector<16xi32>,
            %mul3A_508 = arith.constant 16 : i32
            %mul3A_509 = arith.muli %while3A_502, %mul3A_508 : i32
            %swap3A = arith.index_cast %mul3A_509 : i32 to index
            %swap3A_510 = tpu.vector_load %arg7[%swap3A] {strides = array<i32>} : memref<4096xi32, #tpu.memory_space<vmem>>, vector<16xi32>,
            tpu.vector_store %arg7[%swap3A], %broadcast_in_dim3A_3 {strides = array<i32>} : memref<4096xi32, #tpu.memory_space<vmem>>, vector<16xi32>,
            %sub3A_511 = arith.constant 1 : i32
            %sub3A_512 = arith.subi %while3A_502, %sub3A_511 : i32
            %reduce_sum3A = arith.constant true
            %reduce_sum3A_513 = vector.broadcast %reduce_sum3A : i1 to vector<16xi1>
            %reduce_sum3A_514 = tpu.scan <sum>, %get3A_507 masked %reduce_sum3A_513 : vector<16xi32>, vector<16xi1> -> vector<16xi32>
            %reduce_sum3A_515 = vector.extract %reduce_sum3A_514[15] : i32 from vector<16xi32>
            %add3A_516 = arith.addi %while3A_503, %reduce_sum3A_515 : i32
            scf.yield %sub3A_512, %add3A_516, %while3A_503 : i32, i32, i32
          }
          %add3A_481 = arith.constant 1 : i32
          %add3A_482 = arith.addi %while3A_480#0, %add3A_481 : i32
          %while3A_483 = arith.constant 0 : i32
          %while3A_484 = arith.constant 0 : i32
          %while3A_485 = arith.subi %add3A_482, %while3A_483 : i32
          %while3A_486 = arith.addi %while3A_483, %while3A_485 : i32
          %while3A_487 = arith.constant 1 : i32
          %while3A_488 = arith.divsi %while3A_485, %while3A_487 : i32
          %while3A_489 = arith.muli %while3A_488, %while3A_487 : i32
          %while3A_490 = arith.addi %while3A_483, %while3A_489 : i32
          %while3A_491 = arith.constant 1 : i32
          %while3A_492 = scf.for %while3A_502 = %while3A_483 to %while3A_490 step %while3A_491 iter_args(%while3A_503 = %while3A_484) -> (i32)  : i32 {
            %mul3A_504 = arith.constant 16 : i32
            %mul3A_505 = arith.muli %while3A_502, %mul3A_504 : i32
            %swap3A = arith.index_cast %mul3A_505 : i32 to index
            %swap3A_506 = tpu.vector_load %arg7[%swap3A] {strides = array<i32>} : memref<4096xi32, #tpu.memory_space<vmem>>, vector<16xi32>,
            tpu.vector_store %arg7[%swap3A], %broadcast_in_dim3A_3 {strides = array<i32>} : memref<4096xi32, #tpu.memory_space<vmem>>, vector<16xi32>,
            %while3A_507 = arith.constant 0 : i32
            scf.yield %while3A_507 : i32
          }
          %while3A_493 = arith.constant 1 : i32
          %while3A_494 = scf.for %while3A_502 = %while3A_490 to %while3A_486 step %while3A_493 iter_args(%while3A_503 = %while3A_492) -> (i32)  : i32 {
            %mul3A_504 = arith.constant 16 : i32
            %mul3A_505 = arith.muli %while3A_502, %mul3A_504 : i32
            %swap3A = arith.index_cast %mul3A_505 : i32 to index
            %swap3A_506 = tpu.vector_load %arg7[%swap3A] {strides = array<i32>} : memref<4096xi32, #tpu.memory_space<vmem>>, vector<16xi32>,
            tpu.vector_store %arg7[%swap3A], %broadcast_in_dim3A_3 {strides = array<i32>} : memref<4096xi32, #tpu.memory_space<vmem>>, vector<16xi32>,
            %while3A_507 = arith.constant 0 : i32
            scf.yield %while3A_507 : i32
          }
          %sub3A_495 = arith.subi %while3A_480#1, %while3A_480#2 : i32
          %shift_left3A_496 = arith.shli %add3A_482, %sub3A_469 : i32
          %or3A_497 = arith.ori %scan3A_454, %shift_left3A_496 : i32
          %shift_left3A_498 = arith.constant 255 : i32
          %shift_left3A_499 = arith.shli %shift_left3A_498, %sub3A_469 : i32
          %or3A_500 = arith.ori %scan3A_453, %shift_left3A_499 : i32
          %sub3A_501 = arith.subi %scan3A_455, %while3A_480#2 : i32
          scf.yield %or3A_500, %or3A_497, %sub3A_501, %sub3A_495 : i32, i32, i32, i32
        } else {
          scf.yield %scan3A_453, %scan3A_454, %scan3A_455, %scan3A_456 : i32, i32, i32, i32
        }
        scf.yield %cond3A_465#0, %cond3A_465#1, %cond3A_465#2, %cond3A_465#3 : i32, i32, i32, i32
      }
      %scan3A_420 = arith.constant 3 : i32
      %broadcast_in_dim3A_421 = vector.broadcast %scan3A_419#1 : i32 to vector<16xi32>
      %scan3A_422 = arith.constant 0 : i32
      %scan3A_423 = arith.constant 0 : i32
      %scan3A_424 = arith.constant 256 : i32
      %scan3A_425 = arith.addi %scan3A_423, %scan3A_424 : i32
      %scan3A_426 = arith.constant 1 : i32
      %scan3A_427 = scf.for %scan3A_452 = %scan3A_423 to %scan3A_425 step %scan3A_426 iter_args(%scan3A_453 = %scan3A_422) -> (i32)  : i32 {
        %min3A_454 = arith.constant 4096 : i32
        %min3A_455 = arith.minsi %scan3A_453, %min3A_454 : i32
        %mul3A_456 = arith.constant 8 : i32
        %mul3A_457 = arith.muli %scan3A_452, %mul3A_456 : i32
        %add3A_458 = arith.constant 0 : i32
        %add3A_459 = arith.addi %mul3A_457, %add3A_458 : i32
        %mul3A_460 = arith.constant 16 : i32
        %mul3A_461 = arith.muli %add3A_459, %mul3A_460 : i32
        %get3A = arith.index_cast %mul3A_461 : i32 to index
        %get3A_462 = tpu.vector_load %arg4[%get3A] {strides = array<i32>} : memref<32768xf32, #tpu.memory_space<vmem>>, vector<16xf32>,
        %bitcast_convert_type3A = tpu.bitcast %get3A_462 : vector<16xf32> -> vector<16xi32>
        %shift_right_arithmetic3A = arith.constant 31 : i32
        %shift_right_arithmetic3A_463 = vector.broadcast %shift_right_arithmetic3A : i32 to vector<16xi32>
        %shift_right_arithmetic3A_464 = arith.shrsi %bitcast_convert_type3A, %shift_right_arithmetic3A_463 : vector<16xi32>
        %or3A_465 = arith.constant -2147483648 : i32
        %or3A_466 = vector.broadcast %or3A_465 : i32 to vector<16xi32>
        %or3A_467 = arith.ori %shift_right_arithmetic3A_464, %or3A_466 : vector<16xi32>
        %xor3A = arith.xori %bitcast_convert_type3A, %or3A_467 : vector<16xi32>
        %bitcast_convert_type3A_468 = tpu.bitcast %xor3A : vector<16xi32> -> vector<16xi32>
        %ge3A = arith.cmpi uge, %bitcast_convert_type3A_468, %broadcast_in_dim3A_421 : vector<16xi32>
        %convert_element_type3A_469 = arith.extui %ge3A : vector<16xi1> to vector<16xi32>
        %reduce_sum3A = arith.constant true
        %reduce_sum3A_470 = vector.broadcast %reduce_sum3A : i1 to vector<16xi1>
        %reduce_sum3A_471 = tpu.scan <sum>, %convert_element_type3A_469 masked %reduce_sum3A_470 : vector<16xi32>, vector<16xi1> -> vector<16xi32>
        %reduce_sum3A_472 = vector.extract %reduce_sum3A_471[15] : i32 from vector<16xi32>
        %mul3A_473 = arith.constant 8 : i32
        %mul3A_474 = arith.muli %scan3A_452, %mul3A_473 : i32
        %add3A_475 = arith.constant 1 : i32
        %add3A_476 = arith.addi %mul3A_474, %add3A_475 : i32
        %mul3A_477 = arith.constant 16 : i32
        %mul3A_478 = arith.muli %add3A_476, %mul3A_477 : i32
        %get3A_479 = arith.index_cast %mul3A_478 : i32 to index
        %get3A_480 = tpu.vector_load %arg4[%get3A_479] {strides = array<i32>} : memref<32768xf32, #tpu.memory_space<vmem>>, vector<16xf32>,
        %bitcast_convert_type3A_481 = tpu.bitcast %get3A_480 : vector<16xf32> -> vector<16xi32>
        %shift_right_arithmetic3A_482 = arith.constant 31 : i32
        %shift_right_arithmetic3A_483 = vector.broadcast %shift_right_arithmetic3A_482 : i32 to vector<16xi32>
        %shift_right_arithmetic3A_484 = arith.shrsi %bitcast_convert_type3A_481, %shift_right_arithmetic3A_483 : vector<16xi32>
        %or3A_485 = arith.constant -2147483648 : i32
        %or3A_486 = vector.broadcast %or3A_485 : i32 to vector<16xi32>
        %or3A_487 = arith.ori %shift_right_arithmetic3A_484, %or3A_486 : vector<16xi32>
        %xor3A_488 = arith.xori %bitcast_convert_type3A_481, %or3A_487 : vector<16xi32>
        %bitcast_convert_type3A_489 = tpu.bitcast %xor3A_488 : vector<16xi32> -> vector<16xi32>
        %ge3A_490 = arith.cmpi uge, %bitcast_convert_type3A_489, %broadcast_in_dim3A_421 : vector<16xi32>
        %convert_element_type3A_491 = arith.extui %ge3A_490 : vector<16xi1> to vector<16xi32>
        %reduce_sum3A_492 = arith.constant true
        %reduce_sum3A_493 = vector.broadcast %reduce_sum3A_492 : i1 to vector<16xi1>
        %reduce_sum3A_494 = tpu.scan <sum>, %convert_element_type3A_491 masked %reduce_sum3A_493 : vector<16xi32>, vector<16xi1> -> vector<16xi32>
        %reduce_sum3A_495 = vector.extract %reduce_sum3A_494[15] : i32 from vector<16xi32>
        %mul3A_496 = arith.constant 8 : i32
        %mul3A_497 = arith.muli %scan3A_452, %mul3A_496 : i32
        %add3A_498 = arith.constant 2 : i32
        %add3A_499 = arith.addi %mul3A_497, %add3A_498 : i32
        %mul3A_500 = arith.constant 16 : i32
        %mul3A_501 = arith.muli %add3A_499, %mul3A_500 : i32
        %get3A_502 = arith.index_cast %mul3A_501 : i32 to index
        %get3A_503 = tpu.vector_load %arg4[%get3A_502] {strides = array<i32>} : memref<32768xf32, #tpu.memory_space<vmem>>, vector<16xf32>,
        %bitcast_convert_type3A_504 = tpu.bitcast %get3A_503 : vector<16xf32> -> vector<16xi32>
        %shift_right_arithmetic3A_505 = arith.constant 31 : i32
        %shift_right_arithmetic3A_506 = vector.broadcast %shift_right_arithmetic3A_505 : i32 to vector<16xi32>
        %shift_right_arithmetic3A_507 = arith.shrsi %bitcast_convert_type3A_504, %shift_right_arithmetic3A_506 : vector<16xi32>
        %or3A_508 = arith.constant -2147483648 : i32
        %or3A_509 = vector.broadcast %or3A_508 : i32 to vector<16xi32>
        %or3A_510 = arith.ori %shift_right_arithmetic3A_507, %or3A_509 : vector<16xi32>
        %xor3A_511 = arith.xori %bitcast_convert_type3A_504, %or3A_510 : vector<16xi32>
        %bitcast_convert_type3A_512 = tpu.bitcast %xor3A_511 : vector<16xi32> -> vector<16xi32>
        %ge3A_513 = arith.cmpi uge, %bitcast_convert_type3A_512, %broadcast_in_dim3A_421 : vector<16xi32>
        %convert_element_type3A_514 = arith.extui %ge3A_513 : vector<16xi1> to vector<16xi32>
        %reduce_sum3A_515 = arith.constant true
        %reduce_sum3A_516 = vector.broadcast %reduce_sum3A_515 : i1 to vector<16xi1>
        %reduce_sum3A_517 = tpu.scan <sum>, %convert_element_type3A_514 masked %reduce_sum3A_516 : vector<16xi32>, vector<16xi1> -> vector<16xi32>
        %reduce_sum3A_518 = vector.extract %reduce_sum3A_517[15] : i32 from vector<16xi32>
        %mul3A_519 = arith.constant 8 : i32
        %mul3A_520 = arith.muli %scan3A_452, %mul3A_519 : i32
        %add3A_521 = arith.constant 3 : i32
        %add3A_522 = arith.addi %mul3A_520, %add3A_521 : i32
        %mul3A_523 = arith.constant 16 : i32
        %mul3A_524 = arith.muli %add3A_522, %mul3A_523 : i32
        %get3A_525 = arith.index_cast %mul3A_524 : i32 to index
        %get3A_526 = tpu.vector_load %arg4[%get3A_525] {strides = array<i32>} : memref<32768xf32, #tpu.memory_space<vmem>>, vector<16xf32>,
        %bitcast_convert_type3A_527 = tpu.bitcast %get3A_526 : vector<16xf32> -> vector<16xi32>
        %shift_right_arithmetic3A_528 = arith.constant 31 : i32
        %shift_right_arithmetic3A_529 = vector.broadcast %shift_right_arithmetic3A_528 : i32 to vector<16xi32>
        %shift_right_arithmetic3A_530 = arith.shrsi %bitcast_convert_type3A_527, %shift_right_arithmetic3A_529 : vector<16xi32>
        %or3A_531 = arith.constant -2147483648 : i32
        %or3A_532 = vector.broadcast %or3A_531 : i32 to vector<16xi32>
        %or3A_533 = arith.ori %shift_right_arithmetic3A_530, %or3A_532 : vector<16xi32>
        %xor3A_534 = arith.xori %bitcast_convert_type3A_527, %or3A_533 : vector<16xi32>
        %bitcast_convert_type3A_535 = tpu.bitcast %xor3A_534 : vector<16xi32> -> vector<16xi32>
        %ge3A_536 = arith.cmpi uge, %bitcast_convert_type3A_535, %broadcast_in_dim3A_421 : vector<16xi32>
        %convert_element_type3A_537 = arith.extui %ge3A_536 : vector<16xi1> to vector<16xi32>
        %reduce_sum3A_538 = arith.constant true
        %reduce_sum3A_539 = vector.broadcast %reduce_sum3A_538 : i1 to vector<16xi1>
        %reduce_sum3A_540 = tpu.scan <sum>, %convert_element_type3A_537 masked %reduce_sum3A_539 : vector<16xi32>, vector<16xi1> -> vector<16xi32>
        %reduce_sum3A_541 = vector.extract %reduce_sum3A_540[15] : i32 from vector<16xi32>
        %mul3A_542 = arith.constant 8 : i32
        %mul3A_543 = arith.muli %scan3A_452, %mul3A_542 : i32
        %add3A_544 = arith.constant 4 : i32
        %add3A_545 = arith.addi %mul3A_543, %add3A_544 : i32
        %mul3A_546 = arith.constant 16 : i32
        %mul3A_547 = arith.muli %add3A_545, %mul3A_546 : i32
        %get3A_548 = arith.index_cast %mul3A_547 : i32 to index
        %get3A_549 = tpu.vector_load %arg4[%get3A_548] {strides = array<i32>} : memref<32768xf32, #tpu.memory_space<vmem>>, vector<16xf32>,
        %bitcast_convert_type3A_550 = tpu.bitcast %get3A_549 : vector<16xf32> -> vector<16xi32>
        %shift_right_arithmetic3A_551 = arith.constant 31 : i32
        %shift_right_arithmetic3A_552 = vector.broadcast %shift_right_arithmetic3A_551 : i32 to vector<16xi32>
        %shift_right_arithmetic3A_553 = arith.shrsi %bitcast_convert_type3A_550, %shift_right_arithmetic3A_552 : vector<16xi32>
        %or3A_554 = arith.constant -2147483648 : i32
        %or3A_555 = vector.broadcast %or3A_554 : i32 to vector<16xi32>
        %or3A_556 = arith.ori %shift_right_arithmetic3A_553, %or3A_555 : vector<16xi32>
        %xor3A_557 = arith.xori %bitcast_convert_type3A_550, %or3A_556 : vector<16xi32>
        %bitcast_convert_type3A_558 = tpu.bitcast %xor3A_557 : vector<16xi32> -> vector<16xi32>
        %ge3A_559 = arith.cmpi uge, %bitcast_convert_type3A_558, %broadcast_in_dim3A_421 : vector<16xi32>
        %convert_element_type3A_560 = arith.extui %ge3A_559 : vector<16xi1> to vector<16xi32>
        %reduce_sum3A_561 = arith.constant true
        %reduce_sum3A_562 = vector.broadcast %reduce_sum3A_561 : i1 to vector<16xi1>
        %reduce_sum3A_563 = tpu.scan <sum>, %convert_element_type3A_560 masked %reduce_sum3A_562 : vector<16xi32>, vector<16xi1> -> vector<16xi32>
        %reduce_sum3A_564 = vector.extract %reduce_sum3A_563[15] : i32 from vector<16xi32>
        %mul3A_565 = arith.constant 8 : i32
        %mul3A_566 = arith.muli %scan3A_452, %mul3A_565 : i32
        %add3A_567 = arith.constant 5 : i32
        %add3A_568 = arith.addi %mul3A_566, %add3A_567 : i32
        %mul3A_569 = arith.constant 16 : i32
        %mul3A_570 = arith.muli %add3A_568, %mul3A_569 : i32
        %get3A_571 = arith.index_cast %mul3A_570 : i32 to index
        %get3A_572 = tpu.vector_load %arg4[%get3A_571] {strides = array<i32>} : memref<32768xf32, #tpu.memory_space<vmem>>, vector<16xf32>,
        %bitcast_convert_type3A_573 = tpu.bitcast %get3A_572 : vector<16xf32> -> vector<16xi32>
        %shift_right_arithmetic3A_574 = arith.constant 31 : i32
        %shift_right_arithmetic3A_575 = vector.broadcast %shift_right_arithmetic3A_574 : i32 to vector<16xi32>
        %shift_right_arithmetic3A_576 = arith.shrsi %bitcast_convert_type3A_573, %shift_right_arithmetic3A_575 : vector<16xi32>
        %or3A_577 = arith.constant -2147483648 : i32
        %or3A_578 = vector.broadcast %or3A_577 : i32 to vector<16xi32>
        %or3A_579 = arith.ori %shift_right_arithmetic3A_576, %or3A_578 : vector<16xi32>
        %xor3A_580 = arith.xori %bitcast_convert_type3A_573, %or3A_579 : vector<16xi32>
        %bitcast_convert_type3A_581 = tpu.bitcast %xor3A_580 : vector<16xi32> -> vector<16xi32>
        %ge3A_582 = arith.cmpi uge, %bitcast_convert_type3A_581, %broadcast_in_dim3A_421 : vector<16xi32>
        %convert_element_type3A_583 = arith.extui %ge3A_582 : vector<16xi1> to vector<16xi32>
        %reduce_sum3A_584 = arith.constant true
        %reduce_sum3A_585 = vector.broadcast %reduce_sum3A_584 : i1 to vector<16xi1>
        %reduce_sum3A_586 = tpu.scan <sum>, %convert_element_type3A_583 masked %reduce_sum3A_585 : vector<16xi32>, vector<16xi1> -> vector<16xi32>
        %reduce_sum3A_587 = vector.extract %reduce_sum3A_586[15] : i32 from vector<16xi32>
        %mul3A_588 = arith.constant 8 : i32
        %mul3A_589 = arith.muli %scan3A_452, %mul3A_588 : i32
        %add3A_590 = arith.constant 6 : i32
        %add3A_591 = arith.addi %mul3A_589, %add3A_590 : i32
        %mul3A_592 = arith.constant 16 : i32
        %mul3A_593 = arith.muli %add3A_591, %mul3A_592 : i32
        %get3A_594 = arith.index_cast %mul3A_593 : i32 to index
        %get3A_595 = tpu.vector_load %arg4[%get3A_594] {strides = array<i32>} : memref<32768xf32, #tpu.memory_space<vmem>>, vector<16xf32>,
        %bitcast_convert_type3A_596 = tpu.bitcast %get3A_595 : vector<16xf32> -> vector<16xi32>
        %shift_right_arithmetic3A_597 = arith.constant 31 : i32
        %shift_right_arithmetic3A_598 = vector.broadcast %shift_right_arithmetic3A_597 : i32 to vector<16xi32>
        %shift_right_arithmetic3A_599 = arith.shrsi %bitcast_convert_type3A_596, %shift_right_arithmetic3A_598 : vector<16xi32>
        %or3A_600 = arith.constant -2147483648 : i32
        %or3A_601 = vector.broadcast %or3A_600 : i32 to vector<16xi32>
        %or3A_602 = arith.ori %shift_right_arithmetic3A_599, %or3A_601 : vector<16xi32>
        %xor3A_603 = arith.xori %bitcast_convert_type3A_596, %or3A_602 : vector<16xi32>
        %bitcast_convert_type3A_604 = tpu.bitcast %xor3A_603 : vector<16xi32> -> vector<16xi32>
        %ge3A_605 = arith.cmpi uge, %bitcast_convert_type3A_604, %broadcast_in_dim3A_421 : vector<16xi32>
        %convert_element_type3A_606 = arith.extui %ge3A_605 : vector<16xi1> to vector<16xi32>
        %reduce_sum3A_607 = arith.constant true
        %reduce_sum3A_608 = vector.broadcast %reduce_sum3A_607 : i1 to vector<16xi1>
        %reduce_sum3A_609 = tpu.scan <sum>, %convert_element_type3A_606 masked %reduce_sum3A_608 : vector<16xi32>, vector<16xi1> -> vector<16xi32>
        %reduce_sum3A_610 = vector.extract %reduce_sum3A_609[15] : i32 from vector<16xi32>
        %mul3A_611 = arith.constant 8 : i32
        %mul3A_612 = arith.muli %scan3A_452, %mul3A_611 : i32
        %add3A_613 = arith.constant 7 : i32
        %add3A_614 = arith.addi %mul3A_612, %add3A_613 : i32
        %mul3A_615 = arith.constant 16 : i32
        %mul3A_616 = arith.muli %add3A_614, %mul3A_615 : i32
        %get3A_617 = arith.index_cast %mul3A_616 : i32 to index
        %get3A_618 = tpu.vector_load %arg4[%get3A_617] {strides = array<i32>} : memref<32768xf32, #tpu.memory_space<vmem>>, vector<16xf32>,
        %bitcast_convert_type3A_619 = tpu.bitcast %get3A_618 : vector<16xf32> -> vector<16xi32>
        %shift_right_arithmetic3A_620 = arith.constant 31 : i32
        %shift_right_arithmetic3A_621 = vector.broadcast %shift_right_arithmetic3A_620 : i32 to vector<16xi32>
        %shift_right_arithmetic3A_622 = arith.shrsi %bitcast_convert_type3A_619, %shift_right_arithmetic3A_621 : vector<16xi32>
        %or3A_623 = arith.constant -2147483648 : i32
        %or3A_624 = vector.broadcast %or3A_623 : i32 to vector<16xi32>
        %or3A_625 = arith.ori %shift_right_arithmetic3A_622, %or3A_624 : vector<16xi32>
        %xor3A_626 = arith.xori %bitcast_convert_type3A_619, %or3A_625 : vector<16xi32>
        %bitcast_convert_type3A_627 = tpu.bitcast %xor3A_626 : vector<16xi32> -> vector<16xi32>
        %ge3A_628 = arith.cmpi uge, %bitcast_convert_type3A_627, %broadcast_in_dim3A_421 : vector<16xi32>
        %convert_element_type3A_629 = arith.extui %ge3A_628 : vector<16xi1> to vector<16xi32>
        %reduce_sum3A_630 = arith.constant true
        %reduce_sum3A_631 = vector.broadcast %reduce_sum3A_630 : i1 to vector<16xi1>
        %reduce_sum3A_632 = tpu.scan <sum>, %convert_element_type3A_629 masked %reduce_sum3A_631 : vector<16xi32>, vector<16xi1> -> vector<16xi32>
        %reduce_sum3A_633 = vector.extract %reduce_sum3A_632[15] : i32 from vector<16xi32>
        %add3A_634 = arith.addi %min3A_455, %reduce_sum3A_472 : i32
        %add3A_635 = arith.addi %add3A_634, %reduce_sum3A_495 : i32
        %add3A_636 = arith.addi %add3A_635, %reduce_sum3A_518 : i32
        %add3A_637 = arith.addi %add3A_636, %reduce_sum3A_541 : i32
        %add3A_638 = arith.addi %add3A_637, %reduce_sum3A_564 : i32
        %add3A_639 = arith.addi %add3A_638, %reduce_sum3A_587 : i32
        %add3A_640 = arith.addi %add3A_639, %reduce_sum3A_610 : i32
        %add3A_641 = arith.addi %add3A_640, %reduce_sum3A_633 : i32
        %mul3A_642 = arith.constant 8 : i32
        %mul3A_643 = arith.muli %scan3A_452, %mul3A_642 : i32
        %add3A_644 = arith.constant 0 : i32
        %add3A_645 = arith.addi %mul3A_643, %add3A_644 : i32
        %mul3A_646 = arith.constant 16 : i32
        %mul3A_647 = arith.muli %add3A_645, %mul3A_646 : i32
        %add3A_648 = vector.broadcast %mul3A_647 : i32 to vector<16xi32>
        %add3A_649 = arith.addi %iota3A, %add3A_648 : vector<16xi32>
        %swap3A = arith.index_cast %min3A_455 : i32 to index
        %swap3A_650 = tpu.vector_load %arg8[%swap3A] masked %ge3A {strides = array<i32>} : memref<4240xi32, #tpu.memory_space<vmem>>, vector<16xi32>, vector<16xi1>
        tpu.vector_store %arg8[%swap3A], %add3A_649 masked %ge3A {strides = array<i32>} : memref<4240xi32, #tpu.memory_space<vmem>>, vector<16xi32>, vector<16xi1>
        %mul3A_651 = arith.constant 8 : i32
        %mul3A_652 = arith.muli %scan3A_452, %mul3A_651 : i32
        %add3A_653 = arith.constant 1 : i32
        %add3A_654 = arith.addi %mul3A_652, %add3A_653 : i32
        %mul3A_655 = arith.constant 16 : i32
        %mul3A_656 = arith.muli %add3A_654, %mul3A_655 : i32
        %add3A_657 = vector.broadcast %mul3A_656 : i32 to vector<16xi32>
        %add3A_658 = arith.addi %iota3A, %add3A_657 : vector<16xi32>
        %swap3A_659 = arith.index_cast %add3A_634 : i32 to index
        %swap3A_660 = tpu.vector_load %arg8[%swap3A_659] masked %ge3A_490 {strides = array<i32>} : memref<4240xi32, #tpu.memory_space<vmem>>, vector<16xi32>, vector<16xi1>
        tpu.vector_store %arg8[%swap3A_659], %add3A_658 masked %ge3A_490 {strides = array<i32>} : memref<4240xi32, #tpu.memory_space<vmem>>, vector<16xi32>, vector<16xi1>
        %mul3A_661 = arith.constant 8 : i32
        %mul3A_662 = arith.muli %scan3A_452, %mul3A_661 : i32
        %add3A_663 = arith.constant 2 : i32
        %add3A_664 = arith.addi %mul3A_662, %add3A_663 : i32
        %mul3A_665 = arith.constant 16 : i32
        %mul3A_666 = arith.muli %add3A_664, %mul3A_665 : i32
        %add3A_667 = vector.broadcast %mul3A_666 : i32 to vector<16xi32>
        %add3A_668 = arith.addi %iota3A, %add3A_667 : vector<16xi32>
        %swap3A_669 = arith.index_cast %add3A_635 : i32 to index
        %swap3A_670 = tpu.vector_load %arg8[%swap3A_669] masked %ge3A_513 {strides = array<i32>} : memref<4240xi32, #tpu.memory_space<vmem>>, vector<16xi32>, vector<16xi1>
        tpu.vector_store %arg8[%swap3A_669], %add3A_668 masked %ge3A_513 {strides = array<i32>} : memref<4240xi32, #tpu.memory_space<vmem>>, vector<16xi32>, vector<16xi1>
        %mul3A_671 = arith.constant 8 : i32
        %mul3A_672 = arith.muli %scan3A_452, %mul3A_671 : i32
        %add3A_673 = arith.constant 3 : i32
        %add3A_674 = arith.addi %mul3A_672, %add3A_673 : i32
        %mul3A_675 = arith.constant 16 : i32
        %mul3A_676 = arith.muli %add3A_674, %mul3A_675 : i32
        %add3A_677 = vector.broadcast %mul3A_676 : i32 to vector<16xi32>
        %add3A_678 = arith.addi %iota3A, %add3A_677 : vector<16xi32>
        %swap3A_679 = arith.index_cast %add3A_636 : i32 to index
        %swap3A_680 = tpu.vector_load %arg8[%swap3A_679] masked %ge3A_536 {strides = array<i32>} : memref<4240xi32, #tpu.memory_space<vmem>>, vector<16xi32>, vector<16xi1>
        tpu.vector_store %arg8[%swap3A_679], %add3A_678 masked %ge3A_536 {strides = array<i32>} : memref<4240xi32, #tpu.memory_space<vmem>>, vector<16xi32>, vector<16xi1>
        %mul3A_681 = arith.constant 8 : i32
        %mul3A_682 = arith.muli %scan3A_452, %mul3A_681 : i32
        %add3A_683 = arith.constant 4 : i32
        %add3A_684 = arith.addi %mul3A_682, %add3A_683 : i32
        %mul3A_685 = arith.constant 16 : i32
        %mul3A_686 = arith.muli %add3A_684, %mul3A_685 : i32
        %add3A_687 = vector.broadcast %mul3A_686 : i32 to vector<16xi32>
        %add3A_688 = arith.addi %iota3A, %add3A_687 : vector<16xi32>
        %swap3A_689 = arith.index_cast %add3A_637 : i32 to index
        %swap3A_690 = tpu.vector_load %arg8[%swap3A_689] masked %ge3A_559 {strides = array<i32>} : memref<4240xi32, #tpu.memory_space<vmem>>, vector<16xi32>, vector<16xi1>
        tpu.vector_store %arg8[%swap3A_689], %add3A_688 masked %ge3A_559 {strides = array<i32>} : memref<4240xi32, #tpu.memory_space<vmem>>, vector<16xi32>, vector<16xi1>
        %mul3A_691 = arith.constant 8 : i32
        %mul3A_692 = arith.muli %scan3A_452, %mul3A_691 : i32
        %add3A_693 = arith.constant 5 : i32
        %add3A_694 = arith.addi %mul3A_692, %add3A_693 : i32
        %mul3A_695 = arith.constant 16 : i32
        %mul3A_696 = arith.muli %add3A_694, %mul3A_695 : i32
        %add3A_697 = vector.broadcast %mul3A_696 : i32 to vector<16xi32>
        %add3A_698 = arith.addi %iota3A, %add3A_697 : vector<16xi32>
        %swap3A_699 = arith.index_cast %add3A_638 : i32 to index
        %swap3A_700 = tpu.vector_load %arg8[%swap3A_699] masked %ge3A_582 {strides = array<i32>} : memref<4240xi32, #tpu.memory_space<vmem>>, vector<16xi32>, vector<16xi1>
        tpu.vector_store %arg8[%swap3A_699], %add3A_698 masked %ge3A_582 {strides = array<i32>} : memref<4240xi32, #tpu.memory_space<vmem>>, vector<16xi32>, vector<16xi1>
        %mul3A_701 = arith.constant 8 : i32
        %mul3A_702 = arith.muli %scan3A_452, %mul3A_701 : i32
        %add3A_703 = arith.constant 6 : i32
        %add3A_704 = arith.addi %mul3A_702, %add3A_703 : i32
        %mul3A_705 = arith.constant 16 : i32
        %mul3A_706 = arith.muli %add3A_704, %mul3A_705 : i32
        %add3A_707 = vector.broadcast %mul3A_706 : i32 to vector<16xi32>
        %add3A_708 = arith.addi %iota3A, %add3A_707 : vector<16xi32>
        %swap3A_709 = arith.index_cast %add3A_639 : i32 to index
        %swap3A_710 = tpu.vector_load %arg8[%swap3A_709] masked %ge3A_605 {strides = array<i32>} : memref<4240xi32, #tpu.memory_space<vmem>>, vector<16xi32>, vector<16xi1>
        tpu.vector_store %arg8[%swap3A_709], %add3A_708 masked %ge3A_605 {strides = array<i32>} : memref<4240xi32, #tpu.memory_space<vmem>>, vector<16xi32>, vector<16xi1>
        %mul3A_711 = arith.constant 8 : i32
        %mul3A_712 = arith.muli %scan3A_452, %mul3A_711 : i32
        %add3A_713 = arith.constant 7 : i32
        %add3A_714 = arith.addi %mul3A_712, %add3A_713 : i32
        %mul3A_715 = arith.constant 16 : i32
        %mul3A_716 = arith.muli %add3A_714, %mul3A_715 : i32
        %add3A_717 = vector.broadcast %mul3A_716 : i32 to vector<16xi32>
        %add3A_718 = arith.addi %iota3A, %add3A_717 : vector<16xi32>
        %swap3A_719 = arith.index_cast %add3A_640 : i32 to index
        %swap3A_720 = tpu.vector_load %arg8[%swap3A_719] masked %ge3A_628 {strides = array<i32>} : memref<4240xi32, #tpu.memory_space<vmem>>, vector<16xi32>, vector<16xi1>
        tpu.vector_store %arg8[%swap3A_719], %add3A_718 masked %ge3A_628 {strides = array<i32>} : memref<4240xi32, #tpu.memory_space<vmem>>, vector<16xi32>, vector<16xi1>
        %sub3A_721 = arith.subi %add3A_641, %min3A_455 : i32
        %add3A_722 = arith.addi %scan3A_453, %sub3A_721 : i32
        scf.yield %add3A_722 : i32
      }
      %scan3A_428 = arith.constant 256 : i32
      %sub3A_429 = arith.constant 32 : i32
      %sub3A_430 = arith.subi %sub3A_429, %scan3A_419#2 : i32
      %add3A_431 = arith.addi %sub3A_430, %scan3A_419#3 : i32
      %shift_right_logical3A = arith.constant 24 : i32
      %shift_right_logical3A_432 = arith.shrui %scan3A_419#0, %shift_right_logical3A : i32
      %and3A_433 = arith.constant 1 : i32
      %and3A_434 = arith.andi %shift_right_logical3A_432, %and3A_433 : i32
      %shift_right_logical3A_435 = arith.constant 16 : i32
      %shift_right_logical3A_436 = arith.shrui %scan3A_419#0, %shift_right_logical3A_435 : i32
      %and3A_437 = arith.constant 1 : i32
      %and3A_438 = arith.andi %shift_right_logical3A_436, %and3A_437 : i32
      %shift_right_logical3A_439 = arith.constant 8 : i32
      %shift_right_logical3A_440 = arith.shrui %scan3A_419#0, %shift_right_logical3A_439 : i32
      %and3A_441 = arith.constant 1 : i32
      %and3A_442 = arith.andi %shift_right_logical3A_440, %and3A_441 : i32
      %and3A_443 = arith.constant 1 : i32
      %and3A_444 = arith.andi %scan3A_419#0, %and3A_443 : i32
      %add3A_445 = arith.addi %and3A_434, %and3A_438 : i32
      %add3A_446 = arith.addi %add3A_445, %and3A_442 : i32
      %add3A_447 = arith.addi %add3A_446, %and3A_444 : i32
      %sub3A_448 = arith.constant 4 : i32
      %sub3A_449 = arith.subi %sub3A_448, %add3A_447 : i32
      %mul3A_450 = arith.constant 2 : i32
      %mul3A_451 = arith.muli %sub3A_449, %mul3A_450 : i32
      scf.yield %scan3A_419#0, %scan3A_419#1, %scan3A_419#2, %add3A_431, %mul3A_451 : i32, i32, i32, i32, i32
    }
    %add3A_95 = arith.constant 16 : i32
    %add3A_96 = arith.addi %cond3A_94#3, %add3A_95 : i32
    %sub3A = arith.constant 1 : i32
    %sub3A_97 = arith.subi %add3A_96, %sub3A : i32
    %jit3A = arith.constant 16 : i32
    %div3A = arith.divsi %sub3A_97, %jit3A : i32
    %sign3A = arith.constant 0 : i32
    %sign3A_98 = arith.cmpi sgt, %sub3A_97, %sign3A : i32
    %sign3A_99 = arith.extui %sign3A_98 : i1 to i32
    %sign3A_100 = arith.constant 0 : i32
    %sign3A_101 = arith.cmpi slt, %sub3A_97, %sign3A_100 : i32
    %sign3A_102 = arith.extui %sign3A_101 : i1 to i32
    %sign3A_103 = arith.subi %sign3A_99, %sign3A_102 : i32
    %sign3A_104 = arith.constant 0 : i32
    %sign3A_105 = arith.cmpi sgt, %jit3A, %sign3A_104 : i32
    %sign3A_106 = arith.extui %sign3A_105 : i1 to i32
    %sign3A_107 = arith.constant 0 : i32
    %sign3A_108 = arith.cmpi slt, %jit3A, %sign3A_107 : i32
    %sign3A_109 = arith.extui %sign3A_108 : i1 to i32
    %sign3A_110 = arith.subi %sign3A_106, %sign3A_109 : i32
    %ne3A = arith.cmpi ne, %sign3A_103, %sign3A_110 : i32
    %rem3A = arith.remsi %sub3A_97, %jit3A : i32
    %ne3A_111 = arith.constant 0 : i32
    %ne3A_112 = arith.cmpi ne, %rem3A, %ne3A_111 : i32
    %and3A = arith.andi %ne3A, %ne3A_112 : i1
    %sub3A_113 = arith.constant 1 : i32
    %sub3A_114 = arith.subi %div3A, %sub3A_113 : i32
    %select_n3A = arith.select %and3A, %sub3A_114, %div3A : i32
    %broadcast_in_dim3A_115 = vector.broadcast %cond3A_94#3 : i32 to vector<16xi32>
    %mul3A_116 = arith.constant 4 : i32
    %mul3A_117 = arith.muli %mul3A_116, %cond3A_94#4 : i32
    %while3A = arith.constant 0 : i32
    %while3A_118 = arith.constant 0 : i32
    %while3A_119 = arith.subi %select_n3A, %while3A : i32
    %while3A_120 = arith.addi %while3A, %while3A_119 : i32
    %while3A_121 = arith.constant 1 : i32
    %while3A_122 = arith.divsi %while3A_119, %while3A_121 : i32
    %while3A_123 = arith.muli %while3A_122, %while3A_121 : i32
    %while3A_124 = arith.addi %while3A, %while3A_123 : i32
    %while3A_125 = arith.constant 1 : i32
    %while3A_126 = scf.for %while3A_378 = %while3A to %while3A_124 step %while3A_125 iter_args(%while3A_379 = %while3A_118) -> (i32)  : i32 {
      %mul3A_380 = arith.constant 16 : i32
      %mul3A_381 = arith.muli %while3A_378, %mul3A_380 : i32
      %get3A = arith.index_cast %mul3A_381 : i32 to index
      %get3A_382 = tpu.vector_load %arg8[%get3A] {strides = array<i32>} : memref<4240xi32, #tpu.memory_space<vmem>>, vector<16xi32>,
      %mul3A_383 = arith.constant 16 : i32
      %mul3A_384 = arith.muli %while3A_378, %mul3A_383 : i32
      %add3A_385 = vector.broadcast %mul3A_384 : i32 to vector<16xi32>
      %add3A_386 = arith.addi %add3A_385, %iota3A : vector<16xi32>
      %lt3A = arith.cmpi slt, %add3A_386, %broadcast_in_dim3A_115 : vector<16xi32>
      %gather3A = tpu.vector_load_idx %arg4[%get3A_382] masked %lt3A : memref<32768xf32, #tpu.memory_space<vmem>>[vector<16xi32>], vector<16xf32>, vector<16xi1>
      %bitcast_convert_type3A = tpu.bitcast %gather3A : vector<16xf32> -> vector<16xi32>
      %shift_right_arithmetic3A = arith.constant 31 : i32
      %shift_right_arithmetic3A_387 = vector.broadcast %shift_right_arithmetic3A : i32 to vector<16xi32>
      %shift_right_arithmetic3A_388 = arith.shrsi %bitcast_convert_type3A, %shift_right_arithmetic3A_387 : vector<16xi32>
      %or3A = arith.constant -2147483648 : i32
      %or3A_389 = vector.broadcast %or3A : i32 to vector<16xi32>
      %or3A_390 = arith.ori %shift_right_arithmetic3A_388, %or3A_389 : vector<16xi32>
      %xor3A = arith.xori %bitcast_convert_type3A, %or3A_390 : vector<16xi32>
      %bitcast_convert_type3A_391 = tpu.bitcast %xor3A : vector<16xi32> -> vector<16xi32>
      %mul3A_392 = arith.constant 16 : i32
      %mul3A_393 = arith.muli %while3A_378, %mul3A_392 : i32
      %swap3A = arith.index_cast %mul3A_393 : i32 to index
      %swap3A_394 = tpu.vector_load %arg10[%swap3A] {strides = array<i32>} : memref<4240xi32, #tpu.memory_space<vmem>>, vector<16xi32>,
      tpu.vector_store %arg10[%swap3A], %bitcast_convert_type3A_391 {strides = array<i32>} : memref<4240xi32, #tpu.memory_space<vmem>>, vector<16xi32>,
      %while3A_395 = arith.constant 0 : i32
      scf.yield %while3A_395 : i32
    }
    %while3A_127 = arith.constant 1 : i32
    %while3A_128 = scf.for %while3A_378 = %while3A_124 to %while3A_120 step %while3A_127 iter_args(%while3A_379 = %while3A_126) -> (i32)  : i32 {
      %mul3A_380 = arith.constant 16 : i32
      %mul3A_381 = arith.muli %while3A_378, %mul3A_380 : i32
      %get3A = arith.index_cast %mul3A_381 : i32 to index
      %get3A_382 = tpu.vector_load %arg8[%get3A] {strides = array<i32>} : memref<4240xi32, #tpu.memory_space<vmem>>, vector<16xi32>,
      %mul3A_383 = arith.constant 16 : i32
      %mul3A_384 = arith.muli %while3A_378, %mul3A_383 : i32
      %add3A_385 = vector.broadcast %mul3A_384 : i32 to vector<16xi32>
      %add3A_386 = arith.addi %add3A_385, %iota3A : vector<16xi32>
      %lt3A = arith.cmpi slt, %add3A_386, %broadcast_in_dim3A_115 : vector<16xi32>
      %gather3A = tpu.vector_load_idx %arg4[%get3A_382] masked %lt3A : memref<32768xf32, #tpu.memory_space<vmem>>[vector<16xi32>], vector<16xf32>, vector<16xi1>
      %bitcast_convert_type3A = tpu.bitcast %gather3A : vector<16xf32> -> vector<16xi32>
      %shift_right_arithmetic3A = arith.constant 31 : i32
      %shift_right_arithmetic3A_387 = vector.broadcast %shift_right_arithmetic3A : i32 to vector<16xi32>
      %shift_right_arithmetic3A_388 = arith.shrsi %bitcast_convert_type3A, %shift_right_arithmetic3A_387 : vector<16xi32>
      %or3A = arith.constant -2147483648 : i32
      %or3A_389 = vector.broadcast %or3A : i32 to vector<16xi32>
      %or3A_390 = arith.ori %shift_right_arithmetic3A_388, %or3A_389 : vector<16xi32>
      %xor3A = arith.xori %bitcast_convert_type3A, %or3A_390 : vector<16xi32>
      %bitcast_convert_type3A_391 = tpu.bitcast %xor3A : vector<16xi32> -> vector<16xi32>
      %mul3A_392 = arith.constant 16 : i32
      %mul3A_393 = arith.muli %while3A_378, %mul3A_392 : i32
      %swap3A = arith.index_cast %mul3A_393 : i32 to index
      %swap3A_394 = tpu.vector_load %arg10[%swap3A] {strides = array<i32>} : memref<4240xi32, #tpu.memory_space<vmem>>, vector<16xi32>,
      tpu.vector_store %arg10[%swap3A], %bitcast_convert_type3A_391 {strides = array<i32>} : memref<4240xi32, #tpu.memory_space<vmem>>, vector<16xi32>,
      %while3A_395 = arith.constant 0 : i32
      scf.yield %while3A_395 : i32
    }
    %while3A_129 = arith.constant 0 : i32
    %while3A_130 = arith.subi %cond3A_94#4, %while3A_129 : i32
    %while3A_131 = arith.addi %while3A_129, %while3A_130 : i32
    %while3A_132 = arith.constant 1 : i32
    %while3A_133 = arith.divsi %while3A_130, %while3A_132 : i32
    %while3A_134 = arith.muli %while3A_133, %while3A_132 : i32
    %while3A_135 = arith.addi %while3A_129, %while3A_134 : i32
    %while3A_136 = arith.constant 1 : i32
    %while3A_137:3 = scf.for %while3A_378 = %while3A_129 to %while3A_135 step %while3A_136 iter_args(%while3A_379 = %cond3A_94#0, %while3A_380 = %cond3A_94#1, %while3A_381 = %cond3A_94#2) -> (i32, i32, i32)  : i32 {
      %add3A_382 = arith.constant 1 : i32
      %add3A_383 = arith.addi %while3A_378, %add3A_382 : i32
      %mul3A_384 = arith.constant 4 : i32
      %mul3A_385 = arith.muli %mul3A_384, %add3A_383 : i32
      %sub3A_386 = arith.subi %mul3A_117, %mul3A_385 : i32
      %while3A_387 = arith.constant 0 : i32
      %while3A_388 = arith.constant 0 : i32
      %while3A_389 = arith.subi %select_n3A, %while3A_387 : i32
      %while3A_390 = arith.addi %while3A_387, %while3A_389 : i32
      %while3A_391 = arith.constant 1 : i32
      %while3A_392 = arith.divsi %while3A_389, %while3A_391 : i32
      %while3A_393 = arith.muli %while3A_392, %while3A_391 : i32
      %while3A_394 = arith.addi %while3A_387, %while3A_393 : i32
      %while3A_395 = arith.constant 1 : i32
      %while3A_396 = scf.for %while3A_422 = %while3A_387 to %while3A_394 step %while3A_395 iter_args(%while3A_423 = %while3A_388) -> (i32)  : i32 {
        %mul3A_424 = arith.constant 16 : i32
        %mul3A_425 = arith.muli %while3A_422, %mul3A_424 : i32
        %get3A = arith.index_cast %mul3A_425 : i32 to index
        %get3A_426 = tpu.vector_load %arg10[%get3A] {strides = array<i32>} : memref<4240xi32, #tpu.memory_space<vmem>>, vector<16xi32>,
        %mul3A_427 = arith.constant 16 : i32
        %mul3A_428 = arith.muli %while3A_422, %mul3A_427 : i32
        %add3A_429 = vector.broadcast %mul3A_428 : i32 to vector<16xi32>
        %add3A_430 = arith.addi %add3A_429, %iota3A : vector<16xi32>
        %lt3A = arith.cmpi slt, %add3A_430, %broadcast_in_dim3A_115 : vector<16xi32>
        %and3A_431 = vector.broadcast %while3A_379 : i32 to vector<16xi32>
        %and3A_432 = arith.andi %get3A_426, %and3A_431 : vector<16xi32>
        %eq3A_433 = vector.broadcast %while3A_380 : i32 to vector<16xi32>
        %eq3A_434 = arith.cmpi eq, %and3A_432, %eq3A_433 : vector<16xi32>
        %and3A_435 = arith.andi %lt3A, %eq3A_434 : vector<16xi1>
        %shift_right_logical3A = vector.broadcast %sub3A_386 : i32 to vector<16xi32>
        %shift_right_logical3A_436 = arith.shrui %get3A_426, %shift_right_logical3A : vector<16xi32>
        %and3A_437 = arith.constant 15 : i32
        %and3A_438 = vector.broadcast %and3A_437 : i32 to vector<16xi32>
        %and3A_439 = arith.andi %shift_right_logical3A_436, %and3A_438 : vector<16xi32>
        %mul3A_440 = arith.constant 16 : i32
        %mul3A_441 = vector.broadcast %mul3A_440 : i32 to vector<16xi32>
        %mul3A_442 = arith.muli %and3A_439, %mul3A_441 : vector<16xi32>
        %add3A_443 = arith.addi %mul3A_442, %iota3A : vector<16xi32>
        tpu.vector_store_idx %arg7[%add3A_443], %broadcast_in_dim3A_1 masked %and3A_435 {add = true} : memref<4096xi32, #tpu.memory_space<vmem>>[vector<16xi32>], vector<16xi32>, vector<16xi1>
        %while3A_444 = arith.constant 0 : i32
        scf.yield %while3A_444 : i32
      }
      %while3A_397 = arith.constant 1 : i32
      %while3A_398 = scf.for %while3A_422 = %while3A_394 to %while3A_390 step %while3A_397 iter_args(%while3A_423 = %while3A_396) -> (i32)  : i32 {
        %mul3A_424 = arith.constant 16 : i32
        %mul3A_425 = arith.muli %while3A_422, %mul3A_424 : i32
        %get3A = arith.index_cast %mul3A_425 : i32 to index
        %get3A_426 = tpu.vector_load %arg10[%get3A] {strides = array<i32>} : memref<4240xi32, #tpu.memory_space<vmem>>, vector<16xi32>,
        %mul3A_427 = arith.constant 16 : i32
        %mul3A_428 = arith.muli %while3A_422, %mul3A_427 : i32
        %add3A_429 = vector.broadcast %mul3A_428 : i32 to vector<16xi32>
        %add3A_430 = arith.addi %add3A_429, %iota3A : vector<16xi32>
        %lt3A = arith.cmpi slt, %add3A_430, %broadcast_in_dim3A_115 : vector<16xi32>
        %and3A_431 = vector.broadcast %while3A_379 : i32 to vector<16xi32>
        %and3A_432 = arith.andi %get3A_426, %and3A_431 : vector<16xi32>
        %eq3A_433 = vector.broadcast %while3A_380 : i32 to vector<16xi32>
        %eq3A_434 = arith.cmpi eq, %and3A_432, %eq3A_433 : vector<16xi32>
        %and3A_435 = arith.andi %lt3A, %eq3A_434 : vector<16xi1>
        %shift_right_logical3A = vector.broadcast %sub3A_386 : i32 to vector<16xi32>
        %shift_right_logical3A_436 = arith.shrui %get3A_426, %shift_right_logical3A : vector<16xi32>
        %and3A_437 = arith.constant 15 : i32
        %and3A_438 = vector.broadcast %and3A_437 : i32 to vector<16xi32>
        %and3A_439 = arith.andi %shift_right_logical3A_436, %and3A_438 : vector<16xi32>
        %mul3A_440 = arith.constant 16 : i32
        %mul3A_441 = vector.broadcast %mul3A_440 : i32 to vector<16xi32>
        %mul3A_442 = arith.muli %and3A_439, %mul3A_441 : vector<16xi32>
        %add3A_443 = arith.addi %mul3A_442, %iota3A : vector<16xi32>
        tpu.vector_store_idx %arg7[%add3A_443], %broadcast_in_dim3A_1 masked %and3A_435 {add = true} : memref<4096xi32, #tpu.memory_space<vmem>>[vector<16xi32>], vector<16xi32>, vector<16xi1>
        %while3A_444 = arith.constant 0 : i32
        scf.yield %while3A_444 : i32
      }
      %while3A_399 = arith.constant 15 : i32
      %while3A_400 = arith.constant 0 : i32
      %while3A_401 = arith.constant 0 : i32
      %while3A_402:3 = scf.while (%while3A_422 = %while3A_399, %while3A_423 = %while3A_400, %while3A_424 = %while3A_401) : (i32, i32, i32) -> (i32, i32, i32) {
        %lt3A = arith.cmpi slt, %while3A_423, %while3A_381 : i32
        scf.condition(%lt3A) %while3A_422, %while3A_423, %while3A_424 : i32, i32, i32
      } do {
      ^bb0(%while3A_422: i32, %while3A_423: i32, %while3A_424: i32):
        %mul3A_425 = arith.constant 16 : i32
        %mul3A_426 = arith.muli %while3A_422, %mul3A_425 : i32
        %get3A = arith.index_cast %mul3A_426 : i32 to index
        %get3A_427 = tpu.vector_load %arg7[%get3A] {strides = array<i32>} : memref<4096xi32, #tpu.memory_space<vmem>>, vector<16xi32>,
        %mul3A_428 = arith.constant 16 : i32
        %mul3A_429 = arith.muli %while3A_422, %mul3A_428 : i32
        %swap3A = arith.index_cast %mul3A_429 : i32 to index
        %swap3A_430 = tpu.vector_load %arg7[%swap3A] {strides = array<i32>} : memref<4096xi32, #tpu.memory_space<vmem>>, vector<16xi32>,
        tpu.vector_store %arg7[%swap3A], %broadcast_in_dim3A_3 {strides = array<i32>} : memref<4096xi32, #tpu.memory_space<vmem>>, vector<16xi32>,
        %sub3A_431 = arith.constant 1 : i32
        %sub3A_432 = arith.subi %while3A_422, %sub3A_431 : i32
        %reduce_sum3A = arith.constant true
        %reduce_sum3A_433 = vector.broadcast %reduce_sum3A : i1 to vector<16xi1>
        %reduce_sum3A_434 = tpu.scan <sum>, %get3A_427 masked %reduce_sum3A_433 : vector<16xi32>, vector<16xi1> -> vector<16xi32>
        %reduce_sum3A_435 = vector.extract %reduce_sum3A_434[15] : i32 from vector<16xi32>
        %add3A_436 = arith.addi %while3A_423, %reduce_sum3A_435 : i32
        scf.yield %sub3A_432, %add3A_436, %while3A_423 : i32, i32, i32
      }
      %add3A_403 = arith.constant 1 : i32
      %add3A_404 = arith.addi %while3A_402#0, %add3A_403 : i32
      %while3A_405 = arith.constant 0 : i32
      %while3A_406 = arith.constant 0 : i32
      %while3A_407 = arith.subi %add3A_404, %while3A_405 : i32
      %while3A_408 = arith.addi %while3A_405, %while3A_407 : i32
      %while3A_409 = arith.constant 1 : i32
      %while3A_410 = arith.divsi %while3A_407, %while3A_409 : i32
      %while3A_411 = arith.muli %while3A_410, %while3A_409 : i32
      %while3A_412 = arith.addi %while3A_405, %while3A_411 : i32
      %while3A_413 = arith.constant 1 : i32
      %while3A_414 = scf.for %while3A_422 = %while3A_405 to %while3A_412 step %while3A_413 iter_args(%while3A_423 = %while3A_406) -> (i32)  : i32 {
        %mul3A_424 = arith.constant 16 : i32
        %mul3A_425 = arith.muli %while3A_422, %mul3A_424 : i32
        %swap3A = arith.index_cast %mul3A_425 : i32 to index
        %swap3A_426 = tpu.vector_load %arg7[%swap3A] {strides = array<i32>} : memref<4096xi32, #tpu.memory_space<vmem>>, vector<16xi32>,
        tpu.vector_store %arg7[%swap3A], %broadcast_in_dim3A_3 {strides = array<i32>} : memref<4096xi32, #tpu.memory_space<vmem>>, vector<16xi32>,
        %while3A_427 = arith.constant 0 : i32
        scf.yield %while3A_427 : i32
      }
      %while3A_415 = arith.constant 1 : i32
      %while3A_416 = scf.for %while3A_422 = %while3A_412 to %while3A_408 step %while3A_415 iter_args(%while3A_423 = %while3A_414) -> (i32)  : i32 {
        %mul3A_424 = arith.constant 16 : i32
        %mul3A_425 = arith.muli %while3A_422, %mul3A_424 : i32
        %swap3A = arith.index_cast %mul3A_425 : i32 to index
        %swap3A_426 = tpu.vector_load %arg7[%swap3A] {strides = array<i32>} : memref<4096xi32, #tpu.memory_space<vmem>>, vector<16xi32>,
        tpu.vector_store %arg7[%swap3A], %broadcast_in_dim3A_3 {strides = array<i32>} : memref<4096xi32, #tpu.memory_space<vmem>>, vector<16xi32>,
        %while3A_427 = arith.constant 0 : i32
        scf.yield %while3A_427 : i32
      }
      %sub3A_417 = arith.subi %while3A_402#1, %while3A_402#2 : i32
      %shift_left3A = arith.shli %add3A_404, %sub3A_386 : i32
      %or3A = arith.ori %while3A_380, %shift_left3A : i32
      %shift_left3A_418 = arith.constant 15 : i32
      %shift_left3A_419 = arith.shli %shift_left3A_418, %sub3A_386 : i32
      %or3A_420 = arith.ori %while3A_379, %shift_left3A_419 : i32
      %sub3A_421 = arith.subi %while3A_381, %while3A_402#2 : i32
      scf.yield %or3A_420, %or3A, %sub3A_421 : i32, i32, i32
    }
    %while3A_138 = arith.constant 1 : i32
    %while3A_139:3 = scf.for %while3A_378 = %while3A_135 to %while3A_131 step %while3A_138 iter_args(%while3A_379 = %while3A_137#0, %while3A_380 = %while3A_137#1, %while3A_381 = %while3A_137#2) -> (i32, i32, i32)  : i32 {
      %add3A_382 = arith.constant 1 : i32
      %add3A_383 = arith.addi %while3A_378, %add3A_382 : i32
      %mul3A_384 = arith.constant 4 : i32
      %mul3A_385 = arith.muli %mul3A_384, %add3A_383 : i32
      %sub3A_386 = arith.subi %mul3A_117, %mul3A_385 : i32
      %while3A_387 = arith.constant 0 : i32
      %while3A_388 = arith.constant 0 : i32
      %while3A_389 = arith.subi %select_n3A, %while3A_387 : i32
      %while3A_390 = arith.addi %while3A_387, %while3A_389 : i32
      %while3A_391 = arith.constant 1 : i32
      %while3A_392 = arith.divsi %while3A_389, %while3A_391 : i32
      %while3A_393 = arith.muli %while3A_392, %while3A_391 : i32
      %while3A_394 = arith.addi %while3A_387, %while3A_393 : i32
      %while3A_395 = arith.constant 1 : i32
      %while3A_396 = scf.for %while3A_422 = %while3A_387 to %while3A_394 step %while3A_395 iter_args(%while3A_423 = %while3A_388) -> (i32)  : i32 {
        %mul3A_424 = arith.constant 16 : i32
        %mul3A_425 = arith.muli %while3A_422, %mul3A_424 : i32
        %get3A = arith.index_cast %mul3A_425 : i32 to index
        %get3A_426 = tpu.vector_load %arg10[%get3A] {strides = array<i32>} : memref<4240xi32, #tpu.memory_space<vmem>>, vector<16xi32>,
        %mul3A_427 = arith.constant 16 : i32
        %mul3A_428 = arith.muli %while3A_422, %mul3A_427 : i32
        %add3A_429 = vector.broadcast %mul3A_428 : i32 to vector<16xi32>
        %add3A_430 = arith.addi %add3A_429, %iota3A : vector<16xi32>
        %lt3A = arith.cmpi slt, %add3A_430, %broadcast_in_dim3A_115 : vector<16xi32>
        %and3A_431 = vector.broadcast %while3A_379 : i32 to vector<16xi32>
        %and3A_432 = arith.andi %get3A_426, %and3A_431 : vector<16xi32>
        %eq3A_433 = vector.broadcast %while3A_380 : i32 to vector<16xi32>
        %eq3A_434 = arith.cmpi eq, %and3A_432, %eq3A_433 : vector<16xi32>
        %and3A_435 = arith.andi %lt3A, %eq3A_434 : vector<16xi1>
        %shift_right_logical3A = vector.broadcast %sub3A_386 : i32 to vector<16xi32>
        %shift_right_logical3A_436 = arith.shrui %get3A_426, %shift_right_logical3A : vector<16xi32>
        %and3A_437 = arith.constant 15 : i32
        %and3A_438 = vector.broadcast %and3A_437 : i32 to vector<16xi32>
        %and3A_439 = arith.andi %shift_right_logical3A_436, %and3A_438 : vector<16xi32>
        %mul3A_440 = arith.constant 16 : i32
        %mul3A_441 = vector.broadcast %mul3A_440 : i32 to vector<16xi32>
        %mul3A_442 = arith.muli %and3A_439, %mul3A_441 : vector<16xi32>
        %add3A_443 = arith.addi %mul3A_442, %iota3A : vector<16xi32>
        tpu.vector_store_idx %arg7[%add3A_443], %broadcast_in_dim3A_1 masked %and3A_435 {add = true} : memref<4096xi32, #tpu.memory_space<vmem>>[vector<16xi32>], vector<16xi32>, vector<16xi1>
        %while3A_444 = arith.constant 0 : i32
        scf.yield %while3A_444 : i32
      }
      %while3A_397 = arith.constant 1 : i32
      %while3A_398 = scf.for %while3A_422 = %while3A_394 to %while3A_390 step %while3A_397 iter_args(%while3A_423 = %while3A_396) -> (i32)  : i32 {
        %mul3A_424 = arith.constant 16 : i32
        %mul3A_425 = arith.muli %while3A_422, %mul3A_424 : i32
        %get3A = arith.index_cast %mul3A_425 : i32 to index
        %get3A_426 = tpu.vector_load %arg10[%get3A] {strides = array<i32>} : memref<4240xi32, #tpu.memory_space<vmem>>, vector<16xi32>,
        %mul3A_427 = arith.constant 16 : i32
        %mul3A_428 = arith.muli %while3A_422, %mul3A_427 : i32
        %add3A_429 = vector.broadcast %mul3A_428 : i32 to vector<16xi32>
        %add3A_430 = arith.addi %add3A_429, %iota3A : vector<16xi32>
        %lt3A = arith.cmpi slt, %add3A_430, %broadcast_in_dim3A_115 : vector<16xi32>
        %and3A_431 = vector.broadcast %while3A_379 : i32 to vector<16xi32>
        %and3A_432 = arith.andi %get3A_426, %and3A_431 : vector<16xi32>
        %eq3A_433 = vector.broadcast %while3A_380 : i32 to vector<16xi32>
        %eq3A_434 = arith.cmpi eq, %and3A_432, %eq3A_433 : vector<16xi32>
        %and3A_435 = arith.andi %lt3A, %eq3A_434 : vector<16xi1>
        %shift_right_logical3A = vector.broadcast %sub3A_386 : i32 to vector<16xi32>
        %shift_right_logical3A_436 = arith.shrui %get3A_426, %shift_right_logical3A : vector<16xi32>
        %and3A_437 = arith.constant 15 : i32
        %and3A_438 = vector.broadcast %and3A_437 : i32 to vector<16xi32>
        %and3A_439 = arith.andi %shift_right_logical3A_436, %and3A_438 : vector<16xi32>
        %mul3A_440 = arith.constant 16 : i32
        %mul3A_441 = vector.broadcast %mul3A_440 : i32 to vector<16xi32>
        %mul3A_442 = arith.muli %and3A_439, %mul3A_441 : vector<16xi32>
        %add3A_443 = arith.addi %mul3A_442, %iota3A : vector<16xi32>
        tpu.vector_store_idx %arg7[%add3A_443], %broadcast_in_dim3A_1 masked %and3A_435 {add = true} : memref<4096xi32, #tpu.memory_space<vmem>>[vector<16xi32>], vector<16xi32>, vector<16xi1>
        %while3A_444 = arith.constant 0 : i32
        scf.yield %while3A_444 : i32
      }
      %while3A_399 = arith.constant 15 : i32
      %while3A_400 = arith.constant 0 : i32
      %while3A_401 = arith.constant 0 : i32
      %while3A_402:3 = scf.while (%while3A_422 = %while3A_399, %while3A_423 = %while3A_400, %while3A_424 = %while3A_401) : (i32, i32, i32) -> (i32, i32, i32) {
        %lt3A = arith.cmpi slt, %while3A_423, %while3A_381 : i32
        scf.condition(%lt3A) %while3A_422, %while3A_423, %while3A_424 : i32, i32, i32
      } do {
      ^bb0(%while3A_422: i32, %while3A_423: i32, %while3A_424: i32):
        %mul3A_425 = arith.constant 16 : i32
        %mul3A_426 = arith.muli %while3A_422, %mul3A_425 : i32
        %get3A = arith.index_cast %mul3A_426 : i32 to index
        %get3A_427 = tpu.vector_load %arg7[%get3A] {strides = array<i32>} : memref<4096xi32, #tpu.memory_space<vmem>>, vector<16xi32>,
        %mul3A_428 = arith.constant 16 : i32
        %mul3A_429 = arith.muli %while3A_422, %mul3A_428 : i32
        %swap3A = arith.index_cast %mul3A_429 : i32 to index
        %swap3A_430 = tpu.vector_load %arg7[%swap3A] {strides = array<i32>} : memref<4096xi32, #tpu.memory_space<vmem>>, vector<16xi32>,
        tpu.vector_store %arg7[%swap3A], %broadcast_in_dim3A_3 {strides = array<i32>} : memref<4096xi32, #tpu.memory_space<vmem>>, vector<16xi32>,
        %sub3A_431 = arith.constant 1 : i32
        %sub3A_432 = arith.subi %while3A_422, %sub3A_431 : i32
        %reduce_sum3A = arith.constant true
        %reduce_sum3A_433 = vector.broadcast %reduce_sum3A : i1 to vector<16xi1>
        %reduce_sum3A_434 = tpu.scan <sum>, %get3A_427 masked %reduce_sum3A_433 : vector<16xi32>, vector<16xi1> -> vector<16xi32>
        %reduce_sum3A_435 = vector.extract %reduce_sum3A_434[15] : i32 from vector<16xi32>
        %add3A_436 = arith.addi %while3A_423, %reduce_sum3A_435 : i32
        scf.yield %sub3A_432, %add3A_436, %while3A_423 : i32, i32, i32
      }
      %add3A_403 = arith.constant 1 : i32
      %add3A_404 = arith.addi %while3A_402#0, %add3A_403 : i32
      %while3A_405 = arith.constant 0 : i32
      %while3A_406 = arith.constant 0 : i32
      %while3A_407 = arith.subi %add3A_404, %while3A_405 : i32
      %while3A_408 = arith.addi %while3A_405, %while3A_407 : i32
      %while3A_409 = arith.constant 1 : i32
      %while3A_410 = arith.divsi %while3A_407, %while3A_409 : i32
      %while3A_411 = arith.muli %while3A_410, %while3A_409 : i32
      %while3A_412 = arith.addi %while3A_405, %while3A_411 : i32
      %while3A_413 = arith.constant 1 : i32
      %while3A_414 = scf.for %while3A_422 = %while3A_405 to %while3A_412 step %while3A_413 iter_args(%while3A_423 = %while3A_406) -> (i32)  : i32 {
        %mul3A_424 = arith.constant 16 : i32
        %mul3A_425 = arith.muli %while3A_422, %mul3A_424 : i32
        %swap3A = arith.index_cast %mul3A_425 : i32 to index
        %swap3A_426 = tpu.vector_load %arg7[%swap3A] {strides = array<i32>} : memref<4096xi32, #tpu.memory_space<vmem>>, vector<16xi32>,
        tpu.vector_store %arg7[%swap3A], %broadcast_in_dim3A_3 {strides = array<i32>} : memref<4096xi32, #tpu.memory_space<vmem>>, vector<16xi32>,
        %while3A_427 = arith.constant 0 : i32
        scf.yield %while3A_427 : i32
      }
      %while3A_415 = arith.constant 1 : i32
      %while3A_416 = scf.for %while3A_422 = %while3A_412 to %while3A_408 step %while3A_415 iter_args(%while3A_423 = %while3A_414) -> (i32)  : i32 {
        %mul3A_424 = arith.constant 16 : i32
        %mul3A_425 = arith.muli %while3A_422, %mul3A_424 : i32
        %swap3A = arith.index_cast %mul3A_425 : i32 to index
        %swap3A_426 = tpu.vector_load %arg7[%swap3A] {strides = array<i32>} : memref<4096xi32, #tpu.memory_space<vmem>>, vector<16xi32>,
        tpu.vector_store %arg7[%swap3A], %broadcast_in_dim3A_3 {strides = array<i32>} : memref<4096xi32, #tpu.memory_space<vmem>>, vector<16xi32>,
        %while3A_427 = arith.constant 0 : i32
        scf.yield %while3A_427 : i32
      }
      %sub3A_417 = arith.subi %while3A_402#1, %while3A_402#2 : i32
      %shift_left3A = arith.shli %add3A_404, %sub3A_386 : i32
      %or3A = arith.ori %while3A_380, %shift_left3A : i32
      %shift_left3A_418 = arith.constant 15 : i32
      %shift_left3A_419 = arith.shli %shift_left3A_418, %sub3A_386 : i32
      %or3A_420 = arith.ori %while3A_379, %shift_left3A_419 : i32
      %sub3A_421 = arith.subi %while3A_381, %while3A_402#2 : i32
      scf.yield %or3A_420, %or3A, %sub3A_421 : i32, i32, i32
    }
    %eq3A = arith.constant 0 : i32
    %eq3A_140 = arith.cmpi eq, %cond3A_94#4, %eq3A : i32
    %broadcast_in_dim3A_141 = vector.broadcast %while3A_139#1 : i32 to vector<16xi32>
    %broadcast_in_dim3A_142 = vector.broadcast %while3A_139#2 : i32 to vector<16xi32>
    %broadcast_in_dim3A_143 = vector.broadcast %cond3A_94#3 : i32 to vector<16xi32>
    %add3A_144 = arith.constant 16 : i32
    %add3A_145 = arith.addi %cond3A_94#3, %add3A_144 : i32
    %sub3A_146 = arith.constant 1 : i32
    %sub3A_147 = arith.subi %add3A_145, %sub3A_146 : i32
    %jit3A_148 = arith.constant 16 : i32
    %div3A_149 = arith.divsi %sub3A_147, %jit3A_148 : i32
    %sign3A_150 = arith.constant 0 : i32
    %sign3A_151 = arith.cmpi sgt, %sub3A_147, %sign3A_150 : i32
    %sign3A_152 = arith.extui %sign3A_151 : i1 to i32
    %sign3A_153 = arith.constant 0 : i32
    %sign3A_154 = arith.cmpi slt, %sub3A_147, %sign3A_153 : i32
    %sign3A_155 = arith.extui %sign3A_154 : i1 to i32
    %sign3A_156 = arith.subi %sign3A_152, %sign3A_155 : i32
    %sign3A_157 = arith.constant 0 : i32
    %sign3A_158 = arith.cmpi sgt, %jit3A_148, %sign3A_157 : i32
    %sign3A_159 = arith.extui %sign3A_158 : i1 to i32
    %sign3A_160 = arith.constant 0 : i32
    %sign3A_161 = arith.cmpi slt, %jit3A_148, %sign3A_160 : i32
    %sign3A_162 = arith.extui %sign3A_161 : i1 to i32
    %sign3A_163 = arith.subi %sign3A_159, %sign3A_162 : i32
    %ne3A_164 = arith.cmpi ne, %sign3A_156, %sign3A_163 : i32
    %rem3A_165 = arith.remsi %sub3A_147, %jit3A_148 : i32
    %ne3A_166 = arith.constant 0 : i32
    %ne3A_167 = arith.cmpi ne, %rem3A_165, %ne3A_166 : i32
    %and3A_168 = arith.andi %ne3A_164, %ne3A_167 : i1
    %sub3A_169 = arith.constant 1 : i32
    %sub3A_170 = arith.subi %div3A_149, %sub3A_169 : i32
    %select_n3A_171 = arith.select %and3A_168, %sub3A_170, %div3A_149 : i32
    %convert_element_type3A_172 = arith.extui %eq3A_140 : i1 to i32
    %cond3A_173 = arith.constant 0 : i32
    %cond3A_174 = arith.constant 0 : i32
    %cond3A_175 = arith.cmpi ne, %convert_element_type3A_172, %cond3A_174 : i32
    %cond3A_176 = scf.if %cond3A_175 -> (i32) {
      %scan3A_378 = arith.constant 0 : i32
      %scan3A_379 = arith.constant 0 : i32
      %scan3A_380 = arith.constant 2048 : i32
      %scan3A_381 = arith.addi %scan3A_379, %scan3A_380 : i32
      %scan3A_382 = arith.constant 1 : i32
      %scan3A_383 = scf.for %scan3A_386 = %scan3A_379 to %scan3A_381 step %scan3A_382 iter_args(%scan3A_387 = %scan3A_378) -> (i32)  : i32 {
        %mul3A_388 = arith.constant 16 : i32
        %mul3A_389 = arith.muli %scan3A_386, %mul3A_388 : i32
        %get3A = arith.index_cast %mul3A_389 : i32 to index
        %get3A_390 = tpu.vector_load %arg4[%get3A] {strides = array<i32>} : memref<32768xf32, #tpu.memory_space<vmem>>, vector<16xf32>,
        %bitcast_convert_type3A = tpu.bitcast %get3A_390 : vector<16xf32> -> vector<16xi32>
        %shift_right_arithmetic3A = arith.constant 31 : i32
        %shift_right_arithmetic3A_391 = vector.broadcast %shift_right_arithmetic3A : i32 to vector<16xi32>
        %shift_right_arithmetic3A_392 = arith.shrsi %bitcast_convert_type3A, %shift_right_arithmetic3A_391 : vector<16xi32>
        %or3A = arith.constant -2147483648 : i32
        %or3A_393 = vector.broadcast %or3A : i32 to vector<16xi32>
        %or3A_394 = arith.ori %shift_right_arithmetic3A_392, %or3A_393 : vector<16xi32>
        %xor3A = arith.xori %bitcast_convert_type3A, %or3A_394 : vector<16xi32>
        %bitcast_convert_type3A_395 = tpu.bitcast %xor3A : vector<16xi32> -> vector<16xi32>
        %gt3A = arith.cmpi ugt, %bitcast_convert_type3A_395, %broadcast_in_dim3A_141 : vector<16xi32>
        %eq3A_396 = arith.cmpi eq, %bitcast_convert_type3A_395, %broadcast_in_dim3A_141 : vector<16xi32>
        %convert_element_type3A_397 = arith.extui %eq3A_396 : vector<16xi1> to vector<16xi32>
        %cumsum3A = arith.constant true
        %cumsum3A_398 = vector.broadcast %cumsum3A : i1 to vector<16xi1>
        %cumsum3A_399 = tpu.scan <sum>, %convert_element_type3A_397 masked %cumsum3A_398 : vector<16xi32>, vector<16xi1> -> vector<16xi32>
        %add3A_400 = vector.broadcast %scan3A_387 : i32 to vector<16xi32>
        %add3A_401 = arith.addi %cumsum3A_399, %add3A_400 : vector<16xi32>
        %le3A_402 = arith.cmpi sle, %add3A_401, %broadcast_in_dim3A_142 : vector<16xi32>
        %and3A_403 = arith.andi %eq3A_396, %le3A_402 : vector<16xi1>
        %or3A_404 = arith.ori %gt3A, %and3A_403 : vector<16xi1>
        %select_n3A_405 = arith.select %or3A_404, %get3A_390, %broadcast_in_dim3A_5 : vector<16xi1>, vector<16xf32>
        %mul3A_406 = arith.constant 16 : i32
        %mul3A_407 = arith.muli %scan3A_386, %mul3A_406 : i32
        %swap3A = arith.index_cast %mul3A_407 : i32 to index
        %swap3A_408 = tpu.vector_load %arg6[%swap3A] {strides = array<i32>} : memref<32768xf32, #tpu.memory_space<vmem>>, vector<16xf32>,
        tpu.vector_store %arg6[%swap3A], %select_n3A_405 {strides = array<i32>} : memref<32768xf32, #tpu.memory_space<vmem>>, vector<16xf32>,
        %reduce_max3A = arith.constant true
        %reduce_max3A_409 = vector.broadcast %reduce_max3A : i1 to vector<16xi1>
        %reduce_max3A_410 = arith.constant -2147483648 : i32
        %reduce_max3A_411 = vector.broadcast %reduce_max3A_410 : i32 to vector<16xi32>
        %reduce_max3A_412 = arith.xori %cumsum3A_399, %reduce_max3A_411 : vector<16xi32>
        %reduce_max3A_413 = tpu.scan <max>, %reduce_max3A_412 masked %reduce_max3A_409 : vector<16xi32>, vector<16xi1> -> vector<16xi32>
        %reduce_max3A_414 = arith.xori %reduce_max3A_413, %reduce_max3A_411 : vector<16xi32>
        %reduce_max3A_415 = vector.extract %reduce_max3A_414[15] : i32 from vector<16xi32>
        %add3A_416 = arith.addi %scan3A_387, %reduce_max3A_415 : i32
        scf.yield %add3A_416 : i32
      }
      %scan3A_384 = arith.constant 2048 : i32
      %cond3A_385 = arith.constant 0 : i32
      scf.yield %cond3A_385 : i32
    } else {
      %while3A_378 = arith.constant 0 : i32
      %while3A_379 = arith.constant 0 : i32
      %while3A_380 = arith.subi %select_n3A_171, %while3A_378 : i32
      %while3A_381 = arith.addi %while3A_378, %while3A_380 : i32
      %while3A_382 = arith.constant 1 : i32
      %while3A_383 = arith.divsi %while3A_380, %while3A_382 : i32
      %while3A_384 = arith.muli %while3A_383, %while3A_382 : i32
      %while3A_385 = arith.addi %while3A_378, %while3A_384 : i32
      %while3A_386 = arith.constant 1 : i32
      %while3A_387 = scf.for %while3A_391 = %while3A_378 to %while3A_385 step %while3A_386 iter_args(%while3A_392 = %while3A_379) -> (i32)  : i32 {
        %mul3A_393 = arith.constant 16 : i32
        %mul3A_394 = arith.muli %while3A_391, %mul3A_393 : i32
        %get3A = arith.index_cast %mul3A_394 : i32 to index
        %get3A_395 = tpu.vector_load %arg8[%get3A] {strides = array<i32>} : memref<4240xi32, #tpu.memory_space<vmem>>, vector<16xi32>,
        %mul3A_396 = arith.constant 16 : i32
        %mul3A_397 = arith.muli %while3A_391, %mul3A_396 : i32
        %add3A_398 = vector.broadcast %mul3A_397 : i32 to vector<16xi32>
        %add3A_399 = arith.addi %add3A_398, %iota3A : vector<16xi32>
        %lt3A = arith.cmpi slt, %add3A_399, %broadcast_in_dim3A_143 : vector<16xi32>
        %mul3A_400 = arith.constant 16 : i32
        %mul3A_401 = arith.muli %while3A_391, %mul3A_400 : i32
        %get3A_402 = arith.index_cast %mul3A_401 : i32 to index
        %get3A_403 = tpu.vector_load %arg10[%get3A_402] {strides = array<i32>} : memref<4240xi32, #tpu.memory_space<vmem>>, vector<16xi32>,
        %bitcast_convert_type3A = tpu.bitcast %get3A_403 : vector<16xi32> -> vector<16xi32>
        %not3A = arith.constant dense<-1> : vector<16xi32>
        %not3A_404 = arith.xori %bitcast_convert_type3A, %not3A : vector<16xi32>
        %shift_right_arithmetic3A = arith.constant 31 : i32
        %shift_right_arithmetic3A_405 = vector.broadcast %shift_right_arithmetic3A : i32 to vector<16xi32>
        %shift_right_arithmetic3A_406 = arith.shrsi %not3A_404, %shift_right_arithmetic3A_405 : vector<16xi32>
        %or3A = arith.constant -2147483648 : i32
        %or3A_407 = vector.broadcast %or3A : i32 to vector<16xi32>
        %or3A_408 = arith.ori %shift_right_arithmetic3A_406, %or3A_407 : vector<16xi32>
        %xor3A = arith.xori %bitcast_convert_type3A, %or3A_408 : vector<16xi32>
        %bitcast_convert_type3A_409 = tpu.bitcast %xor3A : vector<16xi32> -> vector<16xf32>
        %gt3A = arith.cmpi ugt, %get3A_403, %broadcast_in_dim3A_141 : vector<16xi32>
        %and3A_410 = arith.andi %gt3A, %lt3A : vector<16xi1>
        %eq3A_411 = arith.cmpi eq, %get3A_403, %broadcast_in_dim3A_141 : vector<16xi32>
        %and3A_412 = arith.andi %eq3A_411, %lt3A : vector<16xi1>
        %convert_element_type3A_413 = arith.extui %and3A_412 : vector<16xi1> to vector<16xi32>
        %cumsum3A = arith.constant true
        %cumsum3A_414 = vector.broadcast %cumsum3A : i1 to vector<16xi1>
        %cumsum3A_415 = tpu.scan <sum>, %convert_element_type3A_413 masked %cumsum3A_414 : vector<16xi32>, vector<16xi1> -> vector<16xi32>
        %add3A_416 = vector.broadcast %while3A_392 : i32 to vector<16xi32>
        %add3A_417 = arith.addi %cumsum3A_415, %add3A_416 : vector<16xi32>
        %le3A_418 = arith.cmpi sle, %add3A_417, %broadcast_in_dim3A_142 : vector<16xi32>
        %and3A_419 = arith.andi %and3A_412, %le3A_418 : vector<16xi1>
        %or3A_420 = arith.ori %and3A_410, %and3A_419 : vector<16xi1>
        tpu.vector_store_idx %arg6[%get3A_395], %bitcast_convert_type3A_409 masked %or3A_420 : memref<32768xf32, #tpu.memory_space<vmem>>[vector<16xi32>], vector<16xf32>, vector<16xi1>
        %reduce_max3A = arith.constant true
        %reduce_max3A_421 = vector.broadcast %reduce_max3A : i1 to vector<16xi1>
        %reduce_max3A_422 = arith.constant -2147483648 : i32
        %reduce_max3A_423 = vector.broadcast %reduce_max3A_422 : i32 to vector<16xi32>
        %reduce_max3A_424 = arith.xori %cumsum3A_415, %reduce_max3A_423 : vector<16xi32>
        %reduce_max3A_425 = tpu.scan <max>, %reduce_max3A_424 masked %reduce_max3A_421 : vector<16xi32>, vector<16xi1> -> vector<16xi32>
        %reduce_max3A_426 = arith.xori %reduce_max3A_425, %reduce_max3A_423 : vector<16xi32>
        %reduce_max3A_427 = vector.extract %reduce_max3A_426[15] : i32 from vector<16xi32>
        %add3A_428 = arith.addi %while3A_392, %reduce_max3A_427 : i32
        scf.yield %add3A_428 : i32
      }
      %while3A_388 = arith.constant 1 : i32
      %while3A_389 = scf.for %while3A_391 = %while3A_385 to %while3A_381 step %while3A_388 iter_args(%while3A_392 = %while3A_387) -> (i32)  : i32 {
        %mul3A_393 = arith.constant 16 : i32
        %mul3A_394 = arith.muli %while3A_391, %mul3A_393 : i32
        %get3A = arith.index_cast %mul3A_394 : i32 to index
        %get3A_395 = tpu.vector_load %arg8[%get3A] {strides = array<i32>} : memref<4240xi32, #tpu.memory_space<vmem>>, vector<16xi32>,
        %mul3A_396 = arith.constant 16 : i32
        %mul3A_397 = arith.muli %while3A_391, %mul3A_396 : i32
        %add3A_398 = vector.broadcast %mul3A_397 : i32 to vector<16xi32>
        %add3A_399 = arith.addi %add3A_398, %iota3A : vector<16xi32>
        %lt3A = arith.cmpi slt, %add3A_399, %broadcast_in_dim3A_143 : vector<16xi32>
        %mul3A_400 = arith.constant 16 : i32
        %mul3A_401 = arith.muli %while3A_391, %mul3A_400 : i32
        %get3A_402 = arith.index_cast %mul3A_401 : i32 to index
        %get3A_403 = tpu.vector_load %arg10[%get3A_402] {strides = array<i32>} : memref<4240xi32, #tpu.memory_space<vmem>>, vector<16xi32>,
        %bitcast_convert_type3A = tpu.bitcast %get3A_403 : vector<16xi32> -> vector<16xi32>
        %not3A = arith.constant dense<-1> : vector<16xi32>
        %not3A_404 = arith.xori %bitcast_convert_type3A, %not3A : vector<16xi32>
        %shift_right_arithmetic3A = arith.constant 31 : i32
        %shift_right_arithmetic3A_405 = vector.broadcast %shift_right_arithmetic3A : i32 to vector<16xi32>
        %shift_right_arithmetic3A_406 = arith.shrsi %not3A_404, %shift_right_arithmetic3A_405 : vector<16xi32>
        %or3A = arith.constant -2147483648 : i32
        %or3A_407 = vector.broadcast %or3A : i32 to vector<16xi32>
        %or3A_408 = arith.ori %shift_right_arithmetic3A_406, %or3A_407 : vector<16xi32>
        %xor3A = arith.xori %bitcast_convert_type3A, %or3A_408 : vector<16xi32>
        %bitcast_convert_type3A_409 = tpu.bitcast %xor3A : vector<16xi32> -> vector<16xf32>
        %gt3A = arith.cmpi ugt, %get3A_403, %broadcast_in_dim3A_141 : vector<16xi32>
        %and3A_410 = arith.andi %gt3A, %lt3A : vector<16xi1>
        %eq3A_411 = arith.cmpi eq, %get3A_403, %broadcast_in_dim3A_141 : vector<16xi32>
        %and3A_412 = arith.andi %eq3A_411, %lt3A : vector<16xi1>
        %convert_element_type3A_413 = arith.extui %and3A_412 : vector<16xi1> to vector<16xi32>
        %cumsum3A = arith.constant true
        %cumsum3A_414 = vector.broadcast %cumsum3A : i1 to vector<16xi1>
        %cumsum3A_415 = tpu.scan <sum>, %convert_element_type3A_413 masked %cumsum3A_414 : vector<16xi32>, vector<16xi1> -> vector<16xi32>
        %add3A_416 = vector.broadcast %while3A_392 : i32 to vector<16xi32>
        %add3A_417 = arith.addi %cumsum3A_415, %add3A_416 : vector<16xi32>
        %le3A_418 = arith.cmpi sle, %add3A_417, %broadcast_in_dim3A_142 : vector<16xi32>
        %and3A_419 = arith.andi %and3A_412, %le3A_418 : vector<16xi1>
        %or3A_420 = arith.ori %and3A_410, %and3A_419 : vector<16xi1>
        tpu.vector_store_idx %arg6[%get3A_395], %bitcast_convert_type3A_409 masked %or3A_420 : memref<32768xf32, #tpu.memory_space<vmem>>[vector<16xi32>], vector<16xf32>, vector<16xi1>
        %reduce_max3A = arith.constant true
        %reduce_max3A_421 = vector.broadcast %reduce_max3A : i1 to vector<16xi1>
        %reduce_max3A_422 = arith.constant -2147483648 : i32
        %reduce_max3A_423 = vector.broadcast %reduce_max3A_422 : i32 to vector<16xi32>
        %reduce_max3A_424 = arith.xori %cumsum3A_415, %reduce_max3A_423 : vector<16xi32>
        %reduce_max3A_425 = tpu.scan <max>, %reduce_max3A_424 masked %reduce_max3A_421 : vector<16xi32>, vector<16xi1> -> vector<16xi32>
        %reduce_max3A_426 = arith.xori %reduce_max3A_425, %reduce_max3A_423 : vector<16xi32>
        %reduce_max3A_427 = vector.extract %reduce_max3A_426[15] : i32 from vector<16xi32>
        %add3A_428 = arith.addi %while3A_392, %reduce_max3A_427 : i32
        scf.yield %add3A_428 : i32
      }
      %cond3A_390 = arith.constant 0 : i32
      scf.yield %cond3A_390 : i32
    }
    %dma_start3A_177 = arith.constant 0 : i32
    %dma_start3A_178 = tpu.memref_slice %arg3[%mul3A_7, %dma_start3A_177] : memref<64x32768xf32, #tpu.memory_space<hbm>> -> memref<1x32768xf32, #tpu.memory_space<hbm>>
    %dma_start3A_179 = tpu.memref_squeeze %dma_start3A_178 : memref<1x32768xf32, #tpu.memory_space<hbm>> -> memref<32768xf32, #tpu.memory_space<hbm>>
    %dma_start3A_180 = arith.constant 0 : i32
    %dma_start3A_181 = tpu.memref_slice %arg3[%mul3A_7, %dma_start3A_180] : memref<64x32768xf32, #tpu.memory_space<hbm>> -> memref<1x32768xf32, #tpu.memory_space<hbm>>
    %dma_start3A_182 = tpu.memref_squeeze %dma_start3A_181 : memref<1x32768xf32, #tpu.memory_space<hbm>> -> memref<32768xf32, #tpu.memory_space<hbm>>
    tpu.enqueue_dma source(%arg6 : memref<32768xf32, #tpu.memory_space<vmem>>) target(%dma_start3A_182 : memref<32768xf32, #tpu.memory_space<hbm>>) target_semaphore(%arg13 : memref<!tpu.dma_semaphore, #tpu.memory_space<semaphore_mem>>)
    %dma_wait3A_183 = arith.constant 0 : i32
    %dma_wait3A_184 = tpu.memref_slice %arg2[%add3A_14, %dma_wait3A_183] : memref<64x32768xf32, #tpu.memory_space<hbm>> -> memref<1x32768xf32, #tpu.memory_space<hbm>>
    %dma_wait3A_185 = tpu.memref_squeeze %dma_wait3A_184 : memref<1x32768xf32, #tpu.memory_space<hbm>> -> memref<32768xf32, #tpu.memory_space<hbm>>
    %dma_wait3A_186 = arith.constant 0 : i32
    %dma_wait3A_187 = tpu.memref_slice %arg2[%add3A_14, %dma_wait3A_186] : memref<64x32768xf32, #tpu.memory_space<hbm>> -> memref<1x32768xf32, #tpu.memory_space<hbm>>
    %dma_wait3A_188 = tpu.memref_squeeze %dma_wait3A_187 : memref<1x32768xf32, #tpu.memory_space<hbm>> -> memref<32768xf32, #tpu.memory_space<hbm>>
    tpu.wait_dma2 semaphore(%arg12 : memref<!tpu.dma_semaphore, #tpu.memory_space<semaphore_mem>>) src(%dma_wait3A_188 : memref<32768xf32, #tpu.memory_space<hbm>>) dst(%arg5 : memref<32768xf32, #tpu.memory_space<vmem>>)
    %broadcast_in_dim3A_189 = arith.constant 0xFF800000 : f32
    %broadcast_in_dim3A_190 = vector.broadcast %broadcast_in_dim3A_189 : f32 to vector<16xf32>
    %scan3A_191 = arith.constant 0 : i32
    %scan3A_192 = arith.constant 256 : i32
    %scan3A_193 = arith.addi %scan3A_191, %scan3A_192 : i32
    %scan3A_194 = arith.constant 1 : i32
    %scan3A_195:16 = scf.for %scan3A_378 = %scan3A_191 to %scan3A_193 step %scan3A_194 iter_args(%scan3A_379 = %broadcast_in_dim3A_190, %scan3A_380 = %broadcast_in_dim3A_190, %scan3A_381 = %broadcast_in_dim3A_190, %scan3A_382 = %broadcast_in_dim3A_190, %scan3A_383 = %broadcast_in_dim3A_190, %scan3A_384 = %broadcast_in_dim3A_190, %scan3A_385 = %broadcast_in_dim3A_190, %scan3A_386 = %broadcast_in_dim3A_190, %scan3A_387 = %broadcast_in_dim3A_190, %scan3A_388 = %broadcast_in_dim3A_190, %scan3A_389 = %broadcast_in_dim3A_190, %scan3A_390 = %broadcast_in_dim3A_190, %scan3A_391 = %broadcast_in_dim3A_190, %scan3A_392 = %broadcast_in_dim3A_190, %scan3A_393 = %broadcast_in_dim3A_190, %scan3A_394 = %broadcast_in_dim3A_190) -> (vector<16xf32>, vector<16xf32>, vector<16xf32>, vector<16xf32>, vector<16xf32>, vector<16xf32>, vector<16xf32>, vector<16xf32>, vector<16xf32>, vector<16xf32>, vector<16xf32>, vector<16xf32>, vector<16xf32>, vector<16xf32>, vector<16xf32>, vector<16xf32>)  : i32 {
      %mul3A_395 = arith.constant 8 : i32
      %mul3A_396 = arith.muli %scan3A_378, %mul3A_395 : i32
      %add3A_397 = arith.constant 0 : i32
      %add3A_398 = arith.addi %mul3A_396, %add3A_397 : i32
      %mul3A_399 = arith.constant 16 : i32
      %mul3A_400 = arith.muli %add3A_398, %mul3A_399 : i32
      %get3A = arith.index_cast %mul3A_400 : i32 to index
      %get3A_401 = tpu.vector_load %arg5[%get3A] {strides = array<i32>} : memref<32768xf32, #tpu.memory_space<vmem>>, vector<16xf32>,
      %min3A_402 = arith.minimumf %scan3A_379, %get3A_401 : vector<16xf32>
      %max3A_403 = arith.maximumf %scan3A_387, %min3A_402 : vector<16xf32>
      %max3A_404 = arith.maximumf %scan3A_379, %get3A_401 : vector<16xf32>
      %mul3A_405 = arith.constant 8 : i32
      %mul3A_406 = arith.muli %scan3A_378, %mul3A_405 : i32
      %add3A_407 = arith.constant 1 : i32
      %add3A_408 = arith.addi %mul3A_406, %add3A_407 : i32
      %mul3A_409 = arith.constant 16 : i32
      %mul3A_410 = arith.muli %add3A_408, %mul3A_409 : i32
      %get3A_411 = arith.index_cast %mul3A_410 : i32 to index
      %get3A_412 = tpu.vector_load %arg5[%get3A_411] {strides = array<i32>} : memref<32768xf32, #tpu.memory_space<vmem>>, vector<16xf32>,
      %min3A_413 = arith.minimumf %scan3A_380, %get3A_412 : vector<16xf32>
      %max3A_414 = arith.maximumf %scan3A_388, %min3A_413 : vector<16xf32>
      %max3A_415 = arith.maximumf %scan3A_380, %get3A_412 : vector<16xf32>
      %mul3A_416 = arith.constant 8 : i32
      %mul3A_417 = arith.muli %scan3A_378, %mul3A_416 : i32
      %add3A_418 = arith.constant 2 : i32
      %add3A_419 = arith.addi %mul3A_417, %add3A_418 : i32
      %mul3A_420 = arith.constant 16 : i32
      %mul3A_421 = arith.muli %add3A_419, %mul3A_420 : i32
      %get3A_422 = arith.index_cast %mul3A_421 : i32 to index
      %get3A_423 = tpu.vector_load %arg5[%get3A_422] {strides = array<i32>} : memref<32768xf32, #tpu.memory_space<vmem>>, vector<16xf32>,
      %min3A_424 = arith.minimumf %scan3A_381, %get3A_423 : vector<16xf32>
      %max3A_425 = arith.maximumf %scan3A_389, %min3A_424 : vector<16xf32>
      %max3A_426 = arith.maximumf %scan3A_381, %get3A_423 : vector<16xf32>
      %mul3A_427 = arith.constant 8 : i32
      %mul3A_428 = arith.muli %scan3A_378, %mul3A_427 : i32
      %add3A_429 = arith.constant 3 : i32
      %add3A_430 = arith.addi %mul3A_428, %add3A_429 : i32
      %mul3A_431 = arith.constant 16 : i32
      %mul3A_432 = arith.muli %add3A_430, %mul3A_431 : i32
      %get3A_433 = arith.index_cast %mul3A_432 : i32 to index
      %get3A_434 = tpu.vector_load %arg5[%get3A_433] {strides = array<i32>} : memref<32768xf32, #tpu.memory_space<vmem>>, vector<16xf32>,
      %min3A_435 = arith.minimumf %scan3A_382, %get3A_434 : vector<16xf32>
      %max3A_436 = arith.maximumf %scan3A_390, %min3A_435 : vector<16xf32>
      %max3A_437 = arith.maximumf %scan3A_382, %get3A_434 : vector<16xf32>
      %mul3A_438 = arith.constant 8 : i32
      %mul3A_439 = arith.muli %scan3A_378, %mul3A_438 : i32
      %add3A_440 = arith.constant 4 : i32
      %add3A_441 = arith.addi %mul3A_439, %add3A_440 : i32
      %mul3A_442 = arith.constant 16 : i32
      %mul3A_443 = arith.muli %add3A_441, %mul3A_442 : i32
      %get3A_444 = arith.index_cast %mul3A_443 : i32 to index
      %get3A_445 = tpu.vector_load %arg5[%get3A_444] {strides = array<i32>} : memref<32768xf32, #tpu.memory_space<vmem>>, vector<16xf32>,
      %min3A_446 = arith.minimumf %scan3A_383, %get3A_445 : vector<16xf32>
      %max3A_447 = arith.maximumf %scan3A_391, %min3A_446 : vector<16xf32>
      %max3A_448 = arith.maximumf %scan3A_383, %get3A_445 : vector<16xf32>
      %mul3A_449 = arith.constant 8 : i32
      %mul3A_450 = arith.muli %scan3A_378, %mul3A_449 : i32
      %add3A_451 = arith.constant 5 : i32
      %add3A_452 = arith.addi %mul3A_450, %add3A_451 : i32
      %mul3A_453 = arith.constant 16 : i32
      %mul3A_454 = arith.muli %add3A_452, %mul3A_453 : i32
      %get3A_455 = arith.index_cast %mul3A_454 : i32 to index
      %get3A_456 = tpu.vector_load %arg5[%get3A_455] {strides = array<i32>} : memref<32768xf32, #tpu.memory_space<vmem>>, vector<16xf32>,
      %min3A_457 = arith.minimumf %scan3A_384, %get3A_456 : vector<16xf32>
      %max3A_458 = arith.maximumf %scan3A_392, %min3A_457 : vector<16xf32>
      %max3A_459 = arith.maximumf %scan3A_384, %get3A_456 : vector<16xf32>
      %mul3A_460 = arith.constant 8 : i32
      %mul3A_461 = arith.muli %scan3A_378, %mul3A_460 : i32
      %add3A_462 = arith.constant 6 : i32
      %add3A_463 = arith.addi %mul3A_461, %add3A_462 : i32
      %mul3A_464 = arith.constant 16 : i32
      %mul3A_465 = arith.muli %add3A_463, %mul3A_464 : i32
      %get3A_466 = arith.index_cast %mul3A_465 : i32 to index
      %get3A_467 = tpu.vector_load %arg5[%get3A_466] {strides = array<i32>} : memref<32768xf32, #tpu.memory_space<vmem>>, vector<16xf32>,
      %min3A_468 = arith.minimumf %scan3A_385, %get3A_467 : vector<16xf32>
      %max3A_469 = arith.maximumf %scan3A_393, %min3A_468 : vector<16xf32>
      %max3A_470 = arith.maximumf %scan3A_385, %get3A_467 : vector<16xf32>
      %mul3A_471 = arith.constant 8 : i32
      %mul3A_472 = arith.muli %scan3A_378, %mul3A_471 : i32
      %add3A_473 = arith.constant 7 : i32
      %add3A_474 = arith.addi %mul3A_472, %add3A_473 : i32
      %mul3A_475 = arith.constant 16 : i32
      %mul3A_476 = arith.muli %add3A_474, %mul3A_475 : i32
      %get3A_477 = arith.index_cast %mul3A_476 : i32 to index
      %get3A_478 = tpu.vector_load %arg5[%get3A_477] {strides = array<i32>} : memref<32768xf32, #tpu.memory_space<vmem>>, vector<16xf32>,
      %min3A_479 = arith.minimumf %scan3A_386, %get3A_478 : vector<16xf32>
      %max3A_480 = arith.maximumf %scan3A_394, %min3A_479 : vector<16xf32>
      %max3A_481 = arith.maximumf %scan3A_386, %get3A_478 : vector<16xf32>
      scf.yield %max3A_404, %max3A_415, %max3A_426, %max3A_437, %max3A_448, %max3A_459, %max3A_470, %max3A_481, %max3A_403, %max3A_414, %max3A_425, %max3A_436, %max3A_447, %max3A_458, %max3A_469, %max3A_480 : vector<16xf32>, vector<16xf32>, vector<16xf32>, vector<16xf32>, vector<16xf32>, vector<16xf32>, vector<16xf32>, vector<16xf32>, vector<16xf32>, vector<16xf32>, vector<16xf32>, vector<16xf32>, vector<16xf32>, vector<16xf32>, vector<16xf32>, vector<16xf32>
    }
    %scan3A_196 = arith.constant 256 : i32
    %max3A_197 = arith.maximumf %scan3A_195#0, %scan3A_195#1 : vector<16xf32>
    %min3A_198 = arith.minimumf %scan3A_195#0, %scan3A_195#1 : vector<16xf32>
    %max3A_199 = arith.maximumf %scan3A_195#8, %scan3A_195#9 : vector<16xf32>
    %max3A_200 = arith.maximumf %min3A_198, %max3A_199 : vector<16xf32>
    %max3A_201 = arith.maximumf %scan3A_195#2, %scan3A_195#3 : vector<16xf32>
    %min3A_202 = arith.minimumf %scan3A_195#2, %scan3A_195#3 : vector<16xf32>
    %max3A_203 = arith.maximumf %scan3A_195#10, %scan3A_195#11 : vector<16xf32>
    %max3A_204 = arith.maximumf %min3A_202, %max3A_203 : vector<16xf32>
    %max3A_205 = arith.maximumf %scan3A_195#4, %scan3A_195#5 : vector<16xf32>
    %min3A_206 = arith.minimumf %scan3A_195#4, %scan3A_195#5 : vector<16xf32>
    %max3A_207 = arith.maximumf %scan3A_195#12, %scan3A_195#13 : vector<16xf32>
    %max3A_208 = arith.maximumf %min3A_206, %max3A_207 : vector<16xf32>
    %max3A_209 = arith.maximumf %scan3A_195#6, %scan3A_195#7 : vector<16xf32>
    %min3A_210 = arith.minimumf %scan3A_195#6, %scan3A_195#7 : vector<16xf32>
    %max3A_211 = arith.maximumf %scan3A_195#14, %scan3A_195#15 : vector<16xf32>
    %max3A_212 = arith.maximumf %min3A_210, %max3A_211 : vector<16xf32>
    %max3A_213 = arith.maximumf %max3A_197, %max3A_201 : vector<16xf32>
    %min3A_214 = arith.minimumf %max3A_197, %max3A_201 : vector<16xf32>
    %max3A_215 = arith.maximumf %max3A_200, %max3A_204 : vector<16xf32>
    %max3A_216 = arith.maximumf %min3A_214, %max3A_215 : vector<16xf32>
    %max3A_217 = arith.maximumf %max3A_205, %max3A_209 : vector<16xf32>
    %min3A_218 = arith.minimumf %max3A_205, %max3A_209 : vector<16xf32>
    %max3A_219 = arith.maximumf %max3A_208, %max3A_212 : vector<16xf32>
    %max3A_220 = arith.maximumf %min3A_218, %max3A_219 : vector<16xf32>
    %max3A_221 = arith.maximumf %max3A_213, %max3A_217 : vector<16xf32>
    %min3A_222 = arith.minimumf %max3A_213, %max3A_217 : vector<16xf32>
    %max3A_223 = arith.maximumf %max3A_216, %max3A_220 : vector<16xf32>
    %max3A_224 = arith.maximumf %min3A_222, %max3A_223 : vector<16xf32>
    %reduce_min3A_225 = arith.constant true
    %reduce_min3A_226 = vector.broadcast %reduce_min3A_225 : i1 to vector<16xi1>
    %reduce_min3A_227 = tpu.scan <min>, %max3A_224 masked %reduce_min3A_226 : vector<16xf32>, vector<16xi1> -> vector<16xf32>
    %reduce_min3A_228 = vector.extract %reduce_min3A_227[15] : f32 from vector<16xf32>
    %broadcast_in_dim3A_229 = vector.broadcast %reduce_min3A_228 : f32 to vector<16xf32>
    %scan3A_230 = arith.constant 0 : i32
    %scan3A_231 = arith.constant 0 : i32
    %scan3A_232 = arith.constant 256 : i32
    %scan3A_233 = arith.addi %scan3A_231, %scan3A_232 : i32
    %scan3A_234 = arith.constant 1 : i32
    %scan3A_235 = scf.for %scan3A_378 = %scan3A_231 to %scan3A_233 step %scan3A_234 iter_args(%scan3A_379 = %scan3A_230) -> (i32)  : i32 {
      %min3A_380 = arith.constant 4096 : i32
      %min3A_381 = arith.minsi %scan3A_379, %min3A_380 : i32
      %mul3A_382 = arith.constant 8 : i32
      %mul3A_383 = arith.muli %scan3A_378, %mul3A_382 : i32
      %add3A_384 = arith.constant 0 : i32
      %add3A_385 = arith.addi %mul3A_383, %add3A_384 : i32
      %mul3A_386 = arith.constant 16 : i32
      %mul3A_387 = arith.muli %add3A_385, %mul3A_386 : i32
      %get3A = arith.index_cast %mul3A_387 : i32 to index
      %get3A_388 = tpu.vector_load %arg5[%get3A] {strides = array<i32>} : memref<32768xf32, #tpu.memory_space<vmem>>, vector<16xf32>,
      %ge3A = arith.cmpf oge, %get3A_388, %broadcast_in_dim3A_229 : vector<16xf32>
      %convert_element_type3A_389 = arith.extui %ge3A : vector<16xi1> to vector<16xi32>
      %reduce_sum3A = arith.constant true
      %reduce_sum3A_390 = vector.broadcast %reduce_sum3A : i1 to vector<16xi1>
      %reduce_sum3A_391 = tpu.scan <sum>, %convert_element_type3A_389 masked %reduce_sum3A_390 : vector<16xi32>, vector<16xi1> -> vector<16xi32>
      %reduce_sum3A_392 = vector.extract %reduce_sum3A_391[15] : i32 from vector<16xi32>
      %mul3A_393 = arith.constant 8 : i32
      %mul3A_394 = arith.muli %scan3A_378, %mul3A_393 : i32
      %add3A_395 = arith.constant 1 : i32
      %add3A_396 = arith.addi %mul3A_394, %add3A_395 : i32
      %mul3A_397 = arith.constant 16 : i32
      %mul3A_398 = arith.muli %add3A_396, %mul3A_397 : i32
      %get3A_399 = arith.index_cast %mul3A_398 : i32 to index
      %get3A_400 = tpu.vector_load %arg5[%get3A_399] {strides = array<i32>} : memref<32768xf32, #tpu.memory_space<vmem>>, vector<16xf32>,
      %ge3A_401 = arith.cmpf oge, %get3A_400, %broadcast_in_dim3A_229 : vector<16xf32>
      %convert_element_type3A_402 = arith.extui %ge3A_401 : vector<16xi1> to vector<16xi32>
      %reduce_sum3A_403 = arith.constant true
      %reduce_sum3A_404 = vector.broadcast %reduce_sum3A_403 : i1 to vector<16xi1>
      %reduce_sum3A_405 = tpu.scan <sum>, %convert_element_type3A_402 masked %reduce_sum3A_404 : vector<16xi32>, vector<16xi1> -> vector<16xi32>
      %reduce_sum3A_406 = vector.extract %reduce_sum3A_405[15] : i32 from vector<16xi32>
      %mul3A_407 = arith.constant 8 : i32
      %mul3A_408 = arith.muli %scan3A_378, %mul3A_407 : i32
      %add3A_409 = arith.constant 2 : i32
      %add3A_410 = arith.addi %mul3A_408, %add3A_409 : i32
      %mul3A_411 = arith.constant 16 : i32
      %mul3A_412 = arith.muli %add3A_410, %mul3A_411 : i32
      %get3A_413 = arith.index_cast %mul3A_412 : i32 to index
      %get3A_414 = tpu.vector_load %arg5[%get3A_413] {strides = array<i32>} : memref<32768xf32, #tpu.memory_space<vmem>>, vector<16xf32>,
      %ge3A_415 = arith.cmpf oge, %get3A_414, %broadcast_in_dim3A_229 : vector<16xf32>
      %convert_element_type3A_416 = arith.extui %ge3A_415 : vector<16xi1> to vector<16xi32>
      %reduce_sum3A_417 = arith.constant true
      %reduce_sum3A_418 = vector.broadcast %reduce_sum3A_417 : i1 to vector<16xi1>
      %reduce_sum3A_419 = tpu.scan <sum>, %convert_element_type3A_416 masked %reduce_sum3A_418 : vector<16xi32>, vector<16xi1> -> vector<16xi32>
      %reduce_sum3A_420 = vector.extract %reduce_sum3A_419[15] : i32 from vector<16xi32>
      %mul3A_421 = arith.constant 8 : i32
      %mul3A_422 = arith.muli %scan3A_378, %mul3A_421 : i32
      %add3A_423 = arith.constant 3 : i32
      %add3A_424 = arith.addi %mul3A_422, %add3A_423 : i32
      %mul3A_425 = arith.constant 16 : i32
      %mul3A_426 = arith.muli %add3A_424, %mul3A_425 : i32
      %get3A_427 = arith.index_cast %mul3A_426 : i32 to index
      %get3A_428 = tpu.vector_load %arg5[%get3A_427] {strides = array<i32>} : memref<32768xf32, #tpu.memory_space<vmem>>, vector<16xf32>,
      %ge3A_429 = arith.cmpf oge, %get3A_428, %broadcast_in_dim3A_229 : vector<16xf32>
      %convert_element_type3A_430 = arith.extui %ge3A_429 : vector<16xi1> to vector<16xi32>
      %reduce_sum3A_431 = arith.constant true
      %reduce_sum3A_432 = vector.broadcast %reduce_sum3A_431 : i1 to vector<16xi1>
      %reduce_sum3A_433 = tpu.scan <sum>, %convert_element_type3A_430 masked %reduce_sum3A_432 : vector<16xi32>, vector<16xi1> -> vector<16xi32>
      %reduce_sum3A_434 = vector.extract %reduce_sum3A_433[15] : i32 from vector<16xi32>
      %mul3A_435 = arith.constant 8 : i32
      %mul3A_436 = arith.muli %scan3A_378, %mul3A_435 : i32
      %add3A_437 = arith.constant 4 : i32
      %add3A_438 = arith.addi %mul3A_436, %add3A_437 : i32
      %mul3A_439 = arith.constant 16 : i32
      %mul3A_440 = arith.muli %add3A_438, %mul3A_439 : i32
      %get3A_441 = arith.index_cast %mul3A_440 : i32 to index
      %get3A_442 = tpu.vector_load %arg5[%get3A_441] {strides = array<i32>} : memref<32768xf32, #tpu.memory_space<vmem>>, vector<16xf32>,
      %ge3A_443 = arith.cmpf oge, %get3A_442, %broadcast_in_dim3A_229 : vector<16xf32>
      %convert_element_type3A_444 = arith.extui %ge3A_443 : vector<16xi1> to vector<16xi32>
      %reduce_sum3A_445 = arith.constant true
      %reduce_sum3A_446 = vector.broadcast %reduce_sum3A_445 : i1 to vector<16xi1>
      %reduce_sum3A_447 = tpu.scan <sum>, %convert_element_type3A_444 masked %reduce_sum3A_446 : vector<16xi32>, vector<16xi1> -> vector<16xi32>
      %reduce_sum3A_448 = vector.extract %reduce_sum3A_447[15] : i32 from vector<16xi32>
      %mul3A_449 = arith.constant 8 : i32
      %mul3A_450 = arith.muli %scan3A_378, %mul3A_449 : i32
      %add3A_451 = arith.constant 5 : i32
      %add3A_452 = arith.addi %mul3A_450, %add3A_451 : i32
      %mul3A_453 = arith.constant 16 : i32
      %mul3A_454 = arith.muli %add3A_452, %mul3A_453 : i32
      %get3A_455 = arith.index_cast %mul3A_454 : i32 to index
      %get3A_456 = tpu.vector_load %arg5[%get3A_455] {strides = array<i32>} : memref<32768xf32, #tpu.memory_space<vmem>>, vector<16xf32>,
      %ge3A_457 = arith.cmpf oge, %get3A_456, %broadcast_in_dim3A_229 : vector<16xf32>
      %convert_element_type3A_458 = arith.extui %ge3A_457 : vector<16xi1> to vector<16xi32>
      %reduce_sum3A_459 = arith.constant true
      %reduce_sum3A_460 = vector.broadcast %reduce_sum3A_459 : i1 to vector<16xi1>
      %reduce_sum3A_461 = tpu.scan <sum>, %convert_element_type3A_458 masked %reduce_sum3A_460 : vector<16xi32>, vector<16xi1> -> vector<16xi32>
      %reduce_sum3A_462 = vector.extract %reduce_sum3A_461[15] : i32 from vector<16xi32>
      %mul3A_463 = arith.constant 8 : i32
      %mul3A_464 = arith.muli %scan3A_378, %mul3A_463 : i32
      %add3A_465 = arith.constant 6 : i32
      %add3A_466 = arith.addi %mul3A_464, %add3A_465 : i32
      %mul3A_467 = arith.constant 16 : i32
      %mul3A_468 = arith.muli %add3A_466, %mul3A_467 : i32
      %get3A_469 = arith.index_cast %mul3A_468 : i32 to index
      %get3A_470 = tpu.vector_load %arg5[%get3A_469] {strides = array<i32>} : memref<32768xf32, #tpu.memory_space<vmem>>, vector<16xf32>,
      %ge3A_471 = arith.cmpf oge, %get3A_470, %broadcast_in_dim3A_229 : vector<16xf32>
      %convert_element_type3A_472 = arith.extui %ge3A_471 : vector<16xi1> to vector<16xi32>
      %reduce_sum3A_473 = arith.constant true
      %reduce_sum3A_474 = vector.broadcast %reduce_sum3A_473 : i1 to vector<16xi1>
      %reduce_sum3A_475 = tpu.scan <sum>, %convert_element_type3A_472 masked %reduce_sum3A_474 : vector<16xi32>, vector<16xi1> -> vector<16xi32>
      %reduce_sum3A_476 = vector.extract %reduce_sum3A_475[15] : i32 from vector<16xi32>
      %mul3A_477 = arith.constant 8 : i32
      %mul3A_478 = arith.muli %scan3A_378, %mul3A_477 : i32
      %add3A_479 = arith.constant 7 : i32
      %add3A_480 = arith.addi %mul3A_478, %add3A_479 : i32
      %mul3A_481 = arith.constant 16 : i32
      %mul3A_482 = arith.muli %add3A_480, %mul3A_481 : i32
      %get3A_483 = arith.index_cast %mul3A_482 : i32 to index
      %get3A_484 = tpu.vector_load %arg5[%get3A_483] {strides = array<i32>} : memref<32768xf32, #tpu.memory_space<vmem>>, vector<16xf32>,
      %ge3A_485 = arith.cmpf oge, %get3A_484, %broadcast_in_dim3A_229 : vector<16xf32>
      %convert_element_type3A_486 = arith.extui %ge3A_485 : vector<16xi1> to vector<16xi32>
      %reduce_sum3A_487 = arith.constant true
      %reduce_sum3A_488 = vector.broadcast %reduce_sum3A_487 : i1 to vector<16xi1>
      %reduce_sum3A_489 = tpu.scan <sum>, %convert_element_type3A_486 masked %reduce_sum3A_488 : vector<16xi32>, vector<16xi1> -> vector<16xi32>
      %reduce_sum3A_490 = vector.extract %reduce_sum3A_489[15] : i32 from vector<16xi32>
      %add3A_491 = arith.addi %min3A_381, %reduce_sum3A_392 : i32
      %add3A_492 = arith.addi %add3A_491, %reduce_sum3A_406 : i32
      %add3A_493 = arith.addi %add3A_492, %reduce_sum3A_420 : i32
      %add3A_494 = arith.addi %add3A_493, %reduce_sum3A_434 : i32
      %add3A_495 = arith.addi %add3A_494, %reduce_sum3A_448 : i32
      %add3A_496 = arith.addi %add3A_495, %reduce_sum3A_462 : i32
      %add3A_497 = arith.addi %add3A_496, %reduce_sum3A_476 : i32
      %add3A_498 = arith.addi %add3A_497, %reduce_sum3A_490 : i32
      %mul3A_499 = arith.constant 8 : i32
      %mul3A_500 = arith.muli %scan3A_378, %mul3A_499 : i32
      %add3A_501 = arith.constant 0 : i32
      %add3A_502 = arith.addi %mul3A_500, %add3A_501 : i32
      %mul3A_503 = arith.constant 16 : i32
      %mul3A_504 = arith.muli %add3A_502, %mul3A_503 : i32
      %add3A_505 = vector.broadcast %mul3A_504 : i32 to vector<16xi32>
      %add3A_506 = arith.addi %iota3A, %add3A_505 : vector<16xi32>
      %swap3A = arith.index_cast %min3A_381 : i32 to index
      %swap3A_507 = tpu.vector_load %arg9[%swap3A] masked %ge3A {strides = array<i32>} : memref<4240xi32, #tpu.memory_space<vmem>>, vector<16xi32>, vector<16xi1>
      tpu.vector_store %arg9[%swap3A], %add3A_506 masked %ge3A {strides = array<i32>} : memref<4240xi32, #tpu.memory_space<vmem>>, vector<16xi32>, vector<16xi1>
      %mul3A_508 = arith.constant 8 : i32
      %mul3A_509 = arith.muli %scan3A_378, %mul3A_508 : i32
      %add3A_510 = arith.constant 1 : i32
      %add3A_511 = arith.addi %mul3A_509, %add3A_510 : i32
      %mul3A_512 = arith.constant 16 : i32
      %mul3A_513 = arith.muli %add3A_511, %mul3A_512 : i32
      %add3A_514 = vector.broadcast %mul3A_513 : i32 to vector<16xi32>
      %add3A_515 = arith.addi %iota3A, %add3A_514 : vector<16xi32>
      %swap3A_516 = arith.index_cast %add3A_491 : i32 to index
      %swap3A_517 = tpu.vector_load %arg9[%swap3A_516] masked %ge3A_401 {strides = array<i32>} : memref<4240xi32, #tpu.memory_space<vmem>>, vector<16xi32>, vector<16xi1>
      tpu.vector_store %arg9[%swap3A_516], %add3A_515 masked %ge3A_401 {strides = array<i32>} : memref<4240xi32, #tpu.memory_space<vmem>>, vector<16xi32>, vector<16xi1>
      %mul3A_518 = arith.constant 8 : i32
      %mul3A_519 = arith.muli %scan3A_378, %mul3A_518 : i32
      %add3A_520 = arith.constant 2 : i32
      %add3A_521 = arith.addi %mul3A_519, %add3A_520 : i32
      %mul3A_522 = arith.constant 16 : i32
      %mul3A_523 = arith.muli %add3A_521, %mul3A_522 : i32
      %add3A_524 = vector.broadcast %mul3A_523 : i32 to vector<16xi32>
      %add3A_525 = arith.addi %iota3A, %add3A_524 : vector<16xi32>
      %swap3A_526 = arith.index_cast %add3A_492 : i32 to index
      %swap3A_527 = tpu.vector_load %arg9[%swap3A_526] masked %ge3A_415 {strides = array<i32>} : memref<4240xi32, #tpu.memory_space<vmem>>, vector<16xi32>, vector<16xi1>
      tpu.vector_store %arg9[%swap3A_526], %add3A_525 masked %ge3A_415 {strides = array<i32>} : memref<4240xi32, #tpu.memory_space<vmem>>, vector<16xi32>, vector<16xi1>
      %mul3A_528 = arith.constant 8 : i32
      %mul3A_529 = arith.muli %scan3A_378, %mul3A_528 : i32
      %add3A_530 = arith.constant 3 : i32
      %add3A_531 = arith.addi %mul3A_529, %add3A_530 : i32
      %mul3A_532 = arith.constant 16 : i32
      %mul3A_533 = arith.muli %add3A_531, %mul3A_532 : i32
      %add3A_534 = vector.broadcast %mul3A_533 : i32 to vector<16xi32>
      %add3A_535 = arith.addi %iota3A, %add3A_534 : vector<16xi32>
      %swap3A_536 = arith.index_cast %add3A_493 : i32 to index
      %swap3A_537 = tpu.vector_load %arg9[%swap3A_536] masked %ge3A_429 {strides = array<i32>} : memref<4240xi32, #tpu.memory_space<vmem>>, vector<16xi32>, vector<16xi1>
      tpu.vector_store %arg9[%swap3A_536], %add3A_535 masked %ge3A_429 {strides = array<i32>} : memref<4240xi32, #tpu.memory_space<vmem>>, vector<16xi32>, vector<16xi1>
      %mul3A_538 = arith.constant 8 : i32
      %mul3A_539 = arith.muli %scan3A_378, %mul3A_538 : i32
      %add3A_540 = arith.constant 4 : i32
      %add3A_541 = arith.addi %mul3A_539, %add3A_540 : i32
      %mul3A_542 = arith.constant 16 : i32
      %mul3A_543 = arith.muli %add3A_541, %mul3A_542 : i32
      %add3A_544 = vector.broadcast %mul3A_543 : i32 to vector<16xi32>
      %add3A_545 = arith.addi %iota3A, %add3A_544 : vector<16xi32>
      %swap3A_546 = arith.index_cast %add3A_494 : i32 to index
      %swap3A_547 = tpu.vector_load %arg9[%swap3A_546] masked %ge3A_443 {strides = array<i32>} : memref<4240xi32, #tpu.memory_space<vmem>>, vector<16xi32>, vector<16xi1>
      tpu.vector_store %arg9[%swap3A_546], %add3A_545 masked %ge3A_443 {strides = array<i32>} : memref<4240xi32, #tpu.memory_space<vmem>>, vector<16xi32>, vector<16xi1>
      %mul3A_548 = arith.constant 8 : i32
      %mul3A_549 = arith.muli %scan3A_378, %mul3A_548 : i32
      %add3A_550 = arith.constant 5 : i32
      %add3A_551 = arith.addi %mul3A_549, %add3A_550 : i32
      %mul3A_552 = arith.constant 16 : i32
      %mul3A_553 = arith.muli %add3A_551, %mul3A_552 : i32
      %add3A_554 = vector.broadcast %mul3A_553 : i32 to vector<16xi32>
      %add3A_555 = arith.addi %iota3A, %add3A_554 : vector<16xi32>
      %swap3A_556 = arith.index_cast %add3A_495 : i32 to index
      %swap3A_557 = tpu.vector_load %arg9[%swap3A_556] masked %ge3A_457 {strides = array<i32>} : memref<4240xi32, #tpu.memory_space<vmem>>, vector<16xi32>, vector<16xi1>
      tpu.vector_store %arg9[%swap3A_556], %add3A_555 masked %ge3A_457 {strides = array<i32>} : memref<4240xi32, #tpu.memory_space<vmem>>, vector<16xi32>, vector<16xi1>
      %mul3A_558 = arith.constant 8 : i32
      %mul3A_559 = arith.muli %scan3A_378, %mul3A_558 : i32
      %add3A_560 = arith.constant 6 : i32
      %add3A_561 = arith.addi %mul3A_559, %add3A_560 : i32
      %mul3A_562 = arith.constant 16 : i32
      %mul3A_563 = arith.muli %add3A_561, %mul3A_562 : i32
      %add3A_564 = vector.broadcast %mul3A_563 : i32 to vector<16xi32>
      %add3A_565 = arith.addi %iota3A, %add3A_564 : vector<16xi32>
      %swap3A_566 = arith.index_cast %add3A_496 : i32 to index
      %swap3A_567 = tpu.vector_load %arg9[%swap3A_566] masked %ge3A_471 {strides = array<i32>} : memref<4240xi32, #tpu.memory_space<vmem>>, vector<16xi32>, vector<16xi1>
      tpu.vector_store %arg9[%swap3A_566], %add3A_565 masked %ge3A_471 {strides = array<i32>} : memref<4240xi32, #tpu.memory_space<vmem>>, vector<16xi32>, vector<16xi1>
      %mul3A_568 = arith.constant 8 : i32
      %mul3A_569 = arith.muli %scan3A_378, %mul3A_568 : i32
      %add3A_570 = arith.constant 7 : i32
      %add3A_571 = arith.addi %mul3A_569, %add3A_570 : i32
      %mul3A_572 = arith.constant 16 : i32
      %mul3A_573 = arith.muli %add3A_571, %mul3A_572 : i32
      %add3A_574 = vector.broadcast %mul3A_573 : i32 to vector<16xi32>
      %add3A_575 = arith.addi %iota3A, %add3A_574 : vector<16xi32>
      %swap3A_576 = arith.index_cast %add3A_497 : i32 to index
      %swap3A_577 = tpu.vector_load %arg9[%swap3A_576] masked %ge3A_485 {strides = array<i32>} : memref<4240xi32, #tpu.memory_space<vmem>>, vector<16xi32>, vector<16xi1>
      tpu.vector_store %arg9[%swap3A_576], %add3A_575 masked %ge3A_485 {strides = array<i32>} : memref<4240xi32, #tpu.memory_space<vmem>>, vector<16xi32>, vector<16xi1>
      %sub3A_578 = arith.subi %add3A_498, %min3A_381 : i32
      %add3A_579 = arith.addi %scan3A_379, %sub3A_578 : i32
      scf.yield %add3A_579 : i32
    }
    %scan3A_236 = arith.constant 256 : i32
    %le3A_237 = arith.constant 4096 : i32
    %le3A_238 = arith.cmpi sle, %scan3A_235, %le3A_237 : i32
    %convert_element_type3A_239 = arith.extui %le3A_238 : i1 to i32
    %cond3A_240 = arith.constant 0 : i32
    %cond3A_241 = arith.constant 0 : i32
    %cond3A_242 = arith.cmpi ne, %convert_element_type3A_239, %cond3A_241 : i32
    %cond3A_243:5 = scf.if %cond3A_242 -> (i32, i32, i32, i32, i32) {
      %cond3A_378 = arith.constant 0 : i32
      %cond3A_379 = arith.constant 0 : i32
      %cond3A_380 = arith.constant 32 : i32
      %cond3A_381 = arith.constant 8 : i32
      scf.yield %cond3A_378, %cond3A_379, %cond3A_380, %scan3A_235, %cond3A_381 : i32, i32, i32, i32, i32
    } else {
      %scan3A_378 = arith.constant 24 : i32
      %scan3A_379 = arith.constant 0 : i32
      %scan3A_380 = arith.constant 0 : i32
      %scan3A_381 = arith.constant 256 : i32
      %scan3A_382 = arith.addi %scan3A_380, %scan3A_381 : i32
      %scan3A_383 = arith.constant 1 : i32
      %scan3A_384 = scf.for %scan3A_452 = %scan3A_380 to %scan3A_382 step %scan3A_383 iter_args(%scan3A_453 = %scan3A_379) -> (i32)  : i32 {
        %mul3A_454 = arith.constant 8 : i32
        %mul3A_455 = arith.muli %scan3A_452, %mul3A_454 : i32
        %add3A_456 = arith.constant 0 : i32
        %add3A_457 = arith.addi %mul3A_455, %add3A_456 : i32
        %mul3A_458 = arith.constant 16 : i32
        %mul3A_459 = arith.muli %add3A_457, %mul3A_458 : i32
        %get3A = arith.index_cast %mul3A_459 : i32 to index
        %get3A_460 = tpu.vector_load %arg5[%get3A] {strides = array<i32>} : memref<32768xf32, #tpu.memory_space<vmem>>, vector<16xf32>,
        %bitcast_convert_type3A = tpu.bitcast %get3A_460 : vector<16xf32> -> vector<16xi32>
        %shift_right_arithmetic3A = arith.constant 31 : i32
        %shift_right_arithmetic3A_461 = vector.broadcast %shift_right_arithmetic3A : i32 to vector<16xi32>
        %shift_right_arithmetic3A_462 = arith.shrsi %bitcast_convert_type3A, %shift_right_arithmetic3A_461 : vector<16xi32>
        %or3A_463 = arith.constant -2147483648 : i32
        %or3A_464 = vector.broadcast %or3A_463 : i32 to vector<16xi32>
        %or3A_465 = arith.ori %shift_right_arithmetic3A_462, %or3A_464 : vector<16xi32>
        %xor3A = arith.xori %bitcast_convert_type3A, %or3A_465 : vector<16xi32>
        %bitcast_convert_type3A_466 = tpu.bitcast %xor3A : vector<16xi32> -> vector<16xi32>
        %shift_right_logical3A_467 = vector.broadcast %scan3A_378 : i32 to vector<16xi32>
        %shift_right_logical3A_468 = arith.shrui %bitcast_convert_type3A_466, %shift_right_logical3A_467 : vector<16xi32>
        %and3A_469 = arith.constant 255 : i32
        %and3A_470 = vector.broadcast %and3A_469 : i32 to vector<16xi32>
        %and3A_471 = arith.andi %shift_right_logical3A_468, %and3A_470 : vector<16xi32>
        %mul3A_472 = arith.constant 16 : i32
        %mul3A_473 = vector.broadcast %mul3A_472 : i32 to vector<16xi32>
        %mul3A_474 = arith.muli %and3A_471, %mul3A_473 : vector<16xi32>
        %add3A_475 = arith.addi %mul3A_474, %iota3A : vector<16xi32>
        tpu.vector_store_idx %arg7[%add3A_475], %broadcast_in_dim3A_1 {add = true} : memref<4096xi32, #tpu.memory_space<vmem>>[vector<16xi32>], vector<16xi32>,
        %mul3A_476 = arith.constant 8 : i32
        %mul3A_477 = arith.muli %scan3A_452, %mul3A_476 : i32
        %add3A_478 = arith.constant 1 : i32
        %add3A_479 = arith.addi %mul3A_477, %add3A_478 : i32
        %mul3A_480 = arith.constant 16 : i32
        %mul3A_481 = arith.muli %add3A_479, %mul3A_480 : i32
        %get3A_482 = arith.index_cast %mul3A_481 : i32 to index
        %get3A_483 = tpu.vector_load %arg5[%get3A_482] {strides = array<i32>} : memref<32768xf32, #tpu.memory_space<vmem>>, vector<16xf32>,
        %bitcast_convert_type3A_484 = tpu.bitcast %get3A_483 : vector<16xf32> -> vector<16xi32>
        %shift_right_arithmetic3A_485 = arith.constant 31 : i32
        %shift_right_arithmetic3A_486 = vector.broadcast %shift_right_arithmetic3A_485 : i32 to vector<16xi32>
        %shift_right_arithmetic3A_487 = arith.shrsi %bitcast_convert_type3A_484, %shift_right_arithmetic3A_486 : vector<16xi32>
        %or3A_488 = arith.constant -2147483648 : i32
        %or3A_489 = vector.broadcast %or3A_488 : i32 to vector<16xi32>
        %or3A_490 = arith.ori %shift_right_arithmetic3A_487, %or3A_489 : vector<16xi32>
        %xor3A_491 = arith.xori %bitcast_convert_type3A_484, %or3A_490 : vector<16xi32>
        %bitcast_convert_type3A_492 = tpu.bitcast %xor3A_491 : vector<16xi32> -> vector<16xi32>
        %shift_right_logical3A_493 = vector.broadcast %scan3A_378 : i32 to vector<16xi32>
        %shift_right_logical3A_494 = arith.shrui %bitcast_convert_type3A_492, %shift_right_logical3A_493 : vector<16xi32>
        %and3A_495 = arith.constant 255 : i32
        %and3A_496 = vector.broadcast %and3A_495 : i32 to vector<16xi32>
        %and3A_497 = arith.andi %shift_right_logical3A_494, %and3A_496 : vector<16xi32>
        %mul3A_498 = arith.constant 16 : i32
        %mul3A_499 = vector.broadcast %mul3A_498 : i32 to vector<16xi32>
        %mul3A_500 = arith.muli %and3A_497, %mul3A_499 : vector<16xi32>
        %add3A_501 = arith.addi %mul3A_500, %iota3A : vector<16xi32>
        tpu.vector_store_idx %arg7[%add3A_501], %broadcast_in_dim3A_1 {add = true} : memref<4096xi32, #tpu.memory_space<vmem>>[vector<16xi32>], vector<16xi32>,
        %mul3A_502 = arith.constant 8 : i32
        %mul3A_503 = arith.muli %scan3A_452, %mul3A_502 : i32
        %add3A_504 = arith.constant 2 : i32
        %add3A_505 = arith.addi %mul3A_503, %add3A_504 : i32
        %mul3A_506 = arith.constant 16 : i32
        %mul3A_507 = arith.muli %add3A_505, %mul3A_506 : i32
        %get3A_508 = arith.index_cast %mul3A_507 : i32 to index
        %get3A_509 = tpu.vector_load %arg5[%get3A_508] {strides = array<i32>} : memref<32768xf32, #tpu.memory_space<vmem>>, vector<16xf32>,
        %bitcast_convert_type3A_510 = tpu.bitcast %get3A_509 : vector<16xf32> -> vector<16xi32>
        %shift_right_arithmetic3A_511 = arith.constant 31 : i32
        %shift_right_arithmetic3A_512 = vector.broadcast %shift_right_arithmetic3A_511 : i32 to vector<16xi32>
        %shift_right_arithmetic3A_513 = arith.shrsi %bitcast_convert_type3A_510, %shift_right_arithmetic3A_512 : vector<16xi32>
        %or3A_514 = arith.constant -2147483648 : i32
        %or3A_515 = vector.broadcast %or3A_514 : i32 to vector<16xi32>
        %or3A_516 = arith.ori %shift_right_arithmetic3A_513, %or3A_515 : vector<16xi32>
        %xor3A_517 = arith.xori %bitcast_convert_type3A_510, %or3A_516 : vector<16xi32>
        %bitcast_convert_type3A_518 = tpu.bitcast %xor3A_517 : vector<16xi32> -> vector<16xi32>
        %shift_right_logical3A_519 = vector.broadcast %scan3A_378 : i32 to vector<16xi32>
        %shift_right_logical3A_520 = arith.shrui %bitcast_convert_type3A_518, %shift_right_logical3A_519 : vector<16xi32>
        %and3A_521 = arith.constant 255 : i32
        %and3A_522 = vector.broadcast %and3A_521 : i32 to vector<16xi32>
        %and3A_523 = arith.andi %shift_right_logical3A_520, %and3A_522 : vector<16xi32>
        %mul3A_524 = arith.constant 16 : i32
        %mul3A_525 = vector.broadcast %mul3A_524 : i32 to vector<16xi32>
        %mul3A_526 = arith.muli %and3A_523, %mul3A_525 : vector<16xi32>
        %add3A_527 = arith.addi %mul3A_526, %iota3A : vector<16xi32>
        tpu.vector_store_idx %arg7[%add3A_527], %broadcast_in_dim3A_1 {add = true} : memref<4096xi32, #tpu.memory_space<vmem>>[vector<16xi32>], vector<16xi32>,
        %mul3A_528 = arith.constant 8 : i32
        %mul3A_529 = arith.muli %scan3A_452, %mul3A_528 : i32
        %add3A_530 = arith.constant 3 : i32
        %add3A_531 = arith.addi %mul3A_529, %add3A_530 : i32
        %mul3A_532 = arith.constant 16 : i32
        %mul3A_533 = arith.muli %add3A_531, %mul3A_532 : i32
        %get3A_534 = arith.index_cast %mul3A_533 : i32 to index
        %get3A_535 = tpu.vector_load %arg5[%get3A_534] {strides = array<i32>} : memref<32768xf32, #tpu.memory_space<vmem>>, vector<16xf32>,
        %bitcast_convert_type3A_536 = tpu.bitcast %get3A_535 : vector<16xf32> -> vector<16xi32>
        %shift_right_arithmetic3A_537 = arith.constant 31 : i32
        %shift_right_arithmetic3A_538 = vector.broadcast %shift_right_arithmetic3A_537 : i32 to vector<16xi32>
        %shift_right_arithmetic3A_539 = arith.shrsi %bitcast_convert_type3A_536, %shift_right_arithmetic3A_538 : vector<16xi32>
        %or3A_540 = arith.constant -2147483648 : i32
        %or3A_541 = vector.broadcast %or3A_540 : i32 to vector<16xi32>
        %or3A_542 = arith.ori %shift_right_arithmetic3A_539, %or3A_541 : vector<16xi32>
        %xor3A_543 = arith.xori %bitcast_convert_type3A_536, %or3A_542 : vector<16xi32>
        %bitcast_convert_type3A_544 = tpu.bitcast %xor3A_543 : vector<16xi32> -> vector<16xi32>
        %shift_right_logical3A_545 = vector.broadcast %scan3A_378 : i32 to vector<16xi32>
        %shift_right_logical3A_546 = arith.shrui %bitcast_convert_type3A_544, %shift_right_logical3A_545 : vector<16xi32>
        %and3A_547 = arith.constant 255 : i32
        %and3A_548 = vector.broadcast %and3A_547 : i32 to vector<16xi32>
        %and3A_549 = arith.andi %shift_right_logical3A_546, %and3A_548 : vector<16xi32>
        %mul3A_550 = arith.constant 16 : i32
        %mul3A_551 = vector.broadcast %mul3A_550 : i32 to vector<16xi32>
        %mul3A_552 = arith.muli %and3A_549, %mul3A_551 : vector<16xi32>
        %add3A_553 = arith.addi %mul3A_552, %iota3A : vector<16xi32>
        tpu.vector_store_idx %arg7[%add3A_553], %broadcast_in_dim3A_1 {add = true} : memref<4096xi32, #tpu.memory_space<vmem>>[vector<16xi32>], vector<16xi32>,
        %mul3A_554 = arith.constant 8 : i32
        %mul3A_555 = arith.muli %scan3A_452, %mul3A_554 : i32
        %add3A_556 = arith.constant 4 : i32
        %add3A_557 = arith.addi %mul3A_555, %add3A_556 : i32
        %mul3A_558 = arith.constant 16 : i32
        %mul3A_559 = arith.muli %add3A_557, %mul3A_558 : i32
        %get3A_560 = arith.index_cast %mul3A_559 : i32 to index
        %get3A_561 = tpu.vector_load %arg5[%get3A_560] {strides = array<i32>} : memref<32768xf32, #tpu.memory_space<vmem>>, vector<16xf32>,
        %bitcast_convert_type3A_562 = tpu.bitcast %get3A_561 : vector<16xf32> -> vector<16xi32>
        %shift_right_arithmetic3A_563 = arith.constant 31 : i32
        %shift_right_arithmetic3A_564 = vector.broadcast %shift_right_arithmetic3A_563 : i32 to vector<16xi32>
        %shift_right_arithmetic3A_565 = arith.shrsi %bitcast_convert_type3A_562, %shift_right_arithmetic3A_564 : vector<16xi32>
        %or3A_566 = arith.constant -2147483648 : i32
        %or3A_567 = vector.broadcast %or3A_566 : i32 to vector<16xi32>
        %or3A_568 = arith.ori %shift_right_arithmetic3A_565, %or3A_567 : vector<16xi32>
        %xor3A_569 = arith.xori %bitcast_convert_type3A_562, %or3A_568 : vector<16xi32>
        %bitcast_convert_type3A_570 = tpu.bitcast %xor3A_569 : vector<16xi32> -> vector<16xi32>
        %shift_right_logical3A_571 = vector.broadcast %scan3A_378 : i32 to vector<16xi32>
        %shift_right_logical3A_572 = arith.shrui %bitcast_convert_type3A_570, %shift_right_logical3A_571 : vector<16xi32>
        %and3A_573 = arith.constant 255 : i32
        %and3A_574 = vector.broadcast %and3A_573 : i32 to vector<16xi32>
        %and3A_575 = arith.andi %shift_right_logical3A_572, %and3A_574 : vector<16xi32>
        %mul3A_576 = arith.constant 16 : i32
        %mul3A_577 = vector.broadcast %mul3A_576 : i32 to vector<16xi32>
        %mul3A_578 = arith.muli %and3A_575, %mul3A_577 : vector<16xi32>
        %add3A_579 = arith.addi %mul3A_578, %iota3A : vector<16xi32>
        tpu.vector_store_idx %arg7[%add3A_579], %broadcast_in_dim3A_1 {add = true} : memref<4096xi32, #tpu.memory_space<vmem>>[vector<16xi32>], vector<16xi32>,
        %mul3A_580 = arith.constant 8 : i32
        %mul3A_581 = arith.muli %scan3A_452, %mul3A_580 : i32
        %add3A_582 = arith.constant 5 : i32
        %add3A_583 = arith.addi %mul3A_581, %add3A_582 : i32
        %mul3A_584 = arith.constant 16 : i32
        %mul3A_585 = arith.muli %add3A_583, %mul3A_584 : i32
        %get3A_586 = arith.index_cast %mul3A_585 : i32 to index
        %get3A_587 = tpu.vector_load %arg5[%get3A_586] {strides = array<i32>} : memref<32768xf32, #tpu.memory_space<vmem>>, vector<16xf32>,
        %bitcast_convert_type3A_588 = tpu.bitcast %get3A_587 : vector<16xf32> -> vector<16xi32>
        %shift_right_arithmetic3A_589 = arith.constant 31 : i32
        %shift_right_arithmetic3A_590 = vector.broadcast %shift_right_arithmetic3A_589 : i32 to vector<16xi32>
        %shift_right_arithmetic3A_591 = arith.shrsi %bitcast_convert_type3A_588, %shift_right_arithmetic3A_590 : vector<16xi32>
        %or3A_592 = arith.constant -2147483648 : i32
        %or3A_593 = vector.broadcast %or3A_592 : i32 to vector<16xi32>
        %or3A_594 = arith.ori %shift_right_arithmetic3A_591, %or3A_593 : vector<16xi32>
        %xor3A_595 = arith.xori %bitcast_convert_type3A_588, %or3A_594 : vector<16xi32>
        %bitcast_convert_type3A_596 = tpu.bitcast %xor3A_595 : vector<16xi32> -> vector<16xi32>
        %shift_right_logical3A_597 = vector.broadcast %scan3A_378 : i32 to vector<16xi32>
        %shift_right_logical3A_598 = arith.shrui %bitcast_convert_type3A_596, %shift_right_logical3A_597 : vector<16xi32>
        %and3A_599 = arith.constant 255 : i32
        %and3A_600 = vector.broadcast %and3A_599 : i32 to vector<16xi32>
        %and3A_601 = arith.andi %shift_right_logical3A_598, %and3A_600 : vector<16xi32>
        %mul3A_602 = arith.constant 16 : i32
        %mul3A_603 = vector.broadcast %mul3A_602 : i32 to vector<16xi32>
        %mul3A_604 = arith.muli %and3A_601, %mul3A_603 : vector<16xi32>
        %add3A_605 = arith.addi %mul3A_604, %iota3A : vector<16xi32>
        tpu.vector_store_idx %arg7[%add3A_605], %broadcast_in_dim3A_1 {add = true} : memref<4096xi32, #tpu.memory_space<vmem>>[vector<16xi32>], vector<16xi32>,
        %mul3A_606 = arith.constant 8 : i32
        %mul3A_607 = arith.muli %scan3A_452, %mul3A_606 : i32
        %add3A_608 = arith.constant 6 : i32
        %add3A_609 = arith.addi %mul3A_607, %add3A_608 : i32
        %mul3A_610 = arith.constant 16 : i32
        %mul3A_611 = arith.muli %add3A_609, %mul3A_610 : i32
        %get3A_612 = arith.index_cast %mul3A_611 : i32 to index
        %get3A_613 = tpu.vector_load %arg5[%get3A_612] {strides = array<i32>} : memref<32768xf32, #tpu.memory_space<vmem>>, vector<16xf32>,
        %bitcast_convert_type3A_614 = tpu.bitcast %get3A_613 : vector<16xf32> -> vector<16xi32>
        %shift_right_arithmetic3A_615 = arith.constant 31 : i32
        %shift_right_arithmetic3A_616 = vector.broadcast %shift_right_arithmetic3A_615 : i32 to vector<16xi32>
        %shift_right_arithmetic3A_617 = arith.shrsi %bitcast_convert_type3A_614, %shift_right_arithmetic3A_616 : vector<16xi32>
        %or3A_618 = arith.constant -2147483648 : i32
        %or3A_619 = vector.broadcast %or3A_618 : i32 to vector<16xi32>
        %or3A_620 = arith.ori %shift_right_arithmetic3A_617, %or3A_619 : vector<16xi32>
        %xor3A_621 = arith.xori %bitcast_convert_type3A_614, %or3A_620 : vector<16xi32>
        %bitcast_convert_type3A_622 = tpu.bitcast %xor3A_621 : vector<16xi32> -> vector<16xi32>
        %shift_right_logical3A_623 = vector.broadcast %scan3A_378 : i32 to vector<16xi32>
        %shift_right_logical3A_624 = arith.shrui %bitcast_convert_type3A_622, %shift_right_logical3A_623 : vector<16xi32>
        %and3A_625 = arith.constant 255 : i32
        %and3A_626 = vector.broadcast %and3A_625 : i32 to vector<16xi32>
        %and3A_627 = arith.andi %shift_right_logical3A_624, %and3A_626 : vector<16xi32>
        %mul3A_628 = arith.constant 16 : i32
        %mul3A_629 = vector.broadcast %mul3A_628 : i32 to vector<16xi32>
        %mul3A_630 = arith.muli %and3A_627, %mul3A_629 : vector<16xi32>
        %add3A_631 = arith.addi %mul3A_630, %iota3A : vector<16xi32>
        tpu.vector_store_idx %arg7[%add3A_631], %broadcast_in_dim3A_1 {add = true} : memref<4096xi32, #tpu.memory_space<vmem>>[vector<16xi32>], vector<16xi32>,
        %mul3A_632 = arith.constant 8 : i32
        %mul3A_633 = arith.muli %scan3A_452, %mul3A_632 : i32
        %add3A_634 = arith.constant 7 : i32
        %add3A_635 = arith.addi %mul3A_633, %add3A_634 : i32
        %mul3A_636 = arith.constant 16 : i32
        %mul3A_637 = arith.muli %add3A_635, %mul3A_636 : i32
        %get3A_638 = arith.index_cast %mul3A_637 : i32 to index
        %get3A_639 = tpu.vector_load %arg5[%get3A_638] {strides = array<i32>} : memref<32768xf32, #tpu.memory_space<vmem>>, vector<16xf32>,
        %bitcast_convert_type3A_640 = tpu.bitcast %get3A_639 : vector<16xf32> -> vector<16xi32>
        %shift_right_arithmetic3A_641 = arith.constant 31 : i32
        %shift_right_arithmetic3A_642 = vector.broadcast %shift_right_arithmetic3A_641 : i32 to vector<16xi32>
        %shift_right_arithmetic3A_643 = arith.shrsi %bitcast_convert_type3A_640, %shift_right_arithmetic3A_642 : vector<16xi32>
        %or3A_644 = arith.constant -2147483648 : i32
        %or3A_645 = vector.broadcast %or3A_644 : i32 to vector<16xi32>
        %or3A_646 = arith.ori %shift_right_arithmetic3A_643, %or3A_645 : vector<16xi32>
        %xor3A_647 = arith.xori %bitcast_convert_type3A_640, %or3A_646 : vector<16xi32>
        %bitcast_convert_type3A_648 = tpu.bitcast %xor3A_647 : vector<16xi32> -> vector<16xi32>
        %shift_right_logical3A_649 = vector.broadcast %scan3A_378 : i32 to vector<16xi32>
        %shift_right_logical3A_650 = arith.shrui %bitcast_convert_type3A_648, %shift_right_logical3A_649 : vector<16xi32>
        %and3A_651 = arith.constant 255 : i32
        %and3A_652 = vector.broadcast %and3A_651 : i32 to vector<16xi32>
        %and3A_653 = arith.andi %shift_right_logical3A_650, %and3A_652 : vector<16xi32>
        %mul3A_654 = arith.constant 16 : i32
        %mul3A_655 = vector.broadcast %mul3A_654 : i32 to vector<16xi32>
        %mul3A_656 = arith.muli %and3A_653, %mul3A_655 : vector<16xi32>
        %add3A_657 = arith.addi %mul3A_656, %iota3A : vector<16xi32>
        tpu.vector_store_idx %arg7[%add3A_657], %broadcast_in_dim3A_1 {add = true} : memref<4096xi32, #tpu.memory_space<vmem>>[vector<16xi32>], vector<16xi32>,
        %scan3A_658 = arith.constant 0 : i32
        scf.yield %scan3A_658 : i32
      }
      %scan3A_385 = arith.constant 256 : i32
      %while3A_386 = arith.constant 32 : i32
      %while3A_387 = arith.constant 255 : i32
      %while3A_388 = arith.constant 0 : i32
      %while3A_389 = arith.constant 0 : i32
      %while3A_390:3 = scf.while (%while3A_452 = %while3A_387, %while3A_453 = %while3A_388, %while3A_454 = %while3A_389) : (i32, i32, i32) -> (i32, i32, i32) {
        %lt3A = arith.cmpi slt, %while3A_453, %while3A_386 : i32
        scf.condition(%lt3A) %while3A_452, %while3A_453, %while3A_454 : i32, i32, i32
      } do {
      ^bb0(%while3A_452: i32, %while3A_453: i32, %while3A_454: i32):
        %mul3A_455 = arith.constant 16 : i32
        %mul3A_456 = arith.muli %while3A_452, %mul3A_455 : i32
        %get3A = arith.index_cast %mul3A_456 : i32 to index
        %get3A_457 = tpu.vector_load %arg7[%get3A] {strides = array<i32>} : memref<4096xi32, #tpu.memory_space<vmem>>, vector<16xi32>,
        %mul3A_458 = arith.constant 16 : i32
        %mul3A_459 = arith.muli %while3A_452, %mul3A_458 : i32
        %swap3A = arith.index_cast %mul3A_459 : i32 to index
        %swap3A_460 = tpu.vector_load %arg7[%swap3A] {strides = array<i32>} : memref<4096xi32, #tpu.memory_space<vmem>>, vector<16xi32>,
        tpu.vector_store %arg7[%swap3A], %broadcast_in_dim3A_3 {strides = array<i32>} : memref<4096xi32, #tpu.memory_space<vmem>>, vector<16xi32>,
        %sub3A_461 = arith.constant 1 : i32
        %sub3A_462 = arith.subi %while3A_452, %sub3A_461 : i32
        %reduce_sum3A = arith.constant true
        %reduce_sum3A_463 = vector.broadcast %reduce_sum3A : i1 to vector<16xi1>
        %reduce_sum3A_464 = tpu.scan <sum>, %get3A_457 masked %reduce_sum3A_463 : vector<16xi32>, vector<16xi1> -> vector<16xi32>
        %reduce_sum3A_465 = vector.extract %reduce_sum3A_464[15] : i32 from vector<16xi32>
        %add3A_466 = arith.addi %while3A_453, %reduce_sum3A_465 : i32
        scf.yield %sub3A_462, %add3A_466, %while3A_453 : i32, i32, i32
      }
      %add3A_391 = arith.constant 1 : i32
      %add3A_392 = arith.addi %while3A_390#0, %add3A_391 : i32
      %while3A_393 = arith.constant 0 : i32
      %while3A_394 = arith.constant 0 : i32
      %while3A_395 = arith.subi %add3A_392, %while3A_393 : i32
      %while3A_396 = arith.addi %while3A_393, %while3A_395 : i32
      %while3A_397 = arith.constant 1 : i32
      %while3A_398 = arith.divsi %while3A_395, %while3A_397 : i32
      %while3A_399 = arith.muli %while3A_398, %while3A_397 : i32
      %while3A_400 = arith.addi %while3A_393, %while3A_399 : i32
      %while3A_401 = arith.constant 1 : i32
      %while3A_402 = scf.for %while3A_452 = %while3A_393 to %while3A_400 step %while3A_401 iter_args(%while3A_453 = %while3A_394) -> (i32)  : i32 {
        %mul3A_454 = arith.constant 16 : i32
        %mul3A_455 = arith.muli %while3A_452, %mul3A_454 : i32
        %swap3A = arith.index_cast %mul3A_455 : i32 to index
        %swap3A_456 = tpu.vector_load %arg7[%swap3A] {strides = array<i32>} : memref<4096xi32, #tpu.memory_space<vmem>>, vector<16xi32>,
        tpu.vector_store %arg7[%swap3A], %broadcast_in_dim3A_3 {strides = array<i32>} : memref<4096xi32, #tpu.memory_space<vmem>>, vector<16xi32>,
        %while3A_457 = arith.constant 0 : i32
        scf.yield %while3A_457 : i32
      }
      %while3A_403 = arith.constant 1 : i32
      %while3A_404 = scf.for %while3A_452 = %while3A_400 to %while3A_396 step %while3A_403 iter_args(%while3A_453 = %while3A_402) -> (i32)  : i32 {
        %mul3A_454 = arith.constant 16 : i32
        %mul3A_455 = arith.muli %while3A_452, %mul3A_454 : i32
        %swap3A = arith.index_cast %mul3A_455 : i32 to index
        %swap3A_456 = tpu.vector_load %arg7[%swap3A] {strides = array<i32>} : memref<4096xi32, #tpu.memory_space<vmem>>, vector<16xi32>,
        tpu.vector_store %arg7[%swap3A], %broadcast_in_dim3A_3 {strides = array<i32>} : memref<4096xi32, #tpu.memory_space<vmem>>, vector<16xi32>,
        %while3A_457 = arith.constant 0 : i32
        scf.yield %while3A_457 : i32
      }
      %sub3A_405 = arith.subi %while3A_390#1, %while3A_390#2 : i32
      %shift_left3A = arith.constant 24 : i32
      %shift_left3A_406 = arith.shli %add3A_392, %shift_left3A : i32
      %or3A = arith.constant 0 : i32
      %or3A_407 = arith.ori %or3A, %shift_left3A_406 : i32
      %shift_left3A_408 = arith.constant 255 : i32
      %shift_left3A_409 = arith.constant 24 : i32
      %shift_left3A_410 = arith.shli %shift_left3A_408, %shift_left3A_409 : i32
      %or3A_411 = arith.constant 0 : i32
      %or3A_412 = arith.ori %or3A_411, %shift_left3A_410 : i32
      %sub3A_413 = arith.constant 32 : i32
      %sub3A_414 = arith.subi %sub3A_413, %while3A_390#2 : i32
      %scan3A_415 = arith.constant 1 : i32
      %scan3A_416 = arith.constant 3 : i32
      %scan3A_417 = arith.addi %scan3A_415, %scan3A_416 : i32
      %scan3A_418 = arith.constant 1 : i32
      %scan3A_419:4 = scf.for %scan3A_452 = %scan3A_415 to %scan3A_417 step %scan3A_418 iter_args(%scan3A_453 = %or3A_412, %scan3A_454 = %or3A_407, %scan3A_455 = %sub3A_414, %scan3A_456 = %sub3A_405) -> (i32, i32, i32, i32)  : i32 {
        %sub3A_457 = arith.constant 32 : i32
        %sub3A_458 = arith.subi %sub3A_457, %scan3A_455 : i32
        %add3A_459 = arith.addi %sub3A_458, %scan3A_456 : i32
        %gt3A = arith.constant 4096 : i32
        %gt3A_460 = arith.cmpi sgt, %add3A_459, %gt3A : i32
        %convert_element_type3A_461 = arith.extui %gt3A_460 : i1 to i32
        %cond3A_462 = arith.constant 0 : i32
        %cond3A_463 = arith.constant 0 : i32
        %cond3A_464 = arith.cmpi ne, %convert_element_type3A_461, %cond3A_463 : i32
        %cond3A_465:4 = scf.if %cond3A_464 -> (i32, i32, i32, i32) {
          %mul3A_466 = arith.constant 8 : i32
          %mul3A_467 = arith.muli %mul3A_466, %scan3A_452 : i32
          %sub3A_468 = arith.constant 24 : i32
          %sub3A_469 = arith.subi %sub3A_468, %mul3A_467 : i32
          %scan3A_470 = arith.constant 0 : i32
          %scan3A_471 = arith.constant 0 : i32
          %scan3A_472 = arith.constant 256 : i32
          %scan3A_473 = arith.addi %scan3A_471, %scan3A_472 : i32
          %scan3A_474 = arith.constant 1 : i32
          %scan3A_475 = scf.for %scan3A_502 = %scan3A_471 to %scan3A_473 step %scan3A_474 iter_args(%scan3A_503 = %scan3A_470) -> (i32)  : i32 {
            %mul3A_504 = arith.constant 8 : i32
            %mul3A_505 = arith.muli %scan3A_502, %mul3A_504 : i32
            %add3A_506 = arith.constant 0 : i32
            %add3A_507 = arith.addi %mul3A_505, %add3A_506 : i32
            %mul3A_508 = arith.constant 16 : i32
            %mul3A_509 = arith.muli %add3A_507, %mul3A_508 : i32
            %get3A = arith.index_cast %mul3A_509 : i32 to index
            %get3A_510 = tpu.vector_load %arg5[%get3A] {strides = array<i32>} : memref<32768xf32, #tpu.memory_space<vmem>>, vector<16xf32>,
            %bitcast_convert_type3A = tpu.bitcast %get3A_510 : vector<16xf32> -> vector<16xi32>
            %shift_right_arithmetic3A = arith.constant 31 : i32
            %shift_right_arithmetic3A_511 = vector.broadcast %shift_right_arithmetic3A : i32 to vector<16xi32>
            %shift_right_arithmetic3A_512 = arith.shrsi %bitcast_convert_type3A, %shift_right_arithmetic3A_511 : vector<16xi32>
            %or3A_513 = arith.constant -2147483648 : i32
            %or3A_514 = vector.broadcast %or3A_513 : i32 to vector<16xi32>
            %or3A_515 = arith.ori %shift_right_arithmetic3A_512, %or3A_514 : vector<16xi32>
            %xor3A = arith.xori %bitcast_convert_type3A, %or3A_515 : vector<16xi32>
            %bitcast_convert_type3A_516 = tpu.bitcast %xor3A : vector<16xi32> -> vector<16xi32>
            %shift_right_logical3A_517 = vector.broadcast %sub3A_469 : i32 to vector<16xi32>
            %shift_right_logical3A_518 = arith.shrui %bitcast_convert_type3A_516, %shift_right_logical3A_517 : vector<16xi32>
            %and3A_519 = arith.constant 255 : i32
            %and3A_520 = vector.broadcast %and3A_519 : i32 to vector<16xi32>
            %and3A_521 = arith.andi %shift_right_logical3A_518, %and3A_520 : vector<16xi32>
            %mul3A_522 = arith.constant 16 : i32
            %mul3A_523 = vector.broadcast %mul3A_522 : i32 to vector<16xi32>
            %mul3A_524 = arith.muli %and3A_521, %mul3A_523 : vector<16xi32>
            %add3A_525 = arith.addi %mul3A_524, %iota3A : vector<16xi32>
            %and3A_526 = vector.broadcast %scan3A_453 : i32 to vector<16xi32>
            %and3A_527 = arith.andi %bitcast_convert_type3A_516, %and3A_526 : vector<16xi32>
            %eq3A_528 = vector.broadcast %scan3A_454 : i32 to vector<16xi32>
            %eq3A_529 = arith.cmpi eq, %and3A_527, %eq3A_528 : vector<16xi32>
            tpu.vector_store_idx %arg7[%add3A_525], %broadcast_in_dim3A_1 masked %eq3A_529 {add = true} : memref<4096xi32, #tpu.memory_space<vmem>>[vector<16xi32>], vector<16xi32>, vector<16xi1>
            %mul3A_530 = arith.constant 8 : i32
            %mul3A_531 = arith.muli %scan3A_502, %mul3A_530 : i32
            %add3A_532 = arith.constant 1 : i32
            %add3A_533 = arith.addi %mul3A_531, %add3A_532 : i32
            %mul3A_534 = arith.constant 16 : i32
            %mul3A_535 = arith.muli %add3A_533, %mul3A_534 : i32
            %get3A_536 = arith.index_cast %mul3A_535 : i32 to index
            %get3A_537 = tpu.vector_load %arg5[%get3A_536] {strides = array<i32>} : memref<32768xf32, #tpu.memory_space<vmem>>, vector<16xf32>,
            %bitcast_convert_type3A_538 = tpu.bitcast %get3A_537 : vector<16xf32> -> vector<16xi32>
            %shift_right_arithmetic3A_539 = arith.constant 31 : i32
            %shift_right_arithmetic3A_540 = vector.broadcast %shift_right_arithmetic3A_539 : i32 to vector<16xi32>
            %shift_right_arithmetic3A_541 = arith.shrsi %bitcast_convert_type3A_538, %shift_right_arithmetic3A_540 : vector<16xi32>
            %or3A_542 = arith.constant -2147483648 : i32
            %or3A_543 = vector.broadcast %or3A_542 : i32 to vector<16xi32>
            %or3A_544 = arith.ori %shift_right_arithmetic3A_541, %or3A_543 : vector<16xi32>
            %xor3A_545 = arith.xori %bitcast_convert_type3A_538, %or3A_544 : vector<16xi32>
            %bitcast_convert_type3A_546 = tpu.bitcast %xor3A_545 : vector<16xi32> -> vector<16xi32>
            %shift_right_logical3A_547 = vector.broadcast %sub3A_469 : i32 to vector<16xi32>
            %shift_right_logical3A_548 = arith.shrui %bitcast_convert_type3A_546, %shift_right_logical3A_547 : vector<16xi32>
            %and3A_549 = arith.constant 255 : i32
            %and3A_550 = vector.broadcast %and3A_549 : i32 to vector<16xi32>
            %and3A_551 = arith.andi %shift_right_logical3A_548, %and3A_550 : vector<16xi32>
            %mul3A_552 = arith.constant 16 : i32
            %mul3A_553 = vector.broadcast %mul3A_552 : i32 to vector<16xi32>
            %mul3A_554 = arith.muli %and3A_551, %mul3A_553 : vector<16xi32>
            %add3A_555 = arith.addi %mul3A_554, %iota3A : vector<16xi32>
            %and3A_556 = vector.broadcast %scan3A_453 : i32 to vector<16xi32>
            %and3A_557 = arith.andi %bitcast_convert_type3A_546, %and3A_556 : vector<16xi32>
            %eq3A_558 = vector.broadcast %scan3A_454 : i32 to vector<16xi32>
            %eq3A_559 = arith.cmpi eq, %and3A_557, %eq3A_558 : vector<16xi32>
            tpu.vector_store_idx %arg7[%add3A_555], %broadcast_in_dim3A_1 masked %eq3A_559 {add = true} : memref<4096xi32, #tpu.memory_space<vmem>>[vector<16xi32>], vector<16xi32>, vector<16xi1>
            %mul3A_560 = arith.constant 8 : i32
            %mul3A_561 = arith.muli %scan3A_502, %mul3A_560 : i32
            %add3A_562 = arith.constant 2 : i32
            %add3A_563 = arith.addi %mul3A_561, %add3A_562 : i32
            %mul3A_564 = arith.constant 16 : i32
            %mul3A_565 = arith.muli %add3A_563, %mul3A_564 : i32
            %get3A_566 = arith.index_cast %mul3A_565 : i32 to index
            %get3A_567 = tpu.vector_load %arg5[%get3A_566] {strides = array<i32>} : memref<32768xf32, #tpu.memory_space<vmem>>, vector<16xf32>,
            %bitcast_convert_type3A_568 = tpu.bitcast %get3A_567 : vector<16xf32> -> vector<16xi32>
            %shift_right_arithmetic3A_569 = arith.constant 31 : i32
            %shift_right_arithmetic3A_570 = vector.broadcast %shift_right_arithmetic3A_569 : i32 to vector<16xi32>
            %shift_right_arithmetic3A_571 = arith.shrsi %bitcast_convert_type3A_568, %shift_right_arithmetic3A_570 : vector<16xi32>
            %or3A_572 = arith.constant -2147483648 : i32
            %or3A_573 = vector.broadcast %or3A_572 : i32 to vector<16xi32>
            %or3A_574 = arith.ori %shift_right_arithmetic3A_571, %or3A_573 : vector<16xi32>
            %xor3A_575 = arith.xori %bitcast_convert_type3A_568, %or3A_574 : vector<16xi32>
            %bitcast_convert_type3A_576 = tpu.bitcast %xor3A_575 : vector<16xi32> -> vector<16xi32>
            %shift_right_logical3A_577 = vector.broadcast %sub3A_469 : i32 to vector<16xi32>
            %shift_right_logical3A_578 = arith.shrui %bitcast_convert_type3A_576, %shift_right_logical3A_577 : vector<16xi32>
            %and3A_579 = arith.constant 255 : i32
            %and3A_580 = vector.broadcast %and3A_579 : i32 to vector<16xi32>
            %and3A_581 = arith.andi %shift_right_logical3A_578, %and3A_580 : vector<16xi32>
            %mul3A_582 = arith.constant 16 : i32
            %mul3A_583 = vector.broadcast %mul3A_582 : i32 to vector<16xi32>
            %mul3A_584 = arith.muli %and3A_581, %mul3A_583 : vector<16xi32>
            %add3A_585 = arith.addi %mul3A_584, %iota3A : vector<16xi32>
            %and3A_586 = vector.broadcast %scan3A_453 : i32 to vector<16xi32>
            %and3A_587 = arith.andi %bitcast_convert_type3A_576, %and3A_586 : vector<16xi32>
            %eq3A_588 = vector.broadcast %scan3A_454 : i32 to vector<16xi32>
            %eq3A_589 = arith.cmpi eq, %and3A_587, %eq3A_588 : vector<16xi32>
            tpu.vector_store_idx %arg7[%add3A_585], %broadcast_in_dim3A_1 masked %eq3A_589 {add = true} : memref<4096xi32, #tpu.memory_space<vmem>>[vector<16xi32>], vector<16xi32>, vector<16xi1>
            %mul3A_590 = arith.constant 8 : i32
            %mul3A_591 = arith.muli %scan3A_502, %mul3A_590 : i32
            %add3A_592 = arith.constant 3 : i32
            %add3A_593 = arith.addi %mul3A_591, %add3A_592 : i32
            %mul3A_594 = arith.constant 16 : i32
            %mul3A_595 = arith.muli %add3A_593, %mul3A_594 : i32
            %get3A_596 = arith.index_cast %mul3A_595 : i32 to index
            %get3A_597 = tpu.vector_load %arg5[%get3A_596] {strides = array<i32>} : memref<32768xf32, #tpu.memory_space<vmem>>, vector<16xf32>,
            %bitcast_convert_type3A_598 = tpu.bitcast %get3A_597 : vector<16xf32> -> vector<16xi32>
            %shift_right_arithmetic3A_599 = arith.constant 31 : i32
            %shift_right_arithmetic3A_600 = vector.broadcast %shift_right_arithmetic3A_599 : i32 to vector<16xi32>
            %shift_right_arithmetic3A_601 = arith.shrsi %bitcast_convert_type3A_598, %shift_right_arithmetic3A_600 : vector<16xi32>
            %or3A_602 = arith.constant -2147483648 : i32
            %or3A_603 = vector.broadcast %or3A_602 : i32 to vector<16xi32>
            %or3A_604 = arith.ori %shift_right_arithmetic3A_601, %or3A_603 : vector<16xi32>
            %xor3A_605 = arith.xori %bitcast_convert_type3A_598, %or3A_604 : vector<16xi32>
            %bitcast_convert_type3A_606 = tpu.bitcast %xor3A_605 : vector<16xi32> -> vector<16xi32>
            %shift_right_logical3A_607 = vector.broadcast %sub3A_469 : i32 to vector<16xi32>
            %shift_right_logical3A_608 = arith.shrui %bitcast_convert_type3A_606, %shift_right_logical3A_607 : vector<16xi32>
            %and3A_609 = arith.constant 255 : i32
            %and3A_610 = vector.broadcast %and3A_609 : i32 to vector<16xi32>
            %and3A_611 = arith.andi %shift_right_logical3A_608, %and3A_610 : vector<16xi32>
            %mul3A_612 = arith.constant 16 : i32
            %mul3A_613 = vector.broadcast %mul3A_612 : i32 to vector<16xi32>
            %mul3A_614 = arith.muli %and3A_611, %mul3A_613 : vector<16xi32>
            %add3A_615 = arith.addi %mul3A_614, %iota3A : vector<16xi32>
            %and3A_616 = vector.broadcast %scan3A_453 : i32 to vector<16xi32>
            %and3A_617 = arith.andi %bitcast_convert_type3A_606, %and3A_616 : vector<16xi32>
            %eq3A_618 = vector.broadcast %scan3A_454 : i32 to vector<16xi32>
            %eq3A_619 = arith.cmpi eq, %and3A_617, %eq3A_618 : vector<16xi32>
            tpu.vector_store_idx %arg7[%add3A_615], %broadcast_in_dim3A_1 masked %eq3A_619 {add = true} : memref<4096xi32, #tpu.memory_space<vmem>>[vector<16xi32>], vector<16xi32>, vector<16xi1>
            %mul3A_620 = arith.constant 8 : i32
            %mul3A_621 = arith.muli %scan3A_502, %mul3A_620 : i32
            %add3A_622 = arith.constant 4 : i32
            %add3A_623 = arith.addi %mul3A_621, %add3A_622 : i32
            %mul3A_624 = arith.constant 16 : i32
            %mul3A_625 = arith.muli %add3A_623, %mul3A_624 : i32
            %get3A_626 = arith.index_cast %mul3A_625 : i32 to index
            %get3A_627 = tpu.vector_load %arg5[%get3A_626] {strides = array<i32>} : memref<32768xf32, #tpu.memory_space<vmem>>, vector<16xf32>,
            %bitcast_convert_type3A_628 = tpu.bitcast %get3A_627 : vector<16xf32> -> vector<16xi32>
            %shift_right_arithmetic3A_629 = arith.constant 31 : i32
            %shift_right_arithmetic3A_630 = vector.broadcast %shift_right_arithmetic3A_629 : i32 to vector<16xi32>
            %shift_right_arithmetic3A_631 = arith.shrsi %bitcast_convert_type3A_628, %shift_right_arithmetic3A_630 : vector<16xi32>
            %or3A_632 = arith.constant -2147483648 : i32
            %or3A_633 = vector.broadcast %or3A_632 : i32 to vector<16xi32>
            %or3A_634 = arith.ori %shift_right_arithmetic3A_631, %or3A_633 : vector<16xi32>
            %xor3A_635 = arith.xori %bitcast_convert_type3A_628, %or3A_634 : vector<16xi32>
            %bitcast_convert_type3A_636 = tpu.bitcast %xor3A_635 : vector<16xi32> -> vector<16xi32>
            %shift_right_logical3A_637 = vector.broadcast %sub3A_469 : i32 to vector<16xi32>
            %shift_right_logical3A_638 = arith.shrui %bitcast_convert_type3A_636, %shift_right_logical3A_637 : vector<16xi32>
            %and3A_639 = arith.constant 255 : i32
            %and3A_640 = vector.broadcast %and3A_639 : i32 to vector<16xi32>
            %and3A_641 = arith.andi %shift_right_logical3A_638, %and3A_640 : vector<16xi32>
            %mul3A_642 = arith.constant 16 : i32
            %mul3A_643 = vector.broadcast %mul3A_642 : i32 to vector<16xi32>
            %mul3A_644 = arith.muli %and3A_641, %mul3A_643 : vector<16xi32>
            %add3A_645 = arith.addi %mul3A_644, %iota3A : vector<16xi32>
            %and3A_646 = vector.broadcast %scan3A_453 : i32 to vector<16xi32>
            %and3A_647 = arith.andi %bitcast_convert_type3A_636, %and3A_646 : vector<16xi32>
            %eq3A_648 = vector.broadcast %scan3A_454 : i32 to vector<16xi32>
            %eq3A_649 = arith.cmpi eq, %and3A_647, %eq3A_648 : vector<16xi32>
            tpu.vector_store_idx %arg7[%add3A_645], %broadcast_in_dim3A_1 masked %eq3A_649 {add = true} : memref<4096xi32, #tpu.memory_space<vmem>>[vector<16xi32>], vector<16xi32>, vector<16xi1>
            %mul3A_650 = arith.constant 8 : i32
            %mul3A_651 = arith.muli %scan3A_502, %mul3A_650 : i32
            %add3A_652 = arith.constant 5 : i32
            %add3A_653 = arith.addi %mul3A_651, %add3A_652 : i32
            %mul3A_654 = arith.constant 16 : i32
            %mul3A_655 = arith.muli %add3A_653, %mul3A_654 : i32
            %get3A_656 = arith.index_cast %mul3A_655 : i32 to index
            %get3A_657 = tpu.vector_load %arg5[%get3A_656] {strides = array<i32>} : memref<32768xf32, #tpu.memory_space<vmem>>, vector<16xf32>,
            %bitcast_convert_type3A_658 = tpu.bitcast %get3A_657 : vector<16xf32> -> vector<16xi32>
            %shift_right_arithmetic3A_659 = arith.constant 31 : i32
            %shift_right_arithmetic3A_660 = vector.broadcast %shift_right_arithmetic3A_659 : i32 to vector<16xi32>
            %shift_right_arithmetic3A_661 = arith.shrsi %bitcast_convert_type3A_658, %shift_right_arithmetic3A_660 : vector<16xi32>
            %or3A_662 = arith.constant -2147483648 : i32
            %or3A_663 = vector.broadcast %or3A_662 : i32 to vector<16xi32>
            %or3A_664 = arith.ori %shift_right_arithmetic3A_661, %or3A_663 : vector<16xi32>
            %xor3A_665 = arith.xori %bitcast_convert_type3A_658, %or3A_664 : vector<16xi32>
            %bitcast_convert_type3A_666 = tpu.bitcast %xor3A_665 : vector<16xi32> -> vector<16xi32>
            %shift_right_logical3A_667 = vector.broadcast %sub3A_469 : i32 to vector<16xi32>
            %shift_right_logical3A_668 = arith.shrui %bitcast_convert_type3A_666, %shift_right_logical3A_667 : vector<16xi32>
            %and3A_669 = arith.constant 255 : i32
            %and3A_670 = vector.broadcast %and3A_669 : i32 to vector<16xi32>
            %and3A_671 = arith.andi %shift_right_logical3A_668, %and3A_670 : vector<16xi32>
            %mul3A_672 = arith.constant 16 : i32
            %mul3A_673 = vector.broadcast %mul3A_672 : i32 to vector<16xi32>
            %mul3A_674 = arith.muli %and3A_671, %mul3A_673 : vector<16xi32>
            %add3A_675 = arith.addi %mul3A_674, %iota3A : vector<16xi32>
            %and3A_676 = vector.broadcast %scan3A_453 : i32 to vector<16xi32>
            %and3A_677 = arith.andi %bitcast_convert_type3A_666, %and3A_676 : vector<16xi32>
            %eq3A_678 = vector.broadcast %scan3A_454 : i32 to vector<16xi32>
            %eq3A_679 = arith.cmpi eq, %and3A_677, %eq3A_678 : vector<16xi32>
            tpu.vector_store_idx %arg7[%add3A_675], %broadcast_in_dim3A_1 masked %eq3A_679 {add = true} : memref<4096xi32, #tpu.memory_space<vmem>>[vector<16xi32>], vector<16xi32>, vector<16xi1>
            %mul3A_680 = arith.constant 8 : i32
            %mul3A_681 = arith.muli %scan3A_502, %mul3A_680 : i32
            %add3A_682 = arith.constant 6 : i32
            %add3A_683 = arith.addi %mul3A_681, %add3A_682 : i32
            %mul3A_684 = arith.constant 16 : i32
            %mul3A_685 = arith.muli %add3A_683, %mul3A_684 : i32
            %get3A_686 = arith.index_cast %mul3A_685 : i32 to index
            %get3A_687 = tpu.vector_load %arg5[%get3A_686] {strides = array<i32>} : memref<32768xf32, #tpu.memory_space<vmem>>, vector<16xf32>,
            %bitcast_convert_type3A_688 = tpu.bitcast %get3A_687 : vector<16xf32> -> vector<16xi32>
            %shift_right_arithmetic3A_689 = arith.constant 31 : i32
            %shift_right_arithmetic3A_690 = vector.broadcast %shift_right_arithmetic3A_689 : i32 to vector<16xi32>
            %shift_right_arithmetic3A_691 = arith.shrsi %bitcast_convert_type3A_688, %shift_right_arithmetic3A_690 : vector<16xi32>
            %or3A_692 = arith.constant -2147483648 : i32
            %or3A_693 = vector.broadcast %or3A_692 : i32 to vector<16xi32>
            %or3A_694 = arith.ori %shift_right_arithmetic3A_691, %or3A_693 : vector<16xi32>
            %xor3A_695 = arith.xori %bitcast_convert_type3A_688, %or3A_694 : vector<16xi32>
            %bitcast_convert_type3A_696 = tpu.bitcast %xor3A_695 : vector<16xi32> -> vector<16xi32>
            %shift_right_logical3A_697 = vector.broadcast %sub3A_469 : i32 to vector<16xi32>
            %shift_right_logical3A_698 = arith.shrui %bitcast_convert_type3A_696, %shift_right_logical3A_697 : vector<16xi32>
            %and3A_699 = arith.constant 255 : i32
            %and3A_700 = vector.broadcast %and3A_699 : i32 to vector<16xi32>
            %and3A_701 = arith.andi %shift_right_logical3A_698, %and3A_700 : vector<16xi32>
            %mul3A_702 = arith.constant 16 : i32
            %mul3A_703 = vector.broadcast %mul3A_702 : i32 to vector<16xi32>
            %mul3A_704 = arith.muli %and3A_701, %mul3A_703 : vector<16xi32>
            %add3A_705 = arith.addi %mul3A_704, %iota3A : vector<16xi32>
            %and3A_706 = vector.broadcast %scan3A_453 : i32 to vector<16xi32>
            %and3A_707 = arith.andi %bitcast_convert_type3A_696, %and3A_706 : vector<16xi32>
            %eq3A_708 = vector.broadcast %scan3A_454 : i32 to vector<16xi32>
            %eq3A_709 = arith.cmpi eq, %and3A_707, %eq3A_708 : vector<16xi32>
            tpu.vector_store_idx %arg7[%add3A_705], %broadcast_in_dim3A_1 masked %eq3A_709 {add = true} : memref<4096xi32, #tpu.memory_space<vmem>>[vector<16xi32>], vector<16xi32>, vector<16xi1>
            %mul3A_710 = arith.constant 8 : i32
            %mul3A_711 = arith.muli %scan3A_502, %mul3A_710 : i32
            %add3A_712 = arith.constant 7 : i32
            %add3A_713 = arith.addi %mul3A_711, %add3A_712 : i32
            %mul3A_714 = arith.constant 16 : i32
            %mul3A_715 = arith.muli %add3A_713, %mul3A_714 : i32
            %get3A_716 = arith.index_cast %mul3A_715 : i32 to index
            %get3A_717 = tpu.vector_load %arg5[%get3A_716] {strides = array<i32>} : memref<32768xf32, #tpu.memory_space<vmem>>, vector<16xf32>,
            %bitcast_convert_type3A_718 = tpu.bitcast %get3A_717 : vector<16xf32> -> vector<16xi32>
            %shift_right_arithmetic3A_719 = arith.constant 31 : i32
            %shift_right_arithmetic3A_720 = vector.broadcast %shift_right_arithmetic3A_719 : i32 to vector<16xi32>
            %shift_right_arithmetic3A_721 = arith.shrsi %bitcast_convert_type3A_718, %shift_right_arithmetic3A_720 : vector<16xi32>
            %or3A_722 = arith.constant -2147483648 : i32
            %or3A_723 = vector.broadcast %or3A_722 : i32 to vector<16xi32>
            %or3A_724 = arith.ori %shift_right_arithmetic3A_721, %or3A_723 : vector<16xi32>
            %xor3A_725 = arith.xori %bitcast_convert_type3A_718, %or3A_724 : vector<16xi32>
            %bitcast_convert_type3A_726 = tpu.bitcast %xor3A_725 : vector<16xi32> -> vector<16xi32>
            %shift_right_logical3A_727 = vector.broadcast %sub3A_469 : i32 to vector<16xi32>
            %shift_right_logical3A_728 = arith.shrui %bitcast_convert_type3A_726, %shift_right_logical3A_727 : vector<16xi32>
            %and3A_729 = arith.constant 255 : i32
            %and3A_730 = vector.broadcast %and3A_729 : i32 to vector<16xi32>
            %and3A_731 = arith.andi %shift_right_logical3A_728, %and3A_730 : vector<16xi32>
            %mul3A_732 = arith.constant 16 : i32
            %mul3A_733 = vector.broadcast %mul3A_732 : i32 to vector<16xi32>
            %mul3A_734 = arith.muli %and3A_731, %mul3A_733 : vector<16xi32>
            %add3A_735 = arith.addi %mul3A_734, %iota3A : vector<16xi32>
            %and3A_736 = vector.broadcast %scan3A_453 : i32 to vector<16xi32>
            %and3A_737 = arith.andi %bitcast_convert_type3A_726, %and3A_736 : vector<16xi32>
            %eq3A_738 = vector.broadcast %scan3A_454 : i32 to vector<16xi32>
            %eq3A_739 = arith.cmpi eq, %and3A_737, %eq3A_738 : vector<16xi32>
            tpu.vector_store_idx %arg7[%add3A_735], %broadcast_in_dim3A_1 masked %eq3A_739 {add = true} : memref<4096xi32, #tpu.memory_space<vmem>>[vector<16xi32>], vector<16xi32>, vector<16xi1>
            %scan3A_740 = arith.constant 0 : i32
            scf.yield %scan3A_740 : i32
          }
          %scan3A_476 = arith.constant 256 : i32
          %while3A_477 = arith.constant 255 : i32
          %while3A_478 = arith.constant 0 : i32
          %while3A_479 = arith.constant 0 : i32
          %while3A_480:3 = scf.while (%while3A_502 = %while3A_477, %while3A_503 = %while3A_478, %while3A_504 = %while3A_479) : (i32, i32, i32) -> (i32, i32, i32) {
            %lt3A = arith.cmpi slt, %while3A_503, %scan3A_455 : i32
            scf.condition(%lt3A) %while3A_502, %while3A_503, %while3A_504 : i32, i32, i32
          } do {
          ^bb0(%while3A_502: i32, %while3A_503: i32, %while3A_504: i32):
            %mul3A_505 = arith.constant 16 : i32
            %mul3A_506 = arith.muli %while3A_502, %mul3A_505 : i32
            %get3A = arith.index_cast %mul3A_506 : i32 to index
            %get3A_507 = tpu.vector_load %arg7[%get3A] {strides = array<i32>} : memref<4096xi32, #tpu.memory_space<vmem>>, vector<16xi32>,
            %mul3A_508 = arith.constant 16 : i32
            %mul3A_509 = arith.muli %while3A_502, %mul3A_508 : i32
            %swap3A = arith.index_cast %mul3A_509 : i32 to index
            %swap3A_510 = tpu.vector_load %arg7[%swap3A] {strides = array<i32>} : memref<4096xi32, #tpu.memory_space<vmem>>, vector<16xi32>,
            tpu.vector_store %arg7[%swap3A], %broadcast_in_dim3A_3 {strides = array<i32>} : memref<4096xi32, #tpu.memory_space<vmem>>, vector<16xi32>,
            %sub3A_511 = arith.constant 1 : i32
            %sub3A_512 = arith.subi %while3A_502, %sub3A_511 : i32
            %reduce_sum3A = arith.constant true
            %reduce_sum3A_513 = vector.broadcast %reduce_sum3A : i1 to vector<16xi1>
            %reduce_sum3A_514 = tpu.scan <sum>, %get3A_507 masked %reduce_sum3A_513 : vector<16xi32>, vector<16xi1> -> vector<16xi32>
            %reduce_sum3A_515 = vector.extract %reduce_sum3A_514[15] : i32 from vector<16xi32>
            %add3A_516 = arith.addi %while3A_503, %reduce_sum3A_515 : i32
            scf.yield %sub3A_512, %add3A_516, %while3A_503 : i32, i32, i32
          }
          %add3A_481 = arith.constant 1 : i32
          %add3A_482 = arith.addi %while3A_480#0, %add3A_481 : i32
          %while3A_483 = arith.constant 0 : i32
          %while3A_484 = arith.constant 0 : i32
          %while3A_485 = arith.subi %add3A_482, %while3A_483 : i32
          %while3A_486 = arith.addi %while3A_483, %while3A_485 : i32
          %while3A_487 = arith.constant 1 : i32
          %while3A_488 = arith.divsi %while3A_485, %while3A_487 : i32
          %while3A_489 = arith.muli %while3A_488, %while3A_487 : i32
          %while3A_490 = arith.addi %while3A_483, %while3A_489 : i32
          %while3A_491 = arith.constant 1 : i32
          %while3A_492 = scf.for %while3A_502 = %while3A_483 to %while3A_490 step %while3A_491 iter_args(%while3A_503 = %while3A_484) -> (i32)  : i32 {
            %mul3A_504 = arith.constant 16 : i32
            %mul3A_505 = arith.muli %while3A_502, %mul3A_504 : i32
            %swap3A = arith.index_cast %mul3A_505 : i32 to index
            %swap3A_506 = tpu.vector_load %arg7[%swap3A] {strides = array<i32>} : memref<4096xi32, #tpu.memory_space<vmem>>, vector<16xi32>,
            tpu.vector_store %arg7[%swap3A], %broadcast_in_dim3A_3 {strides = array<i32>} : memref<4096xi32, #tpu.memory_space<vmem>>, vector<16xi32>,
            %while3A_507 = arith.constant 0 : i32
            scf.yield %while3A_507 : i32
          }
          %while3A_493 = arith.constant 1 : i32
          %while3A_494 = scf.for %while3A_502 = %while3A_490 to %while3A_486 step %while3A_493 iter_args(%while3A_503 = %while3A_492) -> (i32)  : i32 {
            %mul3A_504 = arith.constant 16 : i32
            %mul3A_505 = arith.muli %while3A_502, %mul3A_504 : i32
            %swap3A = arith.index_cast %mul3A_505 : i32 to index
            %swap3A_506 = tpu.vector_load %arg7[%swap3A] {strides = array<i32>} : memref<4096xi32, #tpu.memory_space<vmem>>, vector<16xi32>,
            tpu.vector_store %arg7[%swap3A], %broadcast_in_dim3A_3 {strides = array<i32>} : memref<4096xi32, #tpu.memory_space<vmem>>, vector<16xi32>,
            %while3A_507 = arith.constant 0 : i32
            scf.yield %while3A_507 : i32
          }
          %sub3A_495 = arith.subi %while3A_480#1, %while3A_480#2 : i32
          %shift_left3A_496 = arith.shli %add3A_482, %sub3A_469 : i32
          %or3A_497 = arith.ori %scan3A_454, %shift_left3A_496 : i32
          %shift_left3A_498 = arith.constant 255 : i32
          %shift_left3A_499 = arith.shli %shift_left3A_498, %sub3A_469 : i32
          %or3A_500 = arith.ori %scan3A_453, %shift_left3A_499 : i32
          %sub3A_501 = arith.subi %scan3A_455, %while3A_480#2 : i32
          scf.yield %or3A_500, %or3A_497, %sub3A_501, %sub3A_495 : i32, i32, i32, i32
        } else {
          scf.yield %scan3A_453, %scan3A_454, %scan3A_455, %scan3A_456 : i32, i32, i32, i32
        }
        scf.yield %cond3A_465#0, %cond3A_465#1, %cond3A_465#2, %cond3A_465#3 : i32, i32, i32, i32
      }
      %scan3A_420 = arith.constant 3 : i32
      %broadcast_in_dim3A_421 = vector.broadcast %scan3A_419#1 : i32 to vector<16xi32>
      %scan3A_422 = arith.constant 0 : i32
      %scan3A_423 = arith.constant 0 : i32
      %scan3A_424 = arith.constant 256 : i32
      %scan3A_425 = arith.addi %scan3A_423, %scan3A_424 : i32
      %scan3A_426 = arith.constant 1 : i32
      %scan3A_427 = scf.for %scan3A_452 = %scan3A_423 to %scan3A_425 step %scan3A_426 iter_args(%scan3A_453 = %scan3A_422) -> (i32)  : i32 {
        %min3A_454 = arith.constant 4096 : i32
        %min3A_455 = arith.minsi %scan3A_453, %min3A_454 : i32
        %mul3A_456 = arith.constant 8 : i32
        %mul3A_457 = arith.muli %scan3A_452, %mul3A_456 : i32
        %add3A_458 = arith.constant 0 : i32
        %add3A_459 = arith.addi %mul3A_457, %add3A_458 : i32
        %mul3A_460 = arith.constant 16 : i32
        %mul3A_461 = arith.muli %add3A_459, %mul3A_460 : i32
        %get3A = arith.index_cast %mul3A_461 : i32 to index
        %get3A_462 = tpu.vector_load %arg5[%get3A] {strides = array<i32>} : memref<32768xf32, #tpu.memory_space<vmem>>, vector<16xf32>,
        %bitcast_convert_type3A = tpu.bitcast %get3A_462 : vector<16xf32> -> vector<16xi32>
        %shift_right_arithmetic3A = arith.constant 31 : i32
        %shift_right_arithmetic3A_463 = vector.broadcast %shift_right_arithmetic3A : i32 to vector<16xi32>
        %shift_right_arithmetic3A_464 = arith.shrsi %bitcast_convert_type3A, %shift_right_arithmetic3A_463 : vector<16xi32>
        %or3A_465 = arith.constant -2147483648 : i32
        %or3A_466 = vector.broadcast %or3A_465 : i32 to vector<16xi32>
        %or3A_467 = arith.ori %shift_right_arithmetic3A_464, %or3A_466 : vector<16xi32>
        %xor3A = arith.xori %bitcast_convert_type3A, %or3A_467 : vector<16xi32>
        %bitcast_convert_type3A_468 = tpu.bitcast %xor3A : vector<16xi32> -> vector<16xi32>
        %ge3A = arith.cmpi uge, %bitcast_convert_type3A_468, %broadcast_in_dim3A_421 : vector<16xi32>
        %convert_element_type3A_469 = arith.extui %ge3A : vector<16xi1> to vector<16xi32>
        %reduce_sum3A = arith.constant true
        %reduce_sum3A_470 = vector.broadcast %reduce_sum3A : i1 to vector<16xi1>
        %reduce_sum3A_471 = tpu.scan <sum>, %convert_element_type3A_469 masked %reduce_sum3A_470 : vector<16xi32>, vector<16xi1> -> vector<16xi32>
        %reduce_sum3A_472 = vector.extract %reduce_sum3A_471[15] : i32 from vector<16xi32>
        %mul3A_473 = arith.constant 8 : i32
        %mul3A_474 = arith.muli %scan3A_452, %mul3A_473 : i32
        %add3A_475 = arith.constant 1 : i32
        %add3A_476 = arith.addi %mul3A_474, %add3A_475 : i32
        %mul3A_477 = arith.constant 16 : i32
        %mul3A_478 = arith.muli %add3A_476, %mul3A_477 : i32
        %get3A_479 = arith.index_cast %mul3A_478 : i32 to index
        %get3A_480 = tpu.vector_load %arg5[%get3A_479] {strides = array<i32>} : memref<32768xf32, #tpu.memory_space<vmem>>, vector<16xf32>,
        %bitcast_convert_type3A_481 = tpu.bitcast %get3A_480 : vector<16xf32> -> vector<16xi32>
        %shift_right_arithmetic3A_482 = arith.constant 31 : i32
        %shift_right_arithmetic3A_483 = vector.broadcast %shift_right_arithmetic3A_482 : i32 to vector<16xi32>
        %shift_right_arithmetic3A_484 = arith.shrsi %bitcast_convert_type3A_481, %shift_right_arithmetic3A_483 : vector<16xi32>
        %or3A_485 = arith.constant -2147483648 : i32
        %or3A_486 = vector.broadcast %or3A_485 : i32 to vector<16xi32>
        %or3A_487 = arith.ori %shift_right_arithmetic3A_484, %or3A_486 : vector<16xi32>
        %xor3A_488 = arith.xori %bitcast_convert_type3A_481, %or3A_487 : vector<16xi32>
        %bitcast_convert_type3A_489 = tpu.bitcast %xor3A_488 : vector<16xi32> -> vector<16xi32>
        %ge3A_490 = arith.cmpi uge, %bitcast_convert_type3A_489, %broadcast_in_dim3A_421 : vector<16xi32>
        %convert_element_type3A_491 = arith.extui %ge3A_490 : vector<16xi1> to vector<16xi32>
        %reduce_sum3A_492 = arith.constant true
        %reduce_sum3A_493 = vector.broadcast %reduce_sum3A_492 : i1 to vector<16xi1>
        %reduce_sum3A_494 = tpu.scan <sum>, %convert_element_type3A_491 masked %reduce_sum3A_493 : vector<16xi32>, vector<16xi1> -> vector<16xi32>
        %reduce_sum3A_495 = vector.extract %reduce_sum3A_494[15] : i32 from vector<16xi32>
        %mul3A_496 = arith.constant 8 : i32
        %mul3A_497 = arith.muli %scan3A_452, %mul3A_496 : i32
        %add3A_498 = arith.constant 2 : i32
        %add3A_499 = arith.addi %mul3A_497, %add3A_498 : i32
        %mul3A_500 = arith.constant 16 : i32
        %mul3A_501 = arith.muli %add3A_499, %mul3A_500 : i32
        %get3A_502 = arith.index_cast %mul3A_501 : i32 to index
        %get3A_503 = tpu.vector_load %arg5[%get3A_502] {strides = array<i32>} : memref<32768xf32, #tpu.memory_space<vmem>>, vector<16xf32>,
        %bitcast_convert_type3A_504 = tpu.bitcast %get3A_503 : vector<16xf32> -> vector<16xi32>
        %shift_right_arithmetic3A_505 = arith.constant 31 : i32
        %shift_right_arithmetic3A_506 = vector.broadcast %shift_right_arithmetic3A_505 : i32 to vector<16xi32>
        %shift_right_arithmetic3A_507 = arith.shrsi %bitcast_convert_type3A_504, %shift_right_arithmetic3A_506 : vector<16xi32>
        %or3A_508 = arith.constant -2147483648 : i32
        %or3A_509 = vector.broadcast %or3A_508 : i32 to vector<16xi32>
        %or3A_510 = arith.ori %shift_right_arithmetic3A_507, %or3A_509 : vector<16xi32>
        %xor3A_511 = arith.xori %bitcast_convert_type3A_504, %or3A_510 : vector<16xi32>
        %bitcast_convert_type3A_512 = tpu.bitcast %xor3A_511 : vector<16xi32> -> vector<16xi32>
        %ge3A_513 = arith.cmpi uge, %bitcast_convert_type3A_512, %broadcast_in_dim3A_421 : vector<16xi32>
        %convert_element_type3A_514 = arith.extui %ge3A_513 : vector<16xi1> to vector<16xi32>
        %reduce_sum3A_515 = arith.constant true
        %reduce_sum3A_516 = vector.broadcast %reduce_sum3A_515 : i1 to vector<16xi1>
        %reduce_sum3A_517 = tpu.scan <sum>, %convert_element_type3A_514 masked %reduce_sum3A_516 : vector<16xi32>, vector<16xi1> -> vector<16xi32>
        %reduce_sum3A_518 = vector.extract %reduce_sum3A_517[15] : i32 from vector<16xi32>
        %mul3A_519 = arith.constant 8 : i32
        %mul3A_520 = arith.muli %scan3A_452, %mul3A_519 : i32
        %add3A_521 = arith.constant 3 : i32
        %add3A_522 = arith.addi %mul3A_520, %add3A_521 : i32
        %mul3A_523 = arith.constant 16 : i32
        %mul3A_524 = arith.muli %add3A_522, %mul3A_523 : i32
        %get3A_525 = arith.index_cast %mul3A_524 : i32 to index
        %get3A_526 = tpu.vector_load %arg5[%get3A_525] {strides = array<i32>} : memref<32768xf32, #tpu.memory_space<vmem>>, vector<16xf32>,
        %bitcast_convert_type3A_527 = tpu.bitcast %get3A_526 : vector<16xf32> -> vector<16xi32>
        %shift_right_arithmetic3A_528 = arith.constant 31 : i32
        %shift_right_arithmetic3A_529 = vector.broadcast %shift_right_arithmetic3A_528 : i32 to vector<16xi32>
        %shift_right_arithmetic3A_530 = arith.shrsi %bitcast_convert_type3A_527, %shift_right_arithmetic3A_529 : vector<16xi32>
        %or3A_531 = arith.constant -2147483648 : i32
        %or3A_532 = vector.broadcast %or3A_531 : i32 to vector<16xi32>
        %or3A_533 = arith.ori %shift_right_arithmetic3A_530, %or3A_532 : vector<16xi32>
        %xor3A_534 = arith.xori %bitcast_convert_type3A_527, %or3A_533 : vector<16xi32>
        %bitcast_convert_type3A_535 = tpu.bitcast %xor3A_534 : vector<16xi32> -> vector<16xi32>
        %ge3A_536 = arith.cmpi uge, %bitcast_convert_type3A_535, %broadcast_in_dim3A_421 : vector<16xi32>
        %convert_element_type3A_537 = arith.extui %ge3A_536 : vector<16xi1> to vector<16xi32>
        %reduce_sum3A_538 = arith.constant true
        %reduce_sum3A_539 = vector.broadcast %reduce_sum3A_538 : i1 to vector<16xi1>
        %reduce_sum3A_540 = tpu.scan <sum>, %convert_element_type3A_537 masked %reduce_sum3A_539 : vector<16xi32>, vector<16xi1> -> vector<16xi32>
        %reduce_sum3A_541 = vector.extract %reduce_sum3A_540[15] : i32 from vector<16xi32>
        %mul3A_542 = arith.constant 8 : i32
        %mul3A_543 = arith.muli %scan3A_452, %mul3A_542 : i32
        %add3A_544 = arith.constant 4 : i32
        %add3A_545 = arith.addi %mul3A_543, %add3A_544 : i32
        %mul3A_546 = arith.constant 16 : i32
        %mul3A_547 = arith.muli %add3A_545, %mul3A_546 : i32
        %get3A_548 = arith.index_cast %mul3A_547 : i32 to index
        %get3A_549 = tpu.vector_load %arg5[%get3A_548] {strides = array<i32>} : memref<32768xf32, #tpu.memory_space<vmem>>, vector<16xf32>,
        %bitcast_convert_type3A_550 = tpu.bitcast %get3A_549 : vector<16xf32> -> vector<16xi32>
        %shift_right_arithmetic3A_551 = arith.constant 31 : i32
        %shift_right_arithmetic3A_552 = vector.broadcast %shift_right_arithmetic3A_551 : i32 to vector<16xi32>
        %shift_right_arithmetic3A_553 = arith.shrsi %bitcast_convert_type3A_550, %shift_right_arithmetic3A_552 : vector<16xi32>
        %or3A_554 = arith.constant -2147483648 : i32
        %or3A_555 = vector.broadcast %or3A_554 : i32 to vector<16xi32>
        %or3A_556 = arith.ori %shift_right_arithmetic3A_553, %or3A_555 : vector<16xi32>
        %xor3A_557 = arith.xori %bitcast_convert_type3A_550, %or3A_556 : vector<16xi32>
        %bitcast_convert_type3A_558 = tpu.bitcast %xor3A_557 : vector<16xi32> -> vector<16xi32>
        %ge3A_559 = arith.cmpi uge, %bitcast_convert_type3A_558, %broadcast_in_dim3A_421 : vector<16xi32>
        %convert_element_type3A_560 = arith.extui %ge3A_559 : vector<16xi1> to vector<16xi32>
        %reduce_sum3A_561 = arith.constant true
        %reduce_sum3A_562 = vector.broadcast %reduce_sum3A_561 : i1 to vector<16xi1>
        %reduce_sum3A_563 = tpu.scan <sum>, %convert_element_type3A_560 masked %reduce_sum3A_562 : vector<16xi32>, vector<16xi1> -> vector<16xi32>
        %reduce_sum3A_564 = vector.extract %reduce_sum3A_563[15] : i32 from vector<16xi32>
        %mul3A_565 = arith.constant 8 : i32
        %mul3A_566 = arith.muli %scan3A_452, %mul3A_565 : i32
        %add3A_567 = arith.constant 5 : i32
        %add3A_568 = arith.addi %mul3A_566, %add3A_567 : i32
        %mul3A_569 = arith.constant 16 : i32
        %mul3A_570 = arith.muli %add3A_568, %mul3A_569 : i32
        %get3A_571 = arith.index_cast %mul3A_570 : i32 to index
        %get3A_572 = tpu.vector_load %arg5[%get3A_571] {strides = array<i32>} : memref<32768xf32, #tpu.memory_space<vmem>>, vector<16xf32>,
        %bitcast_convert_type3A_573 = tpu.bitcast %get3A_572 : vector<16xf32> -> vector<16xi32>
        %shift_right_arithmetic3A_574 = arith.constant 31 : i32
        %shift_right_arithmetic3A_575 = vector.broadcast %shift_right_arithmetic3A_574 : i32 to vector<16xi32>
        %shift_right_arithmetic3A_576 = arith.shrsi %bitcast_convert_type3A_573, %shift_right_arithmetic3A_575 : vector<16xi32>
        %or3A_577 = arith.constant -2147483648 : i32
        %or3A_578 = vector.broadcast %or3A_577 : i32 to vector<16xi32>
        %or3A_579 = arith.ori %shift_right_arithmetic3A_576, %or3A_578 : vector<16xi32>
        %xor3A_580 = arith.xori %bitcast_convert_type3A_573, %or3A_579 : vector<16xi32>
        %bitcast_convert_type3A_581 = tpu.bitcast %xor3A_580 : vector<16xi32> -> vector<16xi32>
        %ge3A_582 = arith.cmpi uge, %bitcast_convert_type3A_581, %broadcast_in_dim3A_421 : vector<16xi32>
        %convert_element_type3A_583 = arith.extui %ge3A_582 : vector<16xi1> to vector<16xi32>
        %reduce_sum3A_584 = arith.constant true
        %reduce_sum3A_585 = vector.broadcast %reduce_sum3A_584 : i1 to vector<16xi1>
        %reduce_sum3A_586 = tpu.scan <sum>, %convert_element_type3A_583 masked %reduce_sum3A_585 : vector<16xi32>, vector<16xi1> -> vector<16xi32>
        %reduce_sum3A_587 = vector.extract %reduce_sum3A_586[15] : i32 from vector<16xi32>
        %mul3A_588 = arith.constant 8 : i32
        %mul3A_589 = arith.muli %scan3A_452, %mul3A_588 : i32
        %add3A_590 = arith.constant 6 : i32
        %add3A_591 = arith.addi %mul3A_589, %add3A_590 : i32
        %mul3A_592 = arith.constant 16 : i32
        %mul3A_593 = arith.muli %add3A_591, %mul3A_592 : i32
        %get3A_594 = arith.index_cast %mul3A_593 : i32 to index
        %get3A_595 = tpu.vector_load %arg5[%get3A_594] {strides = array<i32>} : memref<32768xf32, #tpu.memory_space<vmem>>, vector<16xf32>,
        %bitcast_convert_type3A_596 = tpu.bitcast %get3A_595 : vector<16xf32> -> vector<16xi32>
        %shift_right_arithmetic3A_597 = arith.constant 31 : i32
        %shift_right_arithmetic3A_598 = vector.broadcast %shift_right_arithmetic3A_597 : i32 to vector<16xi32>
        %shift_right_arithmetic3A_599 = arith.shrsi %bitcast_convert_type3A_596, %shift_right_arithmetic3A_598 : vector<16xi32>
        %or3A_600 = arith.constant -2147483648 : i32
        %or3A_601 = vector.broadcast %or3A_600 : i32 to vector<16xi32>
        %or3A_602 = arith.ori %shift_right_arithmetic3A_599, %or3A_601 : vector<16xi32>
        %xor3A_603 = arith.xori %bitcast_convert_type3A_596, %or3A_602 : vector<16xi32>
        %bitcast_convert_type3A_604 = tpu.bitcast %xor3A_603 : vector<16xi32> -> vector<16xi32>
        %ge3A_605 = arith.cmpi uge, %bitcast_convert_type3A_604, %broadcast_in_dim3A_421 : vector<16xi32>
        %convert_element_type3A_606 = arith.extui %ge3A_605 : vector<16xi1> to vector<16xi32>
        %reduce_sum3A_607 = arith.constant true
        %reduce_sum3A_608 = vector.broadcast %reduce_sum3A_607 : i1 to vector<16xi1>
        %reduce_sum3A_609 = tpu.scan <sum>, %convert_element_type3A_606 masked %reduce_sum3A_608 : vector<16xi32>, vector<16xi1> -> vector<16xi32>
        %reduce_sum3A_610 = vector.extract %reduce_sum3A_609[15] : i32 from vector<16xi32>
        %mul3A_611 = arith.constant 8 : i32
        %mul3A_612 = arith.muli %scan3A_452, %mul3A_611 : i32
        %add3A_613 = arith.constant 7 : i32
        %add3A_614 = arith.addi %mul3A_612, %add3A_613 : i32
        %mul3A_615 = arith.constant 16 : i32
        %mul3A_616 = arith.muli %add3A_614, %mul3A_615 : i32
        %get3A_617 = arith.index_cast %mul3A_616 : i32 to index
        %get3A_618 = tpu.vector_load %arg5[%get3A_617] {strides = array<i32>} : memref<32768xf32, #tpu.memory_space<vmem>>, vector<16xf32>,
        %bitcast_convert_type3A_619 = tpu.bitcast %get3A_618 : vector<16xf32> -> vector<16xi32>
        %shift_right_arithmetic3A_620 = arith.constant 31 : i32
        %shift_right_arithmetic3A_621 = vector.broadcast %shift_right_arithmetic3A_620 : i32 to vector<16xi32>
        %shift_right_arithmetic3A_622 = arith.shrsi %bitcast_convert_type3A_619, %shift_right_arithmetic3A_621 : vector<16xi32>
        %or3A_623 = arith.constant -2147483648 : i32
        %or3A_624 = vector.broadcast %or3A_623 : i32 to vector<16xi32>
        %or3A_625 = arith.ori %shift_right_arithmetic3A_622, %or3A_624 : vector<16xi32>
        %xor3A_626 = arith.xori %bitcast_convert_type3A_619, %or3A_625 : vector<16xi32>
        %bitcast_convert_type3A_627 = tpu.bitcast %xor3A_626 : vector<16xi32> -> vector<16xi32>
        %ge3A_628 = arith.cmpi uge, %bitcast_convert_type3A_627, %broadcast_in_dim3A_421 : vector<16xi32>
        %convert_element_type3A_629 = arith.extui %ge3A_628 : vector<16xi1> to vector<16xi32>
        %reduce_sum3A_630 = arith.constant true
        %reduce_sum3A_631 = vector.broadcast %reduce_sum3A_630 : i1 to vector<16xi1>
        %reduce_sum3A_632 = tpu.scan <sum>, %convert_element_type3A_629 masked %reduce_sum3A_631 : vector<16xi32>, vector<16xi1> -> vector<16xi32>
        %reduce_sum3A_633 = vector.extract %reduce_sum3A_632[15] : i32 from vector<16xi32>
        %add3A_634 = arith.addi %min3A_455, %reduce_sum3A_472 : i32
        %add3A_635 = arith.addi %add3A_634, %reduce_sum3A_495 : i32
        %add3A_636 = arith.addi %add3A_635, %reduce_sum3A_518 : i32
        %add3A_637 = arith.addi %add3A_636, %reduce_sum3A_541 : i32
        %add3A_638 = arith.addi %add3A_637, %reduce_sum3A_564 : i32
        %add3A_639 = arith.addi %add3A_638, %reduce_sum3A_587 : i32
        %add3A_640 = arith.addi %add3A_639, %reduce_sum3A_610 : i32
        %add3A_641 = arith.addi %add3A_640, %reduce_sum3A_633 : i32
        %mul3A_642 = arith.constant 8 : i32
        %mul3A_643 = arith.muli %scan3A_452, %mul3A_642 : i32
        %add3A_644 = arith.constant 0 : i32
        %add3A_645 = arith.addi %mul3A_643, %add3A_644 : i32
        %mul3A_646 = arith.constant 16 : i32
        %mul3A_647 = arith.muli %add3A_645, %mul3A_646 : i32
        %add3A_648 = vector.broadcast %mul3A_647 : i32 to vector<16xi32>
        %add3A_649 = arith.addi %iota3A, %add3A_648 : vector<16xi32>
        %swap3A = arith.index_cast %min3A_455 : i32 to index
        %swap3A_650 = tpu.vector_load %arg9[%swap3A] masked %ge3A {strides = array<i32>} : memref<4240xi32, #tpu.memory_space<vmem>>, vector<16xi32>, vector<16xi1>
        tpu.vector_store %arg9[%swap3A], %add3A_649 masked %ge3A {strides = array<i32>} : memref<4240xi32, #tpu.memory_space<vmem>>, vector<16xi32>, vector<16xi1>
        %mul3A_651 = arith.constant 8 : i32
        %mul3A_652 = arith.muli %scan3A_452, %mul3A_651 : i32
        %add3A_653 = arith.constant 1 : i32
        %add3A_654 = arith.addi %mul3A_652, %add3A_653 : i32
        %mul3A_655 = arith.constant 16 : i32
        %mul3A_656 = arith.muli %add3A_654, %mul3A_655 : i32
        %add3A_657 = vector.broadcast %mul3A_656 : i32 to vector<16xi32>
        %add3A_658 = arith.addi %iota3A, %add3A_657 : vector<16xi32>
        %swap3A_659 = arith.index_cast %add3A_634 : i32 to index
        %swap3A_660 = tpu.vector_load %arg9[%swap3A_659] masked %ge3A_490 {strides = array<i32>} : memref<4240xi32, #tpu.memory_space<vmem>>, vector<16xi32>, vector<16xi1>
        tpu.vector_store %arg9[%swap3A_659], %add3A_658 masked %ge3A_490 {strides = array<i32>} : memref<4240xi32, #tpu.memory_space<vmem>>, vector<16xi32>, vector<16xi1>
        %mul3A_661 = arith.constant 8 : i32
        %mul3A_662 = arith.muli %scan3A_452, %mul3A_661 : i32
        %add3A_663 = arith.constant 2 : i32
        %add3A_664 = arith.addi %mul3A_662, %add3A_663 : i32
        %mul3A_665 = arith.constant 16 : i32
        %mul3A_666 = arith.muli %add3A_664, %mul3A_665 : i32
        %add3A_667 = vector.broadcast %mul3A_666 : i32 to vector<16xi32>
        %add3A_668 = arith.addi %iota3A, %add3A_667 : vector<16xi32>
        %swap3A_669 = arith.index_cast %add3A_635 : i32 to index
        %swap3A_670 = tpu.vector_load %arg9[%swap3A_669] masked %ge3A_513 {strides = array<i32>} : memref<4240xi32, #tpu.memory_space<vmem>>, vector<16xi32>, vector<16xi1>
        tpu.vector_store %arg9[%swap3A_669], %add3A_668 masked %ge3A_513 {strides = array<i32>} : memref<4240xi32, #tpu.memory_space<vmem>>, vector<16xi32>, vector<16xi1>
        %mul3A_671 = arith.constant 8 : i32
        %mul3A_672 = arith.muli %scan3A_452, %mul3A_671 : i32
        %add3A_673 = arith.constant 3 : i32
        %add3A_674 = arith.addi %mul3A_672, %add3A_673 : i32
        %mul3A_675 = arith.constant 16 : i32
        %mul3A_676 = arith.muli %add3A_674, %mul3A_675 : i32
        %add3A_677 = vector.broadcast %mul3A_676 : i32 to vector<16xi32>
        %add3A_678 = arith.addi %iota3A, %add3A_677 : vector<16xi32>
        %swap3A_679 = arith.index_cast %add3A_636 : i32 to index
        %swap3A_680 = tpu.vector_load %arg9[%swap3A_679] masked %ge3A_536 {strides = array<i32>} : memref<4240xi32, #tpu.memory_space<vmem>>, vector<16xi32>, vector<16xi1>
        tpu.vector_store %arg9[%swap3A_679], %add3A_678 masked %ge3A_536 {strides = array<i32>} : memref<4240xi32, #tpu.memory_space<vmem>>, vector<16xi32>, vector<16xi1>
        %mul3A_681 = arith.constant 8 : i32
        %mul3A_682 = arith.muli %scan3A_452, %mul3A_681 : i32
        %add3A_683 = arith.constant 4 : i32
        %add3A_684 = arith.addi %mul3A_682, %add3A_683 : i32
        %mul3A_685 = arith.constant 16 : i32
        %mul3A_686 = arith.muli %add3A_684, %mul3A_685 : i32
        %add3A_687 = vector.broadcast %mul3A_686 : i32 to vector<16xi32>
        %add3A_688 = arith.addi %iota3A, %add3A_687 : vector<16xi32>
        %swap3A_689 = arith.index_cast %add3A_637 : i32 to index
        %swap3A_690 = tpu.vector_load %arg9[%swap3A_689] masked %ge3A_559 {strides = array<i32>} : memref<4240xi32, #tpu.memory_space<vmem>>, vector<16xi32>, vector<16xi1>
        tpu.vector_store %arg9[%swap3A_689], %add3A_688 masked %ge3A_559 {strides = array<i32>} : memref<4240xi32, #tpu.memory_space<vmem>>, vector<16xi32>, vector<16xi1>
        %mul3A_691 = arith.constant 8 : i32
        %mul3A_692 = arith.muli %scan3A_452, %mul3A_691 : i32
        %add3A_693 = arith.constant 5 : i32
        %add3A_694 = arith.addi %mul3A_692, %add3A_693 : i32
        %mul3A_695 = arith.constant 16 : i32
        %mul3A_696 = arith.muli %add3A_694, %mul3A_695 : i32
        %add3A_697 = vector.broadcast %mul3A_696 : i32 to vector<16xi32>
        %add3A_698 = arith.addi %iota3A, %add3A_697 : vector<16xi32>
        %swap3A_699 = arith.index_cast %add3A_638 : i32 to index
        %swap3A_700 = tpu.vector_load %arg9[%swap3A_699] masked %ge3A_582 {strides = array<i32>} : memref<4240xi32, #tpu.memory_space<vmem>>, vector<16xi32>, vector<16xi1>
        tpu.vector_store %arg9[%swap3A_699], %add3A_698 masked %ge3A_582 {strides = array<i32>} : memref<4240xi32, #tpu.memory_space<vmem>>, vector<16xi32>, vector<16xi1>
        %mul3A_701 = arith.constant 8 : i32
        %mul3A_702 = arith.muli %scan3A_452, %mul3A_701 : i32
        %add3A_703 = arith.constant 6 : i32
        %add3A_704 = arith.addi %mul3A_702, %add3A_703 : i32
        %mul3A_705 = arith.constant 16 : i32
        %mul3A_706 = arith.muli %add3A_704, %mul3A_705 : i32
        %add3A_707 = vector.broadcast %mul3A_706 : i32 to vector<16xi32>
        %add3A_708 = arith.addi %iota3A, %add3A_707 : vector<16xi32>
        %swap3A_709 = arith.index_cast %add3A_639 : i32 to index
        %swap3A_710 = tpu.vector_load %arg9[%swap3A_709] masked %ge3A_605 {strides = array<i32>} : memref<4240xi32, #tpu.memory_space<vmem>>, vector<16xi32>, vector<16xi1>
        tpu.vector_store %arg9[%swap3A_709], %add3A_708 masked %ge3A_605 {strides = array<i32>} : memref<4240xi32, #tpu.memory_space<vmem>>, vector<16xi32>, vector<16xi1>
        %mul3A_711 = arith.constant 8 : i32
        %mul3A_712 = arith.muli %scan3A_452, %mul3A_711 : i32
        %add3A_713 = arith.constant 7 : i32
        %add3A_714 = arith.addi %mul3A_712, %add3A_713 : i32
        %mul3A_715 = arith.constant 16 : i32
        %mul3A_716 = arith.muli %add3A_714, %mul3A_715 : i32
        %add3A_717 = vector.broadcast %mul3A_716 : i32 to vector<16xi32>
        %add3A_718 = arith.addi %iota3A, %add3A_717 : vector<16xi32>
        %swap3A_719 = arith.index_cast %add3A_640 : i32 to index
        %swap3A_720 = tpu.vector_load %arg9[%swap3A_719] masked %ge3A_628 {strides = array<i32>} : memref<4240xi32, #tpu.memory_space<vmem>>, vector<16xi32>, vector<16xi1>
        tpu.vector_store %arg9[%swap3A_719], %add3A_718 masked %ge3A_628 {strides = array<i32>} : memref<4240xi32, #tpu.memory_space<vmem>>, vector<16xi32>, vector<16xi1>
        %sub3A_721 = arith.subi %add3A_641, %min3A_455 : i32
        %add3A_722 = arith.addi %scan3A_453, %sub3A_721 : i32
        scf.yield %add3A_722 : i32
      }
      %scan3A_428 = arith.constant 256 : i32
      %sub3A_429 = arith.constant 32 : i32
      %sub3A_430 = arith.subi %sub3A_429, %scan3A_419#2 : i32
      %add3A_431 = arith.addi %sub3A_430, %scan3A_419#3 : i32
      %shift_right_logical3A = arith.constant 24 : i32
      %shift_right_logical3A_432 = arith.shrui %scan3A_419#0, %shift_right_logical3A : i32
      %and3A_433 = arith.constant 1 : i32
      %and3A_434 = arith.andi %shift_right_logical3A_432, %and3A_433 : i32
      %shift_right_logical3A_435 = arith.constant 16 : i32
      %shift_right_logical3A_436 = arith.shrui %scan3A_419#0, %shift_right_logical3A_435 : i32
      %and3A_437 = arith.constant 1 : i32
      %and3A_438 = arith.andi %shift_right_logical3A_436, %and3A_437 : i32
      %shift_right_logical3A_439 = arith.constant 8 : i32
      %shift_right_logical3A_440 = arith.shrui %scan3A_419#0, %shift_right_logical3A_439 : i32
      %and3A_441 = arith.constant 1 : i32
      %and3A_442 = arith.andi %shift_right_logical3A_440, %and3A_441 : i32
      %and3A_443 = arith.constant 1 : i32
      %and3A_444 = arith.andi %scan3A_419#0, %and3A_443 : i32
      %add3A_445 = arith.addi %and3A_434, %and3A_438 : i32
      %add3A_446 = arith.addi %add3A_445, %and3A_442 : i32
      %add3A_447 = arith.addi %add3A_446, %and3A_444 : i32
      %sub3A_448 = arith.constant 4 : i32
      %sub3A_449 = arith.subi %sub3A_448, %add3A_447 : i32
      %mul3A_450 = arith.constant 2 : i32
      %mul3A_451 = arith.muli %sub3A_449, %mul3A_450 : i32
      scf.yield %scan3A_419#0, %scan3A_419#1, %scan3A_419#2, %add3A_431, %mul3A_451 : i32, i32, i32, i32, i32
    }
    %add3A_244 = arith.constant 16 : i32
    %add3A_245 = arith.addi %cond3A_243#3, %add3A_244 : i32
    %sub3A_246 = arith.constant 1 : i32
    %sub3A_247 = arith.subi %add3A_245, %sub3A_246 : i32
    %jit3A_248 = arith.constant 16 : i32
    %div3A_249 = arith.divsi %sub3A_247, %jit3A_248 : i32
    %sign3A_250 = arith.constant 0 : i32
    %sign3A_251 = arith.cmpi sgt, %sub3A_247, %sign3A_250 : i32
    %sign3A_252 = arith.extui %sign3A_251 : i1 to i32
    %sign3A_253 = arith.constant 0 : i32
    %sign3A_254 = arith.cmpi slt, %sub3A_247, %sign3A_253 : i32
    %sign3A_255 = arith.extui %sign3A_254 : i1 to i32
    %sign3A_256 = arith.subi %sign3A_252, %sign3A_255 : i32
    %sign3A_257 = arith.constant 0 : i32
    %sign3A_258 = arith.cmpi sgt, %jit3A_248, %sign3A_257 : i32
    %sign3A_259 = arith.extui %sign3A_258 : i1 to i32
    %sign3A_260 = arith.constant 0 : i32
    %sign3A_261 = arith.cmpi slt, %jit3A_248, %sign3A_260 : i32
    %sign3A_262 = arith.extui %sign3A_261 : i1 to i32
    %sign3A_263 = arith.subi %sign3A_259, %sign3A_262 : i32
    %ne3A_264 = arith.cmpi ne, %sign3A_256, %sign3A_263 : i32
    %rem3A_265 = arith.remsi %sub3A_247, %jit3A_248 : i32
    %ne3A_266 = arith.constant 0 : i32
    %ne3A_267 = arith.cmpi ne, %rem3A_265, %ne3A_266 : i32
    %and3A_268 = arith.andi %ne3A_264, %ne3A_267 : i1
    %sub3A_269 = arith.constant 1 : i32
    %sub3A_270 = arith.subi %div3A_249, %sub3A_269 : i32
    %select_n3A_271 = arith.select %and3A_268, %sub3A_270, %div3A_249 : i32
    %broadcast_in_dim3A_272 = vector.broadcast %cond3A_243#3 : i32 to vector<16xi32>
    %mul3A_273 = arith.constant 4 : i32
    %mul3A_274 = arith.muli %mul3A_273, %cond3A_243#4 : i32
    %while3A_275 = arith.constant 0 : i32
    %while3A_276 = arith.constant 0 : i32
    %while3A_277 = arith.subi %select_n3A_271, %while3A_275 : i32
    %while3A_278 = arith.addi %while3A_275, %while3A_277 : i32
    %while3A_279 = arith.constant 1 : i32
    %while3A_280 = arith.divsi %while3A_277, %while3A_279 : i32
    %while3A_281 = arith.muli %while3A_280, %while3A_279 : i32
    %while3A_282 = arith.addi %while3A_275, %while3A_281 : i32
    %while3A_283 = arith.constant 1 : i32
    %while3A_284 = scf.for %while3A_378 = %while3A_275 to %while3A_282 step %while3A_283 iter_args(%while3A_379 = %while3A_276) -> (i32)  : i32 {
      %mul3A_380 = arith.constant 16 : i32
      %mul3A_381 = arith.muli %while3A_378, %mul3A_380 : i32
      %get3A = arith.index_cast %mul3A_381 : i32 to index
      %get3A_382 = tpu.vector_load %arg9[%get3A] {strides = array<i32>} : memref<4240xi32, #tpu.memory_space<vmem>>, vector<16xi32>,
      %mul3A_383 = arith.constant 16 : i32
      %mul3A_384 = arith.muli %while3A_378, %mul3A_383 : i32
      %add3A_385 = vector.broadcast %mul3A_384 : i32 to vector<16xi32>
      %add3A_386 = arith.addi %add3A_385, %iota3A : vector<16xi32>
      %lt3A = arith.cmpi slt, %add3A_386, %broadcast_in_dim3A_272 : vector<16xi32>
      %gather3A = tpu.vector_load_idx %arg5[%get3A_382] masked %lt3A : memref<32768xf32, #tpu.memory_space<vmem>>[vector<16xi32>], vector<16xf32>, vector<16xi1>
      %bitcast_convert_type3A = tpu.bitcast %gather3A : vector<16xf32> -> vector<16xi32>
      %shift_right_arithmetic3A = arith.constant 31 : i32
      %shift_right_arithmetic3A_387 = vector.broadcast %shift_right_arithmetic3A : i32 to vector<16xi32>
      %shift_right_arithmetic3A_388 = arith.shrsi %bitcast_convert_type3A, %shift_right_arithmetic3A_387 : vector<16xi32>
      %or3A = arith.constant -2147483648 : i32
      %or3A_389 = vector.broadcast %or3A : i32 to vector<16xi32>
      %or3A_390 = arith.ori %shift_right_arithmetic3A_388, %or3A_389 : vector<16xi32>
      %xor3A = arith.xori %bitcast_convert_type3A, %or3A_390 : vector<16xi32>
      %bitcast_convert_type3A_391 = tpu.bitcast %xor3A : vector<16xi32> -> vector<16xi32>
      %mul3A_392 = arith.constant 16 : i32
      %mul3A_393 = arith.muli %while3A_378, %mul3A_392 : i32
      %swap3A = arith.index_cast %mul3A_393 : i32 to index
      %swap3A_394 = tpu.vector_load %arg10[%swap3A] {strides = array<i32>} : memref<4240xi32, #tpu.memory_space<vmem>>, vector<16xi32>,
      tpu.vector_store %arg10[%swap3A], %bitcast_convert_type3A_391 {strides = array<i32>} : memref<4240xi32, #tpu.memory_space<vmem>>, vector<16xi32>,
      %while3A_395 = arith.constant 0 : i32
      scf.yield %while3A_395 : i32
    }
    %while3A_285 = arith.constant 1 : i32
    %while3A_286 = scf.for %while3A_378 = %while3A_282 to %while3A_278 step %while3A_285 iter_args(%while3A_379 = %while3A_284) -> (i32)  : i32 {
      %mul3A_380 = arith.constant 16 : i32
      %mul3A_381 = arith.muli %while3A_378, %mul3A_380 : i32
      %get3A = arith.index_cast %mul3A_381 : i32 to index
      %get3A_382 = tpu.vector_load %arg9[%get3A] {strides = array<i32>} : memref<4240xi32, #tpu.memory_space<vmem>>, vector<16xi32>,
      %mul3A_383 = arith.constant 16 : i32
      %mul3A_384 = arith.muli %while3A_378, %mul3A_383 : i32
      %add3A_385 = vector.broadcast %mul3A_384 : i32 to vector<16xi32>
      %add3A_386 = arith.addi %add3A_385, %iota3A : vector<16xi32>
      %lt3A = arith.cmpi slt, %add3A_386, %broadcast_in_dim3A_272 : vector<16xi32>
      %gather3A = tpu.vector_load_idx %arg5[%get3A_382] masked %lt3A : memref<32768xf32, #tpu.memory_space<vmem>>[vector<16xi32>], vector<16xf32>, vector<16xi1>
      %bitcast_convert_type3A = tpu.bitcast %gather3A : vector<16xf32> -> vector<16xi32>
      %shift_right_arithmetic3A = arith.constant 31 : i32
      %shift_right_arithmetic3A_387 = vector.broadcast %shift_right_arithmetic3A : i32 to vector<16xi32>
      %shift_right_arithmetic3A_388 = arith.shrsi %bitcast_convert_type3A, %shift_right_arithmetic3A_387 : vector<16xi32>
      %or3A = arith.constant -2147483648 : i32
      %or3A_389 = vector.broadcast %or3A : i32 to vector<16xi32>
      %or3A_390 = arith.ori %shift_right_arithmetic3A_388, %or3A_389 : vector<16xi32>
      %xor3A = arith.xori %bitcast_convert_type3A, %or3A_390 : vector<16xi32>
      %bitcast_convert_type3A_391 = tpu.bitcast %xor3A : vector<16xi32> -> vector<16xi32>
      %mul3A_392 = arith.constant 16 : i32
      %mul3A_393 = arith.muli %while3A_378, %mul3A_392 : i32
      %swap3A = arith.index_cast %mul3A_393 : i32 to index
      %swap3A_394 = tpu.vector_load %arg10[%swap3A] {strides = array<i32>} : memref<4240xi32, #tpu.memory_space<vmem>>, vector<16xi32>,
      tpu.vector_store %arg10[%swap3A], %bitcast_convert_type3A_391 {strides = array<i32>} : memref<4240xi32, #tpu.memory_space<vmem>>, vector<16xi32>,
      %while3A_395 = arith.constant 0 : i32
      scf.yield %while3A_395 : i32
    }
    %while3A_287 = arith.constant 0 : i32
    %while3A_288 = arith.subi %cond3A_243#4, %while3A_287 : i32
    %while3A_289 = arith.addi %while3A_287, %while3A_288 : i32
    %while3A_290 = arith.constant 1 : i32
    %while3A_291 = arith.divsi %while3A_288, %while3A_290 : i32
    %while3A_292 = arith.muli %while3A_291, %while3A_290 : i32
    %while3A_293 = arith.addi %while3A_287, %while3A_292 : i32
    %while3A_294 = arith.constant 1 : i32
    %while3A_295:3 = scf.for %while3A_378 = %while3A_287 to %while3A_293 step %while3A_294 iter_args(%while3A_379 = %cond3A_243#0, %while3A_380 = %cond3A_243#1, %while3A_381 = %cond3A_243#2) -> (i32, i32, i32)  : i32 {
      %add3A_382 = arith.constant 1 : i32
      %add3A_383 = arith.addi %while3A_378, %add3A_382 : i32
      %mul3A_384 = arith.constant 4 : i32
      %mul3A_385 = arith.muli %mul3A_384, %add3A_383 : i32
      %sub3A_386 = arith.subi %mul3A_274, %mul3A_385 : i32
      %while3A_387 = arith.constant 0 : i32
      %while3A_388 = arith.constant 0 : i32
      %while3A_389 = arith.subi %select_n3A_271, %while3A_387 : i32
      %while3A_390 = arith.addi %while3A_387, %while3A_389 : i32
      %while3A_391 = arith.constant 1 : i32
      %while3A_392 = arith.divsi %while3A_389, %while3A_391 : i32
      %while3A_393 = arith.muli %while3A_392, %while3A_391 : i32
      %while3A_394 = arith.addi %while3A_387, %while3A_393 : i32
      %while3A_395 = arith.constant 1 : i32
      %while3A_396 = scf.for %while3A_422 = %while3A_387 to %while3A_394 step %while3A_395 iter_args(%while3A_423 = %while3A_388) -> (i32)  : i32 {
        %mul3A_424 = arith.constant 16 : i32
        %mul3A_425 = arith.muli %while3A_422, %mul3A_424 : i32
        %get3A = arith.index_cast %mul3A_425 : i32 to index
        %get3A_426 = tpu.vector_load %arg10[%get3A] {strides = array<i32>} : memref<4240xi32, #tpu.memory_space<vmem>>, vector<16xi32>,
        %mul3A_427 = arith.constant 16 : i32
        %mul3A_428 = arith.muli %while3A_422, %mul3A_427 : i32
        %add3A_429 = vector.broadcast %mul3A_428 : i32 to vector<16xi32>
        %add3A_430 = arith.addi %add3A_429, %iota3A : vector<16xi32>
        %lt3A = arith.cmpi slt, %add3A_430, %broadcast_in_dim3A_272 : vector<16xi32>
        %and3A_431 = vector.broadcast %while3A_379 : i32 to vector<16xi32>
        %and3A_432 = arith.andi %get3A_426, %and3A_431 : vector<16xi32>
        %eq3A_433 = vector.broadcast %while3A_380 : i32 to vector<16xi32>
        %eq3A_434 = arith.cmpi eq, %and3A_432, %eq3A_433 : vector<16xi32>
        %and3A_435 = arith.andi %lt3A, %eq3A_434 : vector<16xi1>
        %shift_right_logical3A = vector.broadcast %sub3A_386 : i32 to vector<16xi32>
        %shift_right_logical3A_436 = arith.shrui %get3A_426, %shift_right_logical3A : vector<16xi32>
        %and3A_437 = arith.constant 15 : i32
        %and3A_438 = vector.broadcast %and3A_437 : i32 to vector<16xi32>
        %and3A_439 = arith.andi %shift_right_logical3A_436, %and3A_438 : vector<16xi32>
        %mul3A_440 = arith.constant 16 : i32
        %mul3A_441 = vector.broadcast %mul3A_440 : i32 to vector<16xi32>
        %mul3A_442 = arith.muli %and3A_439, %mul3A_441 : vector<16xi32>
        %add3A_443 = arith.addi %mul3A_442, %iota3A : vector<16xi32>
        tpu.vector_store_idx %arg7[%add3A_443], %broadcast_in_dim3A_1 masked %and3A_435 {add = true} : memref<4096xi32, #tpu.memory_space<vmem>>[vector<16xi32>], vector<16xi32>, vector<16xi1>
        %while3A_444 = arith.constant 0 : i32
        scf.yield %while3A_444 : i32
      }
      %while3A_397 = arith.constant 1 : i32
      %while3A_398 = scf.for %while3A_422 = %while3A_394 to %while3A_390 step %while3A_397 iter_args(%while3A_423 = %while3A_396) -> (i32)  : i32 {
        %mul3A_424 = arith.constant 16 : i32
        %mul3A_425 = arith.muli %while3A_422, %mul3A_424 : i32
        %get3A = arith.index_cast %mul3A_425 : i32 to index
        %get3A_426 = tpu.vector_load %arg10[%get3A] {strides = array<i32>} : memref<4240xi32, #tpu.memory_space<vmem>>, vector<16xi32>,
        %mul3A_427 = arith.constant 16 : i32
        %mul3A_428 = arith.muli %while3A_422, %mul3A_427 : i32
        %add3A_429 = vector.broadcast %mul3A_428 : i32 to vector<16xi32>
        %add3A_430 = arith.addi %add3A_429, %iota3A : vector<16xi32>
        %lt3A = arith.cmpi slt, %add3A_430, %broadcast_in_dim3A_272 : vector<16xi32>
        %and3A_431 = vector.broadcast %while3A_379 : i32 to vector<16xi32>
        %and3A_432 = arith.andi %get3A_426, %and3A_431 : vector<16xi32>
        %eq3A_433 = vector.broadcast %while3A_380 : i32 to vector<16xi32>
        %eq3A_434 = arith.cmpi eq, %and3A_432, %eq3A_433 : vector<16xi32>
        %and3A_435 = arith.andi %lt3A, %eq3A_434 : vector<16xi1>
        %shift_right_logical3A = vector.broadcast %sub3A_386 : i32 to vector<16xi32>
        %shift_right_logical3A_436 = arith.shrui %get3A_426, %shift_right_logical3A : vector<16xi32>
        %and3A_437 = arith.constant 15 : i32
        %and3A_438 = vector.broadcast %and3A_437 : i32 to vector<16xi32>
        %and3A_439 = arith.andi %shift_right_logical3A_436, %and3A_438 : vector<16xi32>
        %mul3A_440 = arith.constant 16 : i32
        %mul3A_441 = vector.broadcast %mul3A_440 : i32 to vector<16xi32>
        %mul3A_442 = arith.muli %and3A_439, %mul3A_441 : vector<16xi32>
        %add3A_443 = arith.addi %mul3A_442, %iota3A : vector<16xi32>
        tpu.vector_store_idx %arg7[%add3A_443], %broadcast_in_dim3A_1 masked %and3A_435 {add = true} : memref<4096xi32, #tpu.memory_space<vmem>>[vector<16xi32>], vector<16xi32>, vector<16xi1>
        %while3A_444 = arith.constant 0 : i32
        scf.yield %while3A_444 : i32
      }
      %while3A_399 = arith.constant 15 : i32
      %while3A_400 = arith.constant 0 : i32
      %while3A_401 = arith.constant 0 : i32
      %while3A_402:3 = scf.while (%while3A_422 = %while3A_399, %while3A_423 = %while3A_400, %while3A_424 = %while3A_401) : (i32, i32, i32) -> (i32, i32, i32) {
        %lt3A = arith.cmpi slt, %while3A_423, %while3A_381 : i32
        scf.condition(%lt3A) %while3A_422, %while3A_423, %while3A_424 : i32, i32, i32
      } do {
      ^bb0(%while3A_422: i32, %while3A_423: i32, %while3A_424: i32):
        %mul3A_425 = arith.constant 16 : i32
        %mul3A_426 = arith.muli %while3A_422, %mul3A_425 : i32
        %get3A = arith.index_cast %mul3A_426 : i32 to index
        %get3A_427 = tpu.vector_load %arg7[%get3A] {strides = array<i32>} : memref<4096xi32, #tpu.memory_space<vmem>>, vector<16xi32>,
        %mul3A_428 = arith.constant 16 : i32
        %mul3A_429 = arith.muli %while3A_422, %mul3A_428 : i32
        %swap3A = arith.index_cast %mul3A_429 : i32 to index
        %swap3A_430 = tpu.vector_load %arg7[%swap3A] {strides = array<i32>} : memref<4096xi32, #tpu.memory_space<vmem>>, vector<16xi32>,
        tpu.vector_store %arg7[%swap3A], %broadcast_in_dim3A_3 {strides = array<i32>} : memref<4096xi32, #tpu.memory_space<vmem>>, vector<16xi32>,
        %sub3A_431 = arith.constant 1 : i32
        %sub3A_432 = arith.subi %while3A_422, %sub3A_431 : i32
        %reduce_sum3A = arith.constant true
        %reduce_sum3A_433 = vector.broadcast %reduce_sum3A : i1 to vector<16xi1>
        %reduce_sum3A_434 = tpu.scan <sum>, %get3A_427 masked %reduce_sum3A_433 : vector<16xi32>, vector<16xi1> -> vector<16xi32>
        %reduce_sum3A_435 = vector.extract %reduce_sum3A_434[15] : i32 from vector<16xi32>
        %add3A_436 = arith.addi %while3A_423, %reduce_sum3A_435 : i32
        scf.yield %sub3A_432, %add3A_436, %while3A_423 : i32, i32, i32
      }
      %add3A_403 = arith.constant 1 : i32
      %add3A_404 = arith.addi %while3A_402#0, %add3A_403 : i32
      %while3A_405 = arith.constant 0 : i32
      %while3A_406 = arith.constant 0 : i32
      %while3A_407 = arith.subi %add3A_404, %while3A_405 : i32
      %while3A_408 = arith.addi %while3A_405, %while3A_407 : i32
      %while3A_409 = arith.constant 1 : i32
      %while3A_410 = arith.divsi %while3A_407, %while3A_409 : i32
      %while3A_411 = arith.muli %while3A_410, %while3A_409 : i32
      %while3A_412 = arith.addi %while3A_405, %while3A_411 : i32
      %while3A_413 = arith.constant 1 : i32
      %while3A_414 = scf.for %while3A_422 = %while3A_405 to %while3A_412 step %while3A_413 iter_args(%while3A_423 = %while3A_406) -> (i32)  : i32 {
        %mul3A_424 = arith.constant 16 : i32
        %mul3A_425 = arith.muli %while3A_422, %mul3A_424 : i32
        %swap3A = arith.index_cast %mul3A_425 : i32 to index
        %swap3A_426 = tpu.vector_load %arg7[%swap3A] {strides = array<i32>} : memref<4096xi32, #tpu.memory_space<vmem>>, vector<16xi32>,
        tpu.vector_store %arg7[%swap3A], %broadcast_in_dim3A_3 {strides = array<i32>} : memref<4096xi32, #tpu.memory_space<vmem>>, vector<16xi32>,
        %while3A_427 = arith.constant 0 : i32
        scf.yield %while3A_427 : i32
      }
      %while3A_415 = arith.constant 1 : i32
      %while3A_416 = scf.for %while3A_422 = %while3A_412 to %while3A_408 step %while3A_415 iter_args(%while3A_423 = %while3A_414) -> (i32)  : i32 {
        %mul3A_424 = arith.constant 16 : i32
        %mul3A_425 = arith.muli %while3A_422, %mul3A_424 : i32
        %swap3A = arith.index_cast %mul3A_425 : i32 to index
        %swap3A_426 = tpu.vector_load %arg7[%swap3A] {strides = array<i32>} : memref<4096xi32, #tpu.memory_space<vmem>>, vector<16xi32>,
        tpu.vector_store %arg7[%swap3A], %broadcast_in_dim3A_3 {strides = array<i32>} : memref<4096xi32, #tpu.memory_space<vmem>>, vector<16xi32>,
        %while3A_427 = arith.constant 0 : i32
        scf.yield %while3A_427 : i32
      }
      %sub3A_417 = arith.subi %while3A_402#1, %while3A_402#2 : i32
      %shift_left3A = arith.shli %add3A_404, %sub3A_386 : i32
      %or3A = arith.ori %while3A_380, %shift_left3A : i32
      %shift_left3A_418 = arith.constant 15 : i32
      %shift_left3A_419 = arith.shli %shift_left3A_418, %sub3A_386 : i32
      %or3A_420 = arith.ori %while3A_379, %shift_left3A_419 : i32
      %sub3A_421 = arith.subi %while3A_381, %while3A_402#2 : i32
      scf.yield %or3A_420, %or3A, %sub3A_421 : i32, i32, i32
    }
    %while3A_296 = arith.constant 1 : i32
    %while3A_297:3 = scf.for %while3A_378 = %while3A_293 to %while3A_289 step %while3A_296 iter_args(%while3A_379 = %while3A_295#0, %while3A_380 = %while3A_295#1, %while3A_381 = %while3A_295#2) -> (i32, i32, i32)  : i32 {
      %add3A_382 = arith.constant 1 : i32
      %add3A_383 = arith.addi %while3A_378, %add3A_382 : i32
      %mul3A_384 = arith.constant 4 : i32
      %mul3A_385 = arith.muli %mul3A_384, %add3A_383 : i32
      %sub3A_386 = arith.subi %mul3A_274, %mul3A_385 : i32
      %while3A_387 = arith.constant 0 : i32
      %while3A_388 = arith.constant 0 : i32
      %while3A_389 = arith.subi %select_n3A_271, %while3A_387 : i32
      %while3A_390 = arith.addi %while3A_387, %while3A_389 : i32
      %while3A_391 = arith.constant 1 : i32
      %while3A_392 = arith.divsi %while3A_389, %while3A_391 : i32
      %while3A_393 = arith.muli %while3A_392, %while3A_391 : i32
      %while3A_394 = arith.addi %while3A_387, %while3A_393 : i32
      %while3A_395 = arith.constant 1 : i32
      %while3A_396 = scf.for %while3A_422 = %while3A_387 to %while3A_394 step %while3A_395 iter_args(%while3A_423 = %while3A_388) -> (i32)  : i32 {
        %mul3A_424 = arith.constant 16 : i32
        %mul3A_425 = arith.muli %while3A_422, %mul3A_424 : i32
        %get3A = arith.index_cast %mul3A_425 : i32 to index
        %get3A_426 = tpu.vector_load %arg10[%get3A] {strides = array<i32>} : memref<4240xi32, #tpu.memory_space<vmem>>, vector<16xi32>,
        %mul3A_427 = arith.constant 16 : i32
        %mul3A_428 = arith.muli %while3A_422, %mul3A_427 : i32
        %add3A_429 = vector.broadcast %mul3A_428 : i32 to vector<16xi32>
        %add3A_430 = arith.addi %add3A_429, %iota3A : vector<16xi32>
        %lt3A = arith.cmpi slt, %add3A_430, %broadcast_in_dim3A_272 : vector<16xi32>
        %and3A_431 = vector.broadcast %while3A_379 : i32 to vector<16xi32>
        %and3A_432 = arith.andi %get3A_426, %and3A_431 : vector<16xi32>
        %eq3A_433 = vector.broadcast %while3A_380 : i32 to vector<16xi32>
        %eq3A_434 = arith.cmpi eq, %and3A_432, %eq3A_433 : vector<16xi32>
        %and3A_435 = arith.andi %lt3A, %eq3A_434 : vector<16xi1>
        %shift_right_logical3A = vector.broadcast %sub3A_386 : i32 to vector<16xi32>
        %shift_right_logical3A_436 = arith.shrui %get3A_426, %shift_right_logical3A : vector<16xi32>
        %and3A_437 = arith.constant 15 : i32
        %and3A_438 = vector.broadcast %and3A_437 : i32 to vector<16xi32>
        %and3A_439 = arith.andi %shift_right_logical3A_436, %and3A_438 : vector<16xi32>
        %mul3A_440 = arith.constant 16 : i32
        %mul3A_441 = vector.broadcast %mul3A_440 : i32 to vector<16xi32>
        %mul3A_442 = arith.muli %and3A_439, %mul3A_441 : vector<16xi32>
        %add3A_443 = arith.addi %mul3A_442, %iota3A : vector<16xi32>
        tpu.vector_store_idx %arg7[%add3A_443], %broadcast_in_dim3A_1 masked %and3A_435 {add = true} : memref<4096xi32, #tpu.memory_space<vmem>>[vector<16xi32>], vector<16xi32>, vector<16xi1>
        %while3A_444 = arith.constant 0 : i32
        scf.yield %while3A_444 : i32
      }
      %while3A_397 = arith.constant 1 : i32
      %while3A_398 = scf.for %while3A_422 = %while3A_394 to %while3A_390 step %while3A_397 iter_args(%while3A_423 = %while3A_396) -> (i32)  : i32 {
        %mul3A_424 = arith.constant 16 : i32
        %mul3A_425 = arith.muli %while3A_422, %mul3A_424 : i32
        %get3A = arith.index_cast %mul3A_425 : i32 to index
        %get3A_426 = tpu.vector_load %arg10[%get3A] {strides = array<i32>} : memref<4240xi32, #tpu.memory_space<vmem>>, vector<16xi32>,
        %mul3A_427 = arith.constant 16 : i32
        %mul3A_428 = arith.muli %while3A_422, %mul3A_427 : i32
        %add3A_429 = vector.broadcast %mul3A_428 : i32 to vector<16xi32>
        %add3A_430 = arith.addi %add3A_429, %iota3A : vector<16xi32>
        %lt3A = arith.cmpi slt, %add3A_430, %broadcast_in_dim3A_272 : vector<16xi32>
        %and3A_431 = vector.broadcast %while3A_379 : i32 to vector<16xi32>
        %and3A_432 = arith.andi %get3A_426, %and3A_431 : vector<16xi32>
        %eq3A_433 = vector.broadcast %while3A_380 : i32 to vector<16xi32>
        %eq3A_434 = arith.cmpi eq, %and3A_432, %eq3A_433 : vector<16xi32>
        %and3A_435 = arith.andi %lt3A, %eq3A_434 : vector<16xi1>
        %shift_right_logical3A = vector.broadcast %sub3A_386 : i32 to vector<16xi32>
        %shift_right_logical3A_436 = arith.shrui %get3A_426, %shift_right_logical3A : vector<16xi32>
        %and3A_437 = arith.constant 15 : i32
        %and3A_438 = vector.broadcast %and3A_437 : i32 to vector<16xi32>
        %and3A_439 = arith.andi %shift_right_logical3A_436, %and3A_438 : vector<16xi32>
        %mul3A_440 = arith.constant 16 : i32
        %mul3A_441 = vector.broadcast %mul3A_440 : i32 to vector<16xi32>
        %mul3A_442 = arith.muli %and3A_439, %mul3A_441 : vector<16xi32>
        %add3A_443 = arith.addi %mul3A_442, %iota3A : vector<16xi32>
        tpu.vector_store_idx %arg7[%add3A_443], %broadcast_in_dim3A_1 masked %and3A_435 {add = true} : memref<4096xi32, #tpu.memory_space<vmem>>[vector<16xi32>], vector<16xi32>, vector<16xi1>
        %while3A_444 = arith.constant 0 : i32
        scf.yield %while3A_444 : i32
      }
      %while3A_399 = arith.constant 15 : i32
      %while3A_400 = arith.constant 0 : i32
      %while3A_401 = arith.constant 0 : i32
      %while3A_402:3 = scf.while (%while3A_422 = %while3A_399, %while3A_423 = %while3A_400, %while3A_424 = %while3A_401) : (i32, i32, i32) -> (i32, i32, i32) {
        %lt3A = arith.cmpi slt, %while3A_423, %while3A_381 : i32
        scf.condition(%lt3A) %while3A_422, %while3A_423, %while3A_424 : i32, i32, i32
      } do {
      ^bb0(%while3A_422: i32, %while3A_423: i32, %while3A_424: i32):
        %mul3A_425 = arith.constant 16 : i32
        %mul3A_426 = arith.muli %while3A_422, %mul3A_425 : i32
        %get3A = arith.index_cast %mul3A_426 : i32 to index
        %get3A_427 = tpu.vector_load %arg7[%get3A] {strides = array<i32>} : memref<4096xi32, #tpu.memory_space<vmem>>, vector<16xi32>,
        %mul3A_428 = arith.constant 16 : i32
        %mul3A_429 = arith.muli %while3A_422, %mul3A_428 : i32
        %swap3A = arith.index_cast %mul3A_429 : i32 to index
        %swap3A_430 = tpu.vector_load %arg7[%swap3A] {strides = array<i32>} : memref<4096xi32, #tpu.memory_space<vmem>>, vector<16xi32>,
        tpu.vector_store %arg7[%swap3A], %broadcast_in_dim3A_3 {strides = array<i32>} : memref<4096xi32, #tpu.memory_space<vmem>>, vector<16xi32>,
        %sub3A_431 = arith.constant 1 : i32
        %sub3A_432 = arith.subi %while3A_422, %sub3A_431 : i32
        %reduce_sum3A = arith.constant true
        %reduce_sum3A_433 = vector.broadcast %reduce_sum3A : i1 to vector<16xi1>
        %reduce_sum3A_434 = tpu.scan <sum>, %get3A_427 masked %reduce_sum3A_433 : vector<16xi32>, vector<16xi1> -> vector<16xi32>
        %reduce_sum3A_435 = vector.extract %reduce_sum3A_434[15] : i32 from vector<16xi32>
        %add3A_436 = arith.addi %while3A_423, %reduce_sum3A_435 : i32
        scf.yield %sub3A_432, %add3A_436, %while3A_423 : i32, i32, i32
      }
      %add3A_403 = arith.constant 1 : i32
      %add3A_404 = arith.addi %while3A_402#0, %add3A_403 : i32
      %while3A_405 = arith.constant 0 : i32
      %while3A_406 = arith.constant 0 : i32
      %while3A_407 = arith.subi %add3A_404, %while3A_405 : i32
      %while3A_408 = arith.addi %while3A_405, %while3A_407 : i32
      %while3A_409 = arith.constant 1 : i32
      %while3A_410 = arith.divsi %while3A_407, %while3A_409 : i32
      %while3A_411 = arith.muli %while3A_410, %while3A_409 : i32
      %while3A_412 = arith.addi %while3A_405, %while3A_411 : i32
      %while3A_413 = arith.constant 1 : i32
      %while3A_414 = scf.for %while3A_422 = %while3A_405 to %while3A_412 step %while3A_413 iter_args(%while3A_423 = %while3A_406) -> (i32)  : i32 {
        %mul3A_424 = arith.constant 16 : i32
        %mul3A_425 = arith.muli %while3A_422, %mul3A_424 : i32
        %swap3A = arith.index_cast %mul3A_425 : i32 to index
        %swap3A_426 = tpu.vector_load %arg7[%swap3A] {strides = array<i32>} : memref<4096xi32, #tpu.memory_space<vmem>>, vector<16xi32>,
        tpu.vector_store %arg7[%swap3A], %broadcast_in_dim3A_3 {strides = array<i32>} : memref<4096xi32, #tpu.memory_space<vmem>>, vector<16xi32>,
        %while3A_427 = arith.constant 0 : i32
        scf.yield %while3A_427 : i32
      }
      %while3A_415 = arith.constant 1 : i32
      %while3A_416 = scf.for %while3A_422 = %while3A_412 to %while3A_408 step %while3A_415 iter_args(%while3A_423 = %while3A_414) -> (i32)  : i32 {
        %mul3A_424 = arith.constant 16 : i32
        %mul3A_425 = arith.muli %while3A_422, %mul3A_424 : i32
        %swap3A = arith.index_cast %mul3A_425 : i32 to index
        %swap3A_426 = tpu.vector_load %arg7[%swap3A] {strides = array<i32>} : memref<4096xi32, #tpu.memory_space<vmem>>, vector<16xi32>,
        tpu.vector_store %arg7[%swap3A], %broadcast_in_dim3A_3 {strides = array<i32>} : memref<4096xi32, #tpu.memory_space<vmem>>, vector<16xi32>,
        %while3A_427 = arith.constant 0 : i32
        scf.yield %while3A_427 : i32
      }
      %sub3A_417 = arith.subi %while3A_402#1, %while3A_402#2 : i32
      %shift_left3A = arith.shli %add3A_404, %sub3A_386 : i32
      %or3A = arith.ori %while3A_380, %shift_left3A : i32
      %shift_left3A_418 = arith.constant 15 : i32
      %shift_left3A_419 = arith.shli %shift_left3A_418, %sub3A_386 : i32
      %or3A_420 = arith.ori %while3A_379, %shift_left3A_419 : i32
      %sub3A_421 = arith.subi %while3A_381, %while3A_402#2 : i32
      scf.yield %or3A_420, %or3A, %sub3A_421 : i32, i32, i32
    }
    %eq3A_298 = arith.constant 0 : i32
    %eq3A_299 = arith.cmpi eq, %cond3A_243#4, %eq3A_298 : i32
    %dma_wait3A_300 = arith.constant 0 : i32
    %dma_wait3A_301 = tpu.memref_slice %arg3[%mul3A_7, %dma_wait3A_300] : memref<64x32768xf32, #tpu.memory_space<hbm>> -> memref<1x32768xf32, #tpu.memory_space<hbm>>
    %dma_wait3A_302 = tpu.memref_squeeze %dma_wait3A_301 : memref<1x32768xf32, #tpu.memory_space<hbm>> -> memref<32768xf32, #tpu.memory_space<hbm>>
    %dma_wait3A_303 = arith.constant 0 : i32
    %dma_wait3A_304 = tpu.memref_slice %arg3[%mul3A_7, %dma_wait3A_303] : memref<64x32768xf32, #tpu.memory_space<hbm>> -> memref<1x32768xf32, #tpu.memory_space<hbm>>
    %dma_wait3A_305 = tpu.memref_squeeze %dma_wait3A_304 : memref<1x32768xf32, #tpu.memory_space<hbm>> -> memref<32768xf32, #tpu.memory_space<hbm>>
    tpu.wait_dma2 semaphore(%arg13 : memref<!tpu.dma_semaphore, #tpu.memory_space<semaphore_mem>>) src(%arg6 : memref<32768xf32, #tpu.memory_space<vmem>>) dst(%dma_wait3A_305 : memref<32768xf32, #tpu.memory_space<hbm>>)
    %broadcast_in_dim3A_306 = vector.broadcast %cond3A_94#3 : i32 to vector<16xi32>
    %add3A_307 = arith.constant 16 : i32
    %add3A_308 = arith.addi %cond3A_94#3, %add3A_307 : i32
    %sub3A_309 = arith.constant 1 : i32
    %sub3A_310 = arith.subi %add3A_308, %sub3A_309 : i32
    %jit3A_311 = arith.constant 16 : i32
    %div3A_312 = arith.divsi %sub3A_310, %jit3A_311 : i32
    %sign3A_313 = arith.constant 0 : i32
    %sign3A_314 = arith.cmpi sgt, %sub3A_310, %sign3A_313 : i32
    %sign3A_315 = arith.extui %sign3A_314 : i1 to i32
    %sign3A_316 = arith.constant 0 : i32
    %sign3A_317 = arith.cmpi slt, %sub3A_310, %sign3A_316 : i32
    %sign3A_318 = arith.extui %sign3A_317 : i1 to i32
    %sign3A_319 = arith.subi %sign3A_315, %sign3A_318 : i32
    %sign3A_320 = arith.constant 0 : i32
    %sign3A_321 = arith.cmpi sgt, %jit3A_311, %sign3A_320 : i32
    %sign3A_322 = arith.extui %sign3A_321 : i1 to i32
    %sign3A_323 = arith.constant 0 : i32
    %sign3A_324 = arith.cmpi slt, %jit3A_311, %sign3A_323 : i32
    %sign3A_325 = arith.extui %sign3A_324 : i1 to i32
    %sign3A_326 = arith.subi %sign3A_322, %sign3A_325 : i32
    %ne3A_327 = arith.cmpi ne, %sign3A_319, %sign3A_326 : i32
    %rem3A_328 = arith.remsi %sub3A_310, %jit3A_311 : i32
    %ne3A_329 = arith.constant 0 : i32
    %ne3A_330 = arith.cmpi ne, %rem3A_328, %ne3A_329 : i32
    %and3A_331 = arith.andi %ne3A_327, %ne3A_330 : i1
    %sub3A_332 = arith.constant 1 : i32
    %sub3A_333 = arith.subi %div3A_312, %sub3A_332 : i32
    %select_n3A_334 = arith.select %and3A_331, %sub3A_333, %div3A_312 : i32
    %convert_element_type3A_335 = arith.extui %eq3A_140 : i1 to i32
    %cond3A_336 = arith.constant 0 : i32
    %cond3A_337 = arith.constant 0 : i32
    %cond3A_338 = arith.cmpi ne, %convert_element_type3A_335, %cond3A_337 : i32
    %cond3A_339 = scf.if %cond3A_338 -> (i32) {
      %scan3A_378 = arith.constant 0 : i32
      %scan3A_379 = arith.constant 0 : i32
      %scan3A_380 = arith.constant 2048 : i32
      %scan3A_381 = arith.addi %scan3A_379, %scan3A_380 : i32
      %scan3A_382 = arith.constant 1 : i32
      %scan3A_383 = scf.for %scan3A_386 = %scan3A_379 to %scan3A_381 step %scan3A_382 iter_args(%scan3A_387 = %scan3A_378) -> (i32)  : i32 {
        %mul3A_388 = arith.constant 16 : i32
        %mul3A_389 = arith.muli %scan3A_386, %mul3A_388 : i32
        %swap3A = arith.index_cast %mul3A_389 : i32 to index
        %swap3A_390 = tpu.vector_load %arg6[%swap3A] {strides = array<i32>} : memref<32768xf32, #tpu.memory_space<vmem>>, vector<16xf32>,
        tpu.vector_store %arg6[%swap3A], %broadcast_in_dim3A_5 {strides = array<i32>} : memref<32768xf32, #tpu.memory_space<vmem>>, vector<16xf32>,
        %scan3A_391 = arith.constant 0 : i32
        scf.yield %scan3A_391 : i32
      }
      %scan3A_384 = arith.constant 2048 : i32
      %cond3A_385 = arith.constant 0 : i32
      scf.yield %cond3A_385 : i32
    } else {
      %while3A_378 = arith.constant 0 : i32
      %while3A_379 = arith.constant 0 : i32
      %while3A_380 = arith.subi %select_n3A_334, %while3A_378 : i32
      %while3A_381 = arith.addi %while3A_378, %while3A_380 : i32
      %while3A_382 = arith.constant 1 : i32
      %while3A_383 = arith.divsi %while3A_380, %while3A_382 : i32
      %while3A_384 = arith.muli %while3A_383, %while3A_382 : i32
      %while3A_385 = arith.addi %while3A_378, %while3A_384 : i32
      %while3A_386 = arith.constant 1 : i32
      %while3A_387 = scf.for %while3A_391 = %while3A_378 to %while3A_385 step %while3A_386 iter_args(%while3A_392 = %while3A_379) -> (i32)  : i32 {
        %mul3A_393 = arith.constant 16 : i32
        %mul3A_394 = arith.muli %while3A_391, %mul3A_393 : i32
        %get3A = arith.index_cast %mul3A_394 : i32 to index
        %get3A_395 = tpu.vector_load %arg8[%get3A] {strides = array<i32>} : memref<4240xi32, #tpu.memory_space<vmem>>, vector<16xi32>,
        %mul3A_396 = arith.constant 16 : i32
        %mul3A_397 = arith.muli %while3A_391, %mul3A_396 : i32
        %add3A_398 = vector.broadcast %mul3A_397 : i32 to vector<16xi32>
        %add3A_399 = arith.addi %add3A_398, %iota3A : vector<16xi32>
        %lt3A = arith.cmpi slt, %add3A_399, %broadcast_in_dim3A_306 : vector<16xi32>
        tpu.vector_store_idx %arg6[%get3A_395], %broadcast_in_dim3A_5 masked %lt3A : memref<32768xf32, #tpu.memory_space<vmem>>[vector<16xi32>], vector<16xf32>, vector<16xi1>
        %while3A_400 = arith.constant 0 : i32
        scf.yield %while3A_400 : i32
      }
      %while3A_388 = arith.constant 1 : i32
      %while3A_389 = scf.for %while3A_391 = %while3A_385 to %while3A_381 step %while3A_388 iter_args(%while3A_392 = %while3A_387) -> (i32)  : i32 {
        %mul3A_393 = arith.constant 16 : i32
        %mul3A_394 = arith.muli %while3A_391, %mul3A_393 : i32
        %get3A = arith.index_cast %mul3A_394 : i32 to index
        %get3A_395 = tpu.vector_load %arg8[%get3A] {strides = array<i32>} : memref<4240xi32, #tpu.memory_space<vmem>>, vector<16xi32>,
        %mul3A_396 = arith.constant 16 : i32
        %mul3A_397 = arith.muli %while3A_391, %mul3A_396 : i32
        %add3A_398 = vector.broadcast %mul3A_397 : i32 to vector<16xi32>
        %add3A_399 = arith.addi %add3A_398, %iota3A : vector<16xi32>
        %lt3A = arith.cmpi slt, %add3A_399, %broadcast_in_dim3A_306 : vector<16xi32>
        tpu.vector_store_idx %arg6[%get3A_395], %broadcast_in_dim3A_5 masked %lt3A : memref<32768xf32, #tpu.memory_space<vmem>>[vector<16xi32>], vector<16xf32>, vector<16xi1>
        %while3A_400 = arith.constant 0 : i32
        scf.yield %while3A_400 : i32
      }
      %cond3A_390 = arith.constant 0 : i32
      scf.yield %cond3A_390 : i32
    }
    %broadcast_in_dim3A_340 = vector.broadcast %while3A_297#1 : i32 to vector<16xi32>
    %broadcast_in_dim3A_341 = vector.broadcast %while3A_297#2 : i32 to vector<16xi32>
    %broadcast_in_dim3A_342 = vector.broadcast %cond3A_243#3 : i32 to vector<16xi32>
    %add3A_343 = arith.constant 16 : i32
    %add3A_344 = arith.addi %cond3A_243#3, %add3A_343 : i32
    %sub3A_345 = arith.constant 1 : i32
    %sub3A_346 = arith.subi %add3A_344, %sub3A_345 : i32
    %jit3A_347 = arith.constant 16 : i32
    %div3A_348 = arith.divsi %sub3A_346, %jit3A_347 : i32
    %sign3A_349 = arith.constant 0 : i32
    %sign3A_350 = arith.cmpi sgt, %sub3A_346, %sign3A_349 : i32
    %sign3A_351 = arith.extui %sign3A_350 : i1 to i32
    %sign3A_352 = arith.constant 0 : i32
    %sign3A_353 = arith.cmpi slt, %sub3A_346, %sign3A_352 : i32
    %sign3A_354 = arith.extui %sign3A_353 : i1 to i32
    %sign3A_355 = arith.subi %sign3A_351, %sign3A_354 : i32
    %sign3A_356 = arith.constant 0 : i32
    %sign3A_357 = arith.cmpi sgt, %jit3A_347, %sign3A_356 : i32
    %sign3A_358 = arith.extui %sign3A_357 : i1 to i32
    %sign3A_359 = arith.constant 0 : i32
    %sign3A_360 = arith.cmpi slt, %jit3A_347, %sign3A_359 : i32
    %sign3A_361 = arith.extui %sign3A_360 : i1 to i32
    %sign3A_362 = arith.subi %sign3A_358, %sign3A_361 : i32
    %ne3A_363 = arith.cmpi ne, %sign3A_355, %sign3A_362 : i32
    %rem3A_364 = arith.remsi %sub3A_346, %jit3A_347 : i32
    %ne3A_365 = arith.constant 0 : i32
    %ne3A_366 = arith.cmpi ne, %rem3A_364, %ne3A_365 : i32
    %and3A_367 = arith.andi %ne3A_363, %ne3A_366 : i1
    %sub3A_368 = arith.constant 1 : i32
    %sub3A_369 = arith.subi %div3A_348, %sub3A_368 : i32
    %select_n3A_370 = arith.select %and3A_367, %sub3A_369, %div3A_348 : i32
    %convert_element_type3A_371 = arith.extui %eq3A_299 : i1 to i32
    %cond3A_372 = arith.constant 0 : i32
    %cond3A_373 = arith.constant 0 : i32
    %cond3A_374 = arith.cmpi ne, %convert_element_type3A_371, %cond3A_373 : i32
    %cond3A_375 = scf.if %cond3A_374 -> (i32) {
      %scan3A_378 = arith.constant 0 : i32
      %scan3A_379 = arith.constant 0 : i32
      %scan3A_380 = arith.constant 2048 : i32
      %scan3A_381 = arith.addi %scan3A_379, %scan3A_380 : i32
      %scan3A_382 = arith.constant 1 : i32
      %scan3A_383 = scf.for %scan3A_386 = %scan3A_379 to %scan3A_381 step %scan3A_382 iter_args(%scan3A_387 = %scan3A_378) -> (i32)  : i32 {
        %mul3A_388 = arith.constant 16 : i32
        %mul3A_389 = arith.muli %scan3A_386, %mul3A_388 : i32
        %get3A = arith.index_cast %mul3A_389 : i32 to index
        %get3A_390 = tpu.vector_load %arg5[%get3A] {strides = array<i32>} : memref<32768xf32, #tpu.memory_space<vmem>>, vector<16xf32>,
        %bitcast_convert_type3A = tpu.bitcast %get3A_390 : vector<16xf32> -> vector<16xi32>
        %shift_right_arithmetic3A = arith.constant 31 : i32
        %shift_right_arithmetic3A_391 = vector.broadcast %shift_right_arithmetic3A : i32 to vector<16xi32>
        %shift_right_arithmetic3A_392 = arith.shrsi %bitcast_convert_type3A, %shift_right_arithmetic3A_391 : vector<16xi32>
        %or3A = arith.constant -2147483648 : i32
        %or3A_393 = vector.broadcast %or3A : i32 to vector<16xi32>
        %or3A_394 = arith.ori %shift_right_arithmetic3A_392, %or3A_393 : vector<16xi32>
        %xor3A = arith.xori %bitcast_convert_type3A, %or3A_394 : vector<16xi32>
        %bitcast_convert_type3A_395 = tpu.bitcast %xor3A : vector<16xi32> -> vector<16xi32>
        %gt3A = arith.cmpi ugt, %bitcast_convert_type3A_395, %broadcast_in_dim3A_340 : vector<16xi32>
        %eq3A_396 = arith.cmpi eq, %bitcast_convert_type3A_395, %broadcast_in_dim3A_340 : vector<16xi32>
        %convert_element_type3A_397 = arith.extui %eq3A_396 : vector<16xi1> to vector<16xi32>
        %cumsum3A = arith.constant true
        %cumsum3A_398 = vector.broadcast %cumsum3A : i1 to vector<16xi1>
        %cumsum3A_399 = tpu.scan <sum>, %convert_element_type3A_397 masked %cumsum3A_398 : vector<16xi32>, vector<16xi1> -> vector<16xi32>
        %add3A_400 = vector.broadcast %scan3A_387 : i32 to vector<16xi32>
        %add3A_401 = arith.addi %cumsum3A_399, %add3A_400 : vector<16xi32>
        %le3A_402 = arith.cmpi sle, %add3A_401, %broadcast_in_dim3A_341 : vector<16xi32>
        %and3A_403 = arith.andi %eq3A_396, %le3A_402 : vector<16xi1>
        %or3A_404 = arith.ori %gt3A, %and3A_403 : vector<16xi1>
        %select_n3A_405 = arith.select %or3A_404, %get3A_390, %broadcast_in_dim3A_5 : vector<16xi1>, vector<16xf32>
        %mul3A_406 = arith.constant 16 : i32
        %mul3A_407 = arith.muli %scan3A_386, %mul3A_406 : i32
        %swap3A = arith.index_cast %mul3A_407 : i32 to index
        %swap3A_408 = tpu.vector_load %arg6[%swap3A] {strides = array<i32>} : memref<32768xf32, #tpu.memory_space<vmem>>, vector<16xf32>,
        tpu.vector_store %arg6[%swap3A], %select_n3A_405 {strides = array<i32>} : memref<32768xf32, #tpu.memory_space<vmem>>, vector<16xf32>,
        %reduce_max3A = arith.constant true
        %reduce_max3A_409 = vector.broadcast %reduce_max3A : i1 to vector<16xi1>
        %reduce_max3A_410 = arith.constant -2147483648 : i32
        %reduce_max3A_411 = vector.broadcast %reduce_max3A_410 : i32 to vector<16xi32>
        %reduce_max3A_412 = arith.xori %cumsum3A_399, %reduce_max3A_411 : vector<16xi32>
        %reduce_max3A_413 = tpu.scan <max>, %reduce_max3A_412 masked %reduce_max3A_409 : vector<16xi32>, vector<16xi1> -> vector<16xi32>
        %reduce_max3A_414 = arith.xori %reduce_max3A_413, %reduce_max3A_411 : vector<16xi32>
        %reduce_max3A_415 = vector.extract %reduce_max3A_414[15] : i32 from vector<16xi32>
        %add3A_416 = arith.addi %scan3A_387, %reduce_max3A_415 : i32
        scf.yield %add3A_416 : i32
      }
      %scan3A_384 = arith.constant 2048 : i32
      %cond3A_385 = arith.constant 0 : i32
      scf.yield %cond3A_385 : i32
    } else {
      %while3A_378 = arith.constant 0 : i32
      %while3A_379 = arith.constant 0 : i32
      %while3A_380 = arith.subi %select_n3A_370, %while3A_378 : i32
      %while3A_381 = arith.addi %while3A_378, %while3A_380 : i32
      %while3A_382 = arith.constant 1 : i32
      %while3A_383 = arith.divsi %while3A_380, %while3A_382 : i32
      %while3A_384 = arith.muli %while3A_383, %while3A_382 : i32
      %while3A_385 = arith.addi %while3A_378, %while3A_384 : i32
      %while3A_386 = arith.constant 1 : i32
      %while3A_387 = scf.for %while3A_391 = %while3A_378 to %while3A_385 step %while3A_386 iter_args(%while3A_392 = %while3A_379) -> (i32)  : i32 {
        %mul3A_393 = arith.constant 16 : i32
        %mul3A_394 = arith.muli %while3A_391, %mul3A_393 : i32
        %get3A = arith.index_cast %mul3A_394 : i32 to index
        %get3A_395 = tpu.vector_load %arg9[%get3A] {strides = array<i32>} : memref<4240xi32, #tpu.memory_space<vmem>>, vector<16xi32>,
        %mul3A_396 = arith.constant 16 : i32
        %mul3A_397 = arith.muli %while3A_391, %mul3A_396 : i32
        %add3A_398 = vector.broadcast %mul3A_397 : i32 to vector<16xi32>
        %add3A_399 = arith.addi %add3A_398, %iota3A : vector<16xi32>
        %lt3A = arith.cmpi slt, %add3A_399, %broadcast_in_dim3A_342 : vector<16xi32>
        %mul3A_400 = arith.constant 16 : i32
        %mul3A_401 = arith.muli %while3A_391, %mul3A_400 : i32
        %get3A_402 = arith.index_cast %mul3A_401 : i32 to index
        %get3A_403 = tpu.vector_load %arg10[%get3A_402] {strides = array<i32>} : memref<4240xi32, #tpu.memory_space<vmem>>, vector<16xi32>,
        %bitcast_convert_type3A = tpu.bitcast %get3A_403 : vector<16xi32> -> vector<16xi32>
        %not3A = arith.constant dense<-1> : vector<16xi32>
        %not3A_404 = arith.xori %bitcast_convert_type3A, %not3A : vector<16xi32>
        %shift_right_arithmetic3A = arith.constant 31 : i32
        %shift_right_arithmetic3A_405 = vector.broadcast %shift_right_arithmetic3A : i32 to vector<16xi32>
        %shift_right_arithmetic3A_406 = arith.shrsi %not3A_404, %shift_right_arithmetic3A_405 : vector<16xi32>
        %or3A = arith.constant -2147483648 : i32
        %or3A_407 = vector.broadcast %or3A : i32 to vector<16xi32>
        %or3A_408 = arith.ori %shift_right_arithmetic3A_406, %or3A_407 : vector<16xi32>
        %xor3A = arith.xori %bitcast_convert_type3A, %or3A_408 : vector<16xi32>
        %bitcast_convert_type3A_409 = tpu.bitcast %xor3A : vector<16xi32> -> vector<16xf32>
        %gt3A = arith.cmpi ugt, %get3A_403, %broadcast_in_dim3A_340 : vector<16xi32>
        %and3A_410 = arith.andi %gt3A, %lt3A : vector<16xi1>
        %eq3A_411 = arith.cmpi eq, %get3A_403, %broadcast_in_dim3A_340 : vector<16xi32>
        %and3A_412 = arith.andi %eq3A_411, %lt3A : vector<16xi1>
        %convert_element_type3A_413 = arith.extui %and3A_412 : vector<16xi1> to vector<16xi32>
        %cumsum3A = arith.constant true
        %cumsum3A_414 = vector.broadcast %cumsum3A : i1 to vector<16xi1>
        %cumsum3A_415 = tpu.scan <sum>, %convert_element_type3A_413 masked %cumsum3A_414 : vector<16xi32>, vector<16xi1> -> vector<16xi32>
        %add3A_416 = vector.broadcast %while3A_392 : i32 to vector<16xi32>
        %add3A_417 = arith.addi %cumsum3A_415, %add3A_416 : vector<16xi32>
        %le3A_418 = arith.cmpi sle, %add3A_417, %broadcast_in_dim3A_341 : vector<16xi32>
        %and3A_419 = arith.andi %and3A_412, %le3A_418 : vector<16xi1>
        %or3A_420 = arith.ori %and3A_410, %and3A_419 : vector<16xi1>
        tpu.vector_store_idx %arg6[%get3A_395], %bitcast_convert_type3A_409 masked %or3A_420 : memref<32768xf32, #tpu.memory_space<vmem>>[vector<16xi32>], vector<16xf32>, vector<16xi1>
        %reduce_max3A = arith.constant true
        %reduce_max3A_421 = vector.broadcast %reduce_max3A : i1 to vector<16xi1>
        %reduce_max3A_422 = arith.constant -2147483648 : i32
        %reduce_max3A_423 = vector.broadcast %reduce_max3A_422 : i32 to vector<16xi32>
        %reduce_max3A_424 = arith.xori %cumsum3A_415, %reduce_max3A_423 : vector<16xi32>
        %reduce_max3A_425 = tpu.scan <max>, %reduce_max3A_424 masked %reduce_max3A_421 : vector<16xi32>, vector<16xi1> -> vector<16xi32>
        %reduce_max3A_426 = arith.xori %reduce_max3A_425, %reduce_max3A_423 : vector<16xi32>
        %reduce_max3A_427 = vector.extract %reduce_max3A_426[15] : i32 from vector<16xi32>
        %add3A_428 = arith.addi %while3A_392, %reduce_max3A_427 : i32
        scf.yield %add3A_428 : i32
      }
      %while3A_388 = arith.constant 1 : i32
      %while3A_389 = scf.for %while3A_391 = %while3A_385 to %while3A_381 step %while3A_388 iter_args(%while3A_392 = %while3A_387) -> (i32)  : i32 {
        %mul3A_393 = arith.constant 16 : i32
        %mul3A_394 = arith.muli %while3A_391, %mul3A_393 : i32
        %get3A = arith.index_cast %mul3A_394 : i32 to index
        %get3A_395 = tpu.vector_load %arg9[%get3A] {strides = array<i32>} : memref<4240xi32, #tpu.memory_space<vmem>>, vector<16xi32>,
        %mul3A_396 = arith.constant 16 : i32
        %mul3A_397 = arith.muli %while3A_391, %mul3A_396 : i32
        %add3A_398 = vector.broadcast %mul3A_397 : i32 to vector<16xi32>
        %add3A_399 = arith.addi %add3A_398, %iota3A : vector<16xi32>
        %lt3A = arith.cmpi slt, %add3A_399, %broadcast_in_dim3A_342 : vector<16xi32>
        %mul3A_400 = arith.constant 16 : i32
        %mul3A_401 = arith.muli %while3A_391, %mul3A_400 : i32
        %get3A_402 = arith.index_cast %mul3A_401 : i32 to index
        %get3A_403 = tpu.vector_load %arg10[%get3A_402] {strides = array<i32>} : memref<4240xi32, #tpu.memory_space<vmem>>, vector<16xi32>,
        %bitcast_convert_type3A = tpu.bitcast %get3A_403 : vector<16xi32> -> vector<16xi32>
        %not3A = arith.constant dense<-1> : vector<16xi32>
        %not3A_404 = arith.xori %bitcast_convert_type3A, %not3A : vector<16xi32>
        %shift_right_arithmetic3A = arith.constant 31 : i32
        %shift_right_arithmetic3A_405 = vector.broadcast %shift_right_arithmetic3A : i32 to vector<16xi32>
        %shift_right_arithmetic3A_406 = arith.shrsi %not3A_404, %shift_right_arithmetic3A_405 : vector<16xi32>
        %or3A = arith.constant -2147483648 : i32
        %or3A_407 = vector.broadcast %or3A : i32 to vector<16xi32>
        %or3A_408 = arith.ori %shift_right_arithmetic3A_406, %or3A_407 : vector<16xi32>
        %xor3A = arith.xori %bitcast_convert_type3A, %or3A_408 : vector<16xi32>
        %bitcast_convert_type3A_409 = tpu.bitcast %xor3A : vector<16xi32> -> vector<16xf32>
        %gt3A = arith.cmpi ugt, %get3A_403, %broadcast_in_dim3A_340 : vector<16xi32>
        %and3A_410 = arith.andi %gt3A, %lt3A : vector<16xi1>
        %eq3A_411 = arith.cmpi eq, %get3A_403, %broadcast_in_dim3A_340 : vector<16xi32>
        %and3A_412 = arith.andi %eq3A_411, %lt3A : vector<16xi1>
        %convert_element_type3A_413 = arith.extui %and3A_412 : vector<16xi1> to vector<16xi32>
        %cumsum3A = arith.constant true
        %cumsum3A_414 = vector.broadcast %cumsum3A : i1 to vector<16xi1>
        %cumsum3A_415 = tpu.scan <sum>, %convert_element_type3A_413 masked %cumsum3A_414 : vector<16xi32>, vector<16xi1> -> vector<16xi32>
        %add3A_416 = vector.broadcast %while3A_392 : i32 to vector<16xi32>
        %add3A_417 = arith.addi %cumsum3A_415, %add3A_416 : vector<16xi32>
        %le3A_418 = arith.cmpi sle, %add3A_417, %broadcast_in_dim3A_341 : vector<16xi32>
        %and3A_419 = arith.andi %and3A_412, %le3A_418 : vector<16xi1>
        %or3A_420 = arith.ori %and3A_410, %and3A_419 : vector<16xi1>
        tpu.vector_store_idx %arg6[%get3A_395], %bitcast_convert_type3A_409 masked %or3A_420 : memref<32768xf32, #tpu.memory_space<vmem>>[vector<16xi32>], vector<16xf32>, vector<16xi1>
        %reduce_max3A = arith.constant true
        %reduce_max3A_421 = vector.broadcast %reduce_max3A : i1 to vector<16xi1>
        %reduce_max3A_422 = arith.constant -2147483648 : i32
        %reduce_max3A_423 = vector.broadcast %reduce_max3A_422 : i32 to vector<16xi32>
        %reduce_max3A_424 = arith.xori %cumsum3A_415, %reduce_max3A_423 : vector<16xi32>
        %reduce_max3A_425 = tpu.scan <max>, %reduce_max3A_424 masked %reduce_max3A_421 : vector<16xi32>, vector<16xi1> -> vector<16xi32>
        %reduce_max3A_426 = arith.xori %reduce_max3A_425, %reduce_max3A_423 : vector<16xi32>
        %reduce_max3A_427 = vector.extract %reduce_max3A_426[15] : i32 from vector<16xi32>
        %add3A_428 = arith.addi %while3A_392, %reduce_max3A_427 : i32
        scf.yield %add3A_428 : i32
      }
      %cond3A_390 = arith.constant 0 : i32
      scf.yield %cond3A_390 : i32
    }
    %add3A_376 = arith.constant 1 : i32
    %add3A_377 = arith.addi %mul3A_7, %add3A_376 : i32
    "tpu.region"() ({
      %run_scoped3A = tpu.sem_alloc : memref<!tpu.dma_semaphore, #tpu.memory_space<semaphore_mem>>
      %dma_start3A_378 = arith.constant 0 : i32
      %dma_start3A_379 = tpu.memref_slice %arg3[%add3A_377, %dma_start3A_378] : memref<64x32768xf32, #tpu.memory_space<hbm>> -> memref<1x32768xf32, #tpu.memory_space<hbm>>
      %dma_start3A_380 = tpu.memref_squeeze %dma_start3A_379 : memref<1x32768xf32, #tpu.memory_space<hbm>> -> memref<32768xf32, #tpu.memory_space<hbm>>
      %dma_start3A_381 = arith.constant 0 : i32
      %dma_start3A_382 = tpu.memref_slice %arg3[%add3A_377, %dma_start3A_381] : memref<64x32768xf32, #tpu.memory_space<hbm>> -> memref<1x32768xf32, #tpu.memory_space<hbm>>
      %dma_start3A_383 = tpu.memref_squeeze %dma_start3A_382 : memref<1x32768xf32, #tpu.memory_space<hbm>> -> memref<32768xf32, #tpu.memory_space<hbm>>
      tpu.enqueue_dma source(%arg6 : memref<32768xf32, #tpu.memory_space<vmem>>) target(%dma_start3A_383 : memref<32768xf32, #tpu.memory_space<hbm>>) target_semaphore(%run_scoped3A : memref<!tpu.dma_semaphore, #tpu.memory_space<semaphore_mem>>)
      %dma_wait3A_384 = arith.constant 0 : i32
      %dma_wait3A_385 = tpu.memref_slice %arg3[%add3A_377, %dma_wait3A_384] : memref<64x32768xf32, #tpu.memory_space<hbm>> -> memref<1x32768xf32, #tpu.memory_space<hbm>>
      %dma_wait3A_386 = tpu.memref_squeeze %dma_wait3A_385 : memref<1x32768xf32, #tpu.memory_space<hbm>> -> memref<32768xf32, #tpu.memory_space<hbm>>
      %dma_wait3A_387 = arith.constant 0 : i32
      %dma_wait3A_388 = tpu.memref_slice %arg3[%add3A_377, %dma_wait3A_387] : memref<64x32768xf32, #tpu.memory_space<hbm>> -> memref<1x32768xf32, #tpu.memory_space<hbm>>
      %dma_wait3A_389 = tpu.memref_squeeze %dma_wait3A_388 : memref<1x32768xf32, #tpu.memory_space<hbm>> -> memref<32768xf32, #tpu.memory_space<hbm>>
      tpu.wait_dma2 semaphore(%run_scoped3A : memref<!tpu.dma_semaphore, #tpu.memory_space<semaphore_mem>>) src(%arg6 : memref<32768xf32, #tpu.memory_space<vmem>>) dst(%dma_wait3A_389 : memref<32768xf32, #tpu.memory_space<hbm>>)
      tpu.yield
    }) : () -> ()
    return
  }
}

</mosaic_0001>

<sc_bundles>
// kernel: kernel.3.cloned.1.call-start
scs
__scs_entry_jumppad:
0x0: {  	(pc) =	sbr.rel $0x88, $3  }
0x1: {  	(tag) =	ssettag $0x0;
	lr =	simm.s32 $0x1  }
0x2: {  	[smem:$0x3FA0] =	sst lr;
	_ =	strace $0xD0000000  }
0x3: {  	_ = 	snop  }
0x4: {  	_ = 	snop  }
0x5: {  	_ = 	snop  }
0x6: {  	_ = 	snop  }
0x7: {  	_ = 	snop  }
__scs_overlays_trampoline_lowered:
0x8: {  	[smem:$0x3FAF] =	sst s0  }
0x9: {  	[smem:$0x3FB0] =	sst s1  }
0xa: {  	[smem:$0x3FB1] =	sst s2  }
0xb: {  	[smem:$0x3FB2] =	sst s3  }
0xc: {  	[smem:$0x3FB3] =	sst s4  }
0xd: {  	[smem:$0x3FB4] =	sst s5  }
0xe: {  	[smem:$0x3FB5] =	sst s6  }
0xf: {  	[smem:$0x3FB6] =	sst s7  }
0x10: {  	[smem:$0x3FB7] =	sst s8  }
0x11: {  	[smem:$0x3FB8] =	sst s9;
	s0 =	simm.s32 @!p0 $0x0  }
0x12: {  	s1 =	sld [smem:$0x3F9E];
	s0 =	simm.s32 @p0 $0x1  }
0x13: {  	[smem:$0x3FB9] =	sst s0;
	s0 =	simm.s32 @!p1 $0x0  }
0x14: {  	s2 =	sld [smem:$0x3F9D];
	s0 =	simm.s32 @p1 $0x1  }
0x15: {  	[smem:$0x3FBA] =	sst s0;
	s0 =	simm.s32 @!p2 $0x0  }
0x16: {  	s3 =	sld [smem:$0x3FDB];
	s0 =	simm.s32 @p2 $0x1  }
0x17: {  	s4 =	simm.s32 $0x1BF5;
	[smem:$0x3FBC] =	sst s0  }
0x18: {  	s0 =	sld [smem:$0x3F9F];
	_ =	swait.ge [sflag:s4], $0x0  }
0x19: {  	s7 =	sld [smem:$0x3FA0]  }
0x1a: {  	s8 =	sadd.s32 $0xFFFFE003, lr  }
0x1b: {  	s9 =	sadd.s32 $0xFFFFFEF7, lr;
	s5 =	simm.s32 $0xFFFFFFFF;
	p2 =	slt.u32 s8, $0xFFFFF086  }
0x1c: {  	p1 =	slt.u32 s9, $0xF7A;
	s5 =	simm.s32 @!p2 $0x0  }
0x1d: {  	s5 =	simm.s32 @p1 $0x1;
	p0 =	seq.s32 s7, s2  }
0x1e: {  	s7 =	smul.u32 @!p0 $0xF7A, s2;
	p2 =	seq.s32 @!p0 s5, $0x0  }
0x1f: {  	s9 =	smul.u32 $0xF7A, s1;
	s8 =	simm.s32 @!p0 $0x1BF5;
	p2 =	por !p2, p0  }
0x20: {  	[sflag:s8] =	ssyncset.s32 @!p0 $0xFFFFF086;
	s6 =	sadd.s32 @!p0 s3, s7;
	s7 =	simm.s32 @!p0 $0x108  }
0x21: {  	s3 =	sadd.s32 s3, s9;
	s6 =	sadd.s32 @!p0 $0x88, s6;
	s7 =	simm.s32 @p2 $0x1082  }
0x22: {  	[simem:s7], [sflag:s8] =	dma.local @!p0 [hbm:s6], $0xF7A  }
0x23: {  	s9 =	sor.u32 $0xD0000000, s2;
	s6 =	simm.s32 $0x108;
	_ =	swait.ge @!p0 [sflag:s8], $0x0  }
0x24: {  	s3 =	sadd.s32 $0x88, s3;
	s6 =	simm.s32 @!p1 $0x1082;
	[sflag:s4] =	ssyncset.s32 $0xFFFFF086  }
0x25: {  	[simem:s6], [sflag:s4] =	dma.local [hbm:s3], $0xF7A  }
0x26: {  	[smem:$0x3FA0] =	sst s1;
	(tag) =	ssettag s2;
	_ =	strace s9  }
0x27: {  	s1 =	sld [smem:$0x3FB0]  }
0x28: {  	s2 =	sld [smem:$0x3FB1]  }
0x29: {  	s4 =	sld [smem:$0x3FB3]  }
0x2a: {  	p0 =	seq.s32 s5, $0x0;
	s5 =	sld [smem:$0x3FB4]  }
0x2b: {  	s6 =	sld [smem:$0x3FB5]  }
0x2c: {  	s7 =	sld [smem:$0x3FB6]  }
0x2d: {  	s3 =	simm.s32 $0x108;
	s8 =	sld [smem:$0x3FB7]  }
0x2e: {  	s3 =	simm.s32 @!p0 $0x1082;
	s9 =	sld [smem:$0x3FB8]  }
0x2f: {  	lr =	sadd.s32 s0, s3;
	s0 =	sld [smem:$0x3FAF]  }
0x30: {  	s3 =	sld [smem:$0x3FB2]  }
0x31: {  	[smem:$0x3FBB] =	sst s10  }
0x32: {  	s10 =	sld [smem:$0x3FB9];
	_ =	sdelay $0x3  }
0x33: {  	p0 =	seq.s32 s10, $0x1;
	s10 =	sld [smem:$0x3FBB];
	_ =	sdelay $0x3  }
0x34: {  	[smem:$0x3FBB] =	sst s10  }
0x35: {  	s10 =	sld [smem:$0x3FBA];
	_ =	sdelay $0x3  }
0x36: {  	p1 =	seq.s32 s10, $0x1;
	s10 =	sld [smem:$0x3FBB];
	_ =	sdelay $0x3  }
0x37: {  	[smem:$0x3FBB] =	sst s10  }
0x38: {  	s10 =	sld [smem:$0x3FBC]  }
0x39: {  	_ = 	snop;
	(pc) =	sbr.ind lr, $3  }
0x3a: {  	_ = 	snop  }
0x3b: {  	_ = 	snop  }
0x3c: {  	p2 =	seq.s32 s10, $0x1;
	s10 =	sld [smem:$0x3FBB]  }
0x3d: {  	_ =	shalt  }
0x3e: {  	_ =	shalt  }
0x3f: {  	_ =	shalt  }
0x40: {  	_ =	shalt  }
0x41: {  	_ =	shalt  }
0x42: {  	_ =	shalt  }
0x43: {  	_ =	shalt  }
0x44: {  	_ =	shalt  }
0x45: {  	_ =	shalt  }
0x46: {  	_ =	shalt  }
0x47: {  	_ =	shalt  }
0x48: {  	_ =	shalt  }
0x49: {  	_ =	shalt  }
0x4a: {  	_ =	shalt  }
0x4b: {  	_ =	shalt  }
0x4c: {  	_ =	shalt  }
0x4d: {  	_ =	shalt  }
0x4e: {  	_ =	shalt  }
0x4f: {  	_ =	shalt  }
0x50: {  	_ =	shalt  }
0x51: {  	_ =	shalt  }
0x52: {  	_ =	shalt  }
0x53: {  	_ =	shalt  }
0x54: {  	_ =	shalt  }
0x55: {  	_ =	shalt  }
0x56: {  	_ =	shalt  }
0x57: {  	_ =	shalt  }
0x58: {  	_ =	shalt  }
0x59: {  	_ =	shalt  }
0x5a: {  	_ =	shalt  }
0x5b: {  	_ =	shalt  }
0x5c: {  	_ =	shalt  }
0x5d: {  	_ =	shalt  }
0x5e: {  	_ =	shalt  }
0x5f: {  	_ =	shalt  }
0x60: {  	_ =	shalt  }
0x61: {  	_ =	shalt  }
0x62: {  	_ =	shalt  }
0x63: {  	_ =	shalt  }
0x64: {  	_ =	shalt  }
0x65: {  	_ =	shalt  }
0x66: {  	_ =	shalt  }
0x67: {  	_ =	shalt  }
0x68: {  	_ =	shalt  }
0x69: {  	_ =	shalt  }
0x6a: {  	_ =	shalt  }
0x6b: {  	_ =	shalt  }
0x6c: {  	_ =	shalt  }
0x6d: {  	_ =	shalt  }
0x6e: {  	_ =	shalt  }
0x6f: {  	_ =	shalt  }
0x70: {  	_ =	shalt  }
0x71: {  	_ =	shalt  }
0x72: {  	_ =	shalt  }
0x73: {  	_ =	shalt  }
0x74: {  	_ =	shalt  }
0x75: {  	_ =	shalt  }
0x76: {  	_ =	shalt  }
0x77: {  	_ =	shalt  }
0x78: {  	_ =	shalt  }
0x79: {  	_ =	shalt  }
0x7a: {  	_ =	shalt  }
0x7b: {  	_ =	shalt  }
0x7c: {  	_ =	shalt  }
0x7d: {  	_ =	shalt  }
0x7e: {  	_ =	shalt  }
0x7f: {  	_ =	shalt  }
0x80: {  	_ =	shalt  }
0x81: {  	_ =	shalt  }
0x82: {  	_ =	shalt  }
0x83: {  	_ =	shalt  }
0x84: {  	_ =	shalt  }
0x85: {  	_ =	shalt  }
0x86: {  	_ =	shalt  }
0x87: {  	_ =	shalt  }
.Lfunc_end0:
.L_simem_size_0:
called_computation_lowered:
.L_overlay_start_0:
0x88: {  	s2 =	sld [smem:$0x3FD9]  }
0x89: {  	s3 =	sld [smem:$0x3FFE];
	_ =	sdelay $0x1  }
0x8a: {  	s1 =	srdreg.scid  }
0x8b: {  	s0 =	sand.u32 $0x1, s1  }
0x8c: {  	s18 =	sshll.u32 s0, $0xA;
	s2 =	sadd.s32 s3, s2  }
0x8d: {  	s2 =	sadd.s32 s2, s18  }
0x8e: {  	[smem:$0x3FC7] =	sst s2  }
0x8f: {  	_ = 	snop  }
0x90: {  	s2 =	sld [smem:$0x3FC9]  }
0x91: {  	s19 =	sld [smem:$0x3FD0];
	(tm) =	ssettm $0x1  }
0x92: {  	s4 =	sld [smem:$0x3FFB];
	_ =	sdelay $0x3  }
0x93: {  	_ =	strace s4  }
0x94: {  	s4 =	sld [smem:$0x3FFC];
	_ =	sdelay $0x3  }
0x95: {  	_ =	strace s4  }
0x96: {  	s4 =	sld [smem:$0x3FFD];
	_ =	sdelay $0x3  }
0x97: {  	_ =	strace s4  }
0x98: {  	_ =	strace $0x8FFFFFFF  }
0x99: {  	s20 =	sld [smem:$0x3FDB];
	_ =	sdelay $0x1  }
0x9a: {  	s5 =	simm.s32 $_scs_section_size  }
0x9b: {  	s6 =	simm.s32 $_size__tile_overlayer_lowered;
	s7 =	simm.s32 $_tile_overlayer_lowered  }
0x9c: {  	s23 =	simm.s32 $0x1BFF;
	s22 =	sshll.u32 s7, $0x1;
	s4 =	sadd.s32 s5, s20  }
0x9d: {  	s8 =	simm.s32 $0x0;
	s21 =	sshll.u32 s6, $0x1;
	s6 =	sadd.s32 s22, s4  }
0x9e: {  	[timem:s8], [sflag:s23] =	dma.local [hbm:s6], s21  }
0x9f: {  	_ =	swait.ge [sflag:s23], s21  }
0xa0: {  	s5 =	ssub.s32 $0x0, s21;
	[sflag:s23] =	ssyncset.done $0x0  }
0xa1: {  	[sflag:s23] =	ssyncadd.s32 s5;
	_ =	sdelay $0x1  }
0xa2: {  	s24 =	simm.s32 $0x1B8B  }
0xa3: {  	_ =	swait.ge [sflag:s24], $0x1  }
0xa4: {  	[sflag:s24] =	ssyncset.done $0x0  }
0xa5: {  	s25 =	simm.s32 $0x1B8E;
	[sflag:s24] =	ssyncadd.s32 $0xFFFFFFFF  }
0xa6: {  	s26 =	simm.s32 $execute0_lowered;
	[smem:$0x3FD2] =	sst s25  }
0xa7: {  	s5 =	sshll.u32 s26, $0x1;
	_ =	strace $0x80000046;
	[dreg:$0x1] =	wrdreg $0xFFFFFFFF  }
0xa8: {  	s28 =	simm.s32 $_size_execute0_lowered;
	s4 =	sadd.s32 s4, s5;
	[dreg:$0x0] =	wrdreg $0x0  }
0xa9: {  	s5 =	sshll.u32 s28, $0x1;
	[dreg:$0x2] =	wrdreg s4  }
0xaa: {  	[dreg:$0x3] =	wrdreg s5  }
0xab: {  	[dreg:$0x4] =	wrdreg $0xC0  }
0xac: {  	_ =	task [dreg:s8], $0x5FFFF  }
0xad: {  	[dreg:$0x1] =	wrdreg $0xFFFFFFFF  }
0xae: {  	[dreg:$0x0] =	wrdreg $0x60  }
0xaf: {  	[dreg:$0x2] =	wrdreg s2  }
0xb0: {  	[dreg:$0x3] =	wrdreg s19  }
0xb1: {  	[dreg:$0x4] =	wrdreg $0x9  }
0xb2: {  	_ =	task.clear_ibuf [dreg:s8], $0x5FFFF;
	_ =	strace $0x90000046  }
0xb3: {  	s29 =	simm.s32 $0x9;
	_ =	strace $0x80000048  }
0xb4: {  	_ =	swait.ge [sflag:s29], $0x1  }
0xb5: {  	[sflag:s29] =	ssyncadd.s32 $0xFFFFFFFF  }
0xb6: {  	_ =	strace $0x90000048  }
0xb7: {  	_ =	sfence  }
0xb8: {  	s30 =	sld [smem:$0x0];
	_ =	sdelay $0x2  }
0xb9: {  	s31 =	sshll.u32 s1, $0xD;
	s1 =	sshrl.u32 s1, $0x2  }
0xba: {  	s3 =	sand.u32 $0x4000, s31;
	s1 =	sadd.s32 s1, s30  }
0xbb: {  	s0 =	sor.u32 s3, s0;
	s1 =	sshll.u32 s1, $0x11  }
0xbc: {  	s0 =	sor.u32 s1, s0  }
0xbd: {  	s0 =	sadd.s32 $0x8F2B, s0  }
0xbe: {  	[sflag:s0] =	ssyncadd.remote.s32 $0x1  }
0xbf: {  	_ =	sfence.sel $0xFFFF  }
0xc0: {  	[dreg:$0x0] =	wrdreg $0xFFFFFFFF;
	(pc) =	sbr.abs _section_cstart, $3  }
0xc1: {  	[dreg:$0x1] =	wrdreg $0xFFFFFFFF  }
0xc2: {  	_ =	task.clear_ibuf [dreg:s8], $0x2FFFF;
	_ =	strace $0x9FFFFFFF  }
0xc3: {  	(tm) =	ssettm $0x7FFFFFFF  }
tec
execute0_lowered:
.L_overlay_start_1:
0x0: {  	(tag) =	ssettag $0x1  }
0x1: {  	s0 =	rddreg [dreg:$0x0]  }
0x2: {  	s1 =	rddreg [dreg:$0x1];
	s2 =	srdreg.scid  }
0x3: {  	s5 =	stileid.u32;
	s8 =	simm.s32 $0x80;
	s9 =	simm.s32 $0x400  }
0x4: {  	s10 =	simm.s32 $0x8000;
	s11 =	simm.s32 $0x1;
	s12 =	simm.s32 $0x10000  }
0x5: {  	s13 =	simm.s32 $0x2;
	s14 =	simm.s32 $0x3;
	s15 =	simm.s32 $0x4  }
0x6: {  	s16 =	simm.s32 $0x18000;
	s17 =	simm.s32 $0xF;
	s18 =	simm.s32 $0xFF000000  }
0x7: {  	s19 =	simm.s32 $0x0;
	s3 =	sand.u32 $0x1, s2;
	s28 =	sshll.u32 s5, $0x6  }
0x8: {  	s5 =	sshll.u32 s5, $0xE;
	s2 =	simm.s32 $0x0;
	s4 =	sshll.u32 s3, $0x5  }
0x9: {  	s6 =	sand.u32 $0x40, s28;
	s5 =	sand.u32 $0x38000, s5;
	[smem:$0x7FF] =	sst s2  }
.Ltmp0:
0xa: {  	s3 =	ssub.s32 $0x2, s3;
	s4 =	sor.u32 s4, s6;
	(pc) =	sbr.rel .LBB2_1-.Ltmp0, $4  }
0xb: {  	_ =	strace $0x80000047;
	s29 =	sshrl.u32 s3, $0x1;
	s5 =	sor.u32 s5, s4  }
0xc: {  	s7 =	ssub.s32 s3, s29;
	s30 =	sor.u32 $0x10, s5;
	s31 =	sadd.s32 s0, s5  }
0xd: {  	v0 =	vimm.f32 $0.0e+00;
	v1 =	vimm.s32 $0x0;
	s5 =	sadd.s32 s1, s5;
	[dreg:$0x3] =	wrdreg s31;
	s0 =	sadd.s32 s0, s30  }
0xe: {  	v2 =	vlaneseq.u32;
	v3 =	vimm.s32 $0x80000000;
	v4 =	vimm.s32 $0x1;
	s7 =	smax.u32 s7, $0x1;
	s6 =	sadd.s32 s1, s30;
	[dreg:$0x4] =	wrdreg s0  }
.LBB2_125:
0xf: {  	s24 =	simm.s32 $0x1A100  }
.LBB2_129:
0x10: {  	v6, _, _ =	vpop (xrf0)  }
0x11: {  	v7 =	vxor.u32 $0x80000000, v6  }
0x12: {  	(xrf0) =	vmax.scan.msk.u32 $0xffff, v7;
	_ =	sdelay $0x5  }
0x13: {  	v7, _, _ =	vpop (xrf0)  }
0x14: {  	(v2sf) =	vpush v7, $0xF;
	_ =	sdelay $0x3  }
0x15: {  	s0 =	sadd.s32 @p0 $0x80000000, s0  }
0x16: {  	s1 =	sadd.s32 @p0 $0x10, s24;
	s21 =	smov.u32 @p0 s0  }
0x17: {  	s20 =	smov.u32 @p0 s1;
	v6 =	vadd.s32 s21, v6  }
0x18: {  	vm3 =	vle.s32 v6, v5;
	v7 =	vld [tilespmem:s20+$0x0]  }
0x19: {  	vm0 =	vmand vm0, vm2;
	vm1 =	vmand vm1, vm3  }
0x1a: {  	vm0 =	vmor vm0, vm1;
	_ =	sdelay $0x5  }
0x1b: {  	[tilespmem:v7+s12+$0x0] =	vst.idx.msk vm0, v8;
	s31 =	spop (v2sf)  }
.LBB2_130:
0x1c: {  	s19 =	sadd.s32 $0x1, s19  }
0x1d: {  	p0 =	sne.s32 s19, s7  }
.Ltmp1:
0x1e: {  	_ = 	snop;
	(pc) =	sbr.rel @!p0 .LBB2_131-.Ltmp1, $4  }
0x1f: {  	[hbm4b:s6+s8] =	stream.strided.scatter [tilespmem:s12], [sflag:$0x4], $0x8000, s9, s8, $0x38;
	[tilespmem:$0x1C300] =	vst v63  }
0x20: {  	_ =	swait.ge [sflag:s15], $0x8000  }
0x21: {  	[sflag:s15] =	ssyncset.done $0x0  }
0x22: {  	[sflag:s15] =	ssyncadd.s32 $0xFFFF8000  }
.LBB2_1:
0x23: {  	s0 =	rddreg [dreg:$0x3]  }
0x24: {  	[tilespmem:s2], [sflag:$0x1] =	stream.strided.gather [hbm4b:s0+s8], $0x8000, s9, s8, $0x38;
	[tilespmem:$0x1C300] =	vst v63  }
0x25: {  	s31 =	rddreg [dreg:$0x4];
	s1 =	simm.s32 $0x0;
	s0 =	simm.s32 $0x40  }
0x26: {  	[tilespmem:s10], [sflag:$0x2] =	stream.strided.gather [hbm4b:s31+s8], $0x8000, s9, s8, $0x38;
	[tilespmem:$0x1C300] =	vst v63  }
.LBB2_2:
0x27: {  	p0 =	sne.s32 s0, $0x1FFC0;
	[tilespmem:s1+$0x10000] =	vst v0;
	s1 =	smov.u32 s0;
	s0 =	sadd.s32 $0x40, s0  }
.Ltmp2:
0x28: {  	(pc) =	sbr.rel @p0 .LBB2_2-.Ltmp2, $2  }
0x29: {  	_ =	sdelay $0x2  }
0x2a: {  	s1 =	sshra.s32 s1, $0x2  }
0x2b: {  	[tilespmem:s1+$0x10000] =	vst v0;
	s0 =	simm.s32 $0x40;
	s1 =	simm.s32 $0x0  }
.LBB2_4:
0x2c: {  	p0 =	sne.s32 s0, $0x3FC0;
	[tilespmem:s1+$0x18000] =	vst v1;
	s1 =	smov.u32 s0;
	s0 =	sadd.s32 $0x40, s0  }
.Ltmp3:
0x2d: {  	(pc) =	sbr.rel @p0 .LBB2_4-.Ltmp3, $2  }
0x2e: {  	_ =	sdelay $0x2  }
0x2f: {  	s1 =	sshra.s32 s1, $0x2  }
0x30: {  	[tilespmem:s1+$0x18000] =	vst v1;
	s0 =	simm.s32 $0x40;
	s20 =	simm.s32 $0x0  }
.LBB2_6:
0x31: {  	p0 =	sne.s32 s0, $0x4200;
	[tilespmem:s20+$0x19000] =	vst v1;
	s1 =	smov.u32 s0;
	s0 =	sadd.s32 $0x40, s0  }
.Ltmp4:
0x32: {  	[tilespmem:s20+$0x1A100] =	vst v1;
	(pc) =	sbr.rel @p0 .LBB2_6-.Ltmp4, $2  }
0x33: {  	_ =	sdelay $0x2  }
0x34: {  	s20 =	sshra.s32 s1, $0x2  }
0x35: {  	[tilespmem:s20+$0x19000] =	vst v1  }
0x36: {  	[tilespmem:s20+$0x1A100] =	vst v1  }
0x37: {  	_ =	swait.ge [sflag:s11], $0x8000  }
0x38: {  	[sflag:s11] =	ssyncset.done $0x0  }
0x39: {  	s0 =	simm.s32 $0x0;
	[sflag:s11] =	ssyncadd.s32 $0xFFFF8000  }
0x3a: {  	v9 =	vld [tilespmem:s0+$0x70]  }
0x3b: {  	v5 =	vld [tilespmem:s0+$0x0]  }
0x3c: {  	v10 =	vimm.f32 $-Inf;
	v8 =	vld [tilespmem:s0+$0x10]  }
0x3d: {  	v21 =	vimm.f32 $-Inf;
	v19 =	vimm.f32 $-Inf;
	v20 =	vimm.f32 $-Inf  }
0x3e: {  	v17 =	vimm.f32 $-Inf;
	v15 =	vimm.f32 $-Inf;
	v16 =	vimm.f32 $-Inf;
	v22 =	vld [tilespmem:s0+$0x20]  }
0x3f: {  	v14 =	vimm.f32 $-Inf;
	v11 =	vimm.f32 $-Inf;
	v18 =	vimm.f32 $-Inf;
	v23 =	vld [tilespmem:s0+$0x30]  }
0x40: {  	v12 =	vimm.f32 $-Inf;
	v13 =	vimm.f32 $-Inf;
	v24 =	vld [tilespmem:s0+$0x40];
	v6 =	vmin.f32 v10, v9  }
0x41: {  	v25 =	vld [tilespmem:s0+$0x50];
	v7 =	vmin.f32 v10, v5;
	v5 =	vmax.f32 v10, v5;
	v27 =	vmin.f32 v10, v8  }
0x42: {  	s20 =	simm.s32 $0x80;
	s21 =	simm.s32 $0x400;
	v26 =	vld [tilespmem:s0+$0x60];
	v8 =	vmax.f32 v10, v8;
	v6 =	vmax.f32 v10, v6;
	v7 =	vmax.f32 v10, v7  }
.LBB2_8:
0x43: {  	p0 =	sne.s32 s21, $0x1FE00;
	v28 =	vld [tilespmem:s20+$0x70];
	v10 =	vmax.f32 v10, v27;
	v27 =	vmin.f32 v21, v22;
	v21 =	vmax.f32 v21, v22  }
0x44: {  	v29 =	vld [tilespmem:s20+$0x0];
	v19 =	vmax.f32 v19, v27;
	v22 =	vmin.f32 v20, v23;
	v20 =	vmax.f32 v20, v23  }
0x45: {  	v30 =	vld [tilespmem:s20+$0x10];
	v17 =	vmax.f32 v17, v22;
	v23 =	vmin.f32 v15, v24;
	v15 =	vmax.f32 v15, v24  }
.Ltmp5:
0x46: {  	v22 =	vld [tilespmem:s20+$0x20];
	v16 =	vmax.f32 v16, v23;
	v27 =	vmin.f32 v14, v25;
	v14 =	vmax.f32 v14, v25;
	(pc) =	sbr.rel @p0 .LBB2_8-.Ltmp5, $4  }
0x47: {  	v18 =	vmax.f32 v18, v9;
	v23 =	vld [tilespmem:s20+$0x30];
	v25 =	vmin.f32 v11, v26;
	v11 =	vmax.f32 v11, v26  }
0x48: {  	v12 =	vmax.f32 v12, v27;
	v24 =	vld [tilespmem:s20+$0x40];
	v26 =	vmin.f32 v18, v28;
	v13 =	vmax.f32 v13, v25;
	v9 =	vmovc v28  }
0x49: {  	v27 =	vmin.f32 v5, v29;
	v5 =	vmax.f32 v5, v29;
	v25 =	vld [tilespmem:s20+$0x50];
	v6 =	vmax.f32 v6, v26  }
0x4a: {  	v7 =	vmax.f32 v7, v27;
	v27 =	vmin.f32 v8, v30;
	v8 =	vmax.f32 v8, v30;
	v26 =	vld [tilespmem:s20+$0x60];
	s20 =	sshra.s32 s21, $0x2;
	s21 =	sadd.s32 $0x200, s21  }
0x4b: {  	v28 =	vld [tilespmem:s20+$0x70]  }
0x4c: {  	v63 =	vld [tilespmem:s20+$0x0]  }
0x4d: {  	v10 =	vmax.f32 v10, v27;
	v61 =	vmin.f32 v21, v22;
	v34 =	vld [tilespmem:s20+$0x10]  }
0x4e: {  	v62 =	vmax.f32 v21, v22;
	v37 =	vld [tilespmem:s20+$0x20];
	v9 =	vmax.f32 v18, v9;
	v19 =	vmax.f32 v19, v61  }
0x4f: {  	v40 =	vld [tilespmem:s20+$0x30];
	v32 =	vmin.f32 v20, v23;
	v33 =	vmax.f32 v20, v23;
	v35 =	vmin.f32 v15, v24  }
0x50: {  	v42 =	vld [tilespmem:s20+$0x40];
	v17 =	vmax.f32 v17, v32;
	v36 =	vmax.f32 v15, v24;
	v16 =	vmax.f32 v16, v35  }
0x51: {  	v45 =	vld [tilespmem:s20+$0x50];
	v38 =	vmin.f32 v14, v25;
	v39 =	vmax.f32 v14, v25;
	v29 =	vmin.f32 v11, v26  }
0x52: {  	v47 =	vld [tilespmem:s20+$0x60];
	v41 =	vmax.f32 v11, v26;
	v12 =	vmax.f32 v12, v38;
	v43 =	vmin.f32 v9, v28  }
0x53: {  	v13 =	vmax.f32 v13, v29;
	v44 =	vmin.f32 v5, v63;
	v5 =	vmax.f32 v5, v63  }
0x54: {  	v46 =	vmin.f32 v8, v34;
	v8 =	vmax.f32 v8, v34;
	v48 =	vmin.f32 v62, v37  }
0x55: {  	v21 =	vmax.f32 v62, v37;
	v49 =	vmin.f32 v33, v40;
	v20 =	vmax.f32 v33, v40  }
0x56: {  	v50 =	vmin.f32 v36, v42;
	v15 =	vmax.f32 v36, v42;
	v51 =	vmin.f32 v39, v45  }
0x57: {  	v14 =	vmax.f32 v39, v45;
	v52 =	vmin.f32 v41, v47;
	v11 =	vmax.f32 v41, v47  }
0x58: {  	v9 =	vmax.f32 v9, v28;
	v6 =	vmax.f32 v6, v43;
	v7 =	vmax.f32 v7, v44  }
0x59: {  	v10 =	vmax.f32 v10, v46;
	v19 =	vmax.f32 v19, v48;
	v17 =	vmax.f32 v17, v49  }
0x5a: {  	v16 =	vmax.f32 v16, v50;
	v12 =	vmax.f32 v12, v51;
	v13 =	vmax.f32 v13, v52  }
0x5b: {  	v53 =	vmax.f32 v5, v8;
	v5 =	vmin.f32 v5, v8;
	v8 =	vmin.f32 v21, v20  }
0x5c: {  	v55 =	vmin.f32 v15, v14;
	v56 =	vmax.f32 v15, v14;
	v57 =	vmax.f32 v11, v9  }
0x5d: {  	v9 =	vmin.f32 v11, v9;
	v7 =	vmax.f32 v7, v10;
	v54 =	vmax.f32 v19, v17  }
0x5e: {  	v12 =	vmax.f32 v16, v12;
	v6 =	vmax.f32 v13, v6;
	v5 =	vmax.f32 v5, v7  }
0x5f: {  	v7 =	vmax.f32 v21, v20;
	v8 =	vmax.f32 v8, v54;
	v12 =	vmax.f32 v55, v12  }
0x60: {  	v6 =	vmax.f32 v9, v6;
	v58 =	vmax.f32 v53, v7;
	v7 =	vmin.f32 v53, v7  }
0x61: {  	v5 =	vmax.f32 v5, v8;
	v8 =	vmin.f32 v56, v57;
	v6 =	vmax.f32 v12, v6  }
0x62: {  	v5 =	vmax.f32 v7, v5;
	v7 =	vmax.f32 v56, v57;
	v6 =	vmax.f32 v8, v6  }
0x63: {  	v7 =	vmin.f32 v58, v7;
	v5 =	vmax.f32 v5, v6  }
0x64: {  	v5 =	vmax.f32 v7, v5  }
0x65: {  	(xrf0) =	vmin.scan.msk.f32 $0xffff, v5;
	_ =	sdelay $0x2  }
0x66: {  	s20 =	simm.s32 $0x40  }
0x67: {  	v6 =	vld [tilespmem:s20+$0xFFFFFFC0]  }
0x68: {  	v7 =	vld [tilespmem:s20+$0xFFFFFFD0]  }
0x69: {  	v59 =	vld [tilespmem:s20+$0xFFFFFFF0];
	v5, _, _ =	vpop (xrf0)  }
0x6a: {  	v8 =	vld [tilespmem:s20+$0xFFFFFFE0];
	v5 =	vbroadcast v5, $0xF  }
0x6b: {  	v60 =	vld [tilespmem:s20+$0x0]  }
0x6c: {  	vm7 =	vge.f32 v6, v5;
	v6 =	vld [tilespmem:s20+$0x10]  }
0x6d: {  	vm6 =	vge.f32 v7, v5;
	v7 =	vld [tilespmem:s20+$0x20]  }
0x6e: {  	v62 =	vld [tilespmem:s20+$0x30];
	v61 =	vsel vm7, $0x1, v1  }
0x6f: {  	vm5 =	vge.f32 v8, v5;
	v63 =	vsel vm6, $0x1, v1;
	(xrf0) =	vadd.scan.msk.s32 $0xffff, v61  }
0x70: {  	vm4 =	vge.f32 v59, v5;
	v8 =	vsel vm5, $0x1, v1;
	(xrf0) =	vadd.scan.msk.s32 $0xffff, v63  }
0x71: {  	vm3 =	vge.f32 v60, v5;
	v9 =	vsel vm4, $0x1, v1;
	(xrf0) =	vadd.scan.msk.s32 $0xffff, v8  }
0x72: {  	v8 =	vsel vm3, $0x1, v1;
	vm2 =	vge.f32 v6, v5;
	(xrf0) =	vadd.scan.msk.s32 $0xffff, v9;
	vm1 =	vge.f32 v7, v5  }
0x73: {  	vm0 =	vge.f32 v62, v5;
	v6 =	vsel vm2, $0x1, v1;
	(xrf0) =	vadd.scan.msk.s32 $0xffff, v8;
	v7 =	vsel vm1, $0x1, v1  }
0x74: {  	(xrf0) =	vadd.scan.msk.s32 $0xffff, v6;
	v6 =	vsel vm0, $0x1, v1  }
0x75: {  	v8, _, _ =	vpop (xrf0);
	(xrf0) =	vadd.scan.msk.s32 $0xffff, v7  }
0x76: {  	(v2sf) =	vpush v8, $0xF;
	v7, _, _ =	vpop (xrf0);
	(xrf0) =	vadd.scan.msk.s32 $0xffff, v6  }
0x77: {  	(v2sf) =	vpush v7, $0xF;
	v6, _, _ =	vpop (xrf0)  }
0x78: {  	(v2sf) =	vpush v6, $0xF;
	v6, _, _ =	vpop (xrf0)  }
0x79: {  	(v2sf) =	vpush v6, $0xF;
	v6, _, _ =	vpop (xrf0)  }
0x7a: {  	(v2sf) =	vpush v6, $0xF;
	v6, _, _ =	vpop (xrf0)  }
0x7b: {  	(v2sf) =	vpush v6, $0xF;
	v6, _, _ =	vpop (xrf0)  }
0x7c: {  	(v2sf) =	vpush v6, $0xF;
	v6, _, _ =	vpop (xrf0)  }
0x7d: {  	(v2sf) =	vpush v6, $0xF;
	_ =	sdelay $0x5  }
0x7e: {  	s0 =	simm.s32 $0x0  }
0x7f: {  	s1 =	simm.s32 $0x70;
	p0 =	por $0x1, $0x1;
	s21 =	simm.s32 $0x0  }
0x80: {  	s30 =	simm.s32 $0x10;
	s0 =	simm.s32 @!p0 $0x1000;
	v6 =	vor.u32 s21, v2;
	s22 =	spop (v2sf)  }
0x81: {  	s23 =	simm.s32 $0x20;
	[tilespmem:s0+$0x19000] =	vst.msk vm7, v6;
	v6 =	vor.u32 s30, v2;
	s22 =	sadd.s32 s0, s22;
	s31 =	spop (v2sf)  }
0x82: {  	s24 =	simm.s32 $0x30;
	s21 =	sadd.s32 s31, s22;
	[tilespmem:s22+$0x19000] =	vst.msk vm6, v6;
	v6 =	vor.u32 s23, v2;
	s3 =	spop (v2sf)  }
0x83: {  	s4 =	simm.s32 $0x40;
	s22 =	sadd.s32 s3, s21;
	[tilespmem:s21+$0x19000] =	vst.msk vm5, v6;
	v6 =	vor.u32 s24, v2;
	s25 =	spop (v2sf)  }
0x84: {  	s26 =	simm.s32 $0x50;
	s21 =	sadd.s32 s25, s22;
	[tilespmem:s22+$0x19000] =	vst.msk vm4, v6;
	v6 =	vor.u32 s4, v2;
	s28 =	spop (v2sf)  }
0x85: {  	s29 =	simm.s32 $0x60;
	s22 =	sadd.s32 s28, s21;
	[tilespmem:s21+$0x19000] =	vst.msk vm3, v6;
	v6 =	vor.u32 s26, v2;
	s30 =	spop (v2sf)  }
0x86: {  	s0 =	ssub.s32 $0x0, s0;
	s24 =	sadd.s32 s30, s22;
	[tilespmem:s22+$0x19000] =	vst.msk vm2, v6;
	v6 =	vor.u32 s29, v2;
	s31 =	spop (v2sf)  }
0x87: {  	s21 =	simm.s32 $0xF0;
	s23 =	sadd.s32 s31, s24;
	[tilespmem:s24+$0x19000] =	vst.msk vm1, v6;
	v6 =	vor.u32 s1, v2;
	s1 =	spop (v2sf)  }
.LBB2_10:
0x88: {  	p0 =	sne.s32 s21, $0x7FF0;
	[tilespmem:s23+$0x19000] =	vst.msk vm0, v6;
	s0 =	sadd.s32 s1, s0;
	s20 =	sadd.s32 $0x80, s20  }
0x89: {  	s22 =	smov.u32 s21;
	s21 =	sadd.s32 $0x80, s21;
	v6 =	vld [tilespmem:s20+$0x30];
	s23 =	sadd.s32 s23, s0  }
0x8a: {  	p1 =	slt.s32 s23, $0x1000;
	v7 =	vld [tilespmem:s20+$0xFFFFFFC0]  }
0x8b: {  	v8 =	vld [tilespmem:s20+$0xFFFFFFD0]  }
0x8c: {  	v9 =	vld [tilespmem:s20+$0xFFFFFFE0]  }
0x8d: {  	v10 =	vld [tilespmem:s20+$0xFFFFFFF0]  }
0x8e: {  	v11 =	vld [tilespmem:s20+$0x0]  }
0x8f: {  	s0 =	sadd.s32 $0xFFFFFF90, s22;
	s24 =	smov.u32 s23;
	vm0 =	vge.f32 v7, v5;
	v7 =	vld [tilespmem:s20+$0x10]  }
0x90: {  	v13 =	vor.u32 s0, v2;
	s24 =	simm.s32 @!p1 $0x1000;
	v12 =	vsel vm0, $0x1, v1;
	vm5 =	vge.f32 v8, v5;
	v8 =	vld [tilespmem:s20+$0x20]  }
0x91: {  	v14 =	vsel vm5, $0x1, v1;
	vm6 =	vge.f32 v9, v5;
	[tilespmem:s24+$0x19000] =	vst.msk vm0, v13;
	(xrf0) =	vadd.scan.msk.s32 $0xffff, v12  }
0x92: {  	v9 =	vsel vm6, $0x1, v1;
	vm4 =	vge.f32 v10, v5;
	(xrf0) =	vadd.scan.msk.s32 $0xffff, v14  }
0x93: {  	v10 =	vsel vm4, $0x1, v1;
	vm3 =	vge.f32 v11, v5;
	(xrf0) =	vadd.scan.msk.s32 $0xffff, v9  }
0x94: {  	v9 =	vsel vm3, $0x1, v1;
	vm2 =	vge.f32 v7, v5;
	(xrf0) =	vadd.scan.msk.s32 $0xffff, v10  }
0x95: {  	vm0 =	vge.f32 v6, v5;
	v10 =	vsel vm2, $0x1, v1;
	vm1 =	vge.f32 v8, v5;
	(xrf0) =	vadd.scan.msk.s32 $0xffff, v9  }
0x96: {  	v8 =	vsel vm0, $0x1, v1;
	v9 =	vsel vm1, $0x1, v1;
	(xrf0) =	vadd.scan.msk.s32 $0xffff, v10  }
0x97: {  	v7, _, _ =	vpop (xrf0);
	(xrf0) =	vadd.scan.msk.s32 $0xffff, v9  }
0x98: {  	(v2sf) =	vpush v7, $0xF;
	v6, _, _ =	vpop (xrf0);
	(xrf0) =	vadd.scan.msk.s32 $0xffff, v8  }
0x99: {  	(v2sf) =	vpush v6, $0xF;
	v6, _, _ =	vpop (xrf0)  }
0x9a: {  	(v2sf) =	vpush v6, $0xF;
	v6, _, _ =	vpop (xrf0)  }
0x9b: {  	(v2sf) =	vpush v6, $0xF;
	v6, _, _ =	vpop (xrf0)  }
0x9c: {  	(v2sf) =	vpush v6, $0xF;
	v6, _, _ =	vpop (xrf0)  }
0x9d: {  	(v2sf) =	vpush v6, $0xF;
	v6, _, _ =	vpop (xrf0)  }
0x9e: {  	(v2sf) =	vpush v6, $0xF;
	v6, _, _ =	vpop (xrf0)  }
0x9f: {  	(v2sf) =	vpush v6, $0xF;
	_ =	sdelay $0x7  }
0xa0: {  	s1 =	sadd.s32 $0xFFFFFFD0, s22;
	s0 =	sadd.s32 $0xFFFFFFA0, s22;
	s25 =	spop (v2sf)  }
0xa1: {  	s26 =	sadd.s32 $0xFFFFFFB0, s22;
	v6 =	vor.u32 s0, v2;
	s25 =	sadd.s32 s24, s25;
	s0 =	spop (v2sf)  }
0xa2: {  	s28 =	sadd.s32 $0xFFFFFFC0, s22;
	s0 =	sadd.s32 s0, s25;
	[tilespmem:s25+$0x19000] =	vst.msk vm5, v6;
	v6 =	vor.u32 s26, v2;
	s25 =	spop (v2sf)  }
.Ltmp6:
0xa3: {  	s25 =	sadd.s32 s25, s0;
	[tilespmem:s0+$0x19000] =	vst.msk vm6, v6;
	v6 =	vor.u32 s28, v2;
	s0 =	spop (v2sf);
	(pc) =	sbr.rel @p0 .LBB2_10-.Ltmp6, $4  }
0xa4: {  	s26 =	sadd.s32 $0xFFFFFFE0, s22;
	s0 =	sadd.s32 s0, s25;
	[tilespmem:s25+$0x19000] =	vst.msk vm4, v6;
	v6 =	vor.u32 s1, v2;
	s1 =	spop (v2sf)  }
0xa5: {  	s25 =	sadd.s32 $0xFFFFFFF0, s22;
	s1 =	sadd.s32 s1, s0;
	[tilespmem:s0+$0x19000] =	vst.msk vm3, v6;
	v6 =	vor.u32 s26, v2;
	s0 =	spop (v2sf)  }
0xa6: {  	s26 =	sadd.s32 s0, s1;
	[tilespmem:s1+$0x19000] =	vst.msk vm2, v6;
	v6 =	vor.u32 s25, v2;
	s0 =	ssub.s32 s23, s24;
	s1 =	spop (v2sf)  }
0xa7: {  	s23 =	sadd.s32 s1, s26;
	[tilespmem:s26+$0x19000] =	vst.msk vm1, v6;
	v6 =	vor.u32 s22, v2;
	s1 =	spop (v2sf)  }
0xa8: {  	s0 =	sadd.s32 s1, s0  }
0xa9: {  	s0 =	sadd.s32 s23, s0  }
0xaa: {  	p0 =	slt.s32 s0, $0x1001  }
.Ltmp7:
0xab: {  	_ = 	snop;
	(pc) =	sbr.rel @!p0 .LBB2_13-.Ltmp7, $2  }
0xac: {  	_ =	sdelay $0x2  }
0xad: {  	[tilespmem:s23+$0x19000] =	vst.msk vm0, v6;
	s24 =	simm.s32 $0x0;
	s20 =	simm.s32 $0x0  }
.Ltmp8:
0xae: {  	(pc) =	sbr.rel .LBB2_33-.Ltmp8, $3  }
0xaf: {  	_ =	sdelay $0x1  }
0xb0: {  	s25 =	simm.s32 $0x8  }
0xb1: {  	s22 =	simm.s32 $0x20;
	s23 =	simm.s32 $0x0;
	s21 =	simm.s32 $0x0  }
.LBB2_13:
0xb2: {  	s0 =	sshra.s32 s20, $0x2  }
0xb3: {  	v5 =	vld [tilespmem:s0+$0x0];
	_ =	sdelay $0x4  }
0xb4: {  	v6 =	vshra.s32 v5, $0x1F  }
0xb5: {  	v6 =	vor.u32 $0x80000000, v6  }
0xb6: {  	v5 =	vxor.u32 v5, v6  }
0xb7: {  	v5 =	vshrl.u32 v5, $0x14  }
0xb8: {  	v5 =	vand.u32 $0xFF0, v5  }
0xb9: {  	v5 =	vor.u32 v2, v5;
	_ =	sdelay $0x4  }
0xba: {  	[tilespmem:v5+s16+$0x0] =	vst.idx.add.s32.msk $0xffff, v4  }
0xbb: {  	v5 =	vld [tilespmem:s0+$0x10];
	_ =	sdelay $0x4  }
0xbc: {  	v6 =	vshra.s32 v5, $0x1F  }
0xbd: {  	v6 =	vor.u32 $0x80000000, v6  }
0xbe: {  	v5 =	vxor.u32 v5, v6  }
0xbf: {  	v5 =	vshrl.u32 v5, $0x14  }
0xc0: {  	v5 =	vand.u32 $0xFF0, v5  }
0xc1: {  	v5 =	vor.u32 v2, v5;
	_ =	sdelay $0x4  }
0xc2: {  	[tilespmem:v5+s16+$0x0] =	vst.idx.add.s32.msk $0xffff, v4  }
0xc3: {  	v5 =	vld [tilespmem:s0+$0x20];
	_ =	sdelay $0x4  }
0xc4: {  	v6 =	vshra.s32 v5, $0x1F  }
0xc5: {  	v6 =	vor.u32 $0x80000000, v6  }
0xc6: {  	v5 =	vxor.u32 v5, v6  }
0xc7: {  	v5 =	vshrl.u32 v5, $0x14  }
0xc8: {  	v5 =	vand.u32 $0xFF0, v5  }
0xc9: {  	v5 =	vor.u32 v2, v5;
	_ =	sdelay $0x4  }
0xca: {  	[tilespmem:v5+s16+$0x0] =	vst.idx.add.s32.msk $0xffff, v4  }
0xcb: {  	v5 =	vld [tilespmem:s0+$0x30];
	_ =	sdelay $0x4  }
0xcc: {  	v6 =	vshra.s32 v5, $0x1F  }
0xcd: {  	v6 =	vor.u32 $0x80000000, v6  }
0xce: {  	v5 =	vxor.u32 v5, v6  }
0xcf: {  	v5 =	vshrl.u32 v5, $0x14  }
0xd0: {  	v5 =	vand.u32 $0xFF0, v5  }
0xd1: {  	v5 =	vor.u32 v2, v5;
	_ =	sdelay $0x4  }
0xd2: {  	[tilespmem:v5+s16+$0x0] =	vst.idx.add.s32.msk $0xffff, v4  }
0xd3: {  	v5 =	vld [tilespmem:s0+$0x40];
	_ =	sdelay $0x4  }
0xd4: {  	v6 =	vshra.s32 v5, $0x1F  }
0xd5: {  	v6 =	vor.u32 $0x80000000, v6  }
0xd6: {  	v5 =	vxor.u32 v5, v6  }
0xd7: {  	v5 =	vshrl.u32 v5, $0x14  }
0xd8: {  	v5 =	vand.u32 $0xFF0, v5  }
0xd9: {  	v5 =	vor.u32 v2, v5;
	_ =	sdelay $0x4  }
0xda: {  	[tilespmem:v5+s16+$0x0] =	vst.idx.add.s32.msk $0xffff, v4  }
0xdb: {  	v5 =	vld [tilespmem:s0+$0x50];
	_ =	sdelay $0x4  }
0xdc: {  	v6 =	vshra.s32 v5, $0x1F  }
0xdd: {  	v6 =	vor.u32 $0x80000000, v6  }
0xde: {  	v5 =	vxor.u32 v5, v6  }
0xdf: {  	v5 =	vshrl.u32 v5, $0x14  }
0xe0: {  	v5 =	vand.u32 $0xFF0, v5  }
0xe1: {  	v5 =	vor.u32 v2, v5;
	_ =	sdelay $0x4  }
0xe2: {  	[tilespmem:v5+s16+$0x0] =	vst.idx.add.s32.msk $0xffff, v4  }
0xe3: {  	v5 =	vld [tilespmem:s0+$0x60];
	_ =	sdelay $0x4  }
0xe4: {  	v6 =	vshra.s32 v5, $0x1F  }
0xe5: {  	v6 =	vor.u32 $0x80000000, v6  }
0xe6: {  	v5 =	vxor.u32 v5, v6  }
0xe7: {  	v5 =	vshrl.u32 v5, $0x14  }
0xe8: {  	v5 =	vand.u32 $0xFF0, v5  }
0xe9: {  	v5 =	vor.u32 v2, v5;
	_ =	sdelay $0x4  }
0xea: {  	[tilespmem:v5+s16+$0x0] =	vst.idx.add.s32.msk $0xffff, v4  }
0xeb: {  	v5 =	vld [tilespmem:s0+$0x70];
	_ =	sdelay $0x4  }
0xec: {  	v6 =	vshra.s32 v5, $0x1F  }
0xed: {  	v6 =	vor.u32 $0x80000000, v6  }
0xee: {  	v5 =	vxor.u32 v5, v6  }
0xef: {  	v5 =	vshrl.u32 v5, $0x14  }
0xf0: {  	v5 =	vand.u32 $0xFF0, v5  }
0xf1: {  	p0 =	sne.s32 s20, $0x1FE00;
	v5 =	vor.u32 v2, v5  }
.Ltmp9:
0xf2: {  	_ = 	snop;
	(pc) =	sbr.rel @p0 .LBB2_13-.Ltmp9, $2  }
0xf3: {  	_ =	sdelay $0x2  }
0xf4: {  	s20 =	sadd.s32 $0x200, s20;
	[tilespmem:v5+s16+$0x0] =	vst.idx.add.s32.msk $0xffff, v4  }
0xf5: {  	s0 =	simm.s32 $0x100;
	s23 =	simm.s32 $0x18FF0  }
0xf6: {  	s28 =	simm.s32 $0xFF;
	s21 =	simm.s32 $0x0;
	s26 =	simm.s32 $0x0  }
.LBB2_15:
0xf7: {  	v5 =	vld [tilespmem:s23+$0x0];
	_ =	sdelay $0x4  }
0xf8: {  	(xrf0) =	vadd.scan.msk.s32 $0xffff, v5;
	_ =	sdelay $0x5  }
0xf9: {  	v5, _, _ =	vpop (xrf0)  }
0xfa: {  	(v2sf) =	vpush v5, $0xF;
	_ =	sdelay $0xe  }
0xfb: {  	s20 =	spop (v2sf)  }
0xfc: {  	s22 =	smov.u32 s26;
	s26 =	sadd.s32 s26, s20  }
0xfd: {  	p0 =	slt.s32 s26, $0x20  }
.Ltmp10:
0xfe: {  	_ = 	snop;
	(pc) =	sbr.rel @p0 .LBB2_15-.Ltmp10, $3  }
0xff: {  	_ =	sdelay $0x1  }
0x100: {  	s25 =	smov.u32 s28;
	s0 =	sadd.s32 $0xFFFFFFFF, s0  }
0x101: {  	[tilespmem:s23+$0x0] =	vst v1;
	s21 =	sadd.s32 $0xFF000000, s21;
	s23 =	sadd.s32 $0xFFFFFFF0, s23;
	s28 =	sadd.s32 $0xFFFFFFFF, s28  }
0x102: {  	p0 =	slt.s32 s0, $0x1  }
.Ltmp11:
0x103: {  	_ = 	snop;
	(pc) =	sbr.rel @p0 .LBB2_19-.Ltmp11, $2  }
0x104: {  	_ =	sdelay $0x2  }
0x105: {  	s0 =	simm.s32 $0x18000  }
0x106: {  	p0 =	sne.s32 s25, $0x1  }
.Ltmp12:
0x107: {  	_ = 	snop;
	(pc) =	sbr.rel @!p0 .LBB2_19-.Ltmp12, $2  }
0x108: {  	_ =	sdelay $0x2  }
0x109: {  	s23 =	sadd.s32 $0xFFFFFFFF, s25;
	[tilespmem:s0+$0x0] =	vst v1  }
.LBB2_18:
0x10a: {  	p0 =	sne.s32 s23, $0x1  }
.Ltmp13:
0x10b: {  	_ = 	snop;
	(pc) =	sbr.rel @p0 .LBB2_18-.Ltmp13, $3  }
0x10c: {  	_ =	sdelay $0x1  }
0x10d: {  	s23 =	sadd.s32 $0xFFFFFFFF, s23;
	s0 =	sadd.s32 $0x10, s0  }
0x10e: {  	[tilespmem:s0+$0x0] =	vst v1  }
.LBB2_19:
.Ltmp14:
0x10f: {  	(pc) =	sbr.rel .LBB2_20-.Ltmp14, $3  }
0x110: {  	_ =	sdelay $0x1  }
0x111: {  	s0 =	sadd.s32 $0xFFFFFFE0, s22  }
0x112: {  	s22 =	ssub.s32 $0x20, s22;
	s25 =	simm.s32 $0x1;
	s23 =	simm.s32 $0xFF000000  }
.LBB2_28:
0x113: {  	s20 =	ssub.s32 s20, s30;
	s0 =	sshll.u32 s29, s28;
	s1 =	sshrl.u32 s18, s26  }
0x114: {  	s22 =	ssub.s32 s22, s30;
	s21 =	sor.u32 s21, s0;
	s23 =	sor.u32 s23, s1  }
.LBB2_29:
0x115: {  	s25 =	sadd.s32 $0x1, s25  }
0x116: {  	p0 =	sne.s32 s25, $0x4  }
.Ltmp15:
0x117: {  	_ = 	snop;
	(pc) =	sbr.rel @!p0 .LBB2_30-.Ltmp15, $2  }
0x118: {  	_ =	sdelay $0x2  }
0x119: {  	s0 =	ssub.s32 $0x0, s22  }
.LBB2_20:
0x11a: {  	s0 =	sadd.s32 s20, s0  }
0x11b: {  	s0 =	sadd.s32 $0x20, s0  }
0x11c: {  	p0 =	slt.s32 s0, $0x1001  }
.Ltmp16:
0x11d: {  	_ = 	snop;
	(pc) =	sbr.rel @p0 .LBB2_29-.Ltmp16, $1  }
0x11e: {  	_ =	sdelay $0x3  }
0x11f: {  	s26 =	sshll.u32 s25, $0x3  }
0x120: {  	s28 =	ssub.s32 $0x18, s26  }
0x121: {  	v6 =	vmov s23;
	v7 =	vmov s21;
	s20 =	simm.s32 $0x0;
	v5 =	vmov s28  }
.LBB2_22:
0x122: {  	s29 =	sshra.s32 s20, $0x2  }
0x123: {  	v8 =	vld [tilespmem:s29+$0x0];
	_ =	sdelay $0x4  }
0x124: {  	v9 =	vshra.s32 v8, $0x1F  }
0x125: {  	v9 =	vor.u32 $0x80000000, v9  }
0x126: {  	v8 =	vxor.u32 v8, v9  }
0x127: {  	v9 =	vshrl.u32 v8, v5  }
0x128: {  	v8 =	vand.u32 v6, v8;
	v9 =	vshll.u32 v9, $0x4  }
0x129: {  	vm0 =	veq.s32 v8, v7;
	v9 =	vor.u32 v2, v9  }
0x12a: {  	v8 =	vand.u32 $0xFFF, v9;
	_ =	sdelay $0x4  }
0x12b: {  	[tilespmem:v8+s16+$0x0] =	vst.idx.add.s32.msk vm0, v4  }
0x12c: {  	v8 =	vld [tilespmem:s29+$0x10];
	_ =	sdelay $0x4  }
0x12d: {  	v57 =	vshra.s32 v8, $0x1F  }
0x12e: {  	v9 =	vor.u32 $0x80000000, v57  }
0x12f: {  	v8 =	vxor.u32 v8, v9  }
0x130: {  	v9 =	vshrl.u32 v8, v5  }
0x131: {  	v8 =	vand.u32 v6, v8;
	v9 =	vshll.u32 v9, $0x4  }
0x132: {  	vm9 =	veq.s32 v8, v7;
	v9 =	vor.u32 v2, v9  }
0x133: {  	v8 =	vand.u32 $0xFFF, v9;
	_ =	sdelay $0x4  }
0x134: {  	[tilespmem:v8+s16+$0x0] =	vst.idx.add.s32.msk vm9, v4  }
0x135: {  	v8 =	vld [tilespmem:s29+$0x20];
	_ =	sdelay $0x4  }
0x136: {  	v58 =	vshra.s32 v8, $0x1F  }
0x137: {  	v9 =	vor.u32 $0x80000000, v58  }
0x138: {  	v8 =	vxor.u32 v8, v9  }
0x139: {  	v9 =	vshrl.u32 v8, v5  }
0x13a: {  	v8 =	vand.u32 v6, v8;
	v9 =	vshll.u32 v9, $0x4  }
0x13b: {  	vm10 =	veq.s32 v8, v7;
	v9 =	vor.u32 v2, v9  }
0x13c: {  	v8 =	vand.u32 $0xFFF, v9;
	_ =	sdelay $0x4  }
0x13d: {  	[tilespmem:v8+s16+$0x0] =	vst.idx.add.s32.msk vm10, v4  }
0x13e: {  	v8 =	vld [tilespmem:s29+$0x30];
	_ =	sdelay $0x4  }
0x13f: {  	v59 =	vshra.s32 v8, $0x1F  }
0x140: {  	v9 =	vor.u32 $0x80000000, v59  }
0x141: {  	v8 =	vxor.u32 v8, v9  }
0x142: {  	v9 =	vshrl.u32 v8, v5  }
0x143: {  	v8 =	vand.u32 v6, v8;
	v9 =	vshll.u32 v9, $0x4  }
0x144: {  	vm11 =	veq.s32 v8, v7;
	v9 =	vor.u32 v2, v9  }
0x145: {  	v8 =	vand.u32 $0xFFF, v9;
	_ =	sdelay $0x4  }
0x146: {  	[tilespmem:v8+s16+$0x0] =	vst.idx.add.s32.msk vm11, v4  }
0x147: {  	v8 =	vld [tilespmem:s29+$0x40];
	_ =	sdelay $0x4  }
0x148: {  	v60 =	vshra.s32 v8, $0x1F  }
0x149: {  	v9 =	vor.u32 $0x80000000, v60  }
0x14a: {  	v8 =	vxor.u32 v8, v9  }
0x14b: {  	v9 =	vshrl.u32 v8, v5  }
0x14c: {  	v8 =	vand.u32 v6, v8;
	v9 =	vshll.u32 v9, $0x4  }
0x14d: {  	vm12 =	veq.s32 v8, v7;
	v9 =	vor.u32 v2, v9  }
0x14e: {  	v8 =	vand.u32 $0xFFF, v9;
	_ =	sdelay $0x4  }
0x14f: {  	[tilespmem:v8+s16+$0x0] =	vst.idx.add.s32.msk vm12, v4  }
0x150: {  	v8 =	vld [tilespmem:s29+$0x50];
	_ =	sdelay $0x4  }
0x151: {  	v61 =	vshra.s32 v8, $0x1F  }
0x152: {  	v9 =	vor.u32 $0x80000000, v61  }
0x153: {  	v8 =	vxor.u32 v8, v9  }
0x154: {  	v9 =	vshrl.u32 v8, v5  }
0x155: {  	v8 =	vand.u32 v6, v8;
	v9 =	vshll.u32 v9, $0x4  }
0x156: {  	vm13 =	veq.s32 v8, v7;
	v9 =	vor.u32 v2, v9  }
0x157: {  	v8 =	vand.u32 $0xFFF, v9;
	_ =	sdelay $0x4  }
0x158: {  	[tilespmem:v8+s16+$0x0] =	vst.idx.add.s32.msk vm13, v4  }
0x159: {  	v8 =	vld [tilespmem:s29+$0x60];
	_ =	sdelay $0x4  }
0x15a: {  	v62 =	vshra.s32 v8, $0x1F  }
0x15b: {  	v9 =	vor.u32 $0x80000000, v62  }
0x15c: {  	v8 =	vxor.u32 v8, v9  }
0x15d: {  	v9 =	vshrl.u32 v8, v5  }
0x15e: {  	v8 =	vand.u32 v6, v8;
	v9 =	vshll.u32 v9, $0x4  }
0x15f: {  	vm14 =	veq.s32 v8, v7;
	v9 =	vor.u32 v2, v9  }
0x160: {  	v8 =	vand.u32 $0xFFF, v9;
	_ =	sdelay $0x4  }
0x161: {  	[tilespmem:v8+s16+$0x0] =	vst.idx.add.s32.msk vm14, v4  }
0x162: {  	v8 =	vld [tilespmem:s29+$0x70];
	_ =	sdelay $0x4  }
0x163: {  	v63 =	vshra.s32 v8, $0x1F  }
0x164: {  	v9 =	vor.u32 $0x80000000, v63  }
0x165: {  	v8 =	vxor.u32 v8, v9  }
0x166: {  	v9 =	vshrl.u32 v8, v5  }
0x167: {  	v8 =	vand.u32 v6, v8;
	v9 =	vshll.u32 v9, $0x4  }
0x168: {  	vm15 =	veq.s32 v8, v7;
	v9 =	vor.u32 v2, v9  }
0x169: {  	p0 =	seq.s32 s20, $0x1FE00;
	v8 =	vand.u32 $0xFFF, v9  }
.Ltmp17:
0x16a: {  	_ = 	snop;
	(pc) =	sbr.rel @!p0 .LBB2_22-.Ltmp17, $2  }
0x16b: {  	_ =	sdelay $0x2  }
0x16c: {  	s20 =	sadd.s32 $0x200, s20;
	[tilespmem:v8+s16+$0x0] =	vst.idx.add.s32.msk vm15, v4  }
0x16d: {  	p0 =	sgt.s32 s22, $0x0  }
.Ltmp18:
0x16e: {  	_ = 	snop;
	(pc) =	sbr.rel @!p0 .LBB2_26-.Ltmp18, $3  }
0x16f: {  	_ =	sdelay $0x1  }
0x170: {  	s20 =	simm.s32 $0x0  }
0x171: {  	s29 =	simm.s32 $0x100;
	s0 =	simm.s32 $0x18FF0;
	s30 =	simm.s32 $0x0  }
.LBB2_24:
0x172: {  	v5 =	vld [tilespmem:s0+$0x0];
	_ =	sdelay $0x4  }
0x173: {  	(xrf0) =	vadd.scan.msk.s32 $0xffff, v5;
	_ =	sdelay $0x5  }
0x174: {  	v5, _, _ =	vpop (xrf0)  }
0x175: {  	(v2sf) =	vpush v5, $0xF;
	_ =	sdelay $0xe  }
0x176: {  	s1 =	spop (v2sf)  }
0x177: {  	s30 =	smov.u32 s20;
	s20 =	sadd.s32 s20, s1  }
0x178: {  	p0 =	slt.s32 s20, s22  }
.Ltmp19:
0x179: {  	_ = 	snop;
	(pc) =	sbr.rel @p0 .LBB2_24-.Ltmp19, $2  }
0x17a: {  	_ =	sdelay $0x2  }
0x17b: {  	[tilespmem:s0+$0x0] =	vst v1;
	s29 =	sadd.s32 $0xFFFFFFFF, s29;
	s0 =	sadd.s32 $0xFFFFFFF0, s0  }
0x17c: {  	p0 =	slt.s32 s29, $0x1  }
.Ltmp20:
0x17d: {  	_ = 	snop;
	(pc) =	sbr.rel @p0 .LBB2_28-.Ltmp20, $1  }
0x17e: {  	_ =	sdelay $0x3  }
.LBB2_26:
0x17f: {  	p0 =	sne.s32 s29, $0x1  }
.Ltmp21:
0x180: {  	_ = 	snop;
	(pc) =	sbr.rel @!p0 .LBB2_28-.Ltmp21, $3  }
0x181: {  	_ =	sdelay $0x1  }
0x182: {  	s0 =	simm.s32 $0x18000  }
0x183: {  	s31 =	sadd.s32 $0xFFFFFFFF, s29;
	[tilespmem:s0+$0x0] =	vst v1  }
.LBB2_27:
0x184: {  	p0 =	sne.s32 s31, $0x1  }
.Ltmp22:
0x185: {  	_ = 	snop;
	(pc) =	sbr.rel @p0 .LBB2_27-.Ltmp22, $3  }
0x186: {  	_ =	sdelay $0x1  }
0x187: {  	s31 =	sadd.s32 $0xFFFFFFFF, s31;
	s0 =	sadd.s32 $0x10, s0  }
0x188: {  	[tilespmem:s0+$0x0] =	vst v1  }
.Ltmp23:
0x189: {  	_ = 	snop;
	(pc) =	sbr.rel .LBB2_28-.Ltmp23, $1  }
0x18a: {  	_ =	sdelay $0x3  }
.LBB2_30:
0x18b: {  	s25 =	simm.s32 $0x40  }
0x18c: {  	v6 =	vld [tilespmem:s25+$0xFFFFFFD0]  }
0x18d: {  	v7 =	vld [tilespmem:s25+$0xFFFFFFE0]  }
0x18e: {  	v8 =	vld [tilespmem:s25+$0xFFFFFFC0];
	_ =	sdelay $0x3  }
0x18f: {  	v5 =	vmov s21;
	v9 =	vld [tilespmem:s25+$0x0];
	v11 =	vshra.s32 v6, $0x1F  }
0x190: {  	v10 =	vld [tilespmem:s25+$0x10];
	v13 =	vshra.s32 v7, $0x1F;
	v14 =	vshra.s32 v8, $0x1F;
	v11 =	vor.u32 $0x80000000, v11  }
0x191: {  	v12 =	vld [tilespmem:s25+$0xFFFFFFF0];
	v49 =	vor.u32 $0x80000000, v13;
	v14 =	vor.u32 $0x80000000, v14;
	v6 =	vxor.u32 v6, v11  }
0x192: {  	v50 =	vld [tilespmem:s25+$0x30];
	vm0 =	vge.u32 v6, v5;
	v6 =	vxor.u32 v7, v49;
	v7 =	vxor.u32 v8, v14  }
0x193: {  	vm7 =	vge.u32 v7, v5;
	v7 =	vld [tilespmem:s25+$0x20];
	_ =	sdelay $0x1  }
0x194: {  	v52 =	vshra.s32 v9, $0x1F  }
0x195: {  	v53 =	vshra.s32 v10, $0x1F;
	v15 =	vshra.s32 v12, $0x1F;
	v51 =	vsel vm0, $0x1, v1  }
0x196: {  	v56 =	vshra.s32 v50, $0x1F;
	v11 =	vor.u32 $0x80000000, v52;
	v16 =	vsel vm7, $0x1, v1;
	(xrf0) =	vadd.scan.msk.s32 $0xffff, v51  }
0x197: {  	v54 =	vor.u32 $0x80000000, v15;
	v9 =	vxor.u32 v9, v11;
	(xrf0) =	vadd.scan.msk.s32 $0xffff, v16;
	v59 =	vshra.s32 v7, $0x1F  }
0x198: {  	v11 =	vxor.u32 v12, v54;
	vm6 =	vge.u32 v6, v5;
	v60 =	vor.u32 $0x80000000, v59  }
0x199: {  	vm3 =	vge.u32 v11, v5;
	v57 =	vsel vm6, $0x1, v1;
	v7 =	vxor.u32 v7, v60  }
0x19a: {  	v55 =	vor.u32 $0x80000000, v53;
	vm2 =	vge.u32 v9, v5;
	v58 =	vsel vm3, $0x1, v1;
	(xrf0) =	vadd.scan.msk.s32 $0xffff, v57  }
0x19b: {  	v8 =	vxor.u32 v10, v55;
	v6 =	vor.u32 $0x80000000, v56;
	v61 =	vsel vm2, $0x1, v1;
	(xrf0) =	vadd.scan.msk.s32 $0xffff, v58  }
0x19c: {  	vm5 =	vge.u32 v8, v5;
	v6 =	vxor.u32 v50, v6;
	(xrf0) =	vadd.scan.msk.s32 $0xffff, v61;
	vm4 =	vge.u32 v7, v5;
	v7, _, _ =	vpop (xrf0)  }
0x19d: {  	v8 =	vsel vm5, $0x1, v1;
	vm1 =	vge.u32 v6, v5;
	v6 =	vsel vm4, $0x1, v1;
	v62, _, _ =	vpop (xrf0)  }
0x19e: {  	(xrf0) =	vadd.scan.msk.s32 $0xffff, v8;
	(v2sf) =	vpush v62, $0xF  }
0x19f: {  	v63 =	vsel vm1, $0x1, v1;
	(xrf0) =	vadd.scan.msk.s32 $0xffff, v6;
	(v2sf) =	vpush v7, $0xF  }
0x1a0: {  	(xrf0) =	vadd.scan.msk.s32 $0xffff, v63;
	v6, _, _ =	vpop (xrf0)  }
0x1a1: {  	(v2sf) =	vpush v6, $0xF;
	v6, _, _ =	vpop (xrf0)  }
0x1a2: {  	(v2sf) =	vpush v6, $0xF;
	v6, _, _ =	vpop (xrf0)  }
0x1a3: {  	(v2sf) =	vpush v6, $0xF  }
0x1a4: {  	v6, _, _ =	vpop (xrf0)  }
0x1a5: {  	s0 =	simm.s32 $0x0;
	p0 =	por $0x1, $0x1;
	s30 =	simm.s32 $0x0;
	(v2sf) =	vpush v6, $0xF;
	v6, _, _ =	vpop (xrf0)  }
0x1a6: {  	s30 =	simm.s32 @!p0 $0x1000;
	v7 =	vor.u32 s0, v2;
	(v2sf) =	vpush v6, $0xF;
	v6, _, _ =	vpop (xrf0)  }
0x1a7: {  	s29 =	simm.s32 $0x0;
	s26 =	simm.s32 $0x70;
	s28 =	simm.s32 $0xF0;
	[tilespmem:s30+$0x19000] =	vst.msk vm7, v7;
	(v2sf) =	vpush v6, $0xF  }
.LBB2_31:
0x1a8: {  	_ =	sdelay $0x1  }
0x1a9: {  	p0 =	sne.s32 s28, $0x7FF0  }
0x1aa: {  	s25 =	sadd.s32 $0x80, s25;
	s0 =	smov.u32 s28;
	s28 =	sadd.s32 $0x80, s28  }
0x1ab: {  	_ = 	snop  }
0x1ac: {  	s1 =	sadd.s32 $0xFFFFFFA0, s26;
	s31 =	spop (v2sf)  }
0x1ad: {  	s3 =	sadd.s32 $0xFFFFFFB0, s26;
	v6 =	vor.u32 s1, v2;
	s31 =	sadd.s32 s30, s31;
	s1 =	spop (v2sf)  }
0x1ae: {  	s1 =	sadd.s32 s1, s31;
	[tilespmem:s31+$0x19000] =	vst.msk vm0, v6;
	v6 =	vor.u32 s3, v2  }
0x1af: {  	s3 =	sadd.s32 $0xFFFFFFC0, s26;
	[tilespmem:s1+$0x19000] =	vst.msk vm6, v6;
	s31 =	spop (v2sf)  }
0x1b0: {  	s4 =	sadd.s32 $0xFFFFFFD0, s26;
	v6 =	vor.u32 s3, v2;
	s1 =	sadd.s32 s31, s1;
	s3 =	spop (v2sf)  }
0x1b1: {  	s31 =	sadd.s32 $0xFFFFFFE0, s26;
	s3 =	sadd.s32 s3, s1;
	[tilespmem:s1+$0x19000] =	vst.msk vm3, v6;
	v6 =	vor.u32 s4, v2;
	s1 =	spop (v2sf)  }
0x1b2: {  	s1 =	sadd.s32 s1, s3;
	[tilespmem:s3+$0x19000] =	vst.msk vm2, v6;
	v6 =	vor.u32 s31, v2  }
0x1b3: {  	s3 =	sadd.s32 $0xFFFFFFF0, s26;
	[tilespmem:s1+$0x19000] =	vst.msk vm5, v6;
	s4 =	spop (v2sf)  }
0x1b4: {  	v6 =	vor.u32 s3, v2;
	s1 =	sadd.s32 s4, s1;
	s3 =	spop (v2sf)  }
0x1b5: {  	s3 =	sadd.s32 s3, s1;
	[tilespmem:s1+$0x19000] =	vst.msk vm4, v6;
	v6 =	vor.u32 s26, v2;
	s1 =	ssub.s32 s29, s30;
	s4 =	spop (v2sf)  }
0x1b6: {  	s29 =	sadd.s32 $0xFFFFFF90, s0;
	s26 =	smov.u32 s0;
	[tilespmem:s3+$0x19000] =	vst.msk vm1, v6;
	s1 =	sadd.s32 s4, s1  }
0x1b7: {  	v7 =	vor.u32 s29, v2;
	v6 =	vld [tilespmem:s25+$0xFFFFFFD0];
	s29 =	sadd.s32 s3, s1  }
0x1b8: {  	p1 =	slt.s32 s29, $0x1000;
	v8 =	vld [tilespmem:s25+$0xFFFFFFE0]  }
0x1b9: {  	v9 =	vld [tilespmem:s25+$0xFFFFFFC0]  }
0x1ba: {  	v10 =	vld [tilespmem:s25+$0x0]  }
0x1bb: {  	v11 =	vld [tilespmem:s25+$0x10]  }
0x1bc: {  	v12 =	vshra.s32 v6, $0x1F  }
0x1bd: {  	v12 =	vor.u32 $0x80000000, v12;
	v13 =	vshra.s32 v8, $0x1F;
	v14 =	vld [tilespmem:s25+$0xFFFFFFF0]  }
0x1be: {  	v15 =	vshra.s32 v9, $0x1F;
	v6 =	vxor.u32 v6, v12;
	v12 =	vor.u32 $0x80000000, v13;
	v13 =	vld [tilespmem:s25+$0x30]  }
0x1bf: {  	v15 =	vor.u32 $0x80000000, v15;
	vm0 =	vge.u32 v6, v5;
	v6 =	vxor.u32 v8, v12  }
0x1c0: {  	s30 =	smov.u32 s29;
	v12 =	vshra.s32 v10, $0x1F;
	v8 =	vxor.u32 v9, v15;
	v9 =	vsel vm0, $0x1, v1  }
0x1c1: {  	s30 =	simm.s32 @!p1 $0x1000;
	vm1 =	vge.u32 v8, v5;
	v8 =	vor.u32 $0x80000000, v12;
	v12 =	vshra.s32 v11, $0x1F;
	v15 =	vld [tilespmem:s25+$0x20];
	(xrf0) =	vadd.scan.msk.s32 $0xffff, v9  }
0x1c2: {  	v9 =	vsel vm1, $0x1, v1;
	v16 =	vshra.s32 v14, $0x1F;
	v8 =	vxor.u32 v10, v8;
	[tilespmem:s30+$0x19000] =	vst.msk vm1, v7  }
0x1c3: {  	v10 =	vor.u32 $0x80000000, v12;
	v7 =	vor.u32 $0x80000000, v16;
	v12 =	vshra.s32 v13, $0x1F;
	(xrf0) =	vadd.scan.msk.s32 $0xffff, v9  }
0x1c4: {  	vm6 =	vge.u32 v6, v5;
	v6 =	vxor.u32 v14, v7;
	v7 =	vor.u32 $0x80000000, v12  }
0x1c5: {  	v9 =	vsel vm6, $0x1, v1;
	vm3 =	vge.u32 v6, v5;
	v6 =	vxor.u32 v13, v7  }
0x1c6: {  	vm2 =	vge.u32 v8, v5;
	v7 =	vsel vm3, $0x1, v1;
	v8 =	vshra.s32 v15, $0x1F;
	(xrf0) =	vadd.scan.msk.s32 $0xffff, v9  }
0x1c7: {  	v10 =	vxor.u32 v11, v10;
	v9 =	vsel vm2, $0x1, v1;
	v8 =	vor.u32 $0x80000000, v8;
	v11, _, _ =	vpop (xrf0);
	(xrf0) =	vadd.scan.msk.s32 $0xffff, v7  }
0x1c8: {  	vm5 =	vge.u32 v10, v5;
	v7 =	vxor.u32 v15, v8;
	(xrf0) =	vadd.scan.msk.s32 $0xffff, v9  }
0x1c9: {  	vm1 =	vge.u32 v6, v5;
	v8 =	vsel vm5, $0x1, v1;
	vm4 =	vge.u32 v7, v5;
	v6, _, _ =	vpop (xrf0)  }
0x1ca: {  	v9 =	vsel vm1, $0x1, v1;
	v7 =	vsel vm4, $0x1, v1;
	(v2sf) =	vpush v6, $0xF;
	(xrf0) =	vadd.scan.msk.s32 $0xffff, v8  }
0x1cb: {  	(v2sf) =	vpush v11, $0xF;
	(xrf0) =	vadd.scan.msk.s32 $0xffff, v7  }
0x1cc: {  	v6, _, _ =	vpop (xrf0);
	(xrf0) =	vadd.scan.msk.s32 $0xffff, v9  }
0x1cd: {  	(v2sf) =	vpush v6, $0xF;
	v6, _, _ =	vpop (xrf0)  }
0x1ce: {  	(v2sf) =	vpush v6, $0xF;
	v6, _, _ =	vpop (xrf0)  }
.Ltmp24:
0x1cf: {  	(v2sf) =	vpush v6, $0xF;
	(pc) =	sbr.rel @p0 .LBB2_31-.Ltmp24, $4  }
0x1d0: {  	v6, _, _ =	vpop (xrf0)  }
0x1d1: {  	(v2sf) =	vpush v6, $0xF;
	v6, _, _ =	vpop (xrf0)  }
0x1d2: {  	(v2sf) =	vpush v6, $0xF;
	v6, _, _ =	vpop (xrf0)  }
0x1d3: {  	(v2sf) =	vpush v6, $0xF  }
0x1d4: {  	_ =	sdelay $0x5  }
0x1d5: {  	s3 =	sadd.s32 $0xFFFFFFA0, s26;
	s4 =	sadd.s32 $0xFFFFFFB0, s26;
	s0 =	spop (v2sf)  }
0x1d6: {  	s25 =	sadd.s32 $0xFFFFFFC0, s26;
	s0 =	sadd.s32 s30, s0;
	s1 =	spop (v2sf)  }
0x1d7: {  	s29 =	sadd.s32 $0xFFFFFFD0, s26;
	s1 =	sadd.s32 s1, s0;
	s28 =	spop (v2sf)  }
0x1d8: {  	v5 =	vor.u32 s3, v2;
	s30 =	sadd.s32 $0xFFFFFFE0, s26;
	s3 =	sadd.s32 s28, s1;
	s31 =	spop (v2sf)  }
0x1d9: {  	[tilespmem:s0+$0x19000] =	vst.msk vm0, v5;
	v5 =	vor.u32 s4, v2;
	s28 =	sadd.s32 $0xFFFFFFF0, s26;
	s0 =	sadd.s32 s31, s3;
	s31 =	sshrl.u32 s23, $0x10  }
0x1da: {  	[tilespmem:s1+$0x19000] =	vst.msk vm6, v5;
	v5 =	vor.u32 s25, v2;
	s4 =	spop (v2sf);
	s25 =	sand.u32 $0x1, s31;
	s31 =	sand.u32 $0x1, s23  }
0x1db: {  	[tilespmem:s3+$0x19000] =	vst.msk vm3, v5;
	v5 =	vor.u32 s29, v2;
	s29 =	sshll.u32 s23, $0x17;
	s1 =	sadd.s32 s4, s0;
	s4 =	sadd.s32 s31, s25  }
0x1dc: {  	[tilespmem:s0+$0x19000] =	vst.msk vm2, v5;
	v5 =	vor.u32 s30, v2;
	s31 =	spop (v2sf);
	s25 =	sshra.s32 s29, $0x1F;
	s4 =	sxor.u32 $0xFFFFFFFF, s4  }
0x1dd: {  	[tilespmem:s1+$0x19000] =	vst.msk vm5, v5;
	v5 =	vor.u32 s28, v2;
	s0 =	sadd.s32 s31, s1;
	s28 =	spop (v2sf);
	s29 =	sadd.s32 s4, s25  }
0x1de: {  	s30 =	ssub.s32 s20, s22;
	s1 =	sadd.s32 s28, s0;
	[tilespmem:s0+$0x19000] =	vst.msk vm4, v5;
	v5 =	vor.u32 s26, v2;
	s3 =	sshll.u32 s29, $0x1  }
0x1df: {  	s31 =	spop (v2sf);
	s0 =	sadd.s32 $0x20, s30;
	[tilespmem:s1+$0x19000] =	vst.msk vm1, v5;
	s25 =	sadd.s32 $0x8, s3  }
.LBB2_33:
0x1e0: {  	s1 =	sadd.s32 $0xF, s0  }
0x1e1: {  	s3 =	sand.u32 $0xF, s1  }
0x1e2: {  	s4 =	sshra.s32 s1, $0x1F;
	p0 =	slt.s32 s1, $0x1;
	p1 =	sne.s32 s3, $0x0  }
0x1e3: {  	s31 =	sshrl.u32 s4, $0x1C;
	p0 =	por !p0, !p1  }
0x1e4: {  	s3 =	simm.s32 $0x1;
	s1 =	sadd.s32 s31, s1;
	p0 =	por !p0, !p0  }
0x1e5: {  	s1 =	sshra.s32 s1, $0x4;
	s3 =	simm.s32 @!p0 $0x0  }
0x1e6: {  	s20 =	ssub.s32 s1, s3  }
0x1e7: {  	p0 =	sgt.s32 s20, $0x0  }
.Ltmp25:
0x1e8: {  	_ = 	snop;
	(pc) =	sbr.rel @!p0 .LBB2_36-.Ltmp25, $2  }
0x1e9: {  	_ =	sdelay $0x2  }
0x1ea: {  	v5 =	vmov s0  }
0x1eb: {  	p2 =	seq.s32 s20, $0x1  }
.Ltmp26:
0x1ec: {  	_ = 	snop;
	(pc) =	sbr.rel @p2 .LBB2_35-.Ltmp26, $3  }
0x1ed: {  	_ =	sdelay $0x1  }
0x1ee: {  	s0 =	simm.s32 $0x19000  }
0x1ef: {  	s26 =	simm.s32 $0x1B200;
	p1 =	por $0x0, $0x0;
	v6 =	vld [tilespmem:s0+$0x0];
	s0 =	sadd.s32 $0xFFFFFFFF, s20  }
0x1f0: {  	_ = 	snop  }
0x1f1: {  	v7 =	vor.u32 s24, v2  }
0x1f2: {  	vm0 =	vlt.s32 v7, v5;
	_ =	sdelay $0x5  }
0x1f3: {  	v6 =	vld.idx.msk [tilespmem:v6+s2+$0x0], vm0;
	_ =	sdelay $0x3  }
0x1f4: {  	p2 =	seq.s32 s0, $0x1  }
.Ltmp27:
0x1f5: {  	v7 =	vshra.s32 v6, $0x1F;
	(pc) =	sbr.rel @p2 .LBB2_41-.Ltmp27, $4  }
0x1f6: {  	v7 =	vor.u32 $0x80000000, v7  }
0x1f7: {  	v6 =	vxor.u32 v6, v7  }
0x1f8: {  	s29 =	simm.s32 $0x19010;
	s30 =	sadd.s32 $0xFFFFFFFF, s0;
	[tilespmem:s26+$0x0] =	vst v6  }
0x1f9: {  	s24 =	simm.s32 $0x10;
	p1 =	por $0x1, $0x1;
	s28 =	simm.s32 $0x1B200;
	v6 =	vld [tilespmem:s29+$0x0]  }
.LBB2_42:
0x1fa: {  	p2 =	seq.s32 s30, $0x1;
	v7 =	vor.u32 s24, v2  }
0x1fb: {  	vm0 =	vlt.s32 v7, v5;
	_ =	sdelay $0x5  }
0x1fc: {  	v6 =	vld.idx.msk [tilespmem:v6+s2+$0x0], vm0;
	_ =	sdelay $0x5  }
.Ltmp28:
0x1fd: {  	v7 =	vshra.s32 v6, $0x1F;
	(pc) =	sbr.rel @!p2 .LBB2_42-.Ltmp28, $4  }
0x1fe: {  	v7 =	vor.u32 $0x80000000, v7  }
0x1ff: {  	s28 =	sadd.s32 $0x10, s28;
	v6 =	vxor.u32 v6, v7  }
0x200: {  	s29 =	sadd.s32 $0x10, s29;
	[tilespmem:s28+$0x0] =	vst v6  }
0x201: {  	s30 =	sadd.s32 $0xFFFFFFFF, s30;
	s24 =	sadd.s32 $0x10, s24;
	v6 =	vld [tilespmem:s29+$0x0]  }
.LBB2_43:
0x202: {  	_ = 	snop  }
0x203: {  	v7 =	vor.u32 s24, v2  }
0x204: {  	vm0 =	vlt.s32 v7, v5;
	_ =	sdelay $0x5  }
0x205: {  	v6 =	vld.idx.msk [tilespmem:v6+s2+$0x0], vm0;
	_ =	sdelay $0x4  }
0x206: {  	v7 =	vshra.s32 v6, $0x1F  }
0x207: {  	s0 =	sadd.s32 @p1 $0x10, s28;
	v7 =	vor.u32 $0x80000000, v7  }
0x208: {  	s26 =	smov.u32 @p1 s0;
	v6 =	vxor.u32 v6, v7  }
0x209: {  	[tilespmem:s26+$0x0] =	vst v6  }
.LBB2_36:
0x20a: {  	p1 =	seq.s32 s25, $0x0  }
.Ltmp29:
0x20b: {  	_ = 	snop;
	(pc) =	sbr.rel @!p1 .LBB2_37-.Ltmp29, $2  }
0x20c: {  	_ =	sdelay $0x2  }
0x20d: {  	s24 =	simm.s32 $0x0  }
0x20e: {  	s28 =	simm.s32 $0x0  }
0x20f: {  	v16 =	vld [tilespmem:s28+$0x0];
	_ =	sdelay $0x4  }
0x210: {  	v8 =	vshra.s32 v16, $0x1F  }
0x211: {  	v7 =	vmov s21;
	s21 =	simm.s32 $0x10;
	v8 =	vor.u32 $0x80000000, v8  }
0x212: {  	v12 =	vld [tilespmem:s21+$0x0];
	v10 =	vxor.u32 v16, v8  }
0x213: {  	vm0 =	veq.s32 v10, v7  }
0x214: {  	v8 =	vsel vm0, $0x1, v1  }
0x215: {  	(xrf0) =	vadd.scan.msk.s32 $0xffff, v8;
	_ =	sdelay $0x1  }
0x216: {  	v6 =	vmov s22;
	s22 =	simm.s32 $0x20;
	v8 =	vshra.s32 v12, $0x1F  }
0x217: {  	v9 =	vld [tilespmem:s22+$0x0];
	v8 =	vor.u32 $0x80000000, v8  }
0x218: {  	v11 =	vxor.u32 v12, v8  }
0x219: {  	vm1 =	veq.s32 v11, v7  }
0x21a: {  	v8 =	vsel vm1, $0x1, v1;
	v15, _, _ =	vpop (xrf0)  }
0x21b: {  	(xrf0) =	vadd.scan.msk.s32 $0xffff, v8;
	v8 =	vxor.u32 $0x80000000, v15  }
0x21c: {  	(xrf0) =	vmax.scan.msk.u32 $0xffff, v8;
	v8 =	vshra.s32 v9, $0x1F  }
0x21d: {  	s23 =	simm.s32 $0x30;
	v13 =	vor.u32 $0x80000000, v8  }
0x21e: {  	v8 =	vld [tilespmem:s23+$0x0];
	v14 =	vxor.u32 v9, v13  }
0x21f: {  	vm2 =	veq.s32 v14, v7  }
0x220: {  	v17 =	vsel vm2, $0x1, v1  }
0x221: {  	v13, _, _ =	vpop (xrf0);
	(xrf0) =	vadd.scan.msk.s32 $0xffff, v17  }
0x222: {  	vm3 =	vgt.u32 v10, v7;
	v17 =	vxor.u32 $0x80000000, v13;
	v10, _, _ =	vpop (xrf0)  }
0x223: {  	(xrf0) =	vmax.scan.msk.u32 $0xffff, v17;
	(v2sf) =	vpush v10, $0xF;
	v10 =	vshra.s32 v8, $0x1F  }
0x224: {  	vm4 =	vgt.u32 v11, v7;
	v11 =	vor.u32 $0x80000000, v10  }
0x225: {  	v11 =	vxor.u32 v8, v11  }
0x226: {  	vm6 =	veq.s32 v11, v7  }
0x227: {  	vm5 =	vgt.u32 v14, v7;
	v17 =	vsel vm6, $0x1, v1;
	v14, _, _ =	vpop (xrf0)  }
0x228: {  	(xrf0) =	vadd.scan.msk.s32 $0xffff, v17;
	v17 =	vxor.u32 $0x80000000, v14  }
0x229: {  	vm0 =	vmmov vm0;
	vm7 =	vgt.u32 v11, v7;
	v11, _, _ =	vpop (xrf0);
	(xrf0) =	vmax.scan.msk.u32 $0xffff, v17  }
0x22a: {  	s24 =	simm.s32 $0x40;
	vm3 =	vmmov vm3;
	vm0 =	vmmov vm0  }
0x22b: {  	vm3 =	vmmov vm3;
	vm0 =	vmmov vm0;
	v10 =	vld [tilespmem:s24+$0x0]  }
0x22c: {  	vm3 =	vmmov vm3;
	vm8 =	vmmov vm0  }
0x22d: {  	s26 =	simm.s32 $0x0;
	vm9 =	vmmov vm3;
	vm4 =	vmmov vm4;
	vm1 =	vmmov vm1  }
0x22e: {  	vm4 =	vmmov vm4;
	vm1 =	vmmov vm1;
	v18 =	vadd.s32 s26, v15;
	v15, _, _ =	vpop (xrf0)  }
0x22f: {  	vm10 =	vmmov vm4;
	vm4 =	vmmov vm1;
	(v2sf) =	vpush v11, $0xF;
	v19, _, _ =	vpop (xrf0)  }
0x230: {  	s25 =	simm.s32 $0x50;
	vm4 =	vmmov vm4;
	v11 =	vshra.s32 v10, $0x1F;
	(v2sf) =	vpush v19, $0xF  }
0x231: {  	vm5 =	vmmov vm5;
	vm2 =	vmmov vm2;
	v17 =	vor.u32 $0x80000000, v11;
	v11 =	vld [tilespmem:s25+$0x0]  }
0x232: {  	vm11 =	vmmov vm5;
	vm5 =	vle.s32 v18, v6;
	v17 =	vxor.u32 v10, v17  }
0x233: {  	vm0 =	vmmov vm2;
	vm5 =	vmand vm8, vm5;
	vm2 =	veq.s32 v17, v7  }
0x234: {  	vm12 =	vmmov vm7;
	vm3 =	vgt.u32 v17, v7;
	v17 =	vsel vm2, $0x1, v1  }
0x235: {  	vm1 =	vmmov vm6;
	vm6 =	vmor vm9, vm5;
	(xrf0) =	vadd.scan.msk.s32 $0xffff, v17;
	v18 =	vxor.u32 $0x80000000, v15  }
0x236: {  	vm5 =	vmmov vm10;
	v17 =	vshra.s32 v11, $0x1F;
	(xrf0) =	vmax.scan.msk.u32 $0xffff, v18;
	v18 =	vnsel vm6, $0x0, v16;
	s0 =	spop (v2sf)  }
0x237: {  	s29 =	simm.s32 $0x1C0;
	s26 =	simm.s32 $0x60;
	vm7 =	vmmov vm11;
	v16 =	vor.u32 $0x80000000, v17;
	vm6 =	vmmov vm12;
	[tilespmem:s28+$0x10000] =	vst v18;
	s28 =	sadd.s32 $0x0, s0  }
.LBB2_58:
0x238: {  	p2 =	seq.s32 s29, $0x1FFC0;
	v16 =	vxor.u32 v11, v16;
	s0 =	sadd.s32 $0x80000000, s28;
	vm8 =	vmmov vm3  }
0x239: {  	v17 =	vld [tilespmem:s26+$0x0];
	vm9 =	vmmov vm0;
	vm0 =	vmmov vm1;
	vm1 =	vmmov vm2;
	s1 =	smov.u32 s21;
	s21 =	smov.u32 s22;
	s22 =	smov.u32 s23  }
0x23a: {  	s23 =	smov.u32 s24;
	s24 =	smov.u32 s25;
	s25 =	smov.u32 s26;
	vm3 =	vgt.u32 v16, v7;
	vm2 =	veq.s32 v16, v7;
	v16 =	vadd.s32 s0, v13;
	v13 =	vmovc v14;
	v14 =	vmovc v15  }
.Ltmp30:
0x23b: {  	v19 =	vsel vm2, $0x1, v1;
	v15, _, _ =	vpop (xrf0);
	vm10 =	vle.s32 v16, v6;
	(pc) =	sbr.rel @!p2 .LBB2_58-.Ltmp30, $4  }
0x23c: {  	(xrf0) =	vadd.scan.msk.s32 $0xffff, v19;
	v16 =	vxor.u32 $0x80000000, v15;
	v18, _, _ =	vpop (xrf0);
	vm10 =	vmand vm4, vm10;
	vm4 =	vmmov vm9  }
0x23d: {  	(xrf0) =	vmax.scan.msk.u32 $0xffff, v16;
	(v2sf) =	vpush v18, $0xF;
	vm9 =	vmor vm5, vm10;
	vm5 =	vmmov vm7  }
0x23e: {  	v16 =	vshra.s32 v17, $0x1F;
	v18 =	vnsel vm9, $0x0, v12;
	s3 =	spop (v2sf);
	v12 =	vmovc v9;
	v9 =	vmovc v8;
	v8 =	vmov v10  }
0x23f: {  	s26 =	sshra.s32 s29, $0x2;
	s29 =	sadd.s32 $0x40, s29;
	vm7 =	vmmov vm6;
	vm6 =	vmmov vm8;
	v10 =	vmovc v11;
	v11 =	vmovc v17;
	v16 =	vor.u32 $0x80000000, v16;
	[tilespmem:s1+$0x10000] =	vst v18;
	s28 =	sadd.s32 s3, s0  }
0x240: {  	v17 =	vld [tilespmem:s26+$0x0];
	v16 =	vxor.u32 v11, v16  }
0x241: {  	vm9 =	veq.s32 v16, v7  }
0x242: {  	v18 =	vsel vm9, $0x1, v1  }
0x243: {  	(xrf0) =	vadd.scan.msk.s32 $0xffff, v18;
	_ =	sdelay $0x1  }
0x244: {  	v51 =	vshra.s32 v17, $0x1F  }
0x245: {  	v18 =	vor.u32 $0x80000000, v51  }
0x246: {  	v19, _, _ =	vpop (xrf0);
	v18 =	vxor.u32 v17, v18  }
0x247: {  	v20 =	vxor.u32 $0x80000000, v19;
	v21, _, _ =	vpop (xrf0);
	vm8 =	veq.s32 v18, v7  }
0x248: {  	(xrf0) =	vmax.scan.msk.u32 $0xffff, v20;
	v52 =	vsel vm8, $0x1, v1;
	v22, _, _ =	vpop (xrf0)  }
0x249: {  	(xrf0) =	vadd.scan.msk.s32 $0xffff, v52;
	v53 =	vxor.u32 $0x80000000, v22  }
0x24a: {  	(xrf0) =	vmax.scan.msk.u32 $0xffff, v53  }
0x24b: {  	(v2sf) =	vpush v21, $0xF;
	_ =	sdelay $0x2  }
0x24c: {  	v54, _, _ =	vpop (xrf0)  }
0x24d: {  	s1 =	spop (v2sf);
	(v2sf) =	vpush v54, $0xF;
	v55, _, _ =	vpop (xrf0)  }
0x24e: {  	vm3 =	vmmov vm3;
	v56, _, _ =	vpop (xrf0)  }
0x24f: {  	vm0 =	vmmov vm0;
	v57 =	vxor.u32 $0x80000000, v55;
	(v2sf) =	vpush v56, $0xF  }
0x250: {  	s0 =	sadd.s32 $0x80000000, s28;
	vm1 =	vmmov vm1;
	vm2 =	vmmov vm2;
	vm7 =	vmmov vm7;
	(xrf0) =	vmax.scan.msk.u32 $0xffff, v57  }
0x251: {  	vm15 =	vmmov vm6;
	v13 =	vadd.s32 s0, v13;
	vm13 =	vgt.u32 v16, v7  }
0x252: {  	vm0 =	vmmov vm0;
	vm3 =	vmmov vm3;
	vm1 =	vmmov vm1  }
0x253: {  	s0 =	sadd.s32 s1, s0;
	vm2 =	vmmov vm2;
	vm10 =	vle.s32 v13, v6;
	vm12 =	vmmov vm13  }
0x254: {  	s0 =	sadd.s32 $0x80000000, s0;
	vm9 =	vmmov vm9;
	vm1 =	vmmov vm1;
	vm2 =	vmmov vm2  }
0x255: {  	vm4 =	vmand vm4, vm10;
	v58 =	vadd.s32 s0, v14;
	vm2 =	vmmov vm2  }
0x256: {  	vm4 =	vmor vm5, vm4;
	vm14 =	vle.s32 v58, v6;
	vm13 =	vgt.u32 v18, v7;
	s3 =	spop (v2sf);
	v7, _, _ =	vpop (xrf0)  }
0x257: {  	v12 =	vnsel vm4, $0x0, v12;
	vm0 =	vmand vm0, vm14;
	s0 =	sadd.s32 s3, s0;
	(v2sf) =	vpush v7, $0xF  }
0x258: {  	vm4 =	vmmov vm15;
	vm14 =	vmmov vm3;
	vm15 =	vmmov vm12;
	s0 =	sadd.s32 $0x80000000, s0;
	s4 =	spop (v2sf)  }
0x259: {  	vm12 =	vmmov vm9;
	vm0 =	vmor vm7, vm0;
	v59 =	vadd.s32 s0, v15;
	s0 =	sadd.s32 s4, s0  }
0x25a: {  	vm10 =	vmmov vm13;
	vm13 =	vmmov vm8;
	vm11 =	vle.s32 v59, v6;
	s0 =	sadd.s32 $0x80000000, s0  }
0x25b: {  	vm6 =	vmmov vm13;
	vm1 =	vmand vm1, vm11;
	v60 =	vadd.s32 s0, v19  }
0x25c: {  	vm13 =	vmmov vm6;
	vm1 =	vmor vm4, vm1;
	vm9 =	vle.s32 v60, v6;
	s28 =	spop (v2sf)  }
0x25d: {  	vm2 =	vmand vm2, vm9;
	v7 =	vnsel vm0, $0x0, v9;
	vm0 =	vmmov vm14;
	s0 =	sadd.s32 s28, s0  }
0x25e: {  	vm14 =	vmmov vm15;
	vm15 =	vmmov vm10;
	vm10 =	vmmov vm12;
	s0 =	sadd.s32 $0x80000000, s0;
	s29 =	spop (v2sf)  }
0x25f: {  	v8 =	vnsel vm1, $0x0, v8;
	vm11 =	vmmov vm10;
	vm0 =	vmor vm0, vm2;
	s1 =	sadd.s32 s29, s0  }
0x260: {  	vm1 =	vmmov vm14;
	vm12 =	vmmov vm15;
	v62 =	vadd.s32 s0, v22;
	s30 =	sadd.s32 $0x80000000, s1  }
0x261: {  	[tilespmem:s21+$0x10000] =	vst v12;
	vm2 =	vmmov vm13;
	vm14 =	vle.s32 v62, v6;
	v63 =	vadd.s32 s30, v55  }
.Ltmp31:
0x262: {  	[tilespmem:s22+$0x10000] =	vst v7;
	v61 =	vnsel vm0, $0x0, v10;
	vm3 =	vmand vm11, vm14;
	vm15 =	vle.s32 v63, v6;
	(pc) =	sbr.rel .LBB2_64-.Ltmp31, $4  }
0x263: {  	[tilespmem:s23+$0x10000] =	vst v8;
	vm0 =	vmmov vm12;
	vm1 =	vmor vm1, vm3;
	vm2 =	vmand vm2, vm15  }
0x264: {  	[tilespmem:s24+$0x10000] =	vst v61;
	v6 =	vnsel vm1, $0x0, v11;
	vm0 =	vmor vm0, vm2  }
0x265: {  	[tilespmem:s25+$0x10000] =	vst v6;
	v6 =	vnsel vm0, $0x0, v17  }
0x266: {  	s31 =	spop (v2sf);
	[tilespmem:s26+$0x10000] =	vst v6  }
.LBB2_53:
0x267: {  	p2 =	seq.s32 s25, s24  }
.Ltmp32:
0x268: {  	_ = 	snop;
	(pc) =	sbr.rel @p2 .LBB2_54-.Ltmp32, $3  }
0x269: {  	_ =	sdelay $0x1  }
0x26a: {  	s0 =	sshll.u32 s28, s26;
	s1 =	sshll.u32 s17, s26  }
0x26b: {  	s22 =	ssub.s32 s22, s29;
	s21 =	sor.u32 s21, s0;
	s23 =	sor.u32 s23, s1  }
.LBB2_37:
0x26c: {  	p2 =	slt.s32 s20, $0x1  }
.Ltmp33:
0x26d: {  	_ = 	snop;
	(pc) =	sbr.rel @p2 .LBB2_48-.Ltmp33, $4  }
0x26e: {  	_ = 	snop  }
0x26f: {  	s24 =	sadd.s32 $0x1, s24  }
0x270: {  	s0 =	ssub.s32 s25, s24  }
0x271: {  	s26 =	sshll.u32 s0, $0x2  }
0x272: {  	p3 =	seq.s32 s20, $0x1  }
.Ltmp34:
0x273: {  	_ = 	snop;
	(pc) =	sbr.rel @p3 .LBB2_39-.Ltmp34, $3  }
0x274: {  	_ =	sdelay $0x1  }
0x275: {  	s0 =	simm.s32 $0x1B200  }
0x276: {  	v7 =	vmov s23;
	v6 =	vmov s21;
	v8 =	vmov s26;
	s28 =	simm.s32 $0x0;
	p2 =	por $0x0, $0x0;
	v9 =	vld [tilespmem:s0+$0x0];
	s0 =	sadd.s32 $0xFFFFFFFF, s20  }
0x277: {  	_ =	sdelay $0x3  }
0x278: {  	v10 =	vor.u32 s28, v2;
	v11 =	vand.u32 v7, v9;
	v9 =	vshrl.u32 v9, v8  }
0x279: {  	vm0 =	vlt.s32 v10, v5;
	vm1 =	veq.s32 v11, v6;
	v9 =	vshll.u32 v9, $0x4  }
0x27a: {  	vm0 =	vmand vm0, vm1;
	v9 =	vor.u32 v2, v9  }
0x27b: {  	v9 =	vand.u32 $0xFF, v9  }
0x27c: {  	p3 =	seq.s32 s0, $0x1  }
.Ltmp35:
0x27d: {  	_ = 	snop;
	(pc) =	sbr.rel @p3 .LBB2_45-.Ltmp35, $3  }
0x27e: {  	_ =	sdelay $0x1  }
0x27f: {  	s30 =	simm.s32 $0x1B210;
	[tilespmem:v9+s16+$0x0] =	vst.idx.add.s32.msk vm0, v4  }
0x280: {  	s31 =	sadd.s32 $0xFFFFFFFF, s0;
	p2 =	por $0x1, $0x1;
	s29 =	simm.s32 $0x0;
	v9 =	vld [tilespmem:s30+$0x0]  }
.LBB2_46:
0x281: {  	p3 =	seq.s32 s31, $0x1;
	_ =	sdelay $0x2  }
0x282: {  	s29 =	sadd.s32 $0x10, s29  }
0x283: {  	v10 =	vor.u32 s29, v2;
	v11 =	vand.u32 v7, v9;
	v9 =	vshrl.u32 v9, v8  }
0x284: {  	vm0 =	vlt.s32 v10, v5;
	vm1 =	veq.s32 v11, v6;
	v9 =	vshll.u32 v9, $0x4  }
0x285: {  	vm0 =	vmand vm0, vm1;
	v9 =	vor.u32 v2, v9  }
0x286: {  	v9 =	vand.u32 $0xFF, v9;
	_ =	sdelay $0x1  }
.Ltmp36:
0x287: {  	(pc) =	sbr.rel @!p3 .LBB2_46-.Ltmp36, $3  }
0x288: {  	_ =	sdelay $0x1  }
0x289: {  	s30 =	sadd.s32 $0x10, s30;
	[tilespmem:v9+s16+$0x0] =	vst.idx.add.s32.msk vm0, v4  }
0x28a: {  	s31 =	sadd.s32 $0xFFFFFFFF, s31;
	v9 =	vld [tilespmem:s30+$0x0]  }
.LBB2_47:
0x28b: {  	_ =	sdelay $0x1  }
0x28c: {  	s0 =	sadd.s32 @p2 $0x10, s29  }
0x28d: {  	s28 =	smov.u32 @p2 s0  }
0x28e: {  	v10 =	vor.u32 s28, v2;
	v7 =	vand.u32 v7, v9;
	v8 =	vshrl.u32 v9, v8  }
0x28f: {  	vm0 =	vlt.s32 v10, v5;
	vm1 =	veq.s32 v7, v6;
	v6 =	vshll.u32 v8, $0x4  }
0x290: {  	vm0 =	vmand vm0, vm1;
	v6 =	vor.u32 v2, v6  }
0x291: {  	v6 =	vand.u32 $0xFF, v6;
	_ =	sdelay $0x4  }
0x292: {  	[tilespmem:v6+s16+$0x0] =	vst.idx.add.s32.msk vm0, v4  }
.LBB2_48:
0x293: {  	p2 =	sgt.s32 s22, $0x0  }
.Ltmp37:
0x294: {  	_ = 	snop;
	(pc) =	sbr.rel @!p2 .LBB2_51-.Ltmp37, $3  }
0x295: {  	_ =	sdelay $0x1  }
0x296: {  	s30 =	simm.s32 $0x0  }
0x297: {  	s28 =	simm.s32 $0x10;
	s0 =	simm.s32 $0x180F0;
	s29 =	simm.s32 $0x0  }
.LBB2_49:
0x298: {  	v6 =	vld [tilespmem:s0+$0x0];
	_ =	sdelay $0x4  }
0x299: {  	(xrf0) =	vadd.scan.msk.s32 $0xffff, v6;
	_ =	sdelay $0x5  }
0x29a: {  	v6, _, _ =	vpop (xrf0)  }
0x29b: {  	(v2sf) =	vpush v6, $0xF;
	_ =	sdelay $0xe  }
0x29c: {  	s1 =	spop (v2sf)  }
0x29d: {  	s29 =	smov.u32 s30;
	s30 =	sadd.s32 s30, s1  }
0x29e: {  	p2 =	slt.s32 s30, s22  }
.Ltmp38:
0x29f: {  	_ = 	snop;
	(pc) =	sbr.rel @p2 .LBB2_49-.Ltmp38, $2  }
0x2a0: {  	_ =	sdelay $0x2  }
0x2a1: {  	[tilespmem:s0+$0x0] =	vst v1;
	s28 =	sadd.s32 $0xFFFFFFFF, s28;
	s0 =	sadd.s32 $0xFFFFFFF0, s0  }
0x2a2: {  	p2 =	slt.s32 s28, $0x1  }
.Ltmp39:
0x2a3: {  	_ = 	snop;
	(pc) =	sbr.rel @p2 .LBB2_53-.Ltmp39, $1  }
0x2a4: {  	_ =	sdelay $0x3  }
.LBB2_51:
0x2a5: {  	p2 =	sne.s32 s28, $0x1  }
.Ltmp40:
0x2a6: {  	_ = 	snop;
	(pc) =	sbr.rel @!p2 .LBB2_53-.Ltmp40, $3  }
0x2a7: {  	_ =	sdelay $0x1  }
0x2a8: {  	s0 =	simm.s32 $0x18000  }
0x2a9: {  	s30 =	sadd.s32 $0xFFFFFFFF, s28;
	[tilespmem:s0+$0x0] =	vst v1  }
.LBB2_52:
0x2aa: {  	p2 =	sne.s32 s30, $0x1  }
.Ltmp41:
0x2ab: {  	_ = 	snop;
	(pc) =	sbr.rel @p2 .LBB2_52-.Ltmp41, $3  }
0x2ac: {  	_ =	sdelay $0x1  }
0x2ad: {  	s30 =	sadd.s32 $0xFFFFFFFF, s30;
	s0 =	sadd.s32 $0x10, s0  }
0x2ae: {  	[tilespmem:s0+$0x0] =	vst v1  }
.Ltmp42:
0x2af: {  	_ = 	snop;
	(pc) =	sbr.rel .LBB2_53-.Ltmp42, $1  }
0x2b0: {  	_ =	sdelay $0x3  }
.LBB2_39:
.Ltmp43:
0x2b1: {  	(pc) =	sbr.rel .LBB2_47-.Ltmp43, $2  }
0x2b2: {  	_ =	sdelay $0x2  }
0x2b3: {  	s29 =	simm.s32 $0x0  }
.LBB2_45:
.Ltmp44:
0x2b4: {  	(pc) =	sbr.rel .LBB2_47-.Ltmp44, $2  }
0x2b5: {  	_ =	sdelay $0x2  }
0x2b6: {  	s29 =	simm.s32 $0x0  }
.LBB2_54:
.Ltmp45:
0x2b7: {  	(pc) =	sbr.rel @!p0 .LBB2_64-.Ltmp45, $1  }
0x2b8: {  	_ =	sdelay $0x3  }
0x2b9: {  	s0 =	simm.s32 $0x1B200  }
0x2ba: {  	v8 =	vld [tilespmem:s0+$0x0];
	_ =	sdelay $0x2  }
0x2bb: {  	v6 =	vmov s22;
	s22 =	simm.s32 $0x0;
	p3 =	sne.s32 s20, $0x1  }
.Ltmp46:
0x2bc: {  	v7 =	vmov s21;
	v9 =	vor.u32 s22, v2;
	(pc) =	sbr.rel @!p3 .LBB2_56-.Ltmp46, $4  }
0x2bd: {  	vm0 =	vlt.s32 v9, v5;
	vm1 =	veq.s32 v8, v7  }
0x2be: {  	vm2 =	vgt.s32 v8, $0xFFFFFFFF;
	vm1 =	vmand vm0, vm1  }
0x2bf: {  	v9 =	vsel vm2, $0xFFFFFFFF, v3;
	v10 =	vsel vm1, $0x1, v1  }
0x2c0: {  	s21 =	simm.s32 $0x19000;
	p2 =	por $0x0, $0x0;
	s0 =	sadd.s32 $0xFFFFFFFF, s20;
	vm2 =	vgt.u32 v8, v7;
	v8 =	vxor.u32 v8, v9;
	(xrf0) =	vadd.scan.msk.s32 $0xffff, v10  }
0x2c1: {  	_ =	sdelay $0x4  }
0x2c2: {  	v9, _, _ =	vpop (xrf0)  }
0x2c3: {  	v10 =	vxor.u32 $0x80000000, v9  }
0x2c4: {  	v9 =	vadd.s32 s22, v9;
	(xrf0) =	vmax.scan.msk.u32 $0xffff, v10  }
0x2c5: {  	v10 =	vld [tilespmem:s21+$0x0];
	vm3 =	vle.s32 v9, v6  }
0x2c6: {  	vm0 =	vmand vm0, vm2;
	vm1 =	vmand vm1, vm3  }
0x2c7: {  	vm0 =	vmor vm0, vm1;
	_ =	sdelay $0x2  }
0x2c8: {  	v9, _, _ =	vpop (xrf0)  }
0x2c9: {  	(v2sf) =	vpush v9, $0xF;
	_ =	sdelay $0x1  }
0x2ca: {  	s23 =	simm.s32 $0x1B210;
	[tilespmem:v10+s12+$0x0] =	vst.idx.msk vm0, v8  }
0x2cb: {  	v8 =	vld [tilespmem:s23+$0x0];
	_ =	sdelay $0x2  }
0x2cc: {  	s24 =	simm.s32 $0x10  }
0x2cd: {  	v9 =	vor.u32 s24, v2  }
0x2ce: {  	vm0 =	vlt.s32 v9, v5;
	vm1 =	veq.s32 v8, v7  }
0x2cf: {  	vm1 =	vmand vm0, vm1  }
0x2d0: {  	v10 =	vsel vm1, $0x1, v1  }
0x2d1: {  	p3 =	sne.s32 s0, $0x1;
	(xrf0) =	vadd.scan.msk.s32 $0xffff, v10  }
.Ltmp47:
0x2d2: {  	_ = 	snop;
	(pc) =	sbr.rel @!p3 .LBB2_61-.Ltmp47, $4  }
0x2d3: {  	_ = 	snop  }
0x2d4: {  	vm2 =	vgt.s32 v8, $0xFFFFFFFF  }
0x2d5: {  	s26 =	sadd.s32 $0xFFFFFFFF, s0;
	v9 =	vsel vm2, $0xFFFFFFFF, v3;
	s31 =	spop (v2sf)  }
0x2d6: {  	p2 =	por $0x1, $0x1;
	s25 =	simm.s32 $0x19000;
	vm2 =	vgt.u32 v8, v7;
	v8 =	vxor.u32 v8, v9;
	s0 =	sadd.s32 $0x0, s31  }
.LBB2_62:
0x2d7: {  	p3 =	sne.s32 s26, $0x1;
	v9, _, _ =	vpop (xrf0);
	s0 =	sadd.s32 $0x80000000, s0;
	s25 =	sadd.s32 $0x10, s25  }
0x2d8: {  	s26 =	sadd.s32 $0xFFFFFFFF, s26;
	v10 =	vadd.s32 s0, v9;
	v9 =	vxor.u32 $0x80000000, v9  }
0x2d9: {  	v11 =	vld [tilespmem:s25+$0x0];
	vm3 =	vle.s32 v10, v6;
	(xrf0) =	vmax.scan.msk.u32 $0xffff, v9  }
0x2da: {  	vm0 =	vmand vm0, vm2;
	vm1 =	vmand vm1, vm3  }
0x2db: {  	vm0 =	vmor vm0, vm1;
	_ =	sdelay $0x3  }
0x2dc: {  	v9, _, _ =	vpop (xrf0)  }
0x2dd: {  	(v2sf) =	vpush v9, $0xF  }
0x2de: {  	[tilespmem:v11+s12+$0x0] =	vst.idx.msk vm0, v8  }
0x2df: {  	s23 =	sadd.s32 $0x10, s23  }
0x2e0: {  	v8 =	vld [tilespmem:s23+$0x0];
	_ =	sdelay $0x2  }
0x2e1: {  	s24 =	sadd.s32 $0x10, s24  }
0x2e2: {  	v9 =	vor.u32 s24, v2  }
0x2e3: {  	vm0 =	vlt.s32 v9, v5;
	vm2 =	vgt.u32 v8, v7;
	vm1 =	veq.s32 v8, v7  }
0x2e4: {  	vm3 =	vgt.s32 v8, $0xFFFFFFFF;
	vm1 =	vmand vm0, vm1  }
0x2e5: {  	v9 =	vsel vm3, $0xFFFFFFFF, v3;
	v10 =	vsel vm1, $0x1, v1  }
0x2e6: {  	v8 =	vxor.u32 v8, v9;
	(xrf0) =	vadd.scan.msk.s32 $0xffff, v10  }
.Ltmp48:
0x2e7: {  	(pc) =	sbr.rel @p3 .LBB2_62-.Ltmp48, $3  }
0x2e8: {  	_ =	sdelay $0x1  }
0x2e9: {  	s1 =	spop (v2sf)  }
0x2ea: {  	s0 =	sadd.s32 s1, s0  }
.LBB2_63:
0x2eb: {  	v7, _, _ =	vpop (xrf0)  }
0x2ec: {  	v9 =	vxor.u32 $0x80000000, v7  }
0x2ed: {  	(xrf0) =	vmax.scan.msk.u32 $0xffff, v9;
	_ =	sdelay $0x5  }
0x2ee: {  	v9, _, _ =	vpop (xrf0)  }
0x2ef: {  	(v2sf) =	vpush v9, $0xF;
	_ =	sdelay $0x3  }
0x2f0: {  	s0 =	sadd.s32 @p2 $0x80000000, s0  }
0x2f1: {  	s1 =	sadd.s32 @p2 $0x10, s25;
	s22 =	smov.u32 @p2 s0  }
0x2f2: {  	s21 =	smov.u32 @p2 s1;
	v7 =	vadd.s32 s22, v7  }
0x2f3: {  	v63 =	vld [tilespmem:s21+$0x0];
	vm3 =	vle.s32 v7, v6  }
0x2f4: {  	vm0 =	vmand vm0, vm2;
	vm1 =	vmand vm1, vm3  }
0x2f5: {  	vm0 =	vmor vm0, vm1;
	_ =	sdelay $0x5  }
0x2f6: {  	[tilespmem:v63+s12+$0x0] =	vst.idx.msk vm0, v8;
	s31 =	spop (v2sf)  }
.LBB2_64:
0x2f7: {  	[hbm4b:s5+s8] =	stream.strided.scatter [tilespmem:s12], [sflag:$0x3], $0x8000, s9, s8, $0x38;
	[tilespmem:$0x1C300] =	vst v63  }
0x2f8: {  	_ =	swait.ge [sflag:s13], $0x8000  }
0x2f9: {  	[sflag:s13] =	ssyncset.done $0x0  }
0x2fa: {  	s0 =	simm.s32 $0x0;
	[sflag:s13] =	ssyncadd.s32 $0xFFFF8000  }
0x2fb: {  	v10 =	vld [tilespmem:s0+$0x8070]  }
0x2fc: {  	v6 =	vld [tilespmem:s0+$0x8000]  }
0x2fd: {  	v11 =	vimm.f32 $-Inf;
	v9 =	vld [tilespmem:s0+$0x8010]  }
0x2fe: {  	v22 =	vimm.f32 $-Inf;
	v20 =	vimm.f32 $-Inf;
	v21 =	vimm.f32 $-Inf  }
0x2ff: {  	v18 =	vimm.f32 $-Inf;
	v16 =	vimm.f32 $-Inf;
	v17 =	vimm.f32 $-Inf;
	v23 =	vld [tilespmem:s0+$0x8020]  }
0x300: {  	v15 =	vimm.f32 $-Inf;
	v12 =	vimm.f32 $-Inf;
	v19 =	vimm.f32 $-Inf;
	v24 =	vld [tilespmem:s0+$0x8030]  }
0x301: {  	v13 =	vimm.f32 $-Inf;
	v14 =	vimm.f32 $-Inf;
	v25 =	vld [tilespmem:s0+$0x8040];
	v7 =	vmin.f32 v11, v10  }
0x302: {  	v26 =	vld [tilespmem:s0+$0x8050];
	v8 =	vmin.f32 v11, v6;
	v6 =	vmax.f32 v11, v6;
	v28 =	vmin.f32 v11, v9  }
0x303: {  	s21 =	simm.s32 $0x80;
	s22 =	simm.s32 $0x400;
	v27 =	vld [tilespmem:s0+$0x8060];
	v9 =	vmax.f32 v11, v9;
	v7 =	vmax.f32 v11, v7;
	v8 =	vmax.f32 v11, v8  }
.LBB2_65:
0x304: {  	p2 =	sne.s32 s22, $0x1FE00;
	v29 =	vld [tilespmem:s21+$0x8070];
	v11 =	vmax.f32 v11, v28;
	v28 =	vmin.f32 v22, v23;
	v22 =	vmax.f32 v22, v23  }
0x305: {  	v30 =	vld [tilespmem:s21+$0x8000];
	v20 =	vmax.f32 v20, v28;
	v23 =	vmin.f32 v21, v24;
	v21 =	vmax.f32 v21, v24  }
0x306: {  	v31 =	vld [tilespmem:s21+$0x8010];
	v18 =	vmax.f32 v18, v23;
	v24 =	vmin.f32 v16, v25;
	v16 =	vmax.f32 v16, v25  }
.Ltmp49:
0x307: {  	v23 =	vld [tilespmem:s21+$0x8020];
	v17 =	vmax.f32 v17, v24;
	v28 =	vmin.f32 v15, v26;
	v15 =	vmax.f32 v15, v26;
	(pc) =	sbr.rel @p2 .LBB2_65-.Ltmp49, $4  }
0x308: {  	v19 =	vmax.f32 v19, v10;
	v24 =	vld [tilespmem:s21+$0x8030];
	v26 =	vmin.f32 v12, v27;
	v12 =	vmax.f32 v12, v27  }
0x309: {  	v13 =	vmax.f32 v13, v28;
	v25 =	vld [tilespmem:s21+$0x8040];
	v27 =	vmin.f32 v19, v29;
	v14 =	vmax.f32 v14, v26;
	v10 =	vmovc v29  }
0x30a: {  	v28 =	vmin.f32 v6, v30;
	v6 =	vmax.f32 v6, v30;
	v26 =	vld [tilespmem:s21+$0x8050];
	v7 =	vmax.f32 v7, v27  }
0x30b: {  	v8 =	vmax.f32 v8, v28;
	v28 =	vmin.f32 v9, v31;
	v9 =	vmax.f32 v9, v31;
	v27 =	vld [tilespmem:s21+$0x8060];
	s21 =	sshra.s32 s22, $0x2;
	s22 =	sadd.s32 $0x200, s22  }
0x30c: {  	v29 =	vld [tilespmem:s21+$0x8070]  }
0x30d: {  	v56 =	vld [tilespmem:s21+$0x8000]  }
0x30e: {  	v11 =	vmax.f32 v11, v28;
	v54 =	vmin.f32 v22, v23;
	v59 =	vld [tilespmem:s21+$0x8010]  }
0x30f: {  	v55 =	vmax.f32 v22, v23;
	v62 =	vld [tilespmem:s21+$0x8020];
	v10 =	vmax.f32 v19, v10;
	v20 =	vmax.f32 v20, v54  }
0x310: {  	v34 =	vld [tilespmem:s21+$0x8030];
	v57 =	vmin.f32 v21, v24;
	v58 =	vmax.f32 v21, v24;
	v60 =	vmin.f32 v16, v25  }
0x311: {  	v36 =	vld [tilespmem:s21+$0x8040];
	v18 =	vmax.f32 v18, v57;
	v61 =	vmax.f32 v16, v25;
	v17 =	vmax.f32 v17, v60  }
0x312: {  	v39 =	vld [tilespmem:s21+$0x8050];
	v63 =	vmin.f32 v15, v26;
	v33 =	vmax.f32 v15, v26;
	v30 =	vmin.f32 v12, v27  }
0x313: {  	v41 =	vld [tilespmem:s21+$0x8060];
	v35 =	vmax.f32 v12, v27;
	v13 =	vmax.f32 v13, v63;
	v37 =	vmin.f32 v10, v29  }
0x314: {  	v14 =	vmax.f32 v14, v30;
	v38 =	vmin.f32 v6, v56;
	v6 =	vmax.f32 v6, v56  }
0x315: {  	v40 =	vmin.f32 v9, v59;
	v42 =	vmax.f32 v9, v59;
	v43 =	vmin.f32 v55, v62  }
0x316: {  	v22 =	vmax.f32 v55, v62;
	v44 =	vmin.f32 v58, v34;
	v21 =	vmax.f32 v58, v34  }
0x317: {  	v45 =	vmin.f32 v61, v36;
	v16 =	vmax.f32 v61, v36;
	v46 =	vmin.f32 v33, v39  }
0x318: {  	v15 =	vmax.f32 v33, v39;
	v47 =	vmin.f32 v35, v41;
	v12 =	vmax.f32 v35, v41  }
0x319: {  	v10 =	vmax.f32 v10, v29;
	v7 =	vmax.f32 v7, v37;
	v8 =	vmax.f32 v8, v38  }
0x31a: {  	v11 =	vmax.f32 v11, v40;
	v20 =	vmax.f32 v20, v43;
	v18 =	vmax.f32 v18, v44  }
0x31b: {  	v17 =	vmax.f32 v17, v45;
	v13 =	vmax.f32 v13, v46;
	v14 =	vmax.f32 v14, v47  }
0x31c: {  	v48 =	vmax.f32 v6, v42;
	v6 =	vmin.f32 v6, v42;
	v49 =	vmin.f32 v22, v21  }
0x31d: {  	v51 =	vmin.f32 v16, v15;
	v52 =	vmax.f32 v16, v15;
	v53 =	vmax.f32 v12, v10  }
0x31e: {  	v10 =	vmin.f32 v12, v10;
	v8 =	vmax.f32 v8, v11;
	v50 =	vmax.f32 v20, v18  }
0x31f: {  	v13 =	vmax.f32 v17, v13;
	v7 =	vmax.f32 v14, v7;
	v55 =	vmin.f32 v52, v53  }
0x320: {  	v6 =	vmax.f32 v6, v8;
	v8 =	vmax.f32 v22, v21;
	v9 =	vmax.f32 v49, v50  }
0x321: {  	v13 =	vmax.f32 v51, v13;
	v7 =	vmax.f32 v10, v7;
	v54 =	vmax.f32 v48, v8  }
0x322: {  	v8 =	vmin.f32 v48, v8;
	v6 =	vmax.f32 v6, v9;
	v7 =	vmax.f32 v13, v7  }
0x323: {  	v6 =	vmax.f32 v8, v6;
	v8 =	vmax.f32 v52, v53;
	v7 =	vmax.f32 v55, v7  }
0x324: {  	v8 =	vmin.f32 v54, v8;
	v6 =	vmax.f32 v6, v7  }
0x325: {  	v6 =	vmax.f32 v8, v6  }
0x326: {  	(xrf0) =	vmin.scan.msk.f32 $0xffff, v6;
	_ =	sdelay $0x2  }
0x327: {  	s21 =	simm.s32 $0x8040  }
0x328: {  	v7 =	vld [tilespmem:s21+$0xFFFFFFC0]  }
0x329: {  	v8 =	vld [tilespmem:s21+$0xFFFFFFD0]  }
0x32a: {  	v57 =	vld [tilespmem:s21+$0xFFFFFFF0];
	v6, _, _ =	vpop (xrf0)  }
0x32b: {  	v56 =	vld [tilespmem:s21+$0xFFFFFFE0];
	v6 =	vbroadcast v6, $0xF  }
0x32c: {  	v58 =	vld [tilespmem:s21+$0x0]  }
0x32d: {  	vm7 =	vge.f32 v7, v6;
	v7 =	vld [tilespmem:s21+$0x10]  }
0x32e: {  	vm6 =	vge.f32 v8, v6;
	v8 =	vld [tilespmem:s21+$0x20]  }
0x32f: {  	v60 =	vld [tilespmem:s21+$0x30];
	v59 =	vsel vm7, $0x1, v1  }
0x330: {  	vm5 =	vge.f32 v56, v6;
	v61 =	vsel vm6, $0x1, v1;
	(xrf0) =	vadd.scan.msk.s32 $0xffff, v59  }
0x331: {  	vm4 =	vge.f32 v57, v6;
	v9 =	vsel vm5, $0x1, v1;
	(xrf0) =	vadd.scan.msk.s32 $0xffff, v61  }
0x332: {  	vm3 =	vge.f32 v58, v6;
	v10 =	vsel vm4, $0x1, v1;
	(xrf0) =	vadd.scan.msk.s32 $0xffff, v9  }
0x333: {  	v62 =	vsel vm3, $0x1, v1;
	vm2 =	vge.f32 v7, v6;
	(xrf0) =	vadd.scan.msk.s32 $0xffff, v10;
	vm1 =	vge.f32 v8, v6  }
0x334: {  	vm0 =	vge.f32 v60, v6;
	v7 =	vsel vm2, $0x1, v1;
	(xrf0) =	vadd.scan.msk.s32 $0xffff, v62;
	v8 =	vsel vm1, $0x1, v1  }
0x335: {  	(xrf0) =	vadd.scan.msk.s32 $0xffff, v7;
	v7 =	vsel vm0, $0x1, v1  }
0x336: {  	v63, _, _ =	vpop (xrf0);
	(xrf0) =	vadd.scan.msk.s32 $0xffff, v8  }
0x337: {  	(v2sf) =	vpush v63, $0xF;
	v8, _, _ =	vpop (xrf0);
	(xrf0) =	vadd.scan.msk.s32 $0xffff, v7  }
0x338: {  	(v2sf) =	vpush v8, $0xF;
	v7, _, _ =	vpop (xrf0)  }
0x339: {  	(v2sf) =	vpush v7, $0xF;
	v7, _, _ =	vpop (xrf0)  }
0x33a: {  	(v2sf) =	vpush v7, $0xF;
	v7, _, _ =	vpop (xrf0)  }
0x33b: {  	(v2sf) =	vpush v7, $0xF;
	v7, _, _ =	vpop (xrf0)  }
0x33c: {  	(v2sf) =	vpush v7, $0xF;
	v7, _, _ =	vpop (xrf0)  }
0x33d: {  	(v2sf) =	vpush v7, $0xF;
	v7, _, _ =	vpop (xrf0)  }
0x33e: {  	(v2sf) =	vpush v7, $0xF;
	_ =	sdelay $0x5  }
0x33f: {  	s0 =	simm.s32 $0x0  }
0x340: {  	s1 =	simm.s32 $0x70;
	p2 =	por $0x1, $0x1;
	s3 =	simm.s32 $0x0  }
0x341: {  	s30 =	simm.s32 $0x10;
	s0 =	simm.s32 @!p2 $0x1000;
	v7 =	vor.u32 s3, v2;
	s4 =	spop (v2sf)  }
0x342: {  	s22 =	simm.s32 $0x20;
	[tilespmem:s0+$0x1A100] =	vst.msk vm7, v7;
	v7 =	vor.u32 s30, v2;
	s4 =	sadd.s32 s0, s4;
	s31 =	spop (v2sf)  }
0x343: {  	s23 =	simm.s32 $0x30;
	s3 =	sadd.s32 s31, s4;
	[tilespmem:s4+$0x1A100] =	vst.msk vm6, v7;
	v7 =	vor.u32 s22, v2;
	s24 =	spop (v2sf)  }
0x344: {  	s25 =	simm.s32 $0x40;
	s4 =	sadd.s32 s24, s3;
	[tilespmem:s3+$0x1A100] =	vst.msk vm5, v7;
	v7 =	vor.u32 s23, v2;
	s26 =	spop (v2sf)  }
0x345: {  	s28 =	simm.s32 $0x50;
	s3 =	sadd.s32 s26, s4;
	[tilespmem:s4+$0x1A100] =	vst.msk vm4, v7;
	v7 =	vor.u32 s25, v2;
	s29 =	spop (v2sf)  }
0x346: {  	s24 =	simm.s32 $0x60;
	s4 =	sadd.s32 s29, s3;
	[tilespmem:s3+$0x1A100] =	vst.msk vm3, v7;
	v7 =	vor.u32 s28, v2;
	s30 =	spop (v2sf)  }
0x347: {  	s0 =	ssub.s32 $0x0, s0;
	s3 =	sadd.s32 s30, s4;
	[tilespmem:s4+$0x1A100] =	vst.msk vm2, v7;
	v7 =	vor.u32 s24, v2;
	s31 =	spop (v2sf)  }
0x348: {  	s22 =	simm.s32 $0xF0;
	s24 =	sadd.s32 s31, s3;
	[tilespmem:s3+$0x1A100] =	vst.msk vm1, v7;
	v7 =	vor.u32 s1, v2;
	s1 =	spop (v2sf)  }
.LBB2_67:
0x349: {  	p2 =	sne.s32 s22, $0x7FF0;
	[tilespmem:s24+$0x1A100] =	vst.msk vm0, v7;
	s0 =	sadd.s32 s1, s0;
	s21 =	sadd.s32 $0x80, s21  }
0x34a: {  	s23 =	smov.u32 s22;
	s22 =	sadd.s32 $0x80, s22;
	v7 =	vld [tilespmem:s21+$0x30];
	s24 =	sadd.s32 s24, s0  }
0x34b: {  	p3 =	slt.s32 s24, $0x1000;
	v8 =	vld [tilespmem:s21+$0xFFFFFFC0]  }
0x34c: {  	v9 =	vld [tilespmem:s21+$0xFFFFFFD0]  }
0x34d: {  	v10 =	vld [tilespmem:s21+$0xFFFFFFE0]  }
0x34e: {  	v11 =	vld [tilespmem:s21+$0xFFFFFFF0]  }
0x34f: {  	v12 =	vld [tilespmem:s21+$0x0]  }
0x350: {  	s0 =	sadd.s32 $0xFFFFFF90, s23;
	s25 =	smov.u32 s24;
	vm0 =	vge.f32 v8, v6;
	v8 =	vld [tilespmem:s21+$0x10]  }
0x351: {  	v14 =	vor.u32 s0, v2;
	s25 =	simm.s32 @!p3 $0x1000;
	v13 =	vsel vm0, $0x1, v1;
	vm5 =	vge.f32 v9, v6;
	v9 =	vld [tilespmem:s21+$0x20]  }
0x352: {  	v15 =	vsel vm5, $0x1, v1;
	vm6 =	vge.f32 v10, v6;
	[tilespmem:s25+$0x1A100] =	vst.msk vm0, v14;
	(xrf0) =	vadd.scan.msk.s32 $0xffff, v13  }
0x353: {  	v10 =	vsel vm6, $0x1, v1;
	vm4 =	vge.f32 v11, v6;
	(xrf0) =	vadd.scan.msk.s32 $0xffff, v15  }
0x354: {  	v11 =	vsel vm4, $0x1, v1;
	vm3 =	vge.f32 v12, v6;
	(xrf0) =	vadd.scan.msk.s32 $0xffff, v10  }
0x355: {  	v10 =	vsel vm3, $0x1, v1;
	vm2 =	vge.f32 v8, v6;
	(xrf0) =	vadd.scan.msk.s32 $0xffff, v11  }
0x356: {  	vm0 =	vge.f32 v7, v6;
	v11 =	vsel vm2, $0x1, v1;
	vm1 =	vge.f32 v9, v6;
	(xrf0) =	vadd.scan.msk.s32 $0xffff, v10  }
0x357: {  	v9 =	vsel vm0, $0x1, v1;
	v10 =	vsel vm1, $0x1, v1;
	(xrf0) =	vadd.scan.msk.s32 $0xffff, v11  }
0x358: {  	v8, _, _ =	vpop (xrf0);
	(xrf0) =	vadd.scan.msk.s32 $0xffff, v10  }
0x359: {  	(v2sf) =	vpush v8, $0xF;
	v7, _, _ =	vpop (xrf0);
	(xrf0) =	vadd.scan.msk.s32 $0xffff, v9  }
0x35a: {  	(v2sf) =	vpush v7, $0xF;
	v7, _, _ =	vpop (xrf0)  }
0x35b: {  	(v2sf) =	vpush v7, $0xF;
	v7, _, _ =	vpop (xrf0)  }
0x35c: {  	(v2sf) =	vpush v7, $0xF;
	v7, _, _ =	vpop (xrf0)  }
0x35d: {  	(v2sf) =	vpush v7, $0xF;
	v7, _, _ =	vpop (xrf0)  }
0x35e: {  	(v2sf) =	vpush v7, $0xF;
	v7, _, _ =	vpop (xrf0)  }
0x35f: {  	(v2sf) =	vpush v7, $0xF;
	v7, _, _ =	vpop (xrf0)  }
0x360: {  	(v2sf) =	vpush v7, $0xF;
	_ =	sdelay $0x7  }
0x361: {  	s1 =	sadd.s32 $0xFFFFFFD0, s23;
	s0 =	sadd.s32 $0xFFFFFFA0, s23;
	s3 =	spop (v2sf)  }
0x362: {  	s4 =	sadd.s32 $0xFFFFFFB0, s23;
	v7 =	vor.u32 s0, v2;
	s3 =	sadd.s32 s25, s3;
	s0 =	spop (v2sf)  }
0x363: {  	s26 =	sadd.s32 $0xFFFFFFC0, s23;
	s0 =	sadd.s32 s0, s3;
	[tilespmem:s3+$0x1A100] =	vst.msk vm5, v7;
	v7 =	vor.u32 s4, v2;
	s3 =	spop (v2sf)  }
.Ltmp50:
0x364: {  	s3 =	sadd.s32 s3, s0;
	[tilespmem:s0+$0x1A100] =	vst.msk vm6, v7;
	v7 =	vor.u32 s26, v2;
	s0 =	spop (v2sf);
	(pc) =	sbr.rel @p2 .LBB2_67-.Ltmp50, $4  }
0x365: {  	s4 =	sadd.s32 $0xFFFFFFE0, s23;
	s0 =	sadd.s32 s0, s3;
	[tilespmem:s3+$0x1A100] =	vst.msk vm4, v7;
	v7 =	vor.u32 s1, v2;
	s1 =	spop (v2sf)  }
0x366: {  	s3 =	sadd.s32 $0xFFFFFFF0, s23;
	s1 =	sadd.s32 s1, s0;
	[tilespmem:s0+$0x1A100] =	vst.msk vm3, v7;
	v7 =	vor.u32 s4, v2;
	s0 =	spop (v2sf)  }
0x367: {  	s4 =	sadd.s32 s0, s1;
	[tilespmem:s1+$0x1A100] =	vst.msk vm2, v7;
	v7 =	vor.u32 s3, v2;
	s0 =	ssub.s32 s24, s25;
	s1 =	spop (v2sf)  }
0x368: {  	s24 =	sadd.s32 s1, s4;
	[tilespmem:s4+$0x1A100] =	vst.msk vm1, v7;
	v7 =	vor.u32 s23, v2;
	s1 =	spop (v2sf)  }
0x369: {  	s0 =	sadd.s32 s1, s0  }
0x36a: {  	s0 =	sadd.s32 s24, s0  }
0x36b: {  	p2 =	slt.s32 s0, $0x1001  }
.Ltmp51:
0x36c: {  	_ = 	snop;
	(pc) =	sbr.rel @!p2 .LBB2_70-.Ltmp51, $2  }
0x36d: {  	_ =	sdelay $0x2  }
0x36e: {  	[tilespmem:s24+$0x1A100] =	vst.msk vm0, v7;
	s21 =	simm.s32 $0x0;
	s24 =	simm.s32 $0x0  }
.Ltmp52:
0x36f: {  	(pc) =	sbr.rel .LBB2_90-.Ltmp52, $3  }
0x370: {  	_ =	sdelay $0x1  }
0x371: {  	s26 =	simm.s32 $0x8  }
0x372: {  	s22 =	simm.s32 $0x20;
	s23 =	simm.s32 $0x0;
	s21 =	simm.s32 $0x0  }
.LBB2_70:
0x373: {  	s0 =	sshra.s32 s21, $0x2  }
0x374: {  	v6 =	vld [tilespmem:s0+$0x8000];
	_ =	sdelay $0x4  }
0x375: {  	v7 =	vshra.s32 v6, $0x1F  }
0x376: {  	v7 =	vor.u32 $0x80000000, v7  }
0x377: {  	v6 =	vxor.u32 v6, v7  }
0x378: {  	v6 =	vshrl.u32 v6, $0x14  }
0x379: {  	v6 =	vand.u32 $0xFF0, v6  }
0x37a: {  	v6 =	vor.u32 v2, v6;
	_ =	sdelay $0x4  }
0x37b: {  	[tilespmem:v6+s16+$0x0] =	vst.idx.add.s32.msk $0xffff, v4  }
0x37c: {  	v6 =	vld [tilespmem:s0+$0x8010];
	_ =	sdelay $0x4  }
0x37d: {  	v7 =	vshra.s32 v6, $0x1F  }
0x37e: {  	v7 =	vor.u32 $0x80000000, v7  }
0x37f: {  	v6 =	vxor.u32 v6, v7  }
0x380: {  	v6 =	vshrl.u32 v6, $0x14  }
0x381: {  	v6 =	vand.u32 $0xFF0, v6  }
0x382: {  	v6 =	vor.u32 v2, v6;
	_ =	sdelay $0x4  }
0x383: {  	[tilespmem:v6+s16+$0x0] =	vst.idx.add.s32.msk $0xffff, v4  }
0x384: {  	v6 =	vld [tilespmem:s0+$0x8020];
	_ =	sdelay $0x4  }
0x385: {  	v7 =	vshra.s32 v6, $0x1F  }
0x386: {  	v7 =	vor.u32 $0x80000000, v7  }
0x387: {  	v6 =	vxor.u32 v6, v7  }
0x388: {  	v6 =	vshrl.u32 v6, $0x14  }
0x389: {  	v6 =	vand.u32 $0xFF0, v6  }
0x38a: {  	v6 =	vor.u32 v2, v6;
	_ =	sdelay $0x4  }
0x38b: {  	[tilespmem:v6+s16+$0x0] =	vst.idx.add.s32.msk $0xffff, v4  }
0x38c: {  	v6 =	vld [tilespmem:s0+$0x8030];
	_ =	sdelay $0x4  }
0x38d: {  	v7 =	vshra.s32 v6, $0x1F  }
0x38e: {  	v7 =	vor.u32 $0x80000000, v7  }
0x38f: {  	v6 =	vxor.u32 v6, v7  }
0x390: {  	v6 =	vshrl.u32 v6, $0x14  }
0x391: {  	v6 =	vand.u32 $0xFF0, v6  }
0x392: {  	v6 =	vor.u32 v2, v6;
	_ =	sdelay $0x4  }
0x393: {  	[tilespmem:v6+s16+$0x0] =	vst.idx.add.s32.msk $0xffff, v4  }
0x394: {  	v6 =	vld [tilespmem:s0+$0x8040];
	_ =	sdelay $0x4  }
0x395: {  	v7 =	vshra.s32 v6, $0x1F  }
0x396: {  	v7 =	vor.u32 $0x80000000, v7  }
0x397: {  	v6 =	vxor.u32 v6, v7  }
0x398: {  	v6 =	vshrl.u32 v6, $0x14  }
0x399: {  	v6 =	vand.u32 $0xFF0, v6  }
0x39a: {  	v6 =	vor.u32 v2, v6;
	_ =	sdelay $0x4  }
0x39b: {  	[tilespmem:v6+s16+$0x0] =	vst.idx.add.s32.msk $0xffff, v4  }
0x39c: {  	v6 =	vld [tilespmem:s0+$0x8050];
	_ =	sdelay $0x4  }
0x39d: {  	v7 =	vshra.s32 v6, $0x1F  }
0x39e: {  	v7 =	vor.u32 $0x80000000, v7  }
0x39f: {  	v6 =	vxor.u32 v6, v7  }
0x3a0: {  	v6 =	vshrl.u32 v6, $0x14  }
0x3a1: {  	v6 =	vand.u32 $0xFF0, v6  }
0x3a2: {  	v6 =	vor.u32 v2, v6;
	_ =	sdelay $0x4  }
0x3a3: {  	[tilespmem:v6+s16+$0x0] =	vst.idx.add.s32.msk $0xffff, v4  }
0x3a4: {  	v6 =	vld [tilespmem:s0+$0x8060];
	_ =	sdelay $0x4  }
0x3a5: {  	v7 =	vshra.s32 v6, $0x1F  }
0x3a6: {  	v7 =	vor.u32 $0x80000000, v7  }
0x3a7: {  	v6 =	vxor.u32 v6, v7  }
0x3a8: {  	v6 =	vshrl.u32 v6, $0x14  }
0x3a9: {  	v6 =	vand.u32 $0xFF0, v6  }
0x3aa: {  	v6 =	vor.u32 v2, v6;
	_ =	sdelay $0x4  }
0x3ab: {  	[tilespmem:v6+s16+$0x0] =	vst.idx.add.s32.msk $0xffff, v4  }
0x3ac: {  	v6 =	vld [tilespmem:s0+$0x8070];
	_ =	sdelay $0x4  }
0x3ad: {  	v7 =	vshra.s32 v6, $0x1F  }
0x3ae: {  	v7 =	vor.u32 $0x80000000, v7  }
0x3af: {  	v6 =	vxor.u32 v6, v7  }
0x3b0: {  	v6 =	vshrl.u32 v6, $0x14  }
0x3b1: {  	v6 =	vand.u32 $0xFF0, v6  }
0x3b2: {  	p2 =	sne.s32 s21, $0x1FE00;
	v6 =	vor.u32 v2, v6  }
.Ltmp53:
0x3b3: {  	_ = 	snop;
	(pc) =	sbr.rel @p2 .LBB2_70-.Ltmp53, $2  }
0x3b4: {  	_ =	sdelay $0x2  }
0x3b5: {  	s21 =	sadd.s32 $0x200, s21;
	[tilespmem:v6+s16+$0x0] =	vst.idx.add.s32.msk $0xffff, v4  }
0x3b6: {  	s0 =	simm.s32 $0x100;
	s23 =	simm.s32 $0x18FF0  }
0x3b7: {  	s29 =	simm.s32 $0xFF;
	s21 =	simm.s32 $0x0;
	s28 =	simm.s32 $0x0  }
.LBB2_72:
0x3b8: {  	v6 =	vld [tilespmem:s23+$0x0];
	_ =	sdelay $0x4  }
0x3b9: {  	(xrf0) =	vadd.scan.msk.s32 $0xffff, v6;
	_ =	sdelay $0x5  }
0x3ba: {  	v6, _, _ =	vpop (xrf0)  }
0x3bb: {  	(v2sf) =	vpush v6, $0xF;
	_ =	sdelay $0xe  }
0x3bc: {  	s25 =	spop (v2sf)  }
0x3bd: {  	s22 =	smov.u32 s28;
	s28 =	sadd.s32 s28, s25  }
0x3be: {  	p2 =	slt.s32 s28, $0x20  }
.Ltmp54:
0x3bf: {  	_ = 	snop;
	(pc) =	sbr.rel @p2 .LBB2_72-.Ltmp54, $3  }
0x3c0: {  	_ =	sdelay $0x1  }
0x3c1: {  	s26 =	smov.u32 s29;
	s0 =	sadd.s32 $0xFFFFFFFF, s0  }
0x3c2: {  	[tilespmem:s23+$0x0] =	vst v1;
	s21 =	sadd.s32 $0xFF000000, s21;
	s23 =	sadd.s32 $0xFFFFFFF0, s23;
	s29 =	sadd.s32 $0xFFFFFFFF, s29  }
0x3c3: {  	p2 =	slt.s32 s0, $0x1  }
.Ltmp55:
0x3c4: {  	_ = 	snop;
	(pc) =	sbr.rel @p2 .LBB2_76-.Ltmp55, $2  }
0x3c5: {  	_ =	sdelay $0x2  }
0x3c6: {  	s0 =	simm.s32 $0x18000  }
0x3c7: {  	p2 =	sne.s32 s26, $0x1  }
.Ltmp56:
0x3c8: {  	_ = 	snop;
	(pc) =	sbr.rel @!p2 .LBB2_76-.Ltmp56, $2  }
0x3c9: {  	_ =	sdelay $0x2  }
0x3ca: {  	s23 =	sadd.s32 $0xFFFFFFFF, s26;
	[tilespmem:s0+$0x0] =	vst v1  }
.LBB2_75:
0x3cb: {  	p2 =	sne.s32 s23, $0x1  }
.Ltmp57:
0x3cc: {  	_ = 	snop;
	(pc) =	sbr.rel @p2 .LBB2_75-.Ltmp57, $3  }
0x3cd: {  	_ =	sdelay $0x1  }
0x3ce: {  	s23 =	sadd.s32 $0xFFFFFFFF, s23;
	s0 =	sadd.s32 $0x10, s0  }
0x3cf: {  	[tilespmem:s0+$0x0] =	vst v1  }
.LBB2_76:
.Ltmp58:
0x3d0: {  	(pc) =	sbr.rel .LBB2_77-.Ltmp58, $3  }
0x3d1: {  	_ =	sdelay $0x1  }
0x3d2: {  	s0 =	sadd.s32 $0xFFFFFFE0, s22  }
0x3d3: {  	s22 =	ssub.s32 $0x20, s22;
	s26 =	simm.s32 $0x1;
	s23 =	simm.s32 $0xFF000000  }
.LBB2_85:
0x3d4: {  	s25 =	ssub.s32 s25, s31;
	s0 =	sshll.u32 s30, s29;
	s1 =	sshrl.u32 s18, s28  }
0x3d5: {  	s22 =	ssub.s32 s22, s31;
	s21 =	sor.u32 s21, s0;
	s23 =	sor.u32 s23, s1  }
.LBB2_86:
0x3d6: {  	s26 =	sadd.s32 $0x1, s26  }
0x3d7: {  	p2 =	sne.s32 s26, $0x4  }
.Ltmp59:
0x3d8: {  	_ = 	snop;
	(pc) =	sbr.rel @!p2 .LBB2_87-.Ltmp59, $2  }
0x3d9: {  	_ =	sdelay $0x2  }
0x3da: {  	s0 =	ssub.s32 $0x0, s22  }
.LBB2_77:
0x3db: {  	s0 =	sadd.s32 s25, s0  }
0x3dc: {  	s0 =	sadd.s32 $0x20, s0  }
0x3dd: {  	p2 =	slt.s32 s0, $0x1001  }
.Ltmp60:
0x3de: {  	_ = 	snop;
	(pc) =	sbr.rel @p2 .LBB2_86-.Ltmp60, $1  }
0x3df: {  	_ =	sdelay $0x3  }
0x3e0: {  	s28 =	sshll.u32 s26, $0x3  }
0x3e1: {  	s29 =	ssub.s32 $0x18, s28  }
0x3e2: {  	v7 =	vmov s23;
	v8 =	vmov s21;
	s25 =	simm.s32 $0x0;
	v6 =	vmov s29  }
.LBB2_79:
0x3e3: {  	s30 =	sshra.s32 s25, $0x2  }
0x3e4: {  	v9 =	vld [tilespmem:s30+$0x8000];
	_ =	sdelay $0x4  }
0x3e5: {  	v10 =	vshra.s32 v9, $0x1F  }
0x3e6: {  	v10 =	vor.u32 $0x80000000, v10  }
0x3e7: {  	v9 =	vxor.u32 v9, v10  }
0x3e8: {  	v10 =	vshrl.u32 v9, v6  }
0x3e9: {  	v9 =	vand.u32 v7, v9;
	v10 =	vshll.u32 v10, $0x4  }
0x3ea: {  	vm0 =	veq.s32 v9, v8;
	v10 =	vor.u32 v2, v10  }
0x3eb: {  	v9 =	vand.u32 $0xFFF, v10;
	_ =	sdelay $0x4  }
0x3ec: {  	[tilespmem:v9+s16+$0x0] =	vst.idx.add.s32.msk vm0, v4  }
0x3ed: {  	v9 =	vld [tilespmem:s30+$0x8010];
	_ =	sdelay $0x4  }
0x3ee: {  	v10 =	vshra.s32 v9, $0x1F  }
0x3ef: {  	v10 =	vor.u32 $0x80000000, v10  }
0x3f0: {  	v9 =	vxor.u32 v9, v10  }
0x3f1: {  	v10 =	vshrl.u32 v9, v6  }
0x3f2: {  	v9 =	vand.u32 v7, v9;
	v10 =	vshll.u32 v10, $0x4  }
0x3f3: {  	vm9 =	veq.s32 v9, v8;
	v10 =	vor.u32 v2, v10  }
0x3f4: {  	v9 =	vand.u32 $0xFFF, v10;
	_ =	sdelay $0x4  }
0x3f5: {  	[tilespmem:v9+s16+$0x0] =	vst.idx.add.s32.msk vm9, v4  }
0x3f6: {  	v9 =	vld [tilespmem:s30+$0x8020];
	_ =	sdelay $0x4  }
0x3f7: {  	v10 =	vshra.s32 v9, $0x1F  }
0x3f8: {  	v10 =	vor.u32 $0x80000000, v10  }
0x3f9: {  	v9 =	vxor.u32 v9, v10  }
0x3fa: {  	v10 =	vshrl.u32 v9, v6  }
0x3fb: {  	v9 =	vand.u32 v7, v9;
	v10 =	vshll.u32 v10, $0x4  }
0x3fc: {  	vm10 =	veq.s32 v9, v8;
	v10 =	vor.u32 v2, v10  }
0x3fd: {  	v9 =	vand.u32 $0xFFF, v10;
	_ =	sdelay $0x4  }
0x3fe: {  	[tilespmem:v9+s16+$0x0] =	vst.idx.add.s32.msk vm10, v4  }
0x3ff: {  	v9 =	vld [tilespmem:s30+$0x8030];
	_ =	sdelay $0x4  }
0x400: {  	v10 =	vshra.s32 v9, $0x1F  }
0x401: {  	v10 =	vor.u32 $0x80000000, v10  }
0x402: {  	v9 =	vxor.u32 v9, v10  }
0x403: {  	v10 =	vshrl.u32 v9, v6  }
0x404: {  	v9 =	vand.u32 v7, v9;
	v10 =	vshll.u32 v10, $0x4  }
0x405: {  	vm11 =	veq.s32 v9, v8;
	v10 =	vor.u32 v2, v10  }
0x406: {  	v9 =	vand.u32 $0xFFF, v10;
	_ =	sdelay $0x4  }
0x407: {  	[tilespmem:v9+s16+$0x0] =	vst.idx.add.s32.msk vm11, v4  }
0x408: {  	v9 =	vld [tilespmem:s30+$0x8040];
	_ =	sdelay $0x4  }
0x409: {  	v10 =	vshra.s32 v9, $0x1F  }
0x40a: {  	v10 =	vor.u32 $0x80000000, v10  }
0x40b: {  	v9 =	vxor.u32 v9, v10  }
0x40c: {  	v10 =	vshrl.u32 v9, v6  }
0x40d: {  	v9 =	vand.u32 v7, v9;
	v10 =	vshll.u32 v10, $0x4  }
0x40e: {  	vm12 =	veq.s32 v9, v8;
	v10 =	vor.u32 v2, v10  }
0x40f: {  	v9 =	vand.u32 $0xFFF, v10;
	_ =	sdelay $0x4  }
0x410: {  	[tilespmem:v9+s16+$0x0] =	vst.idx.add.s32.msk vm12, v4  }
0x411: {  	v9 =	vld [tilespmem:s30+$0x8050];
	_ =	sdelay $0x4  }
0x412: {  	v10 =	vshra.s32 v9, $0x1F  }
0x413: {  	v10 =	vor.u32 $0x80000000, v10  }
0x414: {  	v9 =	vxor.u32 v9, v10  }
0x415: {  	v10 =	vshrl.u32 v9, v6  }
0x416: {  	v9 =	vand.u32 v7, v9;
	v10 =	vshll.u32 v10, $0x4  }
0x417: {  	vm13 =	veq.s32 v9, v8;
	v10 =	vor.u32 v2, v10  }
0x418: {  	v9 =	vand.u32 $0xFFF, v10;
	_ =	sdelay $0x4  }
0x419: {  	[tilespmem:v9+s16+$0x0] =	vst.idx.add.s32.msk vm13, v4  }
0x41a: {  	v9 =	vld [tilespmem:s30+$0x8060];
	_ =	sdelay $0x4  }
0x41b: {  	v10 =	vshra.s32 v9, $0x1F  }
0x41c: {  	v10 =	vor.u32 $0x80000000, v10  }
0x41d: {  	v9 =	vxor.u32 v9, v10  }
0x41e: {  	v10 =	vshrl.u32 v9, v6  }
0x41f: {  	v9 =	vand.u32 v7, v9;
	v10 =	vshll.u32 v10, $0x4  }
0x420: {  	vm14 =	veq.s32 v9, v8;
	v10 =	vor.u32 v2, v10  }
0x421: {  	v9 =	vand.u32 $0xFFF, v10;
	_ =	sdelay $0x4  }
0x422: {  	[tilespmem:v9+s16+$0x0] =	vst.idx.add.s32.msk vm14, v4  }
0x423: {  	v9 =	vld [tilespmem:s30+$0x8070];
	_ =	sdelay $0x4  }
0x424: {  	v10 =	vshra.s32 v9, $0x1F  }
0x425: {  	v10 =	vor.u32 $0x80000000, v10  }
0x426: {  	v9 =	vxor.u32 v9, v10  }
0x427: {  	v10 =	vshrl.u32 v9, v6  }
0x428: {  	v9 =	vand.u32 v7, v9;
	v10 =	vshll.u32 v10, $0x4  }
0x429: {  	vm15 =	veq.s32 v9, v8;
	v10 =	vor.u32 v2, v10  }
0x42a: {  	p2 =	seq.s32 s25, $0x1FE00;
	v9 =	vand.u32 $0xFFF, v10  }
.Ltmp61:
0x42b: {  	_ = 	snop;
	(pc) =	sbr.rel @!p2 .LBB2_79-.Ltmp61, $2  }
0x42c: {  	_ =	sdelay $0x2  }
0x42d: {  	s25 =	sadd.s32 $0x200, s25;
	[tilespmem:v9+s16+$0x0] =	vst.idx.add.s32.msk vm15, v4  }
0x42e: {  	p2 =	sgt.s32 s22, $0x0  }
.Ltmp62:
0x42f: {  	_ = 	snop;
	(pc) =	sbr.rel @!p2 .LBB2_83-.Ltmp62, $3  }
0x430: {  	_ =	sdelay $0x1  }
0x431: {  	s25 =	simm.s32 $0x0  }
0x432: {  	s30 =	simm.s32 $0x100;
	s0 =	simm.s32 $0x18FF0;
	s31 =	simm.s32 $0x0  }
.LBB2_81:
0x433: {  	v6 =	vld [tilespmem:s0+$0x0];
	_ =	sdelay $0x4  }
0x434: {  	(xrf0) =	vadd.scan.msk.s32 $0xffff, v6;
	_ =	sdelay $0x5  }
0x435: {  	v6, _, _ =	vpop (xrf0)  }
0x436: {  	(v2sf) =	vpush v6, $0xF;
	_ =	sdelay $0xe  }
0x437: {  	s1 =	spop (v2sf)  }
0x438: {  	s31 =	smov.u32 s25;
	s25 =	sadd.s32 s25, s1  }
0x439: {  	p2 =	slt.s32 s25, s22  }
.Ltmp63:
0x43a: {  	_ = 	snop;
	(pc) =	sbr.rel @p2 .LBB2_81-.Ltmp63, $2  }
0x43b: {  	_ =	sdelay $0x2  }
0x43c: {  	[tilespmem:s0+$0x0] =	vst v1;
	s30 =	sadd.s32 $0xFFFFFFFF, s30;
	s0 =	sadd.s32 $0xFFFFFFF0, s0  }
0x43d: {  	p2 =	slt.s32 s30, $0x1  }
.Ltmp64:
0x43e: {  	_ = 	snop;
	(pc) =	sbr.rel @p2 .LBB2_85-.Ltmp64, $1  }
0x43f: {  	_ =	sdelay $0x3  }
.LBB2_83:
0x440: {  	p2 =	sne.s32 s30, $0x1  }
.Ltmp65:
0x441: {  	_ = 	snop;
	(pc) =	sbr.rel @!p2 .LBB2_85-.Ltmp65, $3  }
0x442: {  	_ =	sdelay $0x1  }
0x443: {  	s0 =	simm.s32 $0x18000  }
0x444: {  	s1 =	sadd.s32 $0xFFFFFFFF, s30;
	[tilespmem:s0+$0x0] =	vst v1  }
.LBB2_84:
0x445: {  	p2 =	sne.s32 s1, $0x1  }
.Ltmp66:
0x446: {  	_ = 	snop;
	(pc) =	sbr.rel @p2 .LBB2_84-.Ltmp66, $3  }
0x447: {  	_ =	sdelay $0x1  }
0x448: {  	s1 =	sadd.s32 $0xFFFFFFFF, s1;
	s0 =	sadd.s32 $0x10, s0  }
0x449: {  	[tilespmem:s0+$0x0] =	vst v1  }
.Ltmp67:
0x44a: {  	_ = 	snop;
	(pc) =	sbr.rel .LBB2_85-.Ltmp67, $1  }
0x44b: {  	_ =	sdelay $0x3  }
.LBB2_87:
0x44c: {  	s26 =	simm.s32 $0x8040  }
0x44d: {  	v7 =	vld [tilespmem:s26+$0xFFFFFFD0]  }
0x44e: {  	v8 =	vld [tilespmem:s26+$0xFFFFFFE0]  }
0x44f: {  	v9 =	vld [tilespmem:s26+$0xFFFFFFC0];
	_ =	sdelay $0x3  }
0x450: {  	v6 =	vmov s21;
	v10 =	vld [tilespmem:s26+$0x0];
	v12 =	vshra.s32 v7, $0x1F  }
0x451: {  	v11 =	vld [tilespmem:s26+$0x10];
	v14 =	vshra.s32 v8, $0x1F;
	v15 =	vshra.s32 v9, $0x1F;
	v12 =	vor.u32 $0x80000000, v12  }
0x452: {  	v13 =	vld [tilespmem:s26+$0xFFFFFFF0];
	v49 =	vor.u32 $0x80000000, v14;
	v15 =	vor.u32 $0x80000000, v15;
	v7 =	vxor.u32 v7, v12  }
0x453: {  	v50 =	vld [tilespmem:s26+$0x30];
	vm0 =	vge.u32 v7, v6;
	v7 =	vxor.u32 v8, v49;
	v8 =	vxor.u32 v9, v15  }
0x454: {  	vm7 =	vge.u32 v8, v6;
	v8 =	vld [tilespmem:s26+$0x20];
	_ =	sdelay $0x1  }
0x455: {  	v52 =	vshra.s32 v10, $0x1F  }
0x456: {  	v53 =	vshra.s32 v11, $0x1F;
	v16 =	vshra.s32 v13, $0x1F;
	v51 =	vsel vm0, $0x1, v1  }
0x457: {  	v56 =	vshra.s32 v50, $0x1F;
	v12 =	vor.u32 $0x80000000, v52;
	v17 =	vsel vm7, $0x1, v1;
	(xrf0) =	vadd.scan.msk.s32 $0xffff, v51  }
0x458: {  	v54 =	vor.u32 $0x80000000, v16;
	v10 =	vxor.u32 v10, v12;
	(xrf0) =	vadd.scan.msk.s32 $0xffff, v17;
	v59 =	vshra.s32 v8, $0x1F  }
0x459: {  	v12 =	vxor.u32 v13, v54;
	vm6 =	vge.u32 v7, v6;
	v60 =	vor.u32 $0x80000000, v59  }
0x45a: {  	vm3 =	vge.u32 v12, v6;
	v57 =	vsel vm6, $0x1, v1;
	v8 =	vxor.u32 v8, v60  }
0x45b: {  	v55 =	vor.u32 $0x80000000, v53;
	vm2 =	vge.u32 v10, v6;
	v58 =	vsel vm3, $0x1, v1;
	(xrf0) =	vadd.scan.msk.s32 $0xffff, v57  }
0x45c: {  	v9 =	vxor.u32 v11, v55;
	v7 =	vor.u32 $0x80000000, v56;
	v61 =	vsel vm2, $0x1, v1;
	(xrf0) =	vadd.scan.msk.s32 $0xffff, v58  }
0x45d: {  	vm5 =	vge.u32 v9, v6;
	v7 =	vxor.u32 v50, v7;
	(xrf0) =	vadd.scan.msk.s32 $0xffff, v61;
	vm4 =	vge.u32 v8, v6;
	v8, _, _ =	vpop (xrf0)  }
0x45e: {  	v9 =	vsel vm5, $0x1, v1;
	vm1 =	vge.u32 v7, v6;
	v7 =	vsel vm4, $0x1, v1;
	v62, _, _ =	vpop (xrf0)  }
0x45f: {  	(xrf0) =	vadd.scan.msk.s32 $0xffff, v9;
	(v2sf) =	vpush v62, $0xF  }
0x460: {  	v63 =	vsel vm1, $0x1, v1;
	(xrf0) =	vadd.scan.msk.s32 $0xffff, v7;
	(v2sf) =	vpush v8, $0xF  }
0x461: {  	(xrf0) =	vadd.scan.msk.s32 $0xffff, v63;
	v7, _, _ =	vpop (xrf0)  }
0x462: {  	(v2sf) =	vpush v7, $0xF;
	v7, _, _ =	vpop (xrf0)  }
0x463: {  	(v2sf) =	vpush v7, $0xF;
	v7, _, _ =	vpop (xrf0)  }
0x464: {  	(v2sf) =	vpush v7, $0xF  }
0x465: {  	s11 =	smov.u32 s7;
	v7, _, _ =	vpop (xrf0)  }
0x466: {  	s0 =	simm.s32 $0x0;
	p2 =	por $0x1, $0x1;
	s31 =	simm.s32 $0x0;
	(v2sf) =	vpush v7, $0xF;
	v7, _, _ =	vpop (xrf0)  }
0x467: {  	s7 =	smov.u32 s6;
	s6 =	smov.u32 s5;
	s31 =	simm.s32 @!p2 $0x1000;
	v8 =	vor.u32 s0, v2;
	(v2sf) =	vpush v7, $0xF;
	v7, _, _ =	vpop (xrf0)  }
0x468: {  	s30 =	simm.s32 $0x0;
	s28 =	simm.s32 $0x70;
	s29 =	simm.s32 $0xF0;
	[tilespmem:s31+$0x1A100] =	vst.msk vm7, v8;
	(v2sf) =	vpush v7, $0xF  }
.LBB2_88:
0x469: {  	_ =	sdelay $0x1  }
0x46a: {  	p2 =	sne.s32 s29, $0x7FF0  }
0x46b: {  	s26 =	sadd.s32 $0x80, s26;
	s0 =	smov.u32 s29;
	s29 =	sadd.s32 $0x80, s29  }
0x46c: {  	_ = 	snop  }
0x46d: {  	s1 =	sadd.s32 $0xFFFFFFA0, s28;
	s3 =	spop (v2sf)  }
0x46e: {  	s4 =	sadd.s32 $0xFFFFFFB0, s28;
	v7 =	vor.u32 s1, v2;
	s3 =	sadd.s32 s31, s3;
	s1 =	spop (v2sf)  }
0x46f: {  	s1 =	sadd.s32 s1, s3;
	[tilespmem:s3+$0x1A100] =	vst.msk vm0, v7;
	v7 =	vor.u32 s4, v2  }
0x470: {  	s3 =	sadd.s32 $0xFFFFFFC0, s28;
	[tilespmem:s1+$0x1A100] =	vst.msk vm6, v7;
	s4 =	spop (v2sf)  }
0x471: {  	s5 =	sadd.s32 $0xFFFFFFD0, s28;
	v7 =	vor.u32 s3, v2;
	s1 =	sadd.s32 s4, s1;
	s3 =	spop (v2sf)  }
0x472: {  	s4 =	sadd.s32 $0xFFFFFFE0, s28;
	s3 =	sadd.s32 s3, s1;
	[tilespmem:s1+$0x1A100] =	vst.msk vm3, v7;
	v7 =	vor.u32 s5, v2;
	s1 =	spop (v2sf)  }
0x473: {  	s1 =	sadd.s32 s1, s3;
	[tilespmem:s3+$0x1A100] =	vst.msk vm2, v7;
	v7 =	vor.u32 s4, v2  }
0x474: {  	s3 =	sadd.s32 $0xFFFFFFF0, s28;
	[tilespmem:s1+$0x1A100] =	vst.msk vm5, v7;
	s4 =	spop (v2sf)  }
0x475: {  	v7 =	vor.u32 s3, v2;
	s1 =	sadd.s32 s4, s1;
	s3 =	spop (v2sf)  }
0x476: {  	s3 =	sadd.s32 s3, s1;
	[tilespmem:s1+$0x1A100] =	vst.msk vm4, v7;
	v7 =	vor.u32 s28, v2;
	s1 =	ssub.s32 s30, s31;
	s4 =	spop (v2sf)  }
0x477: {  	s5 =	sadd.s32 $0xFFFFFF90, s0;
	s28 =	smov.u32 s0;
	[tilespmem:s3+$0x1A100] =	vst.msk vm1, v7;
	s1 =	sadd.s32 s4, s1  }
0x478: {  	v8 =	vor.u32 s5, v2;
	v7 =	vld [tilespmem:s26+$0xFFFFFFD0];
	s30 =	sadd.s32 s3, s1  }
0x479: {  	p3 =	slt.s32 s30, $0x1000;
	v9 =	vld [tilespmem:s26+$0xFFFFFFE0]  }
0x47a: {  	v10 =	vld [tilespmem:s26+$0xFFFFFFC0]  }
0x47b: {  	v11 =	vld [tilespmem:s26+$0x0]  }
0x47c: {  	v12 =	vld [tilespmem:s26+$0x10]  }
0x47d: {  	v13 =	vshra.s32 v7, $0x1F  }
0x47e: {  	v13 =	vor.u32 $0x80000000, v13;
	v14 =	vshra.s32 v9, $0x1F;
	v15 =	vld [tilespmem:s26+$0xFFFFFFF0]  }
0x47f: {  	v16 =	vshra.s32 v10, $0x1F;
	v7 =	vxor.u32 v7, v13;
	v13 =	vor.u32 $0x80000000, v14;
	v14 =	vld [tilespmem:s26+$0x30]  }
0x480: {  	v16 =	vor.u32 $0x80000000, v16;
	vm0 =	vge.u32 v7, v6;
	v7 =	vxor.u32 v9, v13  }
0x481: {  	s31 =	smov.u32 s30;
	v13 =	vshra.s32 v11, $0x1F;
	v9 =	vxor.u32 v10, v16;
	v10 =	vsel vm0, $0x1, v1  }
0x482: {  	s31 =	simm.s32 @!p3 $0x1000;
	vm1 =	vge.u32 v9, v6;
	v9 =	vor.u32 $0x80000000, v13;
	v13 =	vshra.s32 v12, $0x1F;
	v16 =	vld [tilespmem:s26+$0x20];
	(xrf0) =	vadd.scan.msk.s32 $0xffff, v10  }
0x483: {  	v10 =	vsel vm1, $0x1, v1;
	v17 =	vshra.s32 v15, $0x1F;
	v9 =	vxor.u32 v11, v9;
	[tilespmem:s31+$0x1A100] =	vst.msk vm1, v8  }
0x484: {  	v11 =	vor.u32 $0x80000000, v13;
	v8 =	vor.u32 $0x80000000, v17;
	v13 =	vshra.s32 v14, $0x1F;
	(xrf0) =	vadd.scan.msk.s32 $0xffff, v10  }
0x485: {  	vm6 =	vge.u32 v7, v6;
	v7 =	vxor.u32 v15, v8;
	v8 =	vor.u32 $0x80000000, v13  }
0x486: {  	v10 =	vsel vm6, $0x1, v1;
	vm3 =	vge.u32 v7, v6;
	v7 =	vxor.u32 v14, v8  }
0x487: {  	vm2 =	vge.u32 v9, v6;
	v8 =	vsel vm3, $0x1, v1;
	v9 =	vshra.s32 v16, $0x1F;
	(xrf0) =	vadd.scan.msk.s32 $0xffff, v10  }
0x488: {  	v11 =	vxor.u32 v12, v11;
	v10 =	vsel vm2, $0x1, v1;
	v9 =	vor.u32 $0x80000000, v9;
	v12, _, _ =	vpop (xrf0);
	(xrf0) =	vadd.scan.msk.s32 $0xffff, v8  }
0x489: {  	vm5 =	vge.u32 v11, v6;
	v8 =	vxor.u32 v16, v9;
	(xrf0) =	vadd.scan.msk.s32 $0xffff, v10  }
0x48a: {  	vm1 =	vge.u32 v7, v6;
	v9 =	vsel vm5, $0x1, v1;
	vm4 =	vge.u32 v8, v6;
	v7, _, _ =	vpop (xrf0)  }
0x48b: {  	v10 =	vsel vm1, $0x1, v1;
	v8 =	vsel vm4, $0x1, v1;
	(v2sf) =	vpush v7, $0xF;
	(xrf0) =	vadd.scan.msk.s32 $0xffff, v9  }
0x48c: {  	(v2sf) =	vpush v12, $0xF;
	(xrf0) =	vadd.scan.msk.s32 $0xffff, v8  }
0x48d: {  	v7, _, _ =	vpop (xrf0);
	(xrf0) =	vadd.scan.msk.s32 $0xffff, v10  }
0x48e: {  	(v2sf) =	vpush v7, $0xF;
	v7, _, _ =	vpop (xrf0)  }
0x48f: {  	(v2sf) =	vpush v7, $0xF;
	v7, _, _ =	vpop (xrf0)  }
.Ltmp68:
0x490: {  	(v2sf) =	vpush v7, $0xF;
	(pc) =	sbr.rel @p2 .LBB2_88-.Ltmp68, $4  }
0x491: {  	v7, _, _ =	vpop (xrf0)  }
0x492: {  	(v2sf) =	vpush v7, $0xF;
	v7, _, _ =	vpop (xrf0)  }
0x493: {  	(v2sf) =	vpush v7, $0xF;
	v7, _, _ =	vpop (xrf0)  }
0x494: {  	(v2sf) =	vpush v7, $0xF  }
0x495: {  	_ =	sdelay $0x5  }
0x496: {  	s0 =	spop (v2sf)  }
0x497: {  	s3 =	sadd.s32 $0xFFFFFFA0, s28;
	s0 =	sadd.s32 s31, s0;
	s1 =	spop (v2sf)  }
0x498: {  	s4 =	sadd.s32 $0xFFFFFFB0, s28;
	v6 =	vor.u32 s3, v2;
	s1 =	sadd.s32 s1, s0;
	s26 =	spop (v2sf)  }
0x499: {  	s5 =	sadd.s32 $0xFFFFFFC0, s28;
	[tilespmem:s0+$0x1A100] =	vst.msk vm0, v6;
	v6 =	vor.u32 s4, v2;
	s3 =	sadd.s32 s26, s1;
	s31 =	spop (v2sf)  }
0x49a: {  	s29 =	sadd.s32 $0xFFFFFFD0, s28;
	s30 =	sadd.s32 $0xFFFFFFE0, s28;
	[tilespmem:s1+$0x1A100] =	vst.msk vm6, v6;
	v6 =	vor.u32 s5, v2;
	s0 =	sadd.s32 s31, s3  }
0x49b: {  	s26 =	spop (v2sf);
	s31 =	sshrl.u32 s23, $0x10;
	[tilespmem:s3+$0x1A100] =	vst.msk vm3, v6;
	v6 =	vor.u32 s29, v2;
	s29 =	sshll.u32 s23, $0x17  }
0x49c: {  	s1 =	sadd.s32 s26, s0;
	s5 =	sand.u32 $0x1, s31;
	s31 =	sand.u32 $0x1, s23  }
0x49d: {  	s26 =	sadd.s32 $0xFFFFFFF0, s28;
	[tilespmem:s0+$0x1A100] =	vst.msk vm2, v6;
	v6 =	vor.u32 s30, v2;
	s30 =	ssub.s32 s25, s22;
	s4 =	sadd.s32 s31, s5  }
0x49e: {  	s31 =	spop (v2sf);
	s5 =	sshra.s32 s29, $0x1F;
	s4 =	sxor.u32 $0xFFFFFFFF, s4  }
0x49f: {  	[tilespmem:s1+$0x1A100] =	vst.msk vm5, v6;
	v6 =	vor.u32 s26, v2;
	s0 =	sadd.s32 s31, s1;
	s26 =	spop (v2sf);
	s29 =	sadd.s32 s4, s5  }
0x4a0: {  	s1 =	sadd.s32 s26, s0;
	[tilespmem:s0+$0x1A100] =	vst.msk vm4, v6;
	s31 =	spop (v2sf);
	s0 =	sadd.s32 $0x20, s30  }
0x4a1: {  	v6 =	vor.u32 s28, v2;
	s5 =	smov.u32 s6;
	s6 =	smov.u32 s7;
	s3 =	sshll.u32 s29, $0x1  }
0x4a2: {  	s7 =	smov.u32 s11;
	s11 =	simm.s32 $0x1;
	[tilespmem:s1+$0x1A100] =	vst.msk vm1, v6;
	s26 =	sadd.s32 $0x8, s3  }
.LBB2_90:
0x4a3: {  	s1 =	sadd.s32 $0xF, s0  }
0x4a4: {  	s3 =	sand.u32 $0xF, s1  }
0x4a5: {  	s4 =	sshra.s32 s1, $0x1F;
	p2 =	slt.s32 s1, $0x1;
	p3 =	sne.s32 s3, $0x0  }
0x4a6: {  	s31 =	sshrl.u32 s4, $0x1C;
	p2 =	por !p2, !p3  }
0x4a7: {  	s3 =	simm.s32 $0x1;
	s1 =	sadd.s32 s31, s1;
	p2 =	por !p2, !p2  }
0x4a8: {  	s1 =	sshra.s32 s1, $0x4;
	s3 =	simm.s32 @!p2 $0x0  }
0x4a9: {  	s25 =	ssub.s32 s1, s3  }
0x4aa: {  	p2 =	sgt.s32 s25, $0x0  }
.Ltmp69:
0x4ab: {  	_ = 	snop;
	(pc) =	sbr.rel @!p2 .LBB2_97-.Ltmp69, $2  }
0x4ac: {  	_ =	sdelay $0x2  }
0x4ad: {  	v6 =	vmov s0  }
0x4ae: {  	p4 =	seq.s32 s25, $0x1  }
.Ltmp70:
0x4af: {  	_ = 	snop;
	(pc) =	sbr.rel @p4 .LBB2_92-.Ltmp70, $3  }
0x4b0: {  	_ =	sdelay $0x1  }
0x4b1: {  	s0 =	simm.s32 $0x1A100  }
0x4b2: {  	s28 =	simm.s32 $0x1B200;
	p3 =	por $0x0, $0x0;
	v7 =	vld [tilespmem:s0+$0x0];
	s0 =	sadd.s32 $0xFFFFFFFF, s25  }
0x4b3: {  	_ = 	snop  }
0x4b4: {  	v8 =	vor.u32 s24, v2  }
0x4b5: {  	vm0 =	vlt.s32 v8, v6;
	_ =	sdelay $0x5  }
0x4b6: {  	v7 =	vld.idx.msk [tilespmem:v7+s10+$0x0], vm0;
	_ =	sdelay $0x3  }
0x4b7: {  	p4 =	seq.s32 s0, $0x1  }
.Ltmp71:
0x4b8: {  	v8 =	vshra.s32 v7, $0x1F;
	(pc) =	sbr.rel @p4 .LBB2_94-.Ltmp71, $4  }
0x4b9: {  	v8 =	vor.u32 $0x80000000, v8  }
0x4ba: {  	v7 =	vxor.u32 v7, v8  }
0x4bb: {  	s30 =	simm.s32 $0x1A110;
	s31 =	sadd.s32 $0xFFFFFFFF, s0;
	[tilespmem:s28+$0x0] =	vst v7  }
0x4bc: {  	s24 =	simm.s32 $0x10;
	p3 =	por $0x1, $0x1;
	s29 =	simm.s32 $0x1B200;
	v7 =	vld [tilespmem:s30+$0x0]  }
.LBB2_95:
0x4bd: {  	p4 =	seq.s32 s31, $0x1;
	v8 =	vor.u32 s24, v2  }
0x4be: {  	vm0 =	vlt.s32 v8, v6;
	_ =	sdelay $0x5  }
0x4bf: {  	v7 =	vld.idx.msk [tilespmem:v7+s10+$0x0], vm0;
	_ =	sdelay $0x5  }
.Ltmp72:
0x4c0: {  	v8 =	vshra.s32 v7, $0x1F;
	(pc) =	sbr.rel @!p4 .LBB2_95-.Ltmp72, $4  }
0x4c1: {  	v8 =	vor.u32 $0x80000000, v8  }
0x4c2: {  	s29 =	sadd.s32 $0x10, s29;
	v7 =	vxor.u32 v7, v8  }
0x4c3: {  	s30 =	sadd.s32 $0x10, s30;
	[tilespmem:s29+$0x0] =	vst v7  }
0x4c4: {  	s31 =	sadd.s32 $0xFFFFFFFF, s31;
	s24 =	sadd.s32 $0x10, s24;
	v7 =	vld [tilespmem:s30+$0x0]  }
.LBB2_96:
0x4c5: {  	_ = 	snop  }
0x4c6: {  	v8 =	vor.u32 s24, v2  }
0x4c7: {  	vm0 =	vlt.s32 v8, v6;
	_ =	sdelay $0x5  }
0x4c8: {  	v7 =	vld.idx.msk [tilespmem:v7+s10+$0x0], vm0;
	_ =	sdelay $0x4  }
0x4c9: {  	v8 =	vshra.s32 v7, $0x1F  }
0x4ca: {  	s0 =	sadd.s32 @p3 $0x10, s29;
	v8 =	vor.u32 $0x80000000, v8  }
0x4cb: {  	s28 =	smov.u32 @p3 s0;
	v7 =	vxor.u32 v7, v8  }
0x4cc: {  	[tilespmem:s28+$0x0] =	vst v7  }
.LBB2_97:
0x4cd: {  	p3 =	seq.s32 s26, $0x0  }
.Ltmp73:
0x4ce: {  	_ = 	snop;
	(pc) =	sbr.rel @!p3 .LBB2_98-.Ltmp73, $2  }
0x4cf: {  	_ =	sdelay $0x2  }
0x4d0: {  	s24 =	simm.s32 $0x0  }
.LBB2_111:
.Ltmp74:
0x4d1: {  	(pc) =	sbr.rel @p1 .LBB2_116-.Ltmp74, $4  }
0x4d2: {  	_ = 	snop  }
0x4d3: {  	_ =	swait.ge [sflag:s14], $0x8000  }
0x4d4: {  	[sflag:s14] =	ssyncset.done $0x0  }
0x4d5: {  	[sflag:s14] =	ssyncadd.s32 $0xFFFF8000  }
.Ltmp75:
0x4d6: {  	(pc) =	sbr.rel @!p0 .LBB2_119-.Ltmp75, $1  }
0x4d7: {  	_ =	sdelay $0x3  }
0x4d8: {  	p0 =	sne.s32 s20, $0x1  }
.Ltmp76:
0x4d9: {  	_ = 	snop;
	(pc) =	sbr.rel @!p0 .LBB2_115-.Ltmp76, $3  }
0x4da: {  	_ =	sdelay $0x1  }
0x4db: {  	s23 =	simm.s32 $0x19000  }
0x4dc: {  	s0 =	simm.s32 $0x0;
	s20 =	sadd.s32 $0xFFFFFFFF, s20;
	v7 =	vld [tilespmem:s23+$0x0]  }
.LBB2_114:
0x4dd: {  	p0 =	sne.s32 s20, $0x1;
	v8 =	vor.u32 s0, v2  }
0x4de: {  	vm0 =	vlt.s32 v8, v5;
	_ =	sdelay $0x2  }
.Ltmp77:
0x4df: {  	(pc) =	sbr.rel @p0 .LBB2_114-.Ltmp77, $3  }
0x4e0: {  	_ =	sdelay $0x1  }
0x4e1: {  	s23 =	sadd.s32 $0x10, s23;
	[tilespmem:v7+s12+$0x0] =	vst.idx.msk vm0, v0  }
0x4e2: {  	s20 =	sadd.s32 $0xFFFFFFFF, s20;
	s0 =	sadd.s32 $0x10, s0;
	v7 =	vld [tilespmem:s23+$0x0]  }
.LBB2_115:
0x4e3: {  	_ = 	snop  }
0x4e4: {  	v8 =	vor.u32 s0, v2  }
0x4e5: {  	vm0 =	vlt.s32 v8, v5;
	_ =	sdelay $0x1  }
.Ltmp78:
0x4e6: {  	_ = 	snop;
	(pc) =	sbr.rel .LBB2_119-.Ltmp78, $2  }
0x4e7: {  	_ =	sdelay $0x2  }
0x4e8: {  	[tilespmem:v7+s12+$0x0] =	vst.idx.msk vm0, v0  }
.LBB2_110:
0x4e9: {  	p4 =	sne.s32 s26, s24  }
.Ltmp79:
0x4ea: {  	_ = 	snop;
	(pc) =	sbr.rel @!p4 .LBB2_111-.Ltmp79, $3  }
0x4eb: {  	_ =	sdelay $0x1  }
0x4ec: {  	s0 =	sshll.u32 s29, s28;
	s1 =	sshll.u32 s17, s28  }
0x4ed: {  	s22 =	ssub.s32 s22, s30;
	s21 =	sor.u32 s21, s0;
	s23 =	sor.u32 s23, s1  }
.LBB2_98:
0x4ee: {  	p4 =	slt.s32 s25, $0x1  }
.Ltmp80:
0x4ef: {  	_ = 	snop;
	(pc) =	sbr.rel @p4 .LBB2_105-.Ltmp80, $4  }
0x4f0: {  	_ = 	snop  }
0x4f1: {  	s24 =	sadd.s32 $0x1, s24  }
0x4f2: {  	s0 =	ssub.s32 s26, s24  }
0x4f3: {  	s28 =	sshll.u32 s0, $0x2  }
0x4f4: {  	p5 =	seq.s32 s25, $0x1  }
.Ltmp81:
0x4f5: {  	_ = 	snop;
	(pc) =	sbr.rel @p5 .LBB2_100-.Ltmp81, $3  }
0x4f6: {  	_ =	sdelay $0x1  }
0x4f7: {  	s0 =	simm.s32 $0x1B200  }
0x4f8: {  	v8 =	vmov s23;
	v7 =	vmov s21;
	v9 =	vmov s28;
	s29 =	simm.s32 $0x0;
	p4 =	por $0x0, $0x0;
	v10 =	vld [tilespmem:s0+$0x0];
	s0 =	sadd.s32 $0xFFFFFFFF, s25  }
0x4f9: {  	_ =	sdelay $0x3  }
0x4fa: {  	v11 =	vor.u32 s29, v2;
	v12 =	vand.u32 v8, v10;
	v10 =	vshrl.u32 v10, v9  }
0x4fb: {  	vm0 =	vlt.s32 v11, v6;
	vm1 =	veq.s32 v12, v7;
	v10 =	vshll.u32 v10, $0x4  }
0x4fc: {  	vm0 =	vmand vm0, vm1;
	v10 =	vor.u32 v2, v10  }
0x4fd: {  	v10 =	vand.u32 $0xFF, v10  }
0x4fe: {  	p5 =	seq.s32 s0, $0x1  }
.Ltmp82:
0x4ff: {  	_ = 	snop;
	(pc) =	sbr.rel @p5 .LBB2_102-.Ltmp82, $3  }
0x500: {  	_ =	sdelay $0x1  }
0x501: {  	s31 =	simm.s32 $0x1B210;
	[tilespmem:v10+s16+$0x0] =	vst.idx.add.s32.msk vm0, v4  }
0x502: {  	s0 =	sadd.s32 $0xFFFFFFFF, s0;
	p4 =	por $0x1, $0x1;
	s30 =	simm.s32 $0x0;
	v10 =	vld [tilespmem:s31+$0x0]  }
.LBB2_103:
0x503: {  	p5 =	seq.s32 s0, $0x1;
	_ =	sdelay $0x2  }
0x504: {  	s30 =	sadd.s32 $0x10, s30  }
0x505: {  	v11 =	vor.u32 s30, v2;
	v12 =	vand.u32 v8, v10;
	v10 =	vshrl.u32 v10, v9  }
0x506: {  	vm0 =	vlt.s32 v11, v6;
	vm1 =	veq.s32 v12, v7;
	v10 =	vshll.u32 v10, $0x4  }
0x507: {  	vm0 =	vmand vm0, vm1;
	v10 =	vor.u32 v2, v10  }
0x508: {  	v10 =	vand.u32 $0xFF, v10;
	_ =	sdelay $0x1  }
.Ltmp83:
0x509: {  	(pc) =	sbr.rel @!p5 .LBB2_103-.Ltmp83, $3  }
0x50a: {  	_ =	sdelay $0x1  }
0x50b: {  	s31 =	sadd.s32 $0x10, s31;
	[tilespmem:v10+s16+$0x0] =	vst.idx.add.s32.msk vm0, v4  }
0x50c: {  	s0 =	sadd.s32 $0xFFFFFFFF, s0;
	v10 =	vld [tilespmem:s31+$0x0]  }
.LBB2_104:
0x50d: {  	_ =	sdelay $0x1  }
0x50e: {  	s0 =	sadd.s32 @p4 $0x10, s30  }
0x50f: {  	s29 =	smov.u32 @p4 s0  }
0x510: {  	v11 =	vor.u32 s29, v2;
	v8 =	vand.u32 v8, v10;
	v9 =	vshrl.u32 v10, v9  }
0x511: {  	vm0 =	vlt.s32 v11, v6;
	vm1 =	veq.s32 v8, v7;
	v7 =	vshll.u32 v9, $0x4  }
0x512: {  	vm0 =	vmand vm0, vm1;
	v7 =	vor.u32 v2, v7  }
0x513: {  	v7 =	vand.u32 $0xFF, v7;
	_ =	sdelay $0x4  }
0x514: {  	[tilespmem:v7+s16+$0x0] =	vst.idx.add.s32.msk vm0, v4  }
.LBB2_105:
0x515: {  	p4 =	sgt.s32 s22, $0x0  }
.Ltmp84:
0x516: {  	_ = 	snop;
	(pc) =	sbr.rel @!p4 .LBB2_108-.Ltmp84, $3  }
0x517: {  	_ =	sdelay $0x1  }
0x518: {  	s31 =	simm.s32 $0x0  }
0x519: {  	s29 =	simm.s32 $0x10;
	s0 =	simm.s32 $0x180F0;
	s30 =	simm.s32 $0x0  }
.LBB2_106:
0x51a: {  	v7 =	vld [tilespmem:s0+$0x0];
	_ =	sdelay $0x4  }
0x51b: {  	(xrf0) =	vadd.scan.msk.s32 $0xffff, v7;
	_ =	sdelay $0x5  }
0x51c: {  	v7, _, _ =	vpop (xrf0)  }
0x51d: {  	(v2sf) =	vpush v7, $0xF;
	_ =	sdelay $0xe  }
0x51e: {  	s1 =	spop (v2sf)  }
0x51f: {  	s30 =	smov.u32 s31;
	s31 =	sadd.s32 s31, s1  }
0x520: {  	p4 =	slt.s32 s31, s22  }
.Ltmp85:
0x521: {  	_ = 	snop;
	(pc) =	sbr.rel @p4 .LBB2_106-.Ltmp85, $2  }
0x522: {  	_ =	sdelay $0x2  }
0x523: {  	[tilespmem:s0+$0x0] =	vst v1;
	s29 =	sadd.s32 $0xFFFFFFFF, s29;
	s0 =	sadd.s32 $0xFFFFFFF0, s0  }
0x524: {  	p4 =	slt.s32 s29, $0x1  }
.Ltmp86:
0x525: {  	_ = 	snop;
	(pc) =	sbr.rel @p4 .LBB2_110-.Ltmp86, $1  }
0x526: {  	_ =	sdelay $0x3  }
.LBB2_108:
0x527: {  	p4 =	sne.s32 s29, $0x1  }
.Ltmp87:
0x528: {  	_ = 	snop;
	(pc) =	sbr.rel @!p4 .LBB2_110-.Ltmp87, $3  }
0x529: {  	_ =	sdelay $0x1  }
0x52a: {  	s0 =	simm.s32 $0x18000  }
0x52b: {  	s1 =	sadd.s32 $0xFFFFFFFF, s29;
	[tilespmem:s0+$0x0] =	vst v1  }
.LBB2_109:
0x52c: {  	p4 =	sne.s32 s1, $0x1  }
.Ltmp88:
0x52d: {  	_ = 	snop;
	(pc) =	sbr.rel @p4 .LBB2_109-.Ltmp88, $3  }
0x52e: {  	_ =	sdelay $0x1  }
0x52f: {  	s1 =	sadd.s32 $0xFFFFFFFF, s1;
	s0 =	sadd.s32 $0x10, s0  }
0x530: {  	[tilespmem:s0+$0x0] =	vst v1  }
.Ltmp89:
0x531: {  	_ = 	snop;
	(pc) =	sbr.rel .LBB2_110-.Ltmp89, $1  }
0x532: {  	_ =	sdelay $0x3  }
.LBB2_100:
.Ltmp90:
0x533: {  	(pc) =	sbr.rel .LBB2_104-.Ltmp90, $2  }
0x534: {  	_ =	sdelay $0x2  }
0x535: {  	s30 =	simm.s32 $0x0  }
.LBB2_102:
.Ltmp91:
0x536: {  	(pc) =	sbr.rel .LBB2_104-.Ltmp91, $2  }
0x537: {  	_ =	sdelay $0x2  }
0x538: {  	s30 =	simm.s32 $0x0  }
.LBB2_116:
0x539: {  	s0 =	simm.s32 $0x40;
	s1 =	simm.s32 $0x0  }
.LBB2_117:
0x53a: {  	p0 =	seq.s32 s0, $0x1FFC0;
	[tilespmem:s1+$0x10000] =	vst v0;
	s1 =	smov.u32 s0;
	s0 =	sadd.s32 $0x40, s0  }
.Ltmp92:
0x53b: {  	(pc) =	sbr.rel @!p0 .LBB2_117-.Ltmp92, $2  }
0x53c: {  	_ =	sdelay $0x2  }
0x53d: {  	s1 =	sshra.s32 s1, $0x2  }
0x53e: {  	[tilespmem:s1+$0x10000] =	vst v0  }
.LBB2_119:
.Ltmp93:
0x53f: {  	(pc) =	sbr.rel @p3 .LBB2_120-.Ltmp93, $2  }
0x540: {  	_ =	sdelay $0x2  }
0x541: {  	v7 =	vmov s21;
	v5 =	vmov s22  }
.Ltmp94:
0x542: {  	(pc) =	sbr.rel @!p2 .LBB2_130-.Ltmp94, $1  }
0x543: {  	_ =	sdelay $0x3  }
0x544: {  	s0 =	simm.s32 $0x1B200  }
0x545: {  	v8 =	vld [tilespmem:s0+$0x0];
	_ =	sdelay $0x2  }
0x546: {  	s21 =	simm.s32 $0x0  }
0x547: {  	v9 =	vor.u32 s21, v2  }
0x548: {  	vm0 =	vlt.s32 v9, v6;
	vm1 =	veq.s32 v8, v7  }
0x549: {  	vm1 =	vmand vm0, vm1  }
0x54a: {  	v10 =	vsel vm1, $0x1, v1  }
0x54b: {  	p1 =	sne.s32 s25, $0x1;
	(xrf0) =	vadd.scan.msk.s32 $0xffff, v10  }
.Ltmp95:
0x54c: {  	_ = 	snop;
	(pc) =	sbr.rel @!p1 .LBB2_125-.Ltmp95, $4  }
0x54d: {  	_ = 	snop  }
0x54e: {  	vm2 =	vgt.s32 v8, $0xFFFFFFFF  }
0x54f: {  	v9 =	vsel vm2, $0xFFFFFFFF, v3  }
0x550: {  	s20 =	simm.s32 $0x1A100;
	p0 =	por $0x0, $0x0;
	s0 =	sadd.s32 $0xFFFFFFFF, s25;
	vm2 =	vgt.u32 v8, v7;
	v8 =	vxor.u32 v8, v9  }
0x551: {  	v9, _, _ =	vpop (xrf0)  }
0x552: {  	v10 =	vxor.u32 $0x80000000, v9  }
0x553: {  	v9 =	vadd.s32 s21, v9;
	(xrf0) =	vmax.scan.msk.u32 $0xffff, v10  }
0x554: {  	v10 =	vld [tilespmem:s20+$0x0];
	vm3 =	vle.s32 v9, v5  }
0x555: {  	vm0 =	vmand vm0, vm2;
	vm1 =	vmand vm1, vm3  }
0x556: {  	vm0 =	vmor vm0, vm1;
	_ =	sdelay $0x2  }
0x557: {  	v9, _, _ =	vpop (xrf0)  }
0x558: {  	(v2sf) =	vpush v9, $0xF;
	_ =	sdelay $0x1  }
0x559: {  	s22 =	simm.s32 $0x1B210;
	[tilespmem:v10+s12+$0x0] =	vst.idx.msk vm0, v8  }
0x55a: {  	v8 =	vld [tilespmem:s22+$0x0];
	_ =	sdelay $0x2  }
0x55b: {  	s23 =	simm.s32 $0x10  }
0x55c: {  	v9 =	vor.u32 s23, v2  }
0x55d: {  	vm0 =	vlt.s32 v9, v6;
	vm1 =	veq.s32 v8, v7  }
0x55e: {  	vm1 =	vmand vm0, vm1  }
0x55f: {  	v10 =	vsel vm1, $0x1, v1  }
0x560: {  	p1 =	sne.s32 s0, $0x1;
	(xrf0) =	vadd.scan.msk.s32 $0xffff, v10  }
.Ltmp96:
0x561: {  	_ = 	snop;
	(pc) =	sbr.rel @!p1 .LBB2_127-.Ltmp96, $4  }
0x562: {  	_ = 	snop  }
0x563: {  	vm2 =	vgt.s32 v8, $0xFFFFFFFF  }
0x564: {  	s25 =	sadd.s32 $0xFFFFFFFF, s0;
	v9 =	vsel vm2, $0xFFFFFFFF, v3;
	s31 =	spop (v2sf)  }
0x565: {  	p0 =	por $0x1, $0x1;
	s24 =	simm.s32 $0x1A100;
	vm2 =	vgt.u32 v8, v7;
	v8 =	vxor.u32 v8, v9;
	s0 =	sadd.s32 $0x0, s31  }
.LBB2_128:
0x566: {  	p1 =	sne.s32 s25, $0x1;
	v9, _, _ =	vpop (xrf0);
	s0 =	sadd.s32 $0x80000000, s0;
	s24 =	sadd.s32 $0x10, s24  }
0x567: {  	s25 =	sadd.s32 $0xFFFFFFFF, s25;
	v10 =	vadd.s32 s0, v9;
	v9 =	vxor.u32 $0x80000000, v9  }
0x568: {  	v11 =	vld [tilespmem:s24+$0x0];
	vm3 =	vle.s32 v10, v5;
	(xrf0) =	vmax.scan.msk.u32 $0xffff, v9  }
0x569: {  	vm0 =	vmand vm0, vm2;
	vm1 =	vmand vm1, vm3  }
0x56a: {  	vm0 =	vmor vm0, vm1;
	_ =	sdelay $0x3  }
0x56b: {  	v9, _, _ =	vpop (xrf0)  }
0x56c: {  	(v2sf) =	vpush v9, $0xF  }
0x56d: {  	[tilespmem:v11+s12+$0x0] =	vst.idx.msk vm0, v8  }
0x56e: {  	s22 =	sadd.s32 $0x10, s22  }
0x56f: {  	v8 =	vld [tilespmem:s22+$0x0];
	_ =	sdelay $0x2  }
0x570: {  	s23 =	sadd.s32 $0x10, s23  }
0x571: {  	v9 =	vor.u32 s23, v2  }
0x572: {  	vm0 =	vlt.s32 v9, v6;
	vm2 =	vgt.u32 v8, v7;
	vm1 =	veq.s32 v8, v7  }
0x573: {  	vm3 =	vgt.s32 v8, $0xFFFFFFFF;
	vm1 =	vmand vm0, vm1  }
0x574: {  	v9 =	vsel vm3, $0xFFFFFFFF, v3;
	v10 =	vsel vm1, $0x1, v1  }
0x575: {  	v8 =	vxor.u32 v8, v9;
	(xrf0) =	vadd.scan.msk.s32 $0xffff, v10  }
.Ltmp97:
0x576: {  	(pc) =	sbr.rel @p1 .LBB2_128-.Ltmp97, $3  }
0x577: {  	_ =	sdelay $0x1  }
0x578: {  	s1 =	spop (v2sf)  }
0x579: {  	s0 =	sadd.s32 s1, s0  }
.Ltmp98:
0x57a: {  	_ = 	snop;
	(pc) =	sbr.rel .LBB2_129-.Ltmp98, $1  }
0x57b: {  	_ =	sdelay $0x3  }
.LBB2_120:
0x57c: {  	s26 =	simm.s32 $0x0  }
0x57d: {  	v15 =	vld [tilespmem:s26+$0x8000];
	_ =	sdelay $0x4  }
0x57e: {  	v6 =	vshra.s32 v15, $0x1F  }
0x57f: {  	s20 =	simm.s32 $0x10;
	v6 =	vor.u32 $0x80000000, v6  }
0x580: {  	v11 =	vld [tilespmem:s20+$0x8000];
	v9 =	vxor.u32 v15, v6  }
0x581: {  	vm0 =	veq.s32 v9, v7  }
0x582: {  	v6 =	vsel vm0, $0x1, v1  }
0x583: {  	(xrf0) =	vadd.scan.msk.s32 $0xffff, v6;
	_ =	sdelay $0x1  }
0x584: {  	s21 =	simm.s32 $0x20;
	v6 =	vshra.s32 v11, $0x1F  }
0x585: {  	v8 =	vld [tilespmem:s21+$0x8000];
	v6 =	vor.u32 $0x80000000, v6  }
0x586: {  	v10 =	vxor.u32 v11, v6  }
0x587: {  	vm1 =	veq.s32 v10, v7  }
0x588: {  	v6 =	vsel vm1, $0x1, v1;
	v14, _, _ =	vpop (xrf0)  }
0x589: {  	(xrf0) =	vadd.scan.msk.s32 $0xffff, v6;
	v6 =	vxor.u32 $0x80000000, v14  }
0x58a: {  	(xrf0) =	vmax.scan.msk.u32 $0xffff, v6;
	v6 =	vshra.s32 v8, $0x1F  }
0x58b: {  	s22 =	simm.s32 $0x30;
	v12 =	vor.u32 $0x80000000, v6  }
0x58c: {  	v6 =	vld [tilespmem:s22+$0x8000];
	v13 =	vxor.u32 v8, v12  }
0x58d: {  	vm2 =	veq.s32 v13, v7  }
0x58e: {  	v16 =	vsel vm2, $0x1, v1  }
0x58f: {  	v12, _, _ =	vpop (xrf0);
	(xrf0) =	vadd.scan.msk.s32 $0xffff, v16  }
0x590: {  	vm3 =	vgt.u32 v9, v7;
	v16 =	vxor.u32 $0x80000000, v12;
	v9, _, _ =	vpop (xrf0)  }
0x591: {  	(xrf0) =	vmax.scan.msk.u32 $0xffff, v16;
	(v2sf) =	vpush v9, $0xF;
	v9 =	vshra.s32 v6, $0x1F  }
0x592: {  	vm4 =	vgt.u32 v10, v7;
	v10 =	vor.u32 $0x80000000, v9  }
0x593: {  	v10 =	vxor.u32 v6, v10  }
0x594: {  	vm6 =	veq.s32 v10, v7  }
0x595: {  	vm5 =	vgt.u32 v13, v7;
	v16 =	vsel vm6, $0x1, v1;
	v13, _, _ =	vpop (xrf0)  }
0x596: {  	(xrf0) =	vadd.scan.msk.s32 $0xffff, v16;
	v16 =	vxor.u32 $0x80000000, v13  }
0x597: {  	vm0 =	vmmov vm0;
	vm7 =	vgt.u32 v10, v7;
	v10, _, _ =	vpop (xrf0);
	(xrf0) =	vmax.scan.msk.u32 $0xffff, v16  }
0x598: {  	s23 =	simm.s32 $0x40;
	vm3 =	vmmov vm3;
	vm0 =	vmmov vm0  }
0x599: {  	vm3 =	vmmov vm3;
	vm0 =	vmmov vm0;
	v9 =	vld [tilespmem:s23+$0x8000]  }
0x59a: {  	vm3 =	vmmov vm3;
	vm8 =	vmmov vm0  }
0x59b: {  	s25 =	simm.s32 $0x0;
	vm9 =	vmmov vm3;
	vm4 =	vmmov vm4;
	vm1 =	vmmov vm1  }
0x59c: {  	vm4 =	vmmov vm4;
	vm1 =	vmmov vm1;
	v17 =	vadd.s32 s25, v14;
	v14, _, _ =	vpop (xrf0)  }
0x59d: {  	vm10 =	vmmov vm4;
	vm4 =	vmmov vm1;
	(v2sf) =	vpush v10, $0xF;
	v18, _, _ =	vpop (xrf0)  }
0x59e: {  	s24 =	simm.s32 $0x50;
	vm4 =	vmmov vm4;
	v10 =	vshra.s32 v9, $0x1F;
	(v2sf) =	vpush v18, $0xF  }
0x59f: {  	vm5 =	vmmov vm5;
	vm2 =	vmmov vm2;
	v16 =	vor.u32 $0x80000000, v10;
	v10 =	vld [tilespmem:s24+$0x8000]  }
0x5a0: {  	vm11 =	vmmov vm5;
	vm5 =	vle.s32 v17, v5;
	v16 =	vxor.u32 v9, v16  }
0x5a1: {  	vm0 =	vmmov vm2;
	vm5 =	vmand vm8, vm5;
	vm2 =	veq.s32 v16, v7  }
0x5a2: {  	vm12 =	vmmov vm7;
	vm3 =	vgt.u32 v16, v7;
	v16 =	vsel vm2, $0x1, v1  }
0x5a3: {  	vm1 =	vmmov vm6;
	vm6 =	vmor vm9, vm5;
	(xrf0) =	vadd.scan.msk.s32 $0xffff, v16;
	v17 =	vxor.u32 $0x80000000, v14  }
0x5a4: {  	vm5 =	vmmov vm10;
	v16 =	vshra.s32 v10, $0x1F;
	(xrf0) =	vmax.scan.msk.u32 $0xffff, v17;
	v17 =	vnsel vm6, $0x0, v15;
	s0 =	spop (v2sf)  }
0x5a5: {  	s28 =	simm.s32 $0x1C0;
	s25 =	simm.s32 $0x60;
	vm7 =	vmmov vm11;
	v15 =	vor.u32 $0x80000000, v16;
	vm6 =	vmmov vm12;
	[tilespmem:s26+$0x10000] =	vst v17;
	s26 =	sadd.s32 $0x0, s0  }
.LBB2_121:
0x5a6: {  	p0 =	seq.s32 s28, $0x1FFC0;
	v15 =	vxor.u32 v10, v15;
	s0 =	sadd.s32 $0x80000000, s26;
	vm8 =	vmmov vm3  }
0x5a7: {  	v16 =	vld [tilespmem:s25+$0x8000];
	vm9 =	vmmov vm0;
	vm0 =	vmmov vm1;
	vm1 =	vmmov vm2;
	s1 =	smov.u32 s20;
	s20 =	smov.u32 s21;
	s21 =	smov.u32 s22  }
0x5a8: {  	s22 =	smov.u32 s23;
	s23 =	smov.u32 s24;
	s24 =	smov.u32 s25;
	vm3 =	vgt.u32 v15, v7;
	vm2 =	veq.s32 v15, v7;
	v15 =	vadd.s32 s0, v12;
	v12 =	vmovc v13;
	v13 =	vmovc v14  }
.Ltmp99:
0x5a9: {  	v18 =	vsel vm2, $0x1, v1;
	v14, _, _ =	vpop (xrf0);
	vm10 =	vle.s32 v15, v5;
	(pc) =	sbr.rel @!p0 .LBB2_121-.Ltmp99, $4  }
0x5aa: {  	(xrf0) =	vadd.scan.msk.s32 $0xffff, v18;
	v15 =	vxor.u32 $0x80000000, v14;
	v17, _, _ =	vpop (xrf0);
	vm10 =	vmand vm4, vm10;
	vm4 =	vmmov vm9  }
0x5ab: {  	(xrf0) =	vmax.scan.msk.u32 $0xffff, v15;
	(v2sf) =	vpush v17, $0xF;
	vm9 =	vmor vm5, vm10;
	vm5 =	vmmov vm7  }
0x5ac: {  	v15 =	vshra.s32 v16, $0x1F;
	v17 =	vnsel vm9, $0x0, v11;
	s3 =	spop (v2sf);
	v11 =	vmovc v8;
	v8 =	vmovc v6;
	v6 =	vmov v9  }
0x5ad: {  	s25 =	sshra.s32 s28, $0x2;
	s28 =	sadd.s32 $0x40, s28;
	vm7 =	vmmov vm6;
	vm6 =	vmmov vm8;
	v9 =	vmovc v10;
	v10 =	vmovc v16;
	v15 =	vor.u32 $0x80000000, v15;
	[tilespmem:s1+$0x10000] =	vst v17;
	s26 =	sadd.s32 s3, s0  }
0x5ae: {  	v16 =	vld [tilespmem:s25+$0x8000];
	v15 =	vxor.u32 v10, v15  }
0x5af: {  	vm9 =	veq.s32 v15, v7  }
0x5b0: {  	v17 =	vsel vm9, $0x1, v1  }
0x5b1: {  	(xrf0) =	vadd.scan.msk.s32 $0xffff, v17;
	_ =	sdelay $0x1  }
0x5b2: {  	v51 =	vshra.s32 v16, $0x1F  }
0x5b3: {  	v17 =	vor.u32 $0x80000000, v51  }
0x5b4: {  	v18, _, _ =	vpop (xrf0);
	v17 =	vxor.u32 v16, v17  }
0x5b5: {  	v19 =	vxor.u32 $0x80000000, v18;
	v20, _, _ =	vpop (xrf0);
	vm8 =	veq.s32 v17, v7  }
0x5b6: {  	(xrf0) =	vmax.scan.msk.u32 $0xffff, v19;
	v52 =	vsel vm8, $0x1, v1;
	v21, _, _ =	vpop (xrf0)  }
0x5b7: {  	(xrf0) =	vadd.scan.msk.s32 $0xffff, v52;
	v53 =	vxor.u32 $0x80000000, v21  }
0x5b8: {  	(xrf0) =	vmax.scan.msk.u32 $0xffff, v53  }
0x5b9: {  	(v2sf) =	vpush v20, $0xF;
	_ =	sdelay $0x2  }
0x5ba: {  	v54, _, _ =	vpop (xrf0)  }
0x5bb: {  	s1 =	spop (v2sf);
	(v2sf) =	vpush v54, $0xF;
	v55, _, _ =	vpop (xrf0)  }
0x5bc: {  	vm3 =	vmmov vm3;
	v56, _, _ =	vpop (xrf0)  }
0x5bd: {  	vm0 =	vmmov vm0;
	v57 =	vxor.u32 $0x80000000, v55;
	(v2sf) =	vpush v56, $0xF  }
0x5be: {  	s0 =	sadd.s32 $0x80000000, s26;
	vm1 =	vmmov vm1;
	vm2 =	vmmov vm2;
	vm7 =	vmmov vm7;
	(xrf0) =	vmax.scan.msk.u32 $0xffff, v57  }
0x5bf: {  	vm15 =	vmmov vm6;
	v12 =	vadd.s32 s0, v12;
	vm13 =	vgt.u32 v15, v7  }
0x5c0: {  	vm0 =	vmmov vm0;
	vm3 =	vmmov vm3;
	vm1 =	vmmov vm1  }
0x5c1: {  	s0 =	sadd.s32 s1, s0;
	vm2 =	vmmov vm2;
	vm10 =	vle.s32 v12, v5;
	vm12 =	vmmov vm13  }
0x5c2: {  	s0 =	sadd.s32 $0x80000000, s0;
	vm9 =	vmmov vm9;
	vm1 =	vmmov vm1;
	vm2 =	vmmov vm2  }
0x5c3: {  	vm4 =	vmand vm4, vm10;
	v58 =	vadd.s32 s0, v13;
	vm2 =	vmmov vm2  }
0x5c4: {  	vm4 =	vmor vm5, vm4;
	vm14 =	vle.s32 v58, v5;
	vm13 =	vgt.u32 v17, v7;
	s4 =	spop (v2sf);
	v7, _, _ =	vpop (xrf0)  }
0x5c5: {  	v11 =	vnsel vm4, $0x0, v11;
	vm0 =	vmand vm0, vm14;
	s0 =	sadd.s32 s4, s0;
	(v2sf) =	vpush v7, $0xF  }
0x5c6: {  	vm4 =	vmmov vm15;
	vm14 =	vmmov vm3;
	vm15 =	vmmov vm12;
	s0 =	sadd.s32 $0x80000000, s0;
	s26 =	spop (v2sf)  }
0x5c7: {  	vm12 =	vmmov vm9;
	vm0 =	vmor vm7, vm0;
	v59 =	vadd.s32 s0, v14;
	s0 =	sadd.s32 s26, s0  }
0x5c8: {  	vm10 =	vmmov vm13;
	vm13 =	vmmov vm8;
	vm11 =	vle.s32 v59, v5;
	s0 =	sadd.s32 $0x80000000, s0  }
0x5c9: {  	vm6 =	vmmov vm13;
	vm1 =	vmand vm1, vm11;
	v60 =	vadd.s32 s0, v18  }
0x5ca: {  	vm13 =	vmmov vm6;
	vm1 =	vmor vm4, vm1;
	vm9 =	vle.s32 v60, v5;
	s28 =	spop (v2sf)  }
0x5cb: {  	vm2 =	vmand vm2, vm9;
	v7 =	vnsel vm0, $0x0, v8;
	vm0 =	vmmov vm14;
	s0 =	sadd.s32 s28, s0  }
0x5cc: {  	vm14 =	vmmov vm15;
	vm15 =	vmmov vm10;
	vm10 =	vmmov vm12;
	s0 =	sadd.s32 $0x80000000, s0;
	s29 =	spop (v2sf)  }
0x5cd: {  	v6 =	vnsel vm1, $0x0, v6;
	vm11 =	vmmov vm10;
	vm0 =	vmor vm0, vm2;
	s1 =	sadd.s32 s29, s0  }
0x5ce: {  	vm1 =	vmmov vm14;
	vm12 =	vmmov vm15;
	v62 =	vadd.s32 s0, v21;
	s30 =	sadd.s32 $0x80000000, s1  }
0x5cf: {  	[tilespmem:s20+$0x10000] =	vst v11;
	vm2 =	vmmov vm13;
	vm14 =	vle.s32 v62, v5;
	v63 =	vadd.s32 s30, v55  }
.Ltmp100:
0x5d0: {  	[tilespmem:s21+$0x10000] =	vst v7;
	v61 =	vnsel vm0, $0x0, v9;
	vm3 =	vmand vm11, vm14;
	vm15 =	vle.s32 v63, v5;
	(pc) =	sbr.rel .LBB2_130-.Ltmp100, $4  }
0x5d1: {  	[tilespmem:s22+$0x10000] =	vst v6;
	vm0 =	vmmov vm12;
	vm1 =	vmor vm1, vm3;
	vm2 =	vmand vm2, vm15  }
0x5d2: {  	[tilespmem:s23+$0x10000] =	vst v61;
	v5 =	vnsel vm1, $0x0, v10;
	vm0 =	vmor vm0, vm2  }
0x5d3: {  	[tilespmem:s24+$0x10000] =	vst v5;
	v5 =	vnsel vm0, $0x0, v16  }
0x5d4: {  	s31 =	spop (v2sf);
	[tilespmem:s25+$0x10000] =	vst v5  }
.LBB2_35:
.Ltmp101:
0x5d5: {  	(pc) =	sbr.rel .LBB2_43-.Ltmp101, $2  }
0x5d6: {  	_ =	sdelay $0x2  }
0x5d7: {  	s28 =	simm.s32 $0x1B200  }
.LBB2_92:
.Ltmp102:
0x5d8: {  	(pc) =	sbr.rel .LBB2_96-.Ltmp102, $2  }
0x5d9: {  	_ =	sdelay $0x2  }
0x5da: {  	s29 =	simm.s32 $0x1B200  }
.LBB2_41:
.Ltmp103:
0x5db: {  	(pc) =	sbr.rel .LBB2_43-.Ltmp103, $2  }
0x5dc: {  	_ =	sdelay $0x2  }
0x5dd: {  	s28 =	simm.s32 $0x1B200  }
.LBB2_94:
.Ltmp104:
0x5de: {  	(pc) =	sbr.rel .LBB2_96-.Ltmp104, $2  }
0x5df: {  	_ =	sdelay $0x2  }
0x5e0: {  	s29 =	simm.s32 $0x1B200  }
.LBB2_56:
.Ltmp105:
0x5e1: {  	(pc) =	sbr.rel .LBB2_63-.Ltmp105, $2  }
0x5e2: {  	_ =	sdelay $0x2  }
0x5e3: {  	s25 =	simm.s32 $0x19000  }
.LBB2_61:
.Ltmp106:
0x5e4: {  	(pc) =	sbr.rel .LBB2_63-.Ltmp106, $2  }
0x5e5: {  	_ =	sdelay $0x2  }
0x5e6: {  	s25 =	simm.s32 $0x19000  }
.LBB2_127:
.Ltmp107:
0x5e7: {  	(pc) =	sbr.rel .LBB2_129-.Ltmp107, $2  }
0x5e8: {  	_ =	sdelay $0x2  }
0x5e9: {  	s24 =	simm.s32 $0x1A100  }
.LBB2_131:
0x5ea: {  	_ =	sfence.sel $0x180000  }
0x5eb: {  	[bflag:$0x0] =	sbarrier.arrive $0xFFFF  }
0x5ec: {  	_ =	strace $0x90000047  }
0x5ed: {  	s0 =	stileid.u32;
	[bflag:$0x2] =	sbarrier.arrive $0xFFFF  }
0x5ee: {  	p0 =	sne.s32 s0, $0x0;
	s0 =	rddreg [dreg:$0x2]  }
0x5ef: {  	s0 =	sadd.s32 @!p0 $0x100000, s0  }
0x5f0: {  	[sflag:s0] =	ssyncadd.tile.s32 @!p0 $0x1;
	_ =	shalt  }
.Lfunc_end2:
_tile_overlayer_lowered:
.L_overlay_start_2:
0x5f1: {  	(tag) =	ssettag $0x2  }
0x5f2: {  	s0 =	rddreg [dreg:$0x0];
	s2 =	stileid.u32  }
0x5f3: {  	s1 =	rddreg [dreg:$0x1];
	p0 =	sne.s32 s2, $0x0  }
0x5f4: {  	s3 =	rddreg [dreg:$0x2];
	[bflag:$0x3] =	sbarrier.arrive $0xFFFF;
	s2 =	simm.s32 @!p0 $0x1C04  }
0x5f5: {  	[timem:s3], [sflag:s2] =	dma.local @!p0 [hbm:s0], s1  }
0x5f6: {  	s0 =	simm.s32 @!p0 $0x4  }
0x5f7: {  	_ =	swait.ge @!p0 [sflag:s0], s1  }
0x5f8: {  	s1 =	ssub.s32 @!p0 $0x0, s1;
	[sflag:s0] =	ssyncset.done @!p0 $0x0  }
0x5f9: {  	[sflag:s0] =	ssyncadd.s32 @!p0 s1  }
0x5fa: {  	[bflag:$0x3] =	sbarrier.arrive $0xFFFF  }
0x5fb: {  	_ =	shalt  }

</sc_bundles>
